<compile_context>
chip_gen: v7x
topology: tpu7x:2x2x1
jax: 0.10.2.dev20260603
libtpu: 0.0.44.dev20260713+nightly
codegen_flags: <defaults>
</compile_context>

<pallas_src>
import functools

import jax
import jax.numpy as jnp
from jax import lax
from jax.experimental import pallas as pl
from jax.experimental.pallas import tpu as pltpu
from jax.experimental.pallas import tpu_sc as plsc

F32 = jnp.float32
N_GRAPHS = 256
IDXBLK = 128
LANES = 128



def _pre_body(x_ref, scale_ref, beta_ref, root1_ref, bias1_ref,
              xq_ref, r1p_ref):
    n, f = x_ref.shape
    xn = x_ref[...] * scale_ref[...] + beta_ref[...]
    x4 = xn.reshape(n // 4, 4, f)
    xq_ref[...] = jnp.concatenate([x4[:, k, :] for k in range(4)], axis=1)
    r1 = jnp.dot(xn, root1_ref[...], preferred_element_type=F32) + bias1_ref[...]
    r2d = r1.reshape(n // 2, 2, r1.shape[1])
    r1p_ref[...] = jnp.concatenate([r2d[:, 0, :], r2d[:, 1, :]], axis=1)


def _msg1_body(ea_ref, xs_ref, s_ref, r_ref, v_ref, out_ref, *, f_in, dd):
    nq = xs_ref.shape[0]
    ea4 = ea_ref[...].T.reshape(nq, 4, dd)
    ms = []
    for k in range(4):
        xk = xs_ref[:, k * f_in:(k + 1) * f_in]
        e7 = jnp.dot(ea4[:, k, :], s_ref[...], preferred_element_type=F32)
        z = e7 * jnp.dot(xk, r_ref[...], preferred_element_type=F32)
        ms.append(jnp.dot(z, v_ref[...], preferred_element_type=F32))
    a = jnp.concatenate([ms[0], ms[1]], axis=1)
    b = jnp.concatenate([ms[2], ms[3]], axis=1)
    inter = jnp.concatenate([a[:, None, :], b[:, None, :]], axis=1)
    out_ref[...] = inter.reshape(out_ref.shape)


def _msg2_body(ea_ref, xs_ref, s_ref, r_ref, v_ref, out_ref, *, f_in, dd):
    nq = xs_ref.shape[0]
    ea2 = ea_ref[...].T.reshape(nq, 2, dd)
    ms = []
    for k in range(2):
        xk = xs_ref[:, k * f_in:(k + 1) * f_in]
        e7 = jnp.dot(ea2[:, k, :], s_ref[...], preferred_element_type=F32)
        z = e7 * jnp.dot(xk, r_ref[...], preferred_element_type=F32)
        ms.append(jnp.dot(z, v_ref[...], preferred_element_type=F32))
    out_ref[...] = jnp.concatenate(ms, axis=1)


def _hidden_body(agg_ref, r1p_ref, root2_ref, bias2_ref, h1p_ref, r2p_ref):
    h = root2_ref.shape[0]
    he = jnp.maximum(agg_ref[0][:, :h] + agg_ref[1][:, :h] + r1p_ref[:, :h], 0.0)
    ho = jnp.maximum(agg_ref[0][:, h:] + agg_ref[1][:, h:] + r1p_ref[:, h:], 0.0)
    h1p_ref[...] = jnp.concatenate([he, ho], axis=1)
    r2e = jnp.dot(he, root2_ref[...], preferred_element_type=F32) + bias2_ref[...]
    r2o = jnp.dot(ho, root2_ref[...], preferred_element_type=F32) + bias2_ref[...]
    r2p_ref[...] = jnp.concatenate([r2e, r2o], axis=1)


def _pool_body(agg_ref, r2p_ref, wf_ref, bf_ref, wa_ref, ba_ref, wd_ref, bd_ref,
               sege_ref, sego_ref, out_ref, acc_ref, *, n_graphs, nblocks, h):
    j = pl.program_id(0)
    part = None
    for k, seg_ref in enumerate((sege_ref, sego_ref)):
        hk = jnp.maximum(agg_ref[0][:, k * h:(k + 1) * h]
                         + agg_ref[1][:, k * h:(k + 1) * h]
                         + r2p_ref[:, k * h:(k + 1) * h], 0.0)
        feat = jnp.dot(hk, wf_ref[...], preferred_element_type=F32) + bf_ref[...]
        attn = jax.nn.sigmoid(jnp.dot(hk, wa_ref[...], preferred_element_type=F32)
                              + ba_ref[...])
        p = feat * attn
        seg = seg_ref[...]
        onehot = (seg == lax.broadcasted_iota(
            jnp.int32, (n_graphs, seg.shape[1]), 0)).astype(F32)
        pk = jnp.dot(onehot, p, preferred_element_type=F32)
        part = pk if part is None else part + pk

    @pl.when(j == 0)
    def _():
        acc_ref[...] = part

    @pl.when(j > 0)
    def _():
        acc_ref[...] = acc_ref[...] + part

    @pl.when(j == nblocks - 1)
    def _():
        out_ref[...] = (jnp.dot(acc_ref[...], wd_ref[...], preferred_element_type=F32)
                        + bd_ref[...])



_SC_PARAMS = pltpu.CompilerParams(use_tc_tiling_on_sc=False)


def _sc_gather(table, idx2d, fd):
    nrows_idx, _ = idx2d.shape
    e_total = nrows_idx * IDXBLK
    info = plsc.get_sparse_core_info()
    nc, ns = info.num_cores, info.num_subcores
    nw = nc * ns
    chunk = e_total // nw
    kblk = chunk // IDXBLK
    nparts = 4
    kpart = kblk // nparts
    prows = chunk // nparts
    nbuf = 2
    mesh = plsc.VectorSubcoreMesh(core_axis_name="c", subcore_axis_name="s")

    @functools.partial(
        pl.kernel,
        out_type=jax.ShapeDtypeStruct((e_total, fd), F32),
        mesh=mesh,
        compiler_params=_SC_PARAMS,
        scratch_types=[
            pltpu.VMEM((kblk, IDXBLK), jnp.int32),
            [pltpu.VMEM((prows, fd), F32) for _ in range(nbuf)],
            [pltpu.SemaphoreType.DMA for _ in range(nbuf)],
            [pltpu.SemaphoreType.DMA for _ in range(nbuf)],
        ],
    )
    def gk(table_hbm, idx_hbm, out_hbm, idx_v, bufs, gsems, osems):
        c = lax.axis_index("c")
        s = lax.axis_index("s")
        w = s * nc + c
        pltpu.sync_copy(idx_hbm.at[pl.ds(w * kblk, kblk)], idx_v)
        outcp = [None] * nbuf
        for p in range(nparts):
            b = p % nbuf
            if outcp[b] is not None:
                outcp[b].wait()
            cps = []
            for j in range(kpart):
                cps.append(pltpu.async_copy(
                    table_hbm.at[idx_v.at[p * kpart + j]],
                    bufs[b].at[pl.ds(j * IDXBLK, IDXBLK)], gsems[b]))
            for cp in cps:
                cp.wait()
            outcp[b] = pltpu.async_copy(
                bufs[b], out_hbm.at[pl.ds(w * chunk + p * prows, prows)], osems[b])
        for cp in outcp:
            cp.wait()

    return gk(table, idx2d)


def _sc_scatter_add(vals, idx2d, n_nodes, fd):
    nrows_idx, _ = idx2d.shape
    e_total = nrows_idx * IDXBLK
    info = plsc.get_sparse_core_info()
    nc, ns = info.num_cores, info.num_subcores
    nw = nc * ns
    chunk = e_total // nw
    kblk = chunk // IDXBLK
    nparts = kblk
    rows_per_tile = n_nodes // ns
    mesh = plsc.VectorSubcoreMesh(core_axis_name="c", subcore_axis_name="s")

    zrows = 16
    nbuf = 3

    @functools.partial(
        pl.kernel,
        out_type=jax.ShapeDtypeStruct((nc, n_nodes, fd), F32),
        mesh=mesh,
        compiler_params=_SC_PARAMS,
        scratch_types=[
            pltpu.VMEM((kblk, IDXBLK), jnp.int32),
            [pltpu.VMEM((IDXBLK, fd), F32) for _ in range(nbuf)],
            pltpu.VMEM((zrows, fd), F32),
            pltpu.VMEM_SHARED((n_nodes, fd), F32),
            [pltpu.SemaphoreType.DMA for _ in range(nbuf)],
            [pltpu.SemaphoreType.DMA for _ in range(nbuf)],
        ],
    )
    def sk(vals_hbm, idx_hbm, out_hbm, idx_v, bufs, zbuf, acc_sh, lsems, asems):
        c = lax.axis_index("c")
        s = lax.axis_index("s")
        w = s * nc + c
        r0 = s * rows_per_tile
        pltpu.sync_copy(idx_hbm.at[pl.ds(w * kblk, kblk)], idx_v)
        loadcp = [None] * nparts
        for p in range(nbuf):
            loadcp[p] = pltpu.async_copy(
                vals_hbm.at[pl.ds(w * chunk + p * IDXBLK, IDXBLK)],
                bufs[p], lsems[p])
        nlane16 = fd // 16

        def bz(k, _):
            zbuf[k // nlane16, pl.ds((k % nlane16) * 16, 16)] = jnp.zeros((16,), F32)
            return 0

        lax.fori_loop(0, zrows * nlane16, bz, 0)
        for t in range(rows_per_tile // zrows):
            pltpu.sync_copy(zbuf, acc_sh.at[pl.ds(r0 + t * zrows, zrows)])
        plsc.subcore_barrier()
        addcp = [None] * nparts
        for p in range(nparts):
            b = p % nbuf
            loadcp[p].wait()
            addcp[p] = pltpu.async_copy(bufs[b], acc_sh.at[idx_v.at[p]],
                                        asems[b], add=True)
            q = p + nbuf
            if q < nparts:
                addcp[p].wait()
                loadcp[q] = pltpu.async_copy(
                    vals_hbm.at[pl.ds(w * chunk + q * IDXBLK, IDXBLK)],
                    bufs[b], lsems[b])
        for p in range(nparts - nbuf, nparts):
            addcp[p].wait()
        plsc.subcore_barrier()
        pltpu.sync_copy(acc_sh.at[pl.ds(r0, rows_per_tile)],
                        out_hbm.at[c, pl.ds(r0, rows_per_tile)])

    return sk(vals, idx2d)



def kernel(x, e, gamma, beta, W1e, b1e, root1, bias1, W2e, b2e, root2, bias2,
           Wf, bf, Wa, ba, Wd, bd, edge_index, i):
    n, f_in = x.shape
    e_total, d_edge = e.shape
    h = root1.shape[1]
    p_ch = Wf.shape[1]
    n_out = Wd.shape[1]

    scale = (gamma * lax.rsqrt(jnp.float32(1.0 + 1e-3))).reshape(1, f_in)
    beta2 = beta.reshape(1, f_in)
    src2d = edge_index[0].reshape(e_total // IDXBLK, IDXBLK)
    dst2d = edge_index[1].reshape(e_total // IDXBLK, IDXBLK)
    dd = d_edge + 1
    ea_t = jnp.concatenate([e.T, jnp.ones((1, e_total), F32)], axis=0)
    v1 = jnp.concatenate([W1e, b1e[None, :]], axis=0).reshape(dd * f_in, h)
    v2 = jnp.concatenate([W2e, b2e[None, :]], axis=0).reshape(dd * h, h)
    s1 = jnp.kron(jnp.eye(dd, dtype=F32), jnp.ones((1, f_in), F32))
    r1m = jnp.tile(jnp.eye(f_in, dtype=F32), (1, dd))
    s2 = jnp.kron(jnp.eye(dd, dtype=F32), jnp.ones((1, h), F32))
    r2m = jnp.tile(jnp.eye(h, dtype=F32), (1, dd))
    seg_e = i[0::2].reshape(1, n // 2)
    seg_o = i[1::2].reshape(1, n // 2)

    xq, r1p = pl.pallas_call(
        _pre_body,
        out_shape=[jax.ShapeDtypeStruct((n // 4, 4 * f_in), F32),
                   jax.ShapeDtypeStruct((n // 2, 2 * h), F32)],
    )(x, scale, beta2, root1, bias1.reshape(1, h))

    xs = _sc_gather(xq.reshape(n, f_in), src2d, f_in)

    epb = 4096
    nblk = e_total // epb
    qrows = epb // 4
    m1p = pl.pallas_call(
        functools.partial(_msg1_body, f_in=f_in, dd=dd),
        grid=(nblk,),
        in_specs=[pl.BlockSpec((dd, epb), lambda j: (0, j)),
                  pl.BlockSpec((qrows, 4 * f_in), lambda j: (j, 0)),
                  pl.BlockSpec((dd, dd * f_in), lambda j: (0, 0)),
                  pl.BlockSpec((f_in, dd * f_in), lambda j: (0, 0)),
                  pl.BlockSpec((dd * f_in, h), lambda j: (0, 0))],
        out_specs=pl.BlockSpec((epb // 2, 2 * h), lambda j: (j, 0)),
        out_shape=jax.ShapeDtypeStruct((e_total // 2, 2 * h), F32),
    )(ea_t, xs.reshape(e_total // 4, 4 * f_in), s1, r1m, v1)

    agg1 = _sc_scatter_add(m1p.reshape(e_total, h), dst2d, n, h)

    h1p, r2p = pl.pallas_call(
        _hidden_body,
        out_shape=[jax.ShapeDtypeStruct((n // 2, 2 * h), F32),
                   jax.ShapeDtypeStruct((n // 2, 2 * h), F32)],
    )(agg1.reshape(2, n // 2, 2 * h), r1p, root2, bias2.reshape(1, h))

    h1s = _sc_gather(h1p.reshape(n, h), src2d, h)

    prows2 = epb // 2
    m2p = pl.pallas_call(
        functools.partial(_msg2_body, f_in=h, dd=dd),
        grid=(nblk,),
        in_specs=[pl.BlockSpec((dd, epb), lambda j: (0, j)),
                  pl.BlockSpec((prows2, 2 * h), lambda j: (j, 0)),
                  pl.BlockSpec((dd, dd * h), lambda j: (0, 0)),
                  pl.BlockSpec((h, dd * h), lambda j: (0, 0)),
                  pl.BlockSpec((dd * h, h), lambda j: (0, 0))],
        out_specs=pl.BlockSpec((prows2, 2 * h), lambda j: (j, 0)),
        out_shape=jax.ShapeDtypeStruct((e_total // 2, 2 * h), F32),
    )(ea_t, h1s.reshape(e_total // 2, 2 * h), s2, r2m, v2)

    agg2 = _sc_scatter_add(m2p.reshape(e_total, h), dst2d, n, h)

    nb = 4
    bn = n // 2 // nb
    out = pl.pallas_call(
        functools.partial(_pool_body, n_graphs=N_GRAPHS, nblocks=nb, h=h),
        grid=(nb,),
        in_specs=[pl.BlockSpec((2, bn, 2 * h), lambda j: (0, j, 0)),
                  pl.BlockSpec((bn, 2 * h), lambda j: (j, 0)),
                  pl.BlockSpec((h, p_ch), lambda j: (0, 0)),
                  pl.BlockSpec((1, p_ch), lambda j: (0, 0)),
                  pl.BlockSpec((h, p_ch), lambda j: (0, 0)),
                  pl.BlockSpec((1, p_ch), lambda j: (0, 0)),
                  pl.BlockSpec((p_ch, n_out), lambda j: (0, 0)),
                  pl.BlockSpec((1, n_out), lambda j: (0, 0)),
                  pl.BlockSpec((1, bn), lambda j: (0, j)),
                  pl.BlockSpec((1, bn), lambda j: (0, j))],
        out_specs=pl.BlockSpec((N_GRAPHS, n_out), lambda j: (0, 0)),
        out_shape=jax.ShapeDtypeStruct((N_GRAPHS, n_out), F32),
        scratch_shapes=[pltpu.VMEM((N_GRAPHS, p_ch), F32)],
    )(agg2.reshape(2, n // 2, 2 * h), r2p, Wf, bf.reshape(1, p_ch),
      Wa, ba.reshape(1, p_ch), Wd, bd.reshape(1, n_out), seg_e, seg_o)
    return out

# --- scband reference (transcript-rebuilt; emitter-appended) ---
"""Pipeline reference for scband-net-36524401886069 (READ-ONLY COPY).

The authoritative reference and input builder live on the scoring server;
editing this copy changes nothing except your own understanding.
"""

import jax, jax.numpy as jnp
import numpy as np

N, E_EDGES, F_IN, D_EDGE, N_GRAPHS, H, P_CH, N_OUT = 8192, 32768, 32, 6, 256, 64, 32, 1


def _dense_init(k, fi, fo):
    s = 1.0 / np.sqrt(fi)
    return jax.random.uniform(k, (fi, fo), minval=-s, maxval=s, dtype=jnp.float32)


def setup_inputs(seed: int = 0) -> dict:
    key = jax.random.key(seed)
    ks = jax.random.split(key, 16)
    x = jax.random.normal(ks[0], (N, F_IN), dtype=jnp.float32)
    edge_index = jax.random.randint(ks[1], (2, E_EDGES), 0, N, dtype=jnp.int32)
    e = jax.random.uniform(ks[2], (E_EDGES, D_EDGE), dtype=jnp.float32)
    i = jnp.sort(jax.random.randint(ks[3], (N,), 0, N_GRAPHS, dtype=jnp.int32))
    gamma = jnp.ones((F_IN,), dtype=jnp.float32)
    beta = jnp.zeros((F_IN,), dtype=jnp.float32)
    W1e = _dense_init(ks[4], D_EDGE, F_IN * H); b1e = jnp.zeros((F_IN * H,), jnp.float32)
    root1 = _dense_init(ks[5], F_IN, H); bias1 = jnp.zeros((H,), jnp.float32)
    W2e = _dense_init(ks[6], D_EDGE, H * H); b2e = jnp.zeros((H * H,), jnp.float32)
    root2 = _dense_init(ks[7], H, H); bias2 = jnp.zeros((H,), jnp.float32)
    Wf = _dense_init(ks[8], H, P_CH); bf = jnp.zeros((P_CH,), jnp.float32)
    Wa = _dense_init(ks[9], H, P_CH); ba = jnp.zeros((P_CH,), jnp.float32)
    Wd = _dense_init(ks[10], P_CH, N_OUT); bd = jnp.zeros((N_OUT,), jnp.float32)
    return dict(x=x, e=e, gamma=gamma, beta=beta, W1e=W1e, b1e=b1e, root1=root1, bias1=bias1,
                W2e=W2e, b2e=b2e, root2=root2, bias2=bias2, Wf=Wf, bf=bf, Wa=Wa, ba=ba,
                Wd=Wd, bd=bd, edge_index=edge_index, i=i)


def reference(x, e, gamma, beta, W1e, b1e, root1, bias1, W2e, b2e, root2, bias2,
              Wf, bf, Wa, ba, Wd, bd, edge_index, i):
    # BatchNormalization (inference: moving_mean=0, moving_var=1, eps=1e-3)
    xn = x * (gamma * jax.lax.rsqrt(jnp.float32(1.0 + 1e-3))) + beta
    src = edge_index[0]
    dst = edge_index[1]
    # ECCConv 1: edge-conditioned kernels, message passing with scatter-add, root transform
    k1 = (e @ W1e + b1e).reshape(E_EDGES, F_IN, H)
    m1 = jnp.einsum('ef,efh->eh', xn[src], k1)
    agg1 = jnp.zeros((N, H), dtype=xn.dtype).at[dst].add(m1)
    h1 = jax.nn.relu(agg1 + xn @ root1 + bias1)
    # ECCConv 2
    k2 = (e @ W2e + b2e).reshape(E_EDGES, H, H)
    m2 = jnp.einsum('ef,efh->eh', h1[src], k2)
    agg2 = jnp.zeros((N, H), dtype=h1.dtype).at[dst].add(m2)
    h2 = jax.nn.relu(agg2 + h1 @ root2 + bias2)
    # GlobalAttentionPool(32)
    feat = h2 @ Wf + bf
    attn = jax.nn.sigmoid(h2 @ Wa + ba)
    pooled = jax.ops.segment_sum(feat * attn, i, num_segments=N_GRAPHS)
    # Dense(n_out)
    return pooled @ Wd + bd

if __name__ == "__main__":
    import jax
    _d = setup_inputs()
    print(jax.jit(kernel)(*tuple(_d.values())))

</pallas_src>

<mosaic_0001>
#map = affine_map<(d0, d1) -> (0, 0)>
#map1 = affine_map<(d0, d1) -> (0, 0, 0)>
module attributes {stable_mosaic.version = 14 : i64} {
  func.func @sk(%arg0: i32, %arg1: i32, %arg2: memref<32768x64xf32, #tpu.memory_space<hbm>>, %arg3: memref<256x128xi32, #tpu.memory_space<hbm>>, %arg4: memref<2x8192x64xf32, #tpu.memory_space<hbm>>, %arg5: memref<8x128xi32, #tpu.memory_space<vmem>>, %arg6: memref<128x64xf32, #tpu.memory_space<vmem>>, %arg7: memref<128x64xf32, #tpu.memory_space<vmem>>, %arg8: memref<128x64xf32, #tpu.memory_space<vmem>>, %arg9: memref<16x64xf32, #tpu.memory_space<vmem>>, %arg10: memref<8192x64xf32, #tpu.memory_space<vmem_shared>>, %arg11: memref<!tpu.dma_semaphore, #tpu.memory_space<semaphore_mem>>, %arg12: memref<!tpu.dma_semaphore, #tpu.memory_space<semaphore_mem>>, %arg13: memref<!tpu.dma_semaphore, #tpu.memory_space<semaphore_mem>>, %arg14: memref<!tpu.dma_semaphore, #tpu.memory_space<semaphore_mem>>, %arg15: memref<!tpu.dma_semaphore, #tpu.memory_space<semaphore_mem>>, %arg16: memref<!tpu.dma_semaphore, #tpu.memory_space<semaphore_mem>>) attributes {dimension_semantics = [#tpu.dimension_semantics<core_parallel>, #tpu.dimension_semantics<subcore_parallel>], iteration_bounds = array<i64: 2, 16>, scalar_prefetch = 0 : i64, scratch_operands = 12 : i64, tpu.core_type = #tpu.core_type<sc_vector_subcore>, window_params = [{transform_indices = #map}, {transform_indices = #map}, {transform_indices = #map1}]} {
    %mul3A = arith.constant 2 : i32
    %mul3A_0 = arith.muli %arg1, %mul3A : i32
    %add3A = arith.addi %mul3A_0, %arg0 : i32
    %mul3A_1 = arith.constant 512 : i32
    %mul3A_2 = arith.muli %arg1, %mul3A_1 : i32
    %mul3A_3 = arith.constant 8 : i32
    %mul3A_4 = arith.muli %add3A, %mul3A_3 : i32
    "tpu.region"() ({
      %run_scoped3A = tpu.sem_alloc : memref<!tpu.dma_semaphore, #tpu.memory_space<semaphore_mem>>
      %dma_start3A_282 = arith.constant 0 : i32
      %dma_start3A_283 = tpu.memref_slice %arg3[%mul3A_4, %dma_start3A_282] : memref<256x128xi32, #tpu.memory_space<hbm>> -> memref<8x128xi32, #tpu.memory_space<hbm>>
      %dma_start3A_284 = arith.constant 0 : i32
      %dma_start3A_285 = tpu.memref_slice %arg3[%mul3A_4, %dma_start3A_284] : memref<256x128xi32, #tpu.memory_space<hbm>> -> memref<8x128xi32, #tpu.memory_space<hbm>>
      tpu.enqueue_dma source(%dma_start3A_285 : memref<8x128xi32, #tpu.memory_space<hbm>>) target(%arg5 : memref<8x128xi32, #tpu.memory_space<vmem>>) target_semaphore(%run_scoped3A : memref<!tpu.dma_semaphore, #tpu.memory_space<semaphore_mem>>)
      %dma_wait3A_286 = arith.constant 0 : i32
      %dma_wait3A_287 = tpu.memref_slice %arg3[%mul3A_4, %dma_wait3A_286] : memref<256x128xi32, #tpu.memory_space<hbm>> -> memref<8x128xi32, #tpu.memory_space<hbm>>
      %dma_wait3A_288 = arith.constant 0 : i32
      %dma_wait3A_289 = tpu.memref_slice %arg3[%mul3A_4, %dma_wait3A_288] : memref<256x128xi32, #tpu.memory_space<hbm>> -> memref<8x128xi32, #tpu.memory_space<hbm>>
      tpu.wait_dma2 semaphore(%run_scoped3A : memref<!tpu.dma_semaphore, #tpu.memory_space<semaphore_mem>>) src(%dma_wait3A_289 : memref<8x128xi32, #tpu.memory_space<hbm>>) dst(%arg5 : memref<8x128xi32, #tpu.memory_space<vmem>>)
      tpu.yield
    }) : () -> ()
    %mul3A_5 = arith.constant 1024 : i32
    %mul3A_6 = arith.muli %add3A, %mul3A_5 : i32
    %add3A_7 = arith.constant 0 : i32
    %add3A_8 = arith.addi %mul3A_6, %add3A_7 : i32
    %dma_start3A = arith.constant 0 : i32
    %dma_start3A_9 = tpu.memref_slice %arg2[%add3A_8, %dma_start3A] : memref<32768x64xf32, #tpu.memory_space<hbm>> -> memref<128x64xf32, #tpu.memory_space<hbm>>
    %dma_start3A_10 = arith.constant 0 : i32
    %dma_start3A_11 = tpu.memref_slice %arg2[%add3A_8, %dma_start3A_10] : memref<32768x64xf32, #tpu.memory_space<hbm>> -> memref<128x64xf32, #tpu.memory_space<hbm>>
    tpu.enqueue_dma source(%dma_start3A_11 : memref<128x64xf32, #tpu.memory_space<hbm>>) target(%arg6 : memref<128x64xf32, #tpu.memory_space<vmem>>) target_semaphore(%arg11 : memref<!tpu.dma_semaphore, #tpu.memory_space<semaphore_mem>>)
    %mul3A_12 = arith.constant 1024 : i32
    %mul3A_13 = arith.muli %add3A, %mul3A_12 : i32
    %add3A_14 = arith.constant 128 : i32
    %add3A_15 = arith.addi %mul3A_13, %add3A_14 : i32
    %dma_start3A_16 = arith.constant 0 : i32
    %dma_start3A_17 = tpu.memref_slice %arg2[%add3A_15, %dma_start3A_16] : memref<32768x64xf32, #tpu.memory_space<hbm>> -> memref<128x64xf32, #tpu.memory_space<hbm>>
    %dma_start3A_18 = arith.constant 0 : i32
    %dma_start3A_19 = tpu.memref_slice %arg2[%add3A_15, %dma_start3A_18] : memref<32768x64xf32, #tpu.memory_space<hbm>> -> memref<128x64xf32, #tpu.memory_space<hbm>>
    tpu.enqueue_dma source(%dma_start3A_19 : memref<128x64xf32, #tpu.memory_space<hbm>>) target(%arg7 : memref<128x64xf32, #tpu.memory_space<vmem>>) target_semaphore(%arg12 : memref<!tpu.dma_semaphore, #tpu.memory_space<semaphore_mem>>)
    %mul3A_20 = arith.constant 1024 : i32
    %mul3A_21 = arith.muli %add3A, %mul3A_20 : i32
    %add3A_22 = arith.constant 256 : i32
    %add3A_23 = arith.addi %mul3A_21, %add3A_22 : i32
    %dma_start3A_24 = arith.constant 0 : i32
    %dma_start3A_25 = tpu.memref_slice %arg2[%add3A_23, %dma_start3A_24] : memref<32768x64xf32, #tpu.memory_space<hbm>> -> memref<128x64xf32, #tpu.memory_space<hbm>>
    %dma_start3A_26 = arith.constant 0 : i32
    %dma_start3A_27 = tpu.memref_slice %arg2[%add3A_23, %dma_start3A_26] : memref<32768x64xf32, #tpu.memory_space<hbm>> -> memref<128x64xf32, #tpu.memory_space<hbm>>
    tpu.enqueue_dma source(%dma_start3A_27 : memref<128x64xf32, #tpu.memory_space<hbm>>) target(%arg8 : memref<128x64xf32, #tpu.memory_space<vmem>>) target_semaphore(%arg13 : memref<!tpu.dma_semaphore, #tpu.memory_space<semaphore_mem>>)
    %scan3A = arith.constant 0 : i32
    %scan3A_28 = arith.constant 0 : i32
    %scan3A_29 = arith.constant 64 : i32
    %scan3A_30 = arith.addi %scan3A_28, %scan3A_29 : i32
    %scan3A_31 = arith.constant 1 : i32
    %scan3A_32 = scf.for %scan3A_282 = %scan3A_28 to %scan3A_30 step %scan3A_31 iter_args(%scan3A_283 = %scan3A) -> (i32)  : i32 {
      %broadcast_in_dim3A = arith.constant 0.000000e+00 : f32
      %broadcast_in_dim3A_284 = vector.broadcast %broadcast_in_dim3A : f32 to vector<16xf32>
      %jit3A = arith.constant 4 : i32
      %div3A = arith.divsi %scan3A_282, %jit3A : i32
      %sign3A = arith.constant 0 : i32
      %sign3A_285 = arith.cmpi sgt, %scan3A_282, %sign3A : i32
      %sign3A_286 = arith.extui %sign3A_285 : i1 to i32
      %sign3A_287 = arith.constant 0 : i32
      %sign3A_288 = arith.cmpi slt, %scan3A_282, %sign3A_287 : i32
      %sign3A_289 = arith.extui %sign3A_288 : i1 to i32
      %sign3A_290 = arith.subi %sign3A_286, %sign3A_289 : i32
      %sign3A_291 = arith.constant 0 : i32
      %sign3A_292 = arith.cmpi sgt, %jit3A, %sign3A_291 : i32
      %sign3A_293 = arith.extui %sign3A_292 : i1 to i32
      %sign3A_294 = arith.constant 0 : i32
      %sign3A_295 = arith.cmpi slt, %jit3A, %sign3A_294 : i32
      %sign3A_296 = arith.extui %sign3A_295 : i1 to i32
      %sign3A_297 = arith.subi %sign3A_293, %sign3A_296 : i32
      %ne3A = arith.cmpi ne, %sign3A_290, %sign3A_297 : i32
      %rem3A = arith.remsi %scan3A_282, %jit3A : i32
      %ne3A_298 = arith.constant 0 : i32
      %ne3A_299 = arith.cmpi ne, %rem3A, %ne3A_298 : i32
      %and3A = arith.andi %ne3A, %ne3A_299 : i1
      %sub3A = arith.constant 1 : i32
      %sub3A_300 = arith.subi %div3A, %sub3A : i32
      %select_n3A = arith.select %and3A, %sub3A_300, %div3A : i32
      %jit3A_301 = arith.constant 4 : i32
      %eq3A = arith.constant 0 : i32
      %eq3A_302 = arith.cmpi eq, %jit3A_301, %eq3A : i32
      %jit3A_303 = arith.constant 1 : i32
      %select_n3A_304 = arith.select %eq3A_302, %jit3A_303, %jit3A_301 : i32
      %rem3A_305 = arith.remsi %scan3A_282, %select_n3A_304 : i32
      %ne3A_306 = arith.constant 0 : i32
      %ne3A_307 = arith.cmpi ne, %rem3A_305, %ne3A_306 : i32
      %lt3A = arith.constant 0 : i32
      %lt3A_308 = arith.cmpi slt, %rem3A_305, %lt3A : i32
      %lt3A_309 = arith.constant 0 : i32
      %lt3A_310 = arith.cmpi slt, %select_n3A_304, %lt3A_309 : i32
      %ne3A_311 = arith.xori %lt3A_308, %lt3A_310 : i1
      %and3A_312 = arith.andi %ne3A_311, %ne3A_307 : i1
      %add3A_313 = arith.addi %rem3A_305, %select_n3A_304 : i32
      %select_n3A_314 = arith.select %and3A_312, %add3A_313, %rem3A_305 : i32
      %mul3A_315 = arith.constant 16 : i32
      %mul3A_316 = arith.muli %select_n3A_314, %mul3A_315 : i32
      %swap3A = arith.index_cast %select_n3A : i32 to index
      %swap3A_317 = arith.index_cast %mul3A_316 : i32 to index
      %swap3A_318 = tpu.vector_load %arg9[%swap3A, %swap3A_317] {strides = array<i32>} : memref<16x64xf32, #tpu.memory_space<vmem>>, vector<1x16xf32>,
      %swap3A_319 = vector.shape_cast %swap3A_318 : vector<1x16xf32> to vector<16xf32>
      %swap3A_320 = vector.shape_cast %broadcast_in_dim3A_284 : vector<16xf32> to vector<1x16xf32>
      tpu.vector_store %arg9[%swap3A, %swap3A_317], %swap3A_320 {strides = array<i32>} : memref<16x64xf32, #tpu.memory_space<vmem>>, vector<1x16xf32>,
      %scan3A_321 = arith.constant 0 : i32
      scf.yield %scan3A_321 : i32
    }
    %scan3A_33 = arith.constant 64 : i32
    %add3A_34 = arith.constant 0 : i32
    %add3A_35 = arith.addi %mul3A_2, %add3A_34 : i32
    "tpu.region"() ({
      %run_scoped3A = tpu.sem_alloc : memref<!tpu.dma_semaphore, #tpu.memory_space<semaphore_mem>>
      %dma_start3A_282 = arith.constant 0 : i32
      %dma_start3A_283 = tpu.memref_slice %arg10[%add3A_35, %dma_start3A_282] : memref<8192x64xf32, #tpu.memory_space<vmem_shared>> -> memref<16x64xf32, #tpu.memory_space<vmem_shared>>
      %dma_start3A_284 = arith.constant 0 : i32
      %dma_start3A_285 = tpu.memref_slice %arg10[%add3A_35, %dma_start3A_284] : memref<8192x64xf32, #tpu.memory_space<vmem_shared>> -> memref<16x64xf32, #tpu.memory_space<vmem_shared>>
      tpu.enqueue_dma source(%arg9 : memref<16x64xf32, #tpu.memory_space<vmem>>) target(%dma_start3A_285 : memref<16x64xf32, #tpu.memory_space<vmem_shared>>) target_semaphore(%run_scoped3A : memref<!tpu.dma_semaphore, #tpu.memory_space<semaphore_mem>>)
      %dma_wait3A_286 = arith.constant 0 : i32
      %dma_wait3A_287 = tpu.memref_slice %arg10[%add3A_35, %dma_wait3A_286] : memref<8192x64xf32, #tpu.memory_space<vmem_shared>> -> memref<16x64xf32, #tpu.memory_space<vmem_shared>>
      %dma_wait3A_288 = arith.constant 0 : i32
      %dma_wait3A_289 = tpu.memref_slice %arg10[%add3A_35, %dma_wait3A_288] : memref<8192x64xf32, #tpu.memory_space<vmem_shared>> -> memref<16x64xf32, #tpu.memory_space<vmem_shared>>
      tpu.wait_dma2 semaphore(%run_scoped3A : memref<!tpu.dma_semaphore, #tpu.memory_space<semaphore_mem>>) src(%arg9 : memref<16x64xf32, #tpu.memory_space<vmem>>) dst(%dma_wait3A_289 : memref<16x64xf32, #tpu.memory_space<vmem_shared>>)
      tpu.yield
    }) : () -> ()
    %add3A_36 = arith.constant 16 : i32
    %add3A_37 = arith.addi %mul3A_2, %add3A_36 : i32
    "tpu.region"() ({
      %run_scoped3A = tpu.sem_alloc : memref<!tpu.dma_semaphore, #tpu.memory_space<semaphore_mem>>
      %dma_start3A_282 = arith.constant 0 : i32
      %dma_start3A_283 = tpu.memref_slice %arg10[%add3A_37, %dma_start3A_282] : memref<8192x64xf32, #tpu.memory_space<vmem_shared>> -> memref<16x64xf32, #tpu.memory_space<vmem_shared>>
      %dma_start3A_284 = arith.constant 0 : i32
      %dma_start3A_285 = tpu.memref_slice %arg10[%add3A_37, %dma_start3A_284] : memref<8192x64xf32, #tpu.memory_space<vmem_shared>> -> memref<16x64xf32, #tpu.memory_space<vmem_shared>>
      tpu.enqueue_dma source(%arg9 : memref<16x64xf32, #tpu.memory_space<vmem>>) target(%dma_start3A_285 : memref<16x64xf32, #tpu.memory_space<vmem_shared>>) target_semaphore(%run_scoped3A : memref<!tpu.dma_semaphore, #tpu.memory_space<semaphore_mem>>)
      %dma_wait3A_286 = arith.constant 0 : i32
      %dma_wait3A_287 = tpu.memref_slice %arg10[%add3A_37, %dma_wait3A_286] : memref<8192x64xf32, #tpu.memory_space<vmem_shared>> -> memref<16x64xf32, #tpu.memory_space<vmem_shared>>
      %dma_wait3A_288 = arith.constant 0 : i32
      %dma_wait3A_289 = tpu.memref_slice %arg10[%add3A_37, %dma_wait3A_288] : memref<8192x64xf32, #tpu.memory_space<vmem_shared>> -> memref<16x64xf32, #tpu.memory_space<vmem_shared>>
      tpu.wait_dma2 semaphore(%run_scoped3A : memref<!tpu.dma_semaphore, #tpu.memory_space<semaphore_mem>>) src(%arg9 : memref<16x64xf32, #tpu.memory_space<vmem>>) dst(%dma_wait3A_289 : memref<16x64xf32, #tpu.memory_space<vmem_shared>>)
      tpu.yield
    }) : () -> ()
    %add3A_38 = arith.constant 32 : i32
    %add3A_39 = arith.addi %mul3A_2, %add3A_38 : i32
    "tpu.region"() ({
      %run_scoped3A = tpu.sem_alloc : memref<!tpu.dma_semaphore, #tpu.memory_space<semaphore_mem>>
      %dma_start3A_282 = arith.constant 0 : i32
      %dma_start3A_283 = tpu.memref_slice %arg10[%add3A_39, %dma_start3A_282] : memref<8192x64xf32, #tpu.memory_space<vmem_shared>> -> memref<16x64xf32, #tpu.memory_space<vmem_shared>>
      %dma_start3A_284 = arith.constant 0 : i32
      %dma_start3A_285 = tpu.memref_slice %arg10[%add3A_39, %dma_start3A_284] : memref<8192x64xf32, #tpu.memory_space<vmem_shared>> -> memref<16x64xf32, #tpu.memory_space<vmem_shared>>
      tpu.enqueue_dma source(%arg9 : memref<16x64xf32, #tpu.memory_space<vmem>>) target(%dma_start3A_285 : memref<16x64xf32, #tpu.memory_space<vmem_shared>>) target_semaphore(%run_scoped3A : memref<!tpu.dma_semaphore, #tpu.memory_space<semaphore_mem>>)
      %dma_wait3A_286 = arith.constant 0 : i32
      %dma_wait3A_287 = tpu.memref_slice %arg10[%add3A_39, %dma_wait3A_286] : memref<8192x64xf32, #tpu.memory_space<vmem_shared>> -> memref<16x64xf32, #tpu.memory_space<vmem_shared>>
      %dma_wait3A_288 = arith.constant 0 : i32
      %dma_wait3A_289 = tpu.memref_slice %arg10[%add3A_39, %dma_wait3A_288] : memref<8192x64xf32, #tpu.memory_space<vmem_shared>> -> memref<16x64xf32, #tpu.memory_space<vmem_shared>>
      tpu.wait_dma2 semaphore(%run_scoped3A : memref<!tpu.dma_semaphore, #tpu.memory_space<semaphore_mem>>) src(%arg9 : memref<16x64xf32, #tpu.memory_space<vmem>>) dst(%dma_wait3A_289 : memref<16x64xf32, #tpu.memory_space<vmem_shared>>)
      tpu.yield
    }) : () -> ()
    %add3A_40 = arith.constant 48 : i32
    %add3A_41 = arith.addi %mul3A_2, %add3A_40 : i32
    "tpu.region"() ({
      %run_scoped3A = tpu.sem_alloc : memref<!tpu.dma_semaphore, #tpu.memory_space<semaphore_mem>>
      %dma_start3A_282 = arith.constant 0 : i32
      %dma_start3A_283 = tpu.memref_slice %arg10[%add3A_41, %dma_start3A_282] : memref<8192x64xf32, #tpu.memory_space<vmem_shared>> -> memref<16x64xf32, #tpu.memory_space<vmem_shared>>
      %dma_start3A_284 = arith.constant 0 : i32
      %dma_start3A_285 = tpu.memref_slice %arg10[%add3A_41, %dma_start3A_284] : memref<8192x64xf32, #tpu.memory_space<vmem_shared>> -> memref<16x64xf32, #tpu.memory_space<vmem_shared>>
      tpu.enqueue_dma source(%arg9 : memref<16x64xf32, #tpu.memory_space<vmem>>) target(%dma_start3A_285 : memref<16x64xf32, #tpu.memory_space<vmem_shared>>) target_semaphore(%run_scoped3A : memref<!tpu.dma_semaphore, #tpu.memory_space<semaphore_mem>>)
      %dma_wait3A_286 = arith.constant 0 : i32
      %dma_wait3A_287 = tpu.memref_slice %arg10[%add3A_41, %dma_wait3A_286] : memref<8192x64xf32, #tpu.memory_space<vmem_shared>> -> memref<16x64xf32, #tpu.memory_space<vmem_shared>>
      %dma_wait3A_288 = arith.constant 0 : i32
      %dma_wait3A_289 = tpu.memref_slice %arg10[%add3A_41, %dma_wait3A_288] : memref<8192x64xf32, #tpu.memory_space<vmem_shared>> -> memref<16x64xf32, #tpu.memory_space<vmem_shared>>
      tpu.wait_dma2 semaphore(%run_scoped3A : memref<!tpu.dma_semaphore, #tpu.memory_space<semaphore_mem>>) src(%arg9 : memref<16x64xf32, #tpu.memory_space<vmem>>) dst(%dma_wait3A_289 : memref<16x64xf32, #tpu.memory_space<vmem_shared>>)
      tpu.yield
    }) : () -> ()
    %add3A_42 = arith.constant 64 : i32
    %add3A_43 = arith.addi %mul3A_2, %add3A_42 : i32
    "tpu.region"() ({
      %run_scoped3A = tpu.sem_alloc : memref<!tpu.dma_semaphore, #tpu.memory_space<semaphore_mem>>
      %dma_start3A_282 = arith.constant 0 : i32
      %dma_start3A_283 = tpu.memref_slice %arg10[%add3A_43, %dma_start3A_282] : memref<8192x64xf32, #tpu.memory_space<vmem_shared>> -> memref<16x64xf32, #tpu.memory_space<vmem_shared>>
      %dma_start3A_284 = arith.constant 0 : i32
      %dma_start3A_285 = tpu.memref_slice %arg10[%add3A_43, %dma_start3A_284] : memref<8192x64xf32, #tpu.memory_space<vmem_shared>> -> memref<16x64xf32, #tpu.memory_space<vmem_shared>>
      tpu.enqueue_dma source(%arg9 : memref<16x64xf32, #tpu.memory_space<vmem>>) target(%dma_start3A_285 : memref<16x64xf32, #tpu.memory_space<vmem_shared>>) target_semaphore(%run_scoped3A : memref<!tpu.dma_semaphore, #tpu.memory_space<semaphore_mem>>)
      %dma_wait3A_286 = arith.constant 0 : i32
      %dma_wait3A_287 = tpu.memref_slice %arg10[%add3A_43, %dma_wait3A_286] : memref<8192x64xf32, #tpu.memory_space<vmem_shared>> -> memref<16x64xf32, #tpu.memory_space<vmem_shared>>
      %dma_wait3A_288 = arith.constant 0 : i32
      %dma_wait3A_289 = tpu.memref_slice %arg10[%add3A_43, %dma_wait3A_288] : memref<8192x64xf32, #tpu.memory_space<vmem_shared>> -> memref<16x64xf32, #tpu.memory_space<vmem_shared>>
      tpu.wait_dma2 semaphore(%run_scoped3A : memref<!tpu.dma_semaphore, #tpu.memory_space<semaphore_mem>>) src(%arg9 : memref<16x64xf32, #tpu.memory_space<vmem>>) dst(%dma_wait3A_289 : memref<16x64xf32, #tpu.memory_space<vmem_shared>>)
      tpu.yield
    }) : () -> ()
    %add3A_44 = arith.constant 80 : i32
    %add3A_45 = arith.addi %mul3A_2, %add3A_44 : i32
    "tpu.region"() ({
      %run_scoped3A = tpu.sem_alloc : memref<!tpu.dma_semaphore, #tpu.memory_space<semaphore_mem>>
      %dma_start3A_282 = arith.constant 0 : i32
      %dma_start3A_283 = tpu.memref_slice %arg10[%add3A_45, %dma_start3A_282] : memref<8192x64xf32, #tpu.memory_space<vmem_shared>> -> memref<16x64xf32, #tpu.memory_space<vmem_shared>>
      %dma_start3A_284 = arith.constant 0 : i32
      %dma_start3A_285 = tpu.memref_slice %arg10[%add3A_45, %dma_start3A_284] : memref<8192x64xf32, #tpu.memory_space<vmem_shared>> -> memref<16x64xf32, #tpu.memory_space<vmem_shared>>
      tpu.enqueue_dma source(%arg9 : memref<16x64xf32, #tpu.memory_space<vmem>>) target(%dma_start3A_285 : memref<16x64xf32, #tpu.memory_space<vmem_shared>>) target_semaphore(%run_scoped3A : memref<!tpu.dma_semaphore, #tpu.memory_space<semaphore_mem>>)
      %dma_wait3A_286 = arith.constant 0 : i32
      %dma_wait3A_287 = tpu.memref_slice %arg10[%add3A_45, %dma_wait3A_286] : memref<8192x64xf32, #tpu.memory_space<vmem_shared>> -> memref<16x64xf32, #tpu.memory_space<vmem_shared>>
      %dma_wait3A_288 = arith.constant 0 : i32
      %dma_wait3A_289 = tpu.memref_slice %arg10[%add3A_45, %dma_wait3A_288] : memref<8192x64xf32, #tpu.memory_space<vmem_shared>> -> memref<16x64xf32, #tpu.memory_space<vmem_shared>>
      tpu.wait_dma2 semaphore(%run_scoped3A : memref<!tpu.dma_semaphore, #tpu.memory_space<semaphore_mem>>) src(%arg9 : memref<16x64xf32, #tpu.memory_space<vmem>>) dst(%dma_wait3A_289 : memref<16x64xf32, #tpu.memory_space<vmem_shared>>)
      tpu.yield
    }) : () -> ()
    %add3A_46 = arith.constant 96 : i32
    %add3A_47 = arith.addi %mul3A_2, %add3A_46 : i32
    "tpu.region"() ({
      %run_scoped3A = tpu.sem_alloc : memref<!tpu.dma_semaphore, #tpu.memory_space<semaphore_mem>>
      %dma_start3A_282 = arith.constant 0 : i32
      %dma_start3A_283 = tpu.memref_slice %arg10[%add3A_47, %dma_start3A_282] : memref<8192x64xf32, #tpu.memory_space<vmem_shared>> -> memref<16x64xf32, #tpu.memory_space<vmem_shared>>
      %dma_start3A_284 = arith.constant 0 : i32
      %dma_start3A_285 = tpu.memref_slice %arg10[%add3A_47, %dma_start3A_284] : memref<8192x64xf32, #tpu.memory_space<vmem_shared>> -> memref<16x64xf32, #tpu.memory_space<vmem_shared>>
      tpu.enqueue_dma source(%arg9 : memref<16x64xf32, #tpu.memory_space<vmem>>) target(%dma_start3A_285 : memref<16x64xf32, #tpu.memory_space<vmem_shared>>) target_semaphore(%run_scoped3A : memref<!tpu.dma_semaphore, #tpu.memory_space<semaphore_mem>>)
      %dma_wait3A_286 = arith.constant 0 : i32
      %dma_wait3A_287 = tpu.memref_slice %arg10[%add3A_47, %dma_wait3A_286] : memref<8192x64xf32, #tpu.memory_space<vmem_shared>> -> memref<16x64xf32, #tpu.memory_space<vmem_shared>>
      %dma_wait3A_288 = arith.constant 0 : i32
      %dma_wait3A_289 = tpu.memref_slice %arg10[%add3A_47, %dma_wait3A_288] : memref<8192x64xf32, #tpu.memory_space<vmem_shared>> -> memref<16x64xf32, #tpu.memory_space<vmem_shared>>
      tpu.wait_dma2 semaphore(%run_scoped3A : memref<!tpu.dma_semaphore, #tpu.memory_space<semaphore_mem>>) src(%arg9 : memref<16x64xf32, #tpu.memory_space<vmem>>) dst(%dma_wait3A_289 : memref<16x64xf32, #tpu.memory_space<vmem_shared>>)
      tpu.yield
    }) : () -> ()
    %add3A_48 = arith.constant 112 : i32
    %add3A_49 = arith.addi %mul3A_2, %add3A_48 : i32
    "tpu.region"() ({
      %run_scoped3A = tpu.sem_alloc : memref<!tpu.dma_semaphore, #tpu.memory_space<semaphore_mem>>
      %dma_start3A_282 = arith.constant 0 : i32
      %dma_start3A_283 = tpu.memref_slice %arg10[%add3A_49, %dma_start3A_282] : memref<8192x64xf32, #tpu.memory_space<vmem_shared>> -> memref<16x64xf32, #tpu.memory_space<vmem_shared>>
      %dma_start3A_284 = arith.constant 0 : i32
      %dma_start3A_285 = tpu.memref_slice %arg10[%add3A_49, %dma_start3A_284] : memref<8192x64xf32, #tpu.memory_space<vmem_shared>> -> memref<16x64xf32, #tpu.memory_space<vmem_shared>>
      tpu.enqueue_dma source(%arg9 : memref<16x64xf32, #tpu.memory_space<vmem>>) target(%dma_start3A_285 : memref<16x64xf32, #tpu.memory_space<vmem_shared>>) target_semaphore(%run_scoped3A : memref<!tpu.dma_semaphore, #tpu.memory_space<semaphore_mem>>)
      %dma_wait3A_286 = arith.constant 0 : i32
      %dma_wait3A_287 = tpu.memref_slice %arg10[%add3A_49, %dma_wait3A_286] : memref<8192x64xf32, #tpu.memory_space<vmem_shared>> -> memref<16x64xf32, #tpu.memory_space<vmem_shared>>
      %dma_wait3A_288 = arith.constant 0 : i32
      %dma_wait3A_289 = tpu.memref_slice %arg10[%add3A_49, %dma_wait3A_288] : memref<8192x64xf32, #tpu.memory_space<vmem_shared>> -> memref<16x64xf32, #tpu.memory_space<vmem_shared>>
      tpu.wait_dma2 semaphore(%run_scoped3A : memref<!tpu.dma_semaphore, #tpu.memory_space<semaphore_mem>>) src(%arg9 : memref<16x64xf32, #tpu.memory_space<vmem>>) dst(%dma_wait3A_289 : memref<16x64xf32, #tpu.memory_space<vmem_shared>>)
      tpu.yield
    }) : () -> ()
    %add3A_50 = arith.constant 128 : i32
    %add3A_51 = arith.addi %mul3A_2, %add3A_50 : i32
    "tpu.region"() ({
      %run_scoped3A = tpu.sem_alloc : memref<!tpu.dma_semaphore, #tpu.memory_space<semaphore_mem>>
      %dma_start3A_282 = arith.constant 0 : i32
      %dma_start3A_283 = tpu.memref_slice %arg10[%add3A_51, %dma_start3A_282] : memref<8192x64xf32, #tpu.memory_space<vmem_shared>> -> memref<16x64xf32, #tpu.memory_space<vmem_shared>>
      %dma_start3A_284 = arith.constant 0 : i32
      %dma_start3A_285 = tpu.memref_slice %arg10[%add3A_51, %dma_start3A_284] : memref<8192x64xf32, #tpu.memory_space<vmem_shared>> -> memref<16x64xf32, #tpu.memory_space<vmem_shared>>
      tpu.enqueue_dma source(%arg9 : memref<16x64xf32, #tpu.memory_space<vmem>>) target(%dma_start3A_285 : memref<16x64xf32, #tpu.memory_space<vmem_shared>>) target_semaphore(%run_scoped3A : memref<!tpu.dma_semaphore, #tpu.memory_space<semaphore_mem>>)
      %dma_wait3A_286 = arith.constant 0 : i32
      %dma_wait3A_287 = tpu.memref_slice %arg10[%add3A_51, %dma_wait3A_286] : memref<8192x64xf32, #tpu.memory_space<vmem_shared>> -> memref<16x64xf32, #tpu.memory_space<vmem_shared>>
      %dma_wait3A_288 = arith.constant 0 : i32
      %dma_wait3A_289 = tpu.memref_slice %arg10[%add3A_51, %dma_wait3A_288] : memref<8192x64xf32, #tpu.memory_space<vmem_shared>> -> memref<16x64xf32, #tpu.memory_space<vmem_shared>>
      tpu.wait_dma2 semaphore(%run_scoped3A : memref<!tpu.dma_semaphore, #tpu.memory_space<semaphore_mem>>) src(%arg9 : memref<16x64xf32, #tpu.memory_space<vmem>>) dst(%dma_wait3A_289 : memref<16x64xf32, #tpu.memory_space<vmem_shared>>)
      tpu.yield
    }) : () -> ()
    %add3A_52 = arith.constant 144 : i32
    %add3A_53 = arith.addi %mul3A_2, %add3A_52 : i32
    "tpu.region"() ({
      %run_scoped3A = tpu.sem_alloc : memref<!tpu.dma_semaphore, #tpu.memory_space<semaphore_mem>>
      %dma_start3A_282 = arith.constant 0 : i32
      %dma_start3A_283 = tpu.memref_slice %arg10[%add3A_53, %dma_start3A_282] : memref<8192x64xf32, #tpu.memory_space<vmem_shared>> -> memref<16x64xf32, #tpu.memory_space<vmem_shared>>
      %dma_start3A_284 = arith.constant 0 : i32
      %dma_start3A_285 = tpu.memref_slice %arg10[%add3A_53, %dma_start3A_284] : memref<8192x64xf32, #tpu.memory_space<vmem_shared>> -> memref<16x64xf32, #tpu.memory_space<vmem_shared>>
      tpu.enqueue_dma source(%arg9 : memref<16x64xf32, #tpu.memory_space<vmem>>) target(%dma_start3A_285 : memref<16x64xf32, #tpu.memory_space<vmem_shared>>) target_semaphore(%run_scoped3A : memref<!tpu.dma_semaphore, #tpu.memory_space<semaphore_mem>>)
      %dma_wait3A_286 = arith.constant 0 : i32
      %dma_wait3A_287 = tpu.memref_slice %arg10[%add3A_53, %dma_wait3A_286] : memref<8192x64xf32, #tpu.memory_space<vmem_shared>> -> memref<16x64xf32, #tpu.memory_space<vmem_shared>>
      %dma_wait3A_288 = arith.constant 0 : i32
      %dma_wait3A_289 = tpu.memref_slice %arg10[%add3A_53, %dma_wait3A_288] : memref<8192x64xf32, #tpu.memory_space<vmem_shared>> -> memref<16x64xf32, #tpu.memory_space<vmem_shared>>
      tpu.wait_dma2 semaphore(%run_scoped3A : memref<!tpu.dma_semaphore, #tpu.memory_space<semaphore_mem>>) src(%arg9 : memref<16x64xf32, #tpu.memory_space<vmem>>) dst(%dma_wait3A_289 : memref<16x64xf32, #tpu.memory_space<vmem_shared>>)
      tpu.yield
    }) : () -> ()
    %add3A_54 = arith.constant 160 : i32
    %add3A_55 = arith.addi %mul3A_2, %add3A_54 : i32
    "tpu.region"() ({
      %run_scoped3A = tpu.sem_alloc : memref<!tpu.dma_semaphore, #tpu.memory_space<semaphore_mem>>
      %dma_start3A_282 = arith.constant 0 : i32
      %dma_start3A_283 = tpu.memref_slice %arg10[%add3A_55, %dma_start3A_282] : memref<8192x64xf32, #tpu.memory_space<vmem_shared>> -> memref<16x64xf32, #tpu.memory_space<vmem_shared>>
      %dma_start3A_284 = arith.constant 0 : i32
      %dma_start3A_285 = tpu.memref_slice %arg10[%add3A_55, %dma_start3A_284] : memref<8192x64xf32, #tpu.memory_space<vmem_shared>> -> memref<16x64xf32, #tpu.memory_space<vmem_shared>>
      tpu.enqueue_dma source(%arg9 : memref<16x64xf32, #tpu.memory_space<vmem>>) target(%dma_start3A_285 : memref<16x64xf32, #tpu.memory_space<vmem_shared>>) target_semaphore(%run_scoped3A : memref<!tpu.dma_semaphore, #tpu.memory_space<semaphore_mem>>)
      %dma_wait3A_286 = arith.constant 0 : i32
      %dma_wait3A_287 = tpu.memref_slice %arg10[%add3A_55, %dma_wait3A_286] : memref<8192x64xf32, #tpu.memory_space<vmem_shared>> -> memref<16x64xf32, #tpu.memory_space<vmem_shared>>
      %dma_wait3A_288 = arith.constant 0 : i32
      %dma_wait3A_289 = tpu.memref_slice %arg10[%add3A_55, %dma_wait3A_288] : memref<8192x64xf32, #tpu.memory_space<vmem_shared>> -> memref<16x64xf32, #tpu.memory_space<vmem_shared>>
      tpu.wait_dma2 semaphore(%run_scoped3A : memref<!tpu.dma_semaphore, #tpu.memory_space<semaphore_mem>>) src(%arg9 : memref<16x64xf32, #tpu.memory_space<vmem>>) dst(%dma_wait3A_289 : memref<16x64xf32, #tpu.memory_space<vmem_shared>>)
      tpu.yield
    }) : () -> ()
    %add3A_56 = arith.constant 176 : i32
    %add3A_57 = arith.addi %mul3A_2, %add3A_56 : i32
    "tpu.region"() ({
      %run_scoped3A = tpu.sem_alloc : memref<!tpu.dma_semaphore, #tpu.memory_space<semaphore_mem>>
      %dma_start3A_282 = arith.constant 0 : i32
      %dma_start3A_283 = tpu.memref_slice %arg10[%add3A_57, %dma_start3A_282] : memref<8192x64xf32, #tpu.memory_space<vmem_shared>> -> memref<16x64xf32, #tpu.memory_space<vmem_shared>>
      %dma_start3A_284 = arith.constant 0 : i32
      %dma_start3A_285 = tpu.memref_slice %arg10[%add3A_57, %dma_start3A_284] : memref<8192x64xf32, #tpu.memory_space<vmem_shared>> -> memref<16x64xf32, #tpu.memory_space<vmem_shared>>
      tpu.enqueue_dma source(%arg9 : memref<16x64xf32, #tpu.memory_space<vmem>>) target(%dma_start3A_285 : memref<16x64xf32, #tpu.memory_space<vmem_shared>>) target_semaphore(%run_scoped3A : memref<!tpu.dma_semaphore, #tpu.memory_space<semaphore_mem>>)
      %dma_wait3A_286 = arith.constant 0 : i32
      %dma_wait3A_287 = tpu.memref_slice %arg10[%add3A_57, %dma_wait3A_286] : memref<8192x64xf32, #tpu.memory_space<vmem_shared>> -> memref<16x64xf32, #tpu.memory_space<vmem_shared>>
      %dma_wait3A_288 = arith.constant 0 : i32
      %dma_wait3A_289 = tpu.memref_slice %arg10[%add3A_57, %dma_wait3A_288] : memref<8192x64xf32, #tpu.memory_space<vmem_shared>> -> memref<16x64xf32, #tpu.memory_space<vmem_shared>>
      tpu.wait_dma2 semaphore(%run_scoped3A : memref<!tpu.dma_semaphore, #tpu.memory_space<semaphore_mem>>) src(%arg9 : memref<16x64xf32, #tpu.memory_space<vmem>>) dst(%dma_wait3A_289 : memref<16x64xf32, #tpu.memory_space<vmem_shared>>)
      tpu.yield
    }) : () -> ()
    %add3A_58 = arith.constant 192 : i32
    %add3A_59 = arith.addi %mul3A_2, %add3A_58 : i32
    "tpu.region"() ({
      %run_scoped3A = tpu.sem_alloc : memref<!tpu.dma_semaphore, #tpu.memory_space<semaphore_mem>>
      %dma_start3A_282 = arith.constant 0 : i32
      %dma_start3A_283 = tpu.memref_slice %arg10[%add3A_59, %dma_start3A_282] : memref<8192x64xf32, #tpu.memory_space<vmem_shared>> -> memref<16x64xf32, #tpu.memory_space<vmem_shared>>
      %dma_start3A_284 = arith.constant 0 : i32
      %dma_start3A_285 = tpu.memref_slice %arg10[%add3A_59, %dma_start3A_284] : memref<8192x64xf32, #tpu.memory_space<vmem_shared>> -> memref<16x64xf32, #tpu.memory_space<vmem_shared>>
      tpu.enqueue_dma source(%arg9 : memref<16x64xf32, #tpu.memory_space<vmem>>) target(%dma_start3A_285 : memref<16x64xf32, #tpu.memory_space<vmem_shared>>) target_semaphore(%run_scoped3A : memref<!tpu.dma_semaphore, #tpu.memory_space<semaphore_mem>>)
      %dma_wait3A_286 = arith.constant 0 : i32
      %dma_wait3A_287 = tpu.memref_slice %arg10[%add3A_59, %dma_wait3A_286] : memref<8192x64xf32, #tpu.memory_space<vmem_shared>> -> memref<16x64xf32, #tpu.memory_space<vmem_shared>>
      %dma_wait3A_288 = arith.constant 0 : i32
      %dma_wait3A_289 = tpu.memref_slice %arg10[%add3A_59, %dma_wait3A_288] : memref<8192x64xf32, #tpu.memory_space<vmem_shared>> -> memref<16x64xf32, #tpu.memory_space<vmem_shared>>
      tpu.wait_dma2 semaphore(%run_scoped3A : memref<!tpu.dma_semaphore, #tpu.memory_space<semaphore_mem>>) src(%arg9 : memref<16x64xf32, #tpu.memory_space<vmem>>) dst(%dma_wait3A_289 : memref<16x64xf32, #tpu.memory_space<vmem_shared>>)
      tpu.yield
    }) : () -> ()
    %add3A_60 = arith.constant 208 : i32
    %add3A_61 = arith.addi %mul3A_2, %add3A_60 : i32
    "tpu.region"() ({
      %run_scoped3A = tpu.sem_alloc : memref<!tpu.dma_semaphore, #tpu.memory_space<semaphore_mem>>
      %dma_start3A_282 = arith.constant 0 : i32
      %dma_start3A_283 = tpu.memref_slice %arg10[%add3A_61, %dma_start3A_282] : memref<8192x64xf32, #tpu.memory_space<vmem_shared>> -> memref<16x64xf32, #tpu.memory_space<vmem_shared>>
      %dma_start3A_284 = arith.constant 0 : i32
      %dma_start3A_285 = tpu.memref_slice %arg10[%add3A_61, %dma_start3A_284] : memref<8192x64xf32, #tpu.memory_space<vmem_shared>> -> memref<16x64xf32, #tpu.memory_space<vmem_shared>>
      tpu.enqueue_dma source(%arg9 : memref<16x64xf32, #tpu.memory_space<vmem>>) target(%dma_start3A_285 : memref<16x64xf32, #tpu.memory_space<vmem_shared>>) target_semaphore(%run_scoped3A : memref<!tpu.dma_semaphore, #tpu.memory_space<semaphore_mem>>)
      %dma_wait3A_286 = arith.constant 0 : i32
      %dma_wait3A_287 = tpu.memref_slice %arg10[%add3A_61, %dma_wait3A_286] : memref<8192x64xf32, #tpu.memory_space<vmem_shared>> -> memref<16x64xf32, #tpu.memory_space<vmem_shared>>
      %dma_wait3A_288 = arith.constant 0 : i32
      %dma_wait3A_289 = tpu.memref_slice %arg10[%add3A_61, %dma_wait3A_288] : memref<8192x64xf32, #tpu.memory_space<vmem_shared>> -> memref<16x64xf32, #tpu.memory_space<vmem_shared>>
      tpu.wait_dma2 semaphore(%run_scoped3A : memref<!tpu.dma_semaphore, #tpu.memory_space<semaphore_mem>>) src(%arg9 : memref<16x64xf32, #tpu.memory_space<vmem>>) dst(%dma_wait3A_289 : memref<16x64xf32, #tpu.memory_space<vmem_shared>>)
      tpu.yield
    }) : () -> ()
    %add3A_62 = arith.constant 224 : i32
    %add3A_63 = arith.addi %mul3A_2, %add3A_62 : i32
    "tpu.region"() ({
      %run_scoped3A = tpu.sem_alloc : memref<!tpu.dma_semaphore, #tpu.memory_space<semaphore_mem>>
      %dma_start3A_282 = arith.constant 0 : i32
      %dma_start3A_283 = tpu.memref_slice %arg10[%add3A_63, %dma_start3A_282] : memref<8192x64xf32, #tpu.memory_space<vmem_shared>> -> memref<16x64xf32, #tpu.memory_space<vmem_shared>>
      %dma_start3A_284 = arith.constant 0 : i32
      %dma_start3A_285 = tpu.memref_slice %arg10[%add3A_63, %dma_start3A_284] : memref<8192x64xf32, #tpu.memory_space<vmem_shared>> -> memref<16x64xf32, #tpu.memory_space<vmem_shared>>
      tpu.enqueue_dma source(%arg9 : memref<16x64xf32, #tpu.memory_space<vmem>>) target(%dma_start3A_285 : memref<16x64xf32, #tpu.memory_space<vmem_shared>>) target_semaphore(%run_scoped3A : memref<!tpu.dma_semaphore, #tpu.memory_space<semaphore_mem>>)
      %dma_wait3A_286 = arith.constant 0 : i32
      %dma_wait3A_287 = tpu.memref_slice %arg10[%add3A_63, %dma_wait3A_286] : memref<8192x64xf32, #tpu.memory_space<vmem_shared>> -> memref<16x64xf32, #tpu.memory_space<vmem_shared>>
      %dma_wait3A_288 = arith.constant 0 : i32
      %dma_wait3A_289 = tpu.memref_slice %arg10[%add3A_63, %dma_wait3A_288] : memref<8192x64xf32, #tpu.memory_space<vmem_shared>> -> memref<16x64xf32, #tpu.memory_space<vmem_shared>>
      tpu.wait_dma2 semaphore(%run_scoped3A : memref<!tpu.dma_semaphore, #tpu.memory_space<semaphore_mem>>) src(%arg9 : memref<16x64xf32, #tpu.memory_space<vmem>>) dst(%dma_wait3A_289 : memref<16x64xf32, #tpu.memory_space<vmem_shared>>)
      tpu.yield
    }) : () -> ()
    %add3A_64 = arith.constant 240 : i32
    %add3A_65 = arith.addi %mul3A_2, %add3A_64 : i32
    "tpu.region"() ({
      %run_scoped3A = tpu.sem_alloc : memref<!tpu.dma_semaphore, #tpu.memory_space<semaphore_mem>>
      %dma_start3A_282 = arith.constant 0 : i32
      %dma_start3A_283 = tpu.memref_slice %arg10[%add3A_65, %dma_start3A_282] : memref<8192x64xf32, #tpu.memory_space<vmem_shared>> -> memref<16x64xf32, #tpu.memory_space<vmem_shared>>
      %dma_start3A_284 = arith.constant 0 : i32
      %dma_start3A_285 = tpu.memref_slice %arg10[%add3A_65, %dma_start3A_284] : memref<8192x64xf32, #tpu.memory_space<vmem_shared>> -> memref<16x64xf32, #tpu.memory_space<vmem_shared>>
      tpu.enqueue_dma source(%arg9 : memref<16x64xf32, #tpu.memory_space<vmem>>) target(%dma_start3A_285 : memref<16x64xf32, #tpu.memory_space<vmem_shared>>) target_semaphore(%run_scoped3A : memref<!tpu.dma_semaphore, #tpu.memory_space<semaphore_mem>>)
      %dma_wait3A_286 = arith.constant 0 : i32
      %dma_wait3A_287 = tpu.memref_slice %arg10[%add3A_65, %dma_wait3A_286] : memref<8192x64xf32, #tpu.memory_space<vmem_shared>> -> memref<16x64xf32, #tpu.memory_space<vmem_shared>>
      %dma_wait3A_288 = arith.constant 0 : i32
      %dma_wait3A_289 = tpu.memref_slice %arg10[%add3A_65, %dma_wait3A_288] : memref<8192x64xf32, #tpu.memory_space<vmem_shared>> -> memref<16x64xf32, #tpu.memory_space<vmem_shared>>
      tpu.wait_dma2 semaphore(%run_scoped3A : memref<!tpu.dma_semaphore, #tpu.memory_space<semaphore_mem>>) src(%arg9 : memref<16x64xf32, #tpu.memory_space<vmem>>) dst(%dma_wait3A_289 : memref<16x64xf32, #tpu.memory_space<vmem_shared>>)
      tpu.yield
    }) : () -> ()
    %add3A_66 = arith.constant 256 : i32
    %add3A_67 = arith.addi %mul3A_2, %add3A_66 : i32
    "tpu.region"() ({
      %run_scoped3A = tpu.sem_alloc : memref<!tpu.dma_semaphore, #tpu.memory_space<semaphore_mem>>
      %dma_start3A_282 = arith.constant 0 : i32
      %dma_start3A_283 = tpu.memref_slice %arg10[%add3A_67, %dma_start3A_282] : memref<8192x64xf32, #tpu.memory_space<vmem_shared>> -> memref<16x64xf32, #tpu.memory_space<vmem_shared>>
      %dma_start3A_284 = arith.constant 0 : i32
      %dma_start3A_285 = tpu.memref_slice %arg10[%add3A_67, %dma_start3A_284] : memref<8192x64xf32, #tpu.memory_space<vmem_shared>> -> memref<16x64xf32, #tpu.memory_space<vmem_shared>>
      tpu.enqueue_dma source(%arg9 : memref<16x64xf32, #tpu.memory_space<vmem>>) target(%dma_start3A_285 : memref<16x64xf32, #tpu.memory_space<vmem_shared>>) target_semaphore(%run_scoped3A : memref<!tpu.dma_semaphore, #tpu.memory_space<semaphore_mem>>)
      %dma_wait3A_286 = arith.constant 0 : i32
      %dma_wait3A_287 = tpu.memref_slice %arg10[%add3A_67, %dma_wait3A_286] : memref<8192x64xf32, #tpu.memory_space<vmem_shared>> -> memref<16x64xf32, #tpu.memory_space<vmem_shared>>
      %dma_wait3A_288 = arith.constant 0 : i32
      %dma_wait3A_289 = tpu.memref_slice %arg10[%add3A_67, %dma_wait3A_288] : memref<8192x64xf32, #tpu.memory_space<vmem_shared>> -> memref<16x64xf32, #tpu.memory_space<vmem_shared>>
      tpu.wait_dma2 semaphore(%run_scoped3A : memref<!tpu.dma_semaphore, #tpu.memory_space<semaphore_mem>>) src(%arg9 : memref<16x64xf32, #tpu.memory_space<vmem>>) dst(%dma_wait3A_289 : memref<16x64xf32, #tpu.memory_space<vmem_shared>>)
      tpu.yield
    }) : () -> ()
    %add3A_68 = arith.constant 272 : i32
    %add3A_69 = arith.addi %mul3A_2, %add3A_68 : i32
    "tpu.region"() ({
      %run_scoped3A = tpu.sem_alloc : memref<!tpu.dma_semaphore, #tpu.memory_space<semaphore_mem>>
      %dma_start3A_282 = arith.constant 0 : i32
      %dma_start3A_283 = tpu.memref_slice %arg10[%add3A_69, %dma_start3A_282] : memref<8192x64xf32, #tpu.memory_space<vmem_shared>> -> memref<16x64xf32, #tpu.memory_space<vmem_shared>>
      %dma_start3A_284 = arith.constant 0 : i32
      %dma_start3A_285 = tpu.memref_slice %arg10[%add3A_69, %dma_start3A_284] : memref<8192x64xf32, #tpu.memory_space<vmem_shared>> -> memref<16x64xf32, #tpu.memory_space<vmem_shared>>
      tpu.enqueue_dma source(%arg9 : memref<16x64xf32, #tpu.memory_space<vmem>>) target(%dma_start3A_285 : memref<16x64xf32, #tpu.memory_space<vmem_shared>>) target_semaphore(%run_scoped3A : memref<!tpu.dma_semaphore, #tpu.memory_space<semaphore_mem>>)
      %dma_wait3A_286 = arith.constant 0 : i32
      %dma_wait3A_287 = tpu.memref_slice %arg10[%add3A_69, %dma_wait3A_286] : memref<8192x64xf32, #tpu.memory_space<vmem_shared>> -> memref<16x64xf32, #tpu.memory_space<vmem_shared>>
      %dma_wait3A_288 = arith.constant 0 : i32
      %dma_wait3A_289 = tpu.memref_slice %arg10[%add3A_69, %dma_wait3A_288] : memref<8192x64xf32, #tpu.memory_space<vmem_shared>> -> memref<16x64xf32, #tpu.memory_space<vmem_shared>>
      tpu.wait_dma2 semaphore(%run_scoped3A : memref<!tpu.dma_semaphore, #tpu.memory_space<semaphore_mem>>) src(%arg9 : memref<16x64xf32, #tpu.memory_space<vmem>>) dst(%dma_wait3A_289 : memref<16x64xf32, #tpu.memory_space<vmem_shared>>)
      tpu.yield
    }) : () -> ()
    %add3A_70 = arith.constant 288 : i32
    %add3A_71 = arith.addi %mul3A_2, %add3A_70 : i32
    "tpu.region"() ({
      %run_scoped3A = tpu.sem_alloc : memref<!tpu.dma_semaphore, #tpu.memory_space<semaphore_mem>>
      %dma_start3A_282 = arith.constant 0 : i32
      %dma_start3A_283 = tpu.memref_slice %arg10[%add3A_71, %dma_start3A_282] : memref<8192x64xf32, #tpu.memory_space<vmem_shared>> -> memref<16x64xf32, #tpu.memory_space<vmem_shared>>
      %dma_start3A_284 = arith.constant 0 : i32
      %dma_start3A_285 = tpu.memref_slice %arg10[%add3A_71, %dma_start3A_284] : memref<8192x64xf32, #tpu.memory_space<vmem_shared>> -> memref<16x64xf32, #tpu.memory_space<vmem_shared>>
      tpu.enqueue_dma source(%arg9 : memref<16x64xf32, #tpu.memory_space<vmem>>) target(%dma_start3A_285 : memref<16x64xf32, #tpu.memory_space<vmem_shared>>) target_semaphore(%run_scoped3A : memref<!tpu.dma_semaphore, #tpu.memory_space<semaphore_mem>>)
      %dma_wait3A_286 = arith.constant 0 : i32
      %dma_wait3A_287 = tpu.memref_slice %arg10[%add3A_71, %dma_wait3A_286] : memref<8192x64xf32, #tpu.memory_space<vmem_shared>> -> memref<16x64xf32, #tpu.memory_space<vmem_shared>>
      %dma_wait3A_288 = arith.constant 0 : i32
      %dma_wait3A_289 = tpu.memref_slice %arg10[%add3A_71, %dma_wait3A_288] : memref<8192x64xf32, #tpu.memory_space<vmem_shared>> -> memref<16x64xf32, #tpu.memory_space<vmem_shared>>
      tpu.wait_dma2 semaphore(%run_scoped3A : memref<!tpu.dma_semaphore, #tpu.memory_space<semaphore_mem>>) src(%arg9 : memref<16x64xf32, #tpu.memory_space<vmem>>) dst(%dma_wait3A_289 : memref<16x64xf32, #tpu.memory_space<vmem_shared>>)
      tpu.yield
    }) : () -> ()
    %add3A_72 = arith.constant 304 : i32
    %add3A_73 = arith.addi %mul3A_2, %add3A_72 : i32
    "tpu.region"() ({
      %run_scoped3A = tpu.sem_alloc : memref<!tpu.dma_semaphore, #tpu.memory_space<semaphore_mem>>
      %dma_start3A_282 = arith.constant 0 : i32
      %dma_start3A_283 = tpu.memref_slice %arg10[%add3A_73, %dma_start3A_282] : memref<8192x64xf32, #tpu.memory_space<vmem_shared>> -> memref<16x64xf32, #tpu.memory_space<vmem_shared>>
      %dma_start3A_284 = arith.constant 0 : i32
      %dma_start3A_285 = tpu.memref_slice %arg10[%add3A_73, %dma_start3A_284] : memref<8192x64xf32, #tpu.memory_space<vmem_shared>> -> memref<16x64xf32, #tpu.memory_space<vmem_shared>>
      tpu.enqueue_dma source(%arg9 : memref<16x64xf32, #tpu.memory_space<vmem>>) target(%dma_start3A_285 : memref<16x64xf32, #tpu.memory_space<vmem_shared>>) target_semaphore(%run_scoped3A : memref<!tpu.dma_semaphore, #tpu.memory_space<semaphore_mem>>)
      %dma_wait3A_286 = arith.constant 0 : i32
      %dma_wait3A_287 = tpu.memref_slice %arg10[%add3A_73, %dma_wait3A_286] : memref<8192x64xf32, #tpu.memory_space<vmem_shared>> -> memref<16x64xf32, #tpu.memory_space<vmem_shared>>
      %dma_wait3A_288 = arith.constant 0 : i32
      %dma_wait3A_289 = tpu.memref_slice %arg10[%add3A_73, %dma_wait3A_288] : memref<8192x64xf32, #tpu.memory_space<vmem_shared>> -> memref<16x64xf32, #tpu.memory_space<vmem_shared>>
      tpu.wait_dma2 semaphore(%run_scoped3A : memref<!tpu.dma_semaphore, #tpu.memory_space<semaphore_mem>>) src(%arg9 : memref<16x64xf32, #tpu.memory_space<vmem>>) dst(%dma_wait3A_289 : memref<16x64xf32, #tpu.memory_space<vmem_shared>>)
      tpu.yield
    }) : () -> ()
    %add3A_74 = arith.constant 320 : i32
    %add3A_75 = arith.addi %mul3A_2, %add3A_74 : i32
    "tpu.region"() ({
      %run_scoped3A = tpu.sem_alloc : memref<!tpu.dma_semaphore, #tpu.memory_space<semaphore_mem>>
      %dma_start3A_282 = arith.constant 0 : i32
      %dma_start3A_283 = tpu.memref_slice %arg10[%add3A_75, %dma_start3A_282] : memref<8192x64xf32, #tpu.memory_space<vmem_shared>> -> memref<16x64xf32, #tpu.memory_space<vmem_shared>>
      %dma_start3A_284 = arith.constant 0 : i32
      %dma_start3A_285 = tpu.memref_slice %arg10[%add3A_75, %dma_start3A_284] : memref<8192x64xf32, #tpu.memory_space<vmem_shared>> -> memref<16x64xf32, #tpu.memory_space<vmem_shared>>
      tpu.enqueue_dma source(%arg9 : memref<16x64xf32, #tpu.memory_space<vmem>>) target(%dma_start3A_285 : memref<16x64xf32, #tpu.memory_space<vmem_shared>>) target_semaphore(%run_scoped3A : memref<!tpu.dma_semaphore, #tpu.memory_space<semaphore_mem>>)
      %dma_wait3A_286 = arith.constant 0 : i32
      %dma_wait3A_287 = tpu.memref_slice %arg10[%add3A_75, %dma_wait3A_286] : memref<8192x64xf32, #tpu.memory_space<vmem_shared>> -> memref<16x64xf32, #tpu.memory_space<vmem_shared>>
      %dma_wait3A_288 = arith.constant 0 : i32
      %dma_wait3A_289 = tpu.memref_slice %arg10[%add3A_75, %dma_wait3A_288] : memref<8192x64xf32, #tpu.memory_space<vmem_shared>> -> memref<16x64xf32, #tpu.memory_space<vmem_shared>>
      tpu.wait_dma2 semaphore(%run_scoped3A : memref<!tpu.dma_semaphore, #tpu.memory_space<semaphore_mem>>) src(%arg9 : memref<16x64xf32, #tpu.memory_space<vmem>>) dst(%dma_wait3A_289 : memref<16x64xf32, #tpu.memory_space<vmem_shared>>)
      tpu.yield
    }) : () -> ()
    %add3A_76 = arith.constant 336 : i32
    %add3A_77 = arith.addi %mul3A_2, %add3A_76 : i32
    "tpu.region"() ({
      %run_scoped3A = tpu.sem_alloc : memref<!tpu.dma_semaphore, #tpu.memory_space<semaphore_mem>>
      %dma_start3A_282 = arith.constant 0 : i32
      %dma_start3A_283 = tpu.memref_slice %arg10[%add3A_77, %dma_start3A_282] : memref<8192x64xf32, #tpu.memory_space<vmem_shared>> -> memref<16x64xf32, #tpu.memory_space<vmem_shared>>
      %dma_start3A_284 = arith.constant 0 : i32
      %dma_start3A_285 = tpu.memref_slice %arg10[%add3A_77, %dma_start3A_284] : memref<8192x64xf32, #tpu.memory_space<vmem_shared>> -> memref<16x64xf32, #tpu.memory_space<vmem_shared>>
      tpu.enqueue_dma source(%arg9 : memref<16x64xf32, #tpu.memory_space<vmem>>) target(%dma_start3A_285 : memref<16x64xf32, #tpu.memory_space<vmem_shared>>) target_semaphore(%run_scoped3A : memref<!tpu.dma_semaphore, #tpu.memory_space<semaphore_mem>>)
      %dma_wait3A_286 = arith.constant 0 : i32
      %dma_wait3A_287 = tpu.memref_slice %arg10[%add3A_77, %dma_wait3A_286] : memref<8192x64xf32, #tpu.memory_space<vmem_shared>> -> memref<16x64xf32, #tpu.memory_space<vmem_shared>>
      %dma_wait3A_288 = arith.constant 0 : i32
      %dma_wait3A_289 = tpu.memref_slice %arg10[%add3A_77, %dma_wait3A_288] : memref<8192x64xf32, #tpu.memory_space<vmem_shared>> -> memref<16x64xf32, #tpu.memory_space<vmem_shared>>
      tpu.wait_dma2 semaphore(%run_scoped3A : memref<!tpu.dma_semaphore, #tpu.memory_space<semaphore_mem>>) src(%arg9 : memref<16x64xf32, #tpu.memory_space<vmem>>) dst(%dma_wait3A_289 : memref<16x64xf32, #tpu.memory_space<vmem_shared>>)
      tpu.yield
    }) : () -> ()
    %add3A_78 = arith.constant 352 : i32
    %add3A_79 = arith.addi %mul3A_2, %add3A_78 : i32
    "tpu.region"() ({
      %run_scoped3A = tpu.sem_alloc : memref<!tpu.dma_semaphore, #tpu.memory_space<semaphore_mem>>
      %dma_start3A_282 = arith.constant 0 : i32
      %dma_start3A_283 = tpu.memref_slice %arg10[%add3A_79, %dma_start3A_282] : memref<8192x64xf32, #tpu.memory_space<vmem_shared>> -> memref<16x64xf32, #tpu.memory_space<vmem_shared>>
      %dma_start3A_284 = arith.constant 0 : i32
      %dma_start3A_285 = tpu.memref_slice %arg10[%add3A_79, %dma_start3A_284] : memref<8192x64xf32, #tpu.memory_space<vmem_shared>> -> memref<16x64xf32, #tpu.memory_space<vmem_shared>>
      tpu.enqueue_dma source(%arg9 : memref<16x64xf32, #tpu.memory_space<vmem>>) target(%dma_start3A_285 : memref<16x64xf32, #tpu.memory_space<vmem_shared>>) target_semaphore(%run_scoped3A : memref<!tpu.dma_semaphore, #tpu.memory_space<semaphore_mem>>)
      %dma_wait3A_286 = arith.constant 0 : i32
      %dma_wait3A_287 = tpu.memref_slice %arg10[%add3A_79, %dma_wait3A_286] : memref<8192x64xf32, #tpu.memory_space<vmem_shared>> -> memref<16x64xf32, #tpu.memory_space<vmem_shared>>
      %dma_wait3A_288 = arith.constant 0 : i32
      %dma_wait3A_289 = tpu.memref_slice %arg10[%add3A_79, %dma_wait3A_288] : memref<8192x64xf32, #tpu.memory_space<vmem_shared>> -> memref<16x64xf32, #tpu.memory_space<vmem_shared>>
      tpu.wait_dma2 semaphore(%run_scoped3A : memref<!tpu.dma_semaphore, #tpu.memory_space<semaphore_mem>>) src(%arg9 : memref<16x64xf32, #tpu.memory_space<vmem>>) dst(%dma_wait3A_289 : memref<16x64xf32, #tpu.memory_space<vmem_shared>>)
      tpu.yield
    }) : () -> ()
    %add3A_80 = arith.constant 368 : i32
    %add3A_81 = arith.addi %mul3A_2, %add3A_80 : i32
    "tpu.region"() ({
      %run_scoped3A = tpu.sem_alloc : memref<!tpu.dma_semaphore, #tpu.memory_space<semaphore_mem>>
      %dma_start3A_282 = arith.constant 0 : i32
      %dma_start3A_283 = tpu.memref_slice %arg10[%add3A_81, %dma_start3A_282] : memref<8192x64xf32, #tpu.memory_space<vmem_shared>> -> memref<16x64xf32, #tpu.memory_space<vmem_shared>>
      %dma_start3A_284 = arith.constant 0 : i32
      %dma_start3A_285 = tpu.memref_slice %arg10[%add3A_81, %dma_start3A_284] : memref<8192x64xf32, #tpu.memory_space<vmem_shared>> -> memref<16x64xf32, #tpu.memory_space<vmem_shared>>
      tpu.enqueue_dma source(%arg9 : memref<16x64xf32, #tpu.memory_space<vmem>>) target(%dma_start3A_285 : memref<16x64xf32, #tpu.memory_space<vmem_shared>>) target_semaphore(%run_scoped3A : memref<!tpu.dma_semaphore, #tpu.memory_space<semaphore_mem>>)
      %dma_wait3A_286 = arith.constant 0 : i32
      %dma_wait3A_287 = tpu.memref_slice %arg10[%add3A_81, %dma_wait3A_286] : memref<8192x64xf32, #tpu.memory_space<vmem_shared>> -> memref<16x64xf32, #tpu.memory_space<vmem_shared>>
      %dma_wait3A_288 = arith.constant 0 : i32
      %dma_wait3A_289 = tpu.memref_slice %arg10[%add3A_81, %dma_wait3A_288] : memref<8192x64xf32, #tpu.memory_space<vmem_shared>> -> memref<16x64xf32, #tpu.memory_space<vmem_shared>>
      tpu.wait_dma2 semaphore(%run_scoped3A : memref<!tpu.dma_semaphore, #tpu.memory_space<semaphore_mem>>) src(%arg9 : memref<16x64xf32, #tpu.memory_space<vmem>>) dst(%dma_wait3A_289 : memref<16x64xf32, #tpu.memory_space<vmem_shared>>)
      tpu.yield
    }) : () -> ()
    %add3A_82 = arith.constant 384 : i32
    %add3A_83 = arith.addi %mul3A_2, %add3A_82 : i32
    "tpu.region"() ({
      %run_scoped3A = tpu.sem_alloc : memref<!tpu.dma_semaphore, #tpu.memory_space<semaphore_mem>>
      %dma_start3A_282 = arith.constant 0 : i32
      %dma_start3A_283 = tpu.memref_slice %arg10[%add3A_83, %dma_start3A_282] : memref<8192x64xf32, #tpu.memory_space<vmem_shared>> -> memref<16x64xf32, #tpu.memory_space<vmem_shared>>
      %dma_start3A_284 = arith.constant 0 : i32
      %dma_start3A_285 = tpu.memref_slice %arg10[%add3A_83, %dma_start3A_284] : memref<8192x64xf32, #tpu.memory_space<vmem_shared>> -> memref<16x64xf32, #tpu.memory_space<vmem_shared>>
      tpu.enqueue_dma source(%arg9 : memref<16x64xf32, #tpu.memory_space<vmem>>) target(%dma_start3A_285 : memref<16x64xf32, #tpu.memory_space<vmem_shared>>) target_semaphore(%run_scoped3A : memref<!tpu.dma_semaphore, #tpu.memory_space<semaphore_mem>>)
      %dma_wait3A_286 = arith.constant 0 : i32
      %dma_wait3A_287 = tpu.memref_slice %arg10[%add3A_83, %dma_wait3A_286] : memref<8192x64xf32, #tpu.memory_space<vmem_shared>> -> memref<16x64xf32, #tpu.memory_space<vmem_shared>>
      %dma_wait3A_288 = arith.constant 0 : i32
      %dma_wait3A_289 = tpu.memref_slice %arg10[%add3A_83, %dma_wait3A_288] : memref<8192x64xf32, #tpu.memory_space<vmem_shared>> -> memref<16x64xf32, #tpu.memory_space<vmem_shared>>
      tpu.wait_dma2 semaphore(%run_scoped3A : memref<!tpu.dma_semaphore, #tpu.memory_space<semaphore_mem>>) src(%arg9 : memref<16x64xf32, #tpu.memory_space<vmem>>) dst(%dma_wait3A_289 : memref<16x64xf32, #tpu.memory_space<vmem_shared>>)
      tpu.yield
    }) : () -> ()
    %add3A_84 = arith.constant 400 : i32
    %add3A_85 = arith.addi %mul3A_2, %add3A_84 : i32
    "tpu.region"() ({
      %run_scoped3A = tpu.sem_alloc : memref<!tpu.dma_semaphore, #tpu.memory_space<semaphore_mem>>
      %dma_start3A_282 = arith.constant 0 : i32
      %dma_start3A_283 = tpu.memref_slice %arg10[%add3A_85, %dma_start3A_282] : memref<8192x64xf32, #tpu.memory_space<vmem_shared>> -> memref<16x64xf32, #tpu.memory_space<vmem_shared>>
      %dma_start3A_284 = arith.constant 0 : i32
      %dma_start3A_285 = tpu.memref_slice %arg10[%add3A_85, %dma_start3A_284] : memref<8192x64xf32, #tpu.memory_space<vmem_shared>> -> memref<16x64xf32, #tpu.memory_space<vmem_shared>>
      tpu.enqueue_dma source(%arg9 : memref<16x64xf32, #tpu.memory_space<vmem>>) target(%dma_start3A_285 : memref<16x64xf32, #tpu.memory_space<vmem_shared>>) target_semaphore(%run_scoped3A : memref<!tpu.dma_semaphore, #tpu.memory_space<semaphore_mem>>)
      %dma_wait3A_286 = arith.constant 0 : i32
      %dma_wait3A_287 = tpu.memref_slice %arg10[%add3A_85, %dma_wait3A_286] : memref<8192x64xf32, #tpu.memory_space<vmem_shared>> -> memref<16x64xf32, #tpu.memory_space<vmem_shared>>
      %dma_wait3A_288 = arith.constant 0 : i32
      %dma_wait3A_289 = tpu.memref_slice %arg10[%add3A_85, %dma_wait3A_288] : memref<8192x64xf32, #tpu.memory_space<vmem_shared>> -> memref<16x64xf32, #tpu.memory_space<vmem_shared>>
      tpu.wait_dma2 semaphore(%run_scoped3A : memref<!tpu.dma_semaphore, #tpu.memory_space<semaphore_mem>>) src(%arg9 : memref<16x64xf32, #tpu.memory_space<vmem>>) dst(%dma_wait3A_289 : memref<16x64xf32, #tpu.memory_space<vmem_shared>>)
      tpu.yield
    }) : () -> ()
    %add3A_86 = arith.constant 416 : i32
    %add3A_87 = arith.addi %mul3A_2, %add3A_86 : i32
    "tpu.region"() ({
      %run_scoped3A = tpu.sem_alloc : memref<!tpu.dma_semaphore, #tpu.memory_space<semaphore_mem>>
      %dma_start3A_282 = arith.constant 0 : i32
      %dma_start3A_283 = tpu.memref_slice %arg10[%add3A_87, %dma_start3A_282] : memref<8192x64xf32, #tpu.memory_space<vmem_shared>> -> memref<16x64xf32, #tpu.memory_space<vmem_shared>>
      %dma_start3A_284 = arith.constant 0 : i32
      %dma_start3A_285 = tpu.memref_slice %arg10[%add3A_87, %dma_start3A_284] : memref<8192x64xf32, #tpu.memory_space<vmem_shared>> -> memref<16x64xf32, #tpu.memory_space<vmem_shared>>
      tpu.enqueue_dma source(%arg9 : memref<16x64xf32, #tpu.memory_space<vmem>>) target(%dma_start3A_285 : memref<16x64xf32, #tpu.memory_space<vmem_shared>>) target_semaphore(%run_scoped3A : memref<!tpu.dma_semaphore, #tpu.memory_space<semaphore_mem>>)
      %dma_wait3A_286 = arith.constant 0 : i32
      %dma_wait3A_287 = tpu.memref_slice %arg10[%add3A_87, %dma_wait3A_286] : memref<8192x64xf32, #tpu.memory_space<vmem_shared>> -> memref<16x64xf32, #tpu.memory_space<vmem_shared>>
      %dma_wait3A_288 = arith.constant 0 : i32
      %dma_wait3A_289 = tpu.memref_slice %arg10[%add3A_87, %dma_wait3A_288] : memref<8192x64xf32, #tpu.memory_space<vmem_shared>> -> memref<16x64xf32, #tpu.memory_space<vmem_shared>>
      tpu.wait_dma2 semaphore(%run_scoped3A : memref<!tpu.dma_semaphore, #tpu.memory_space<semaphore_mem>>) src(%arg9 : memref<16x64xf32, #tpu.memory_space<vmem>>) dst(%dma_wait3A_289 : memref<16x64xf32, #tpu.memory_space<vmem_shared>>)
      tpu.yield
    }) : () -> ()
    %add3A_88 = arith.constant 432 : i32
    %add3A_89 = arith.addi %mul3A_2, %add3A_88 : i32
    "tpu.region"() ({
      %run_scoped3A = tpu.sem_alloc : memref<!tpu.dma_semaphore, #tpu.memory_space<semaphore_mem>>
      %dma_start3A_282 = arith.constant 0 : i32
      %dma_start3A_283 = tpu.memref_slice %arg10[%add3A_89, %dma_start3A_282] : memref<8192x64xf32, #tpu.memory_space<vmem_shared>> -> memref<16x64xf32, #tpu.memory_space<vmem_shared>>
      %dma_start3A_284 = arith.constant 0 : i32
      %dma_start3A_285 = tpu.memref_slice %arg10[%add3A_89, %dma_start3A_284] : memref<8192x64xf32, #tpu.memory_space<vmem_shared>> -> memref<16x64xf32, #tpu.memory_space<vmem_shared>>
      tpu.enqueue_dma source(%arg9 : memref<16x64xf32, #tpu.memory_space<vmem>>) target(%dma_start3A_285 : memref<16x64xf32, #tpu.memory_space<vmem_shared>>) target_semaphore(%run_scoped3A : memref<!tpu.dma_semaphore, #tpu.memory_space<semaphore_mem>>)
      %dma_wait3A_286 = arith.constant 0 : i32
      %dma_wait3A_287 = tpu.memref_slice %arg10[%add3A_89, %dma_wait3A_286] : memref<8192x64xf32, #tpu.memory_space<vmem_shared>> -> memref<16x64xf32, #tpu.memory_space<vmem_shared>>
      %dma_wait3A_288 = arith.constant 0 : i32
      %dma_wait3A_289 = tpu.memref_slice %arg10[%add3A_89, %dma_wait3A_288] : memref<8192x64xf32, #tpu.memory_space<vmem_shared>> -> memref<16x64xf32, #tpu.memory_space<vmem_shared>>
      tpu.wait_dma2 semaphore(%run_scoped3A : memref<!tpu.dma_semaphore, #tpu.memory_space<semaphore_mem>>) src(%arg9 : memref<16x64xf32, #tpu.memory_space<vmem>>) dst(%dma_wait3A_289 : memref<16x64xf32, #tpu.memory_space<vmem_shared>>)
      tpu.yield
    }) : () -> ()
    %add3A_90 = arith.constant 448 : i32
    %add3A_91 = arith.addi %mul3A_2, %add3A_90 : i32
    "tpu.region"() ({
      %run_scoped3A = tpu.sem_alloc : memref<!tpu.dma_semaphore, #tpu.memory_space<semaphore_mem>>
      %dma_start3A_282 = arith.constant 0 : i32
      %dma_start3A_283 = tpu.memref_slice %arg10[%add3A_91, %dma_start3A_282] : memref<8192x64xf32, #tpu.memory_space<vmem_shared>> -> memref<16x64xf32, #tpu.memory_space<vmem_shared>>
      %dma_start3A_284 = arith.constant 0 : i32
      %dma_start3A_285 = tpu.memref_slice %arg10[%add3A_91, %dma_start3A_284] : memref<8192x64xf32, #tpu.memory_space<vmem_shared>> -> memref<16x64xf32, #tpu.memory_space<vmem_shared>>
      tpu.enqueue_dma source(%arg9 : memref<16x64xf32, #tpu.memory_space<vmem>>) target(%dma_start3A_285 : memref<16x64xf32, #tpu.memory_space<vmem_shared>>) target_semaphore(%run_scoped3A : memref<!tpu.dma_semaphore, #tpu.memory_space<semaphore_mem>>)
      %dma_wait3A_286 = arith.constant 0 : i32
      %dma_wait3A_287 = tpu.memref_slice %arg10[%add3A_91, %dma_wait3A_286] : memref<8192x64xf32, #tpu.memory_space<vmem_shared>> -> memref<16x64xf32, #tpu.memory_space<vmem_shared>>
      %dma_wait3A_288 = arith.constant 0 : i32
      %dma_wait3A_289 = tpu.memref_slice %arg10[%add3A_91, %dma_wait3A_288] : memref<8192x64xf32, #tpu.memory_space<vmem_shared>> -> memref<16x64xf32, #tpu.memory_space<vmem_shared>>
      tpu.wait_dma2 semaphore(%run_scoped3A : memref<!tpu.dma_semaphore, #tpu.memory_space<semaphore_mem>>) src(%arg9 : memref<16x64xf32, #tpu.memory_space<vmem>>) dst(%dma_wait3A_289 : memref<16x64xf32, #tpu.memory_space<vmem_shared>>)
      tpu.yield
    }) : () -> ()
    %add3A_92 = arith.constant 464 : i32
    %add3A_93 = arith.addi %mul3A_2, %add3A_92 : i32
    "tpu.region"() ({
      %run_scoped3A = tpu.sem_alloc : memref<!tpu.dma_semaphore, #tpu.memory_space<semaphore_mem>>
      %dma_start3A_282 = arith.constant 0 : i32
      %dma_start3A_283 = tpu.memref_slice %arg10[%add3A_93, %dma_start3A_282] : memref<8192x64xf32, #tpu.memory_space<vmem_shared>> -> memref<16x64xf32, #tpu.memory_space<vmem_shared>>
      %dma_start3A_284 = arith.constant 0 : i32
      %dma_start3A_285 = tpu.memref_slice %arg10[%add3A_93, %dma_start3A_284] : memref<8192x64xf32, #tpu.memory_space<vmem_shared>> -> memref<16x64xf32, #tpu.memory_space<vmem_shared>>
      tpu.enqueue_dma source(%arg9 : memref<16x64xf32, #tpu.memory_space<vmem>>) target(%dma_start3A_285 : memref<16x64xf32, #tpu.memory_space<vmem_shared>>) target_semaphore(%run_scoped3A : memref<!tpu.dma_semaphore, #tpu.memory_space<semaphore_mem>>)
      %dma_wait3A_286 = arith.constant 0 : i32
      %dma_wait3A_287 = tpu.memref_slice %arg10[%add3A_93, %dma_wait3A_286] : memref<8192x64xf32, #tpu.memory_space<vmem_shared>> -> memref<16x64xf32, #tpu.memory_space<vmem_shared>>
      %dma_wait3A_288 = arith.constant 0 : i32
      %dma_wait3A_289 = tpu.memref_slice %arg10[%add3A_93, %dma_wait3A_288] : memref<8192x64xf32, #tpu.memory_space<vmem_shared>> -> memref<16x64xf32, #tpu.memory_space<vmem_shared>>
      tpu.wait_dma2 semaphore(%run_scoped3A : memref<!tpu.dma_semaphore, #tpu.memory_space<semaphore_mem>>) src(%arg9 : memref<16x64xf32, #tpu.memory_space<vmem>>) dst(%dma_wait3A_289 : memref<16x64xf32, #tpu.memory_space<vmem_shared>>)
      tpu.yield
    }) : () -> ()
    %add3A_94 = arith.constant 480 : i32
    %add3A_95 = arith.addi %mul3A_2, %add3A_94 : i32
    "tpu.region"() ({
      %run_scoped3A = tpu.sem_alloc : memref<!tpu.dma_semaphore, #tpu.memory_space<semaphore_mem>>
      %dma_start3A_282 = arith.constant 0 : i32
      %dma_start3A_283 = tpu.memref_slice %arg10[%add3A_95, %dma_start3A_282] : memref<8192x64xf32, #tpu.memory_space<vmem_shared>> -> memref<16x64xf32, #tpu.memory_space<vmem_shared>>
      %dma_start3A_284 = arith.constant 0 : i32
      %dma_start3A_285 = tpu.memref_slice %arg10[%add3A_95, %dma_start3A_284] : memref<8192x64xf32, #tpu.memory_space<vmem_shared>> -> memref<16x64xf32, #tpu.memory_space<vmem_shared>>
      tpu.enqueue_dma source(%arg9 : memref<16x64xf32, #tpu.memory_space<vmem>>) target(%dma_start3A_285 : memref<16x64xf32, #tpu.memory_space<vmem_shared>>) target_semaphore(%run_scoped3A : memref<!tpu.dma_semaphore, #tpu.memory_space<semaphore_mem>>)
      %dma_wait3A_286 = arith.constant 0 : i32
      %dma_wait3A_287 = tpu.memref_slice %arg10[%add3A_95, %dma_wait3A_286] : memref<8192x64xf32, #tpu.memory_space<vmem_shared>> -> memref<16x64xf32, #tpu.memory_space<vmem_shared>>
      %dma_wait3A_288 = arith.constant 0 : i32
      %dma_wait3A_289 = tpu.memref_slice %arg10[%add3A_95, %dma_wait3A_288] : memref<8192x64xf32, #tpu.memory_space<vmem_shared>> -> memref<16x64xf32, #tpu.memory_space<vmem_shared>>
      tpu.wait_dma2 semaphore(%run_scoped3A : memref<!tpu.dma_semaphore, #tpu.memory_space<semaphore_mem>>) src(%arg9 : memref<16x64xf32, #tpu.memory_space<vmem>>) dst(%dma_wait3A_289 : memref<16x64xf32, #tpu.memory_space<vmem_shared>>)
      tpu.yield
    }) : () -> ()
    %add3A_96 = arith.constant 496 : i32
    %add3A_97 = arith.addi %mul3A_2, %add3A_96 : i32
    "tpu.region"() ({
      %run_scoped3A = tpu.sem_alloc : memref<!tpu.dma_semaphore, #tpu.memory_space<semaphore_mem>>
      %dma_start3A_282 = arith.constant 0 : i32
      %dma_start3A_283 = tpu.memref_slice %arg10[%add3A_97, %dma_start3A_282] : memref<8192x64xf32, #tpu.memory_space<vmem_shared>> -> memref<16x64xf32, #tpu.memory_space<vmem_shared>>
      %dma_start3A_284 = arith.constant 0 : i32
      %dma_start3A_285 = tpu.memref_slice %arg10[%add3A_97, %dma_start3A_284] : memref<8192x64xf32, #tpu.memory_space<vmem_shared>> -> memref<16x64xf32, #tpu.memory_space<vmem_shared>>
      tpu.enqueue_dma source(%arg9 : memref<16x64xf32, #tpu.memory_space<vmem>>) target(%dma_start3A_285 : memref<16x64xf32, #tpu.memory_space<vmem_shared>>) target_semaphore(%run_scoped3A : memref<!tpu.dma_semaphore, #tpu.memory_space<semaphore_mem>>)
      %dma_wait3A_286 = arith.constant 0 : i32
      %dma_wait3A_287 = tpu.memref_slice %arg10[%add3A_97, %dma_wait3A_286] : memref<8192x64xf32, #tpu.memory_space<vmem_shared>> -> memref<16x64xf32, #tpu.memory_space<vmem_shared>>
      %dma_wait3A_288 = arith.constant 0 : i32
      %dma_wait3A_289 = tpu.memref_slice %arg10[%add3A_97, %dma_wait3A_288] : memref<8192x64xf32, #tpu.memory_space<vmem_shared>> -> memref<16x64xf32, #tpu.memory_space<vmem_shared>>
      tpu.wait_dma2 semaphore(%run_scoped3A : memref<!tpu.dma_semaphore, #tpu.memory_space<semaphore_mem>>) src(%arg9 : memref<16x64xf32, #tpu.memory_space<vmem>>) dst(%dma_wait3A_289 : memref<16x64xf32, #tpu.memory_space<vmem_shared>>)
      tpu.yield
    }) : () -> ()
    %barrier3A = arith.constant 0 : index
    tpu.barrier barrier_id(%barrier3A)
    %dma_wait3A = arith.constant 0 : i32
    %dma_wait3A_98 = tpu.memref_slice %arg2[%add3A_8, %dma_wait3A] : memref<32768x64xf32, #tpu.memory_space<hbm>> -> memref<128x64xf32, #tpu.memory_space<hbm>>
    %dma_wait3A_99 = arith.constant 0 : i32
    %dma_wait3A_100 = tpu.memref_slice %arg2[%add3A_8, %dma_wait3A_99] : memref<32768x64xf32, #tpu.memory_space<hbm>> -> memref<128x64xf32, #tpu.memory_space<hbm>>
    tpu.wait_dma2 semaphore(%arg11 : memref<!tpu.dma_semaphore, #tpu.memory_space<semaphore_mem>>) src(%dma_wait3A_100 : memref<128x64xf32, #tpu.memory_space<hbm>>) dst(%arg6 : memref<128x64xf32, #tpu.memory_space<vmem>>)
    %dma_start3A_101 = arith.constant 0 : i32
    %dma_start3A_102 = arith.constant 0 : i32
    %dma_start3A_103 = tpu.memref_slice %arg5[%dma_start3A_101, %dma_start3A_102] : memref<8x128xi32, #tpu.memory_space<vmem>> -> memref<1x128xi32, #tpu.memory_space<vmem>>
    %dma_start3A_104 = tpu.memref_squeeze %dma_start3A_103 : memref<1x128xi32, #tpu.memory_space<vmem>> -> memref<128xi32, #tpu.memory_space<vmem>>
    %dma_start3A_105 = arith.constant 0 : i32
    %dma_start3A_106 = arith.constant 0 : i32
    %dma_start3A_107 = tpu.memref_slice %arg10[%dma_start3A_105, %dma_start3A_106] : memref<8192x64xf32, #tpu.memory_space<vmem_shared>> -> memref<8192x64xf32, #tpu.memory_space<vmem_shared>>
    tpu.enqueue_indirect_dma source(%arg6 : memref<128x64xf32, #tpu.memory_space<vmem>>) target(%dma_start3A_107 : memref<8192x64xf32, #tpu.memory_space<vmem_shared>>) offsets(%dma_start3A_104 : memref<128xi32, #tpu.memory_space<vmem>>) semaphore(%arg14 : memref<!tpu.dma_semaphore, #tpu.memory_space<semaphore_mem>>) {add = true}
    %dma_wait3A_108 = arith.constant 0 : i32
    %dma_wait3A_109 = arith.constant 0 : i32
    %dma_wait3A_110 = tpu.memref_slice %arg5[%dma_wait3A_108, %dma_wait3A_109] : memref<8x128xi32, #tpu.memory_space<vmem>> -> memref<1x128xi32, #tpu.memory_space<vmem>>
    %dma_wait3A_111 = tpu.memref_squeeze %dma_wait3A_110 : memref<1x128xi32, #tpu.memory_space<vmem>> -> memref<128xi32, #tpu.memory_space<vmem>>
    %dma_wait3A_112 = arith.constant 0 : i32
    %dma_wait3A_113 = arith.constant 0 : i32
    %dma_wait3A_114 = tpu.memref_slice %arg10[%dma_wait3A_112, %dma_wait3A_113] : memref<8192x64xf32, #tpu.memory_space<vmem_shared>> -> memref<8192x64xf32, #tpu.memory_space<vmem_shared>>
    tpu.wait_indirect_dma semaphore(%arg14 : memref<!tpu.dma_semaphore, #tpu.memory_space<semaphore_mem>>) src(%arg6 : memref<128x64xf32, #tpu.memory_space<vmem>>) dst(%dma_wait3A_114 : memref<8192x64xf32, #tpu.memory_space<vmem_shared>>)
    %mul3A_115 = arith.constant 1024 : i32
    %mul3A_116 = arith.muli %add3A, %mul3A_115 : i32
    %add3A_117 = arith.constant 384 : i32
    %add3A_118 = arith.addi %mul3A_116, %add3A_117 : i32
    %dma_start3A_119 = arith.constant 0 : i32
    %dma_start3A_120 = tpu.memref_slice %arg2[%add3A_118, %dma_start3A_119] : memref<32768x64xf32, #tpu.memory_space<hbm>> -> memref<128x64xf32, #tpu.memory_space<hbm>>
    %dma_start3A_121 = arith.constant 0 : i32
    %dma_start3A_122 = tpu.memref_slice %arg2[%add3A_118, %dma_start3A_121] : memref<32768x64xf32, #tpu.memory_space<hbm>> -> memref<128x64xf32, #tpu.memory_space<hbm>>
    tpu.enqueue_dma source(%dma_start3A_122 : memref<128x64xf32, #tpu.memory_space<hbm>>) target(%arg6 : memref<128x64xf32, #tpu.memory_space<vmem>>) target_semaphore(%arg11 : memref<!tpu.dma_semaphore, #tpu.memory_space<semaphore_mem>>)
    %dma_wait3A_123 = arith.constant 0 : i32
    %dma_wait3A_124 = tpu.memref_slice %arg2[%add3A_15, %dma_wait3A_123] : memref<32768x64xf32, #tpu.memory_space<hbm>> -> memref<128x64xf32, #tpu.memory_space<hbm>>
    %dma_wait3A_125 = arith.constant 0 : i32
    %dma_wait3A_126 = tpu.memref_slice %arg2[%add3A_15, %dma_wait3A_125] : memref<32768x64xf32, #tpu.memory_space<hbm>> -> memref<128x64xf32, #tpu.memory_space<hbm>>
    tpu.wait_dma2 semaphore(%arg12 : memref<!tpu.dma_semaphore, #tpu.memory_space<semaphore_mem>>) src(%dma_wait3A_126 : memref<128x64xf32, #tpu.memory_space<hbm>>) dst(%arg7 : memref<128x64xf32, #tpu.memory_space<vmem>>)
    %dma_start3A_127 = arith.constant 1 : i32
    %dma_start3A_128 = arith.constant 0 : i32
    %dma_start3A_129 = tpu.memref_slice %arg5[%dma_start3A_127, %dma_start3A_128] : memref<8x128xi32, #tpu.memory_space<vmem>> -> memref<1x128xi32, #tpu.memory_space<vmem>>
    %dma_start3A_130 = tpu.memref_squeeze %dma_start3A_129 : memref<1x128xi32, #tpu.memory_space<vmem>> -> memref<128xi32, #tpu.memory_space<vmem>>
    %dma_start3A_131 = arith.constant 0 : i32
    %dma_start3A_132 = arith.constant 0 : i32
    %dma_start3A_133 = tpu.memref_slice %arg10[%dma_start3A_131, %dma_start3A_132] : memref<8192x64xf32, #tpu.memory_space<vmem_shared>> -> memref<8192x64xf32, #tpu.memory_space<vmem_shared>>
    tpu.enqueue_indirect_dma source(%arg7 : memref<128x64xf32, #tpu.memory_space<vmem>>) target(%dma_start3A_133 : memref<8192x64xf32, #tpu.memory_space<vmem_shared>>) offsets(%dma_start3A_130 : memref<128xi32, #tpu.memory_space<vmem>>) semaphore(%arg15 : memref<!tpu.dma_semaphore, #tpu.memory_space<semaphore_mem>>) {add = true}
    %dma_wait3A_134 = arith.constant 1 : i32
    %dma_wait3A_135 = arith.constant 0 : i32
    %dma_wait3A_136 = tpu.memref_slice %arg5[%dma_wait3A_134, %dma_wait3A_135] : memref<8x128xi32, #tpu.memory_space<vmem>> -> memref<1x128xi32, #tpu.memory_space<vmem>>
    %dma_wait3A_137 = tpu.memref_squeeze %dma_wait3A_136 : memref<1x128xi32, #tpu.memory_space<vmem>> -> memref<128xi32, #tpu.memory_space<vmem>>
    %dma_wait3A_138 = arith.constant 0 : i32
    %dma_wait3A_139 = arith.constant 0 : i32
    %dma_wait3A_140 = tpu.memref_slice %arg10[%dma_wait3A_138, %dma_wait3A_139] : memref<8192x64xf32, #tpu.memory_space<vmem_shared>> -> memref<8192x64xf32, #tpu.memory_space<vmem_shared>>
    tpu.wait_indirect_dma semaphore(%arg15 : memref<!tpu.dma_semaphore, #tpu.memory_space<semaphore_mem>>) src(%arg7 : memref<128x64xf32, #tpu.memory_space<vmem>>) dst(%dma_wait3A_140 : memref<8192x64xf32, #tpu.memory_space<vmem_shared>>)
    %mul3A_141 = arith.constant 1024 : i32
    %mul3A_142 = arith.muli %add3A, %mul3A_141 : i32
    %add3A_143 = arith.constant 512 : i32
    %add3A_144 = arith.addi %mul3A_142, %add3A_143 : i32
    %dma_start3A_145 = arith.constant 0 : i32
    %dma_start3A_146 = tpu.memref_slice %arg2[%add3A_144, %dma_start3A_145] : memref<32768x64xf32, #tpu.memory_space<hbm>> -> memref<128x64xf32, #tpu.memory_space<hbm>>
    %dma_start3A_147 = arith.constant 0 : i32
    %dma_start3A_148 = tpu.memref_slice %arg2[%add3A_144, %dma_start3A_147] : memref<32768x64xf32, #tpu.memory_space<hbm>> -> memref<128x64xf32, #tpu.memory_space<hbm>>
    tpu.enqueue_dma source(%dma_start3A_148 : memref<128x64xf32, #tpu.memory_space<hbm>>) target(%arg7 : memref<128x64xf32, #tpu.memory_space<vmem>>) target_semaphore(%arg12 : memref<!tpu.dma_semaphore, #tpu.memory_space<semaphore_mem>>)
    %dma_wait3A_149 = arith.constant 0 : i32
    %dma_wait3A_150 = tpu.memref_slice %arg2[%add3A_23, %dma_wait3A_149] : memref<32768x64xf32, #tpu.memory_space<hbm>> -> memref<128x64xf32, #tpu.memory_space<hbm>>
    %dma_wait3A_151 = arith.constant 0 : i32
    %dma_wait3A_152 = tpu.memref_slice %arg2[%add3A_23, %dma_wait3A_151] : memref<32768x64xf32, #tpu.memory_space<hbm>> -> memref<128x64xf32, #tpu.memory_space<hbm>>
    tpu.wait_dma2 semaphore(%arg13 : memref<!tpu.dma_semaphore, #tpu.memory_space<semaphore_mem>>) src(%dma_wait3A_152 : memref<128x64xf32, #tpu.memory_space<hbm>>) dst(%arg8 : memref<128x64xf32, #tpu.memory_space<vmem>>)
    %dma_start3A_153 = arith.constant 2 : i32
    %dma_start3A_154 = arith.constant 0 : i32
    %dma_start3A_155 = tpu.memref_slice %arg5[%dma_start3A_153, %dma_start3A_154] : memref<8x128xi32, #tpu.memory_space<vmem>> -> memref<1x128xi32, #tpu.memory_space<vmem>>
    %dma_start3A_156 = tpu.memref_squeeze %dma_start3A_155 : memref<1x128xi32, #tpu.memory_space<vmem>> -> memref<128xi32, #tpu.memory_space<vmem>>
    %dma_start3A_157 = arith.constant 0 : i32
    %dma_start3A_158 = arith.constant 0 : i32
    %dma_start3A_159 = tpu.memref_slice %arg10[%dma_start3A_157, %dma_start3A_158] : memref<8192x64xf32, #tpu.memory_space<vmem_shared>> -> memref<8192x64xf32, #tpu.memory_space<vmem_shared>>
    tpu.enqueue_indirect_dma source(%arg8 : memref<128x64xf32, #tpu.memory_space<vmem>>) target(%dma_start3A_159 : memref<8192x64xf32, #tpu.memory_space<vmem_shared>>) offsets(%dma_start3A_156 : memref<128xi32, #tpu.memory_space<vmem>>) semaphore(%arg16 : memref<!tpu.dma_semaphore, #tpu.memory_space<semaphore_mem>>) {add = true}
    %dma_wait3A_160 = arith.constant 2 : i32
    %dma_wait3A_161 = arith.constant 0 : i32
    %dma_wait3A_162 = tpu.memref_slice %arg5[%dma_wait3A_160, %dma_wait3A_161] : memref<8x128xi32, #tpu.memory_space<vmem>> -> memref<1x128xi32, #tpu.memory_space<vmem>>
    %dma_wait3A_163 = tpu.memref_squeeze %dma_wait3A_162 : memref<1x128xi32, #tpu.memory_space<vmem>> -> memref<128xi32, #tpu.memory_space<vmem>>
    %dma_wait3A_164 = arith.constant 0 : i32
    %dma_wait3A_165 = arith.constant 0 : i32
    %dma_wait3A_166 = tpu.memref_slice %arg10[%dma_wait3A_164, %dma_wait3A_165] : memref<8192x64xf32, #tpu.memory_space<vmem_shared>> -> memref<8192x64xf32, #tpu.memory_space<vmem_shared>>
    tpu.wait_indirect_dma semaphore(%arg16 : memref<!tpu.dma_semaphore, #tpu.memory_space<semaphore_mem>>) src(%arg8 : memref<128x64xf32, #tpu.memory_space<vmem>>) dst(%dma_wait3A_166 : memref<8192x64xf32, #tpu.memory_space<vmem_shared>>)
    %mul3A_167 = arith.constant 1024 : i32
    %mul3A_168 = arith.muli %add3A, %mul3A_167 : i32
    %add3A_169 = arith.constant 640 : i32
    %add3A_170 = arith.addi %mul3A_168, %add3A_169 : i32
    %dma_start3A_171 = arith.constant 0 : i32
    %dma_start3A_172 = tpu.memref_slice %arg2[%add3A_170, %dma_start3A_171] : memref<32768x64xf32, #tpu.memory_space<hbm>> -> memref<128x64xf32, #tpu.memory_space<hbm>>
    %dma_start3A_173 = arith.constant 0 : i32
    %dma_start3A_174 = tpu.memref_slice %arg2[%add3A_170, %dma_start3A_173] : memref<32768x64xf32, #tpu.memory_space<hbm>> -> memref<128x64xf32, #tpu.memory_space<hbm>>
    tpu.enqueue_dma source(%dma_start3A_174 : memref<128x64xf32, #tpu.memory_space<hbm>>) target(%arg8 : memref<128x64xf32, #tpu.memory_space<vmem>>) target_semaphore(%arg13 : memref<!tpu.dma_semaphore, #tpu.memory_space<semaphore_mem>>)
    %dma_wait3A_175 = arith.constant 0 : i32
    %dma_wait3A_176 = tpu.memref_slice %arg2[%add3A_118, %dma_wait3A_175] : memref<32768x64xf32, #tpu.memory_space<hbm>> -> memref<128x64xf32, #tpu.memory_space<hbm>>
    %dma_wait3A_177 = arith.constant 0 : i32
    %dma_wait3A_178 = tpu.memref_slice %arg2[%add3A_118, %dma_wait3A_177] : memref<32768x64xf32, #tpu.memory_space<hbm>> -> memref<128x64xf32, #tpu.memory_space<hbm>>
    tpu.wait_dma2 semaphore(%arg11 : memref<!tpu.dma_semaphore, #tpu.memory_space<semaphore_mem>>) src(%dma_wait3A_178 : memref<128x64xf32, #tpu.memory_space<hbm>>) dst(%arg6 : memref<128x64xf32, #tpu.memory_space<vmem>>)
    %dma_start3A_179 = arith.constant 3 : i32
    %dma_start3A_180 = arith.constant 0 : i32
    %dma_start3A_181 = tpu.memref_slice %arg5[%dma_start3A_179, %dma_start3A_180] : memref<8x128xi32, #tpu.memory_space<vmem>> -> memref<1x128xi32, #tpu.memory_space<vmem>>
    %dma_start3A_182 = tpu.memref_squeeze %dma_start3A_181 : memref<1x128xi32, #tpu.memory_space<vmem>> -> memref<128xi32, #tpu.memory_space<vmem>>
    %dma_start3A_183 = arith.constant 0 : i32
    %dma_start3A_184 = arith.constant 0 : i32
    %dma_start3A_185 = tpu.memref_slice %arg10[%dma_start3A_183, %dma_start3A_184] : memref<8192x64xf32, #tpu.memory_space<vmem_shared>> -> memref<8192x64xf32, #tpu.memory_space<vmem_shared>>
    tpu.enqueue_indirect_dma source(%arg6 : memref<128x64xf32, #tpu.memory_space<vmem>>) target(%dma_start3A_185 : memref<8192x64xf32, #tpu.memory_space<vmem_shared>>) offsets(%dma_start3A_182 : memref<128xi32, #tpu.memory_space<vmem>>) semaphore(%arg14 : memref<!tpu.dma_semaphore, #tpu.memory_space<semaphore_mem>>) {add = true}
    %dma_wait3A_186 = arith.constant 3 : i32
    %dma_wait3A_187 = arith.constant 0 : i32
    %dma_wait3A_188 = tpu.memref_slice %arg5[%dma_wait3A_186, %dma_wait3A_187] : memref<8x128xi32, #tpu.memory_space<vmem>> -> memref<1x128xi32, #tpu.memory_space<vmem>>
    %dma_wait3A_189 = tpu.memref_squeeze %dma_wait3A_188 : memref<1x128xi32, #tpu.memory_space<vmem>> -> memref<128xi32, #tpu.memory_space<vmem>>
    %dma_wait3A_190 = arith.constant 0 : i32
    %dma_wait3A_191 = arith.constant 0 : i32
    %dma_wait3A_192 = tpu.memref_slice %arg10[%dma_wait3A_190, %dma_wait3A_191] : memref<8192x64xf32, #tpu.memory_space<vmem_shared>> -> memref<8192x64xf32, #tpu.memory_space<vmem_shared>>
    tpu.wait_indirect_dma semaphore(%arg14 : memref<!tpu.dma_semaphore, #tpu.memory_space<semaphore_mem>>) src(%arg6 : memref<128x64xf32, #tpu.memory_space<vmem>>) dst(%dma_wait3A_192 : memref<8192x64xf32, #tpu.memory_space<vmem_shared>>)
    %mul3A_193 = arith.constant 1024 : i32
    %mul3A_194 = arith.muli %add3A, %mul3A_193 : i32
    %add3A_195 = arith.constant 768 : i32
    %add3A_196 = arith.addi %mul3A_194, %add3A_195 : i32
    %dma_start3A_197 = arith.constant 0 : i32
    %dma_start3A_198 = tpu.memref_slice %arg2[%add3A_196, %dma_start3A_197] : memref<32768x64xf32, #tpu.memory_space<hbm>> -> memref<128x64xf32, #tpu.memory_space<hbm>>
    %dma_start3A_199 = arith.constant 0 : i32
    %dma_start3A_200 = tpu.memref_slice %arg2[%add3A_196, %dma_start3A_199] : memref<32768x64xf32, #tpu.memory_space<hbm>> -> memref<128x64xf32, #tpu.memory_space<hbm>>
    tpu.enqueue_dma source(%dma_start3A_200 : memref<128x64xf32, #tpu.memory_space<hbm>>) target(%arg6 : memref<128x64xf32, #tpu.memory_space<vmem>>) target_semaphore(%arg11 : memref<!tpu.dma_semaphore, #tpu.memory_space<semaphore_mem>>)
    %dma_wait3A_201 = arith.constant 0 : i32
    %dma_wait3A_202 = tpu.memref_slice %arg2[%add3A_144, %dma_wait3A_201] : memref<32768x64xf32, #tpu.memory_space<hbm>> -> memref<128x64xf32, #tpu.memory_space<hbm>>
    %dma_wait3A_203 = arith.constant 0 : i32
    %dma_wait3A_204 = tpu.memref_slice %arg2[%add3A_144, %dma_wait3A_203] : memref<32768x64xf32, #tpu.memory_space<hbm>> -> memref<128x64xf32, #tpu.memory_space<hbm>>
    tpu.wait_dma2 semaphore(%arg12 : memref<!tpu.dma_semaphore, #tpu.memory_space<semaphore_mem>>) src(%dma_wait3A_204 : memref<128x64xf32, #tpu.memory_space<hbm>>) dst(%arg7 : memref<128x64xf32, #tpu.memory_space<vmem>>)
    %dma_start3A_205 = arith.constant 4 : i32
    %dma_start3A_206 = arith.constant 0 : i32
    %dma_start3A_207 = tpu.memref_slice %arg5[%dma_start3A_205, %dma_start3A_206] : memref<8x128xi32, #tpu.memory_space<vmem>> -> memref<1x128xi32, #tpu.memory_space<vmem>>
    %dma_start3A_208 = tpu.memref_squeeze %dma_start3A_207 : memref<1x128xi32, #tpu.memory_space<vmem>> -> memref<128xi32, #tpu.memory_space<vmem>>
    %dma_start3A_209 = arith.constant 0 : i32
    %dma_start3A_210 = arith.constant 0 : i32
    %dma_start3A_211 = tpu.memref_slice %arg10[%dma_start3A_209, %dma_start3A_210] : memref<8192x64xf32, #tpu.memory_space<vmem_shared>> -> memref<8192x64xf32, #tpu.memory_space<vmem_shared>>
    tpu.enqueue_indirect_dma source(%arg7 : memref<128x64xf32, #tpu.memory_space<vmem>>) target(%dma_start3A_211 : memref<8192x64xf32, #tpu.memory_space<vmem_shared>>) offsets(%dma_start3A_208 : memref<128xi32, #tpu.memory_space<vmem>>) semaphore(%arg15 : memref<!tpu.dma_semaphore, #tpu.memory_space<semaphore_mem>>) {add = true}
    %dma_wait3A_212 = arith.constant 4 : i32
    %dma_wait3A_213 = arith.constant 0 : i32
    %dma_wait3A_214 = tpu.memref_slice %arg5[%dma_wait3A_212, %dma_wait3A_213] : memref<8x128xi32, #tpu.memory_space<vmem>> -> memref<1x128xi32, #tpu.memory_space<vmem>>
    %dma_wait3A_215 = tpu.memref_squeeze %dma_wait3A_214 : memref<1x128xi32, #tpu.memory_space<vmem>> -> memref<128xi32, #tpu.memory_space<vmem>>
    %dma_wait3A_216 = arith.constant 0 : i32
    %dma_wait3A_217 = arith.constant 0 : i32
    %dma_wait3A_218 = tpu.memref_slice %arg10[%dma_wait3A_216, %dma_wait3A_217] : memref<8192x64xf32, #tpu.memory_space<vmem_shared>> -> memref<8192x64xf32, #tpu.memory_space<vmem_shared>>
    tpu.wait_indirect_dma semaphore(%arg15 : memref<!tpu.dma_semaphore, #tpu.memory_space<semaphore_mem>>) src(%arg7 : memref<128x64xf32, #tpu.memory_space<vmem>>) dst(%dma_wait3A_218 : memref<8192x64xf32, #tpu.memory_space<vmem_shared>>)
    %mul3A_219 = arith.constant 1024 : i32
    %mul3A_220 = arith.muli %add3A, %mul3A_219 : i32
    %add3A_221 = arith.constant 896 : i32
    %add3A_222 = arith.addi %mul3A_220, %add3A_221 : i32
    %dma_start3A_223 = arith.constant 0 : i32
    %dma_start3A_224 = tpu.memref_slice %arg2[%add3A_222, %dma_start3A_223] : memref<32768x64xf32, #tpu.memory_space<hbm>> -> memref<128x64xf32, #tpu.memory_space<hbm>>
    %dma_start3A_225 = arith.constant 0 : i32
    %dma_start3A_226 = tpu.memref_slice %arg2[%add3A_222, %dma_start3A_225] : memref<32768x64xf32, #tpu.memory_space<hbm>> -> memref<128x64xf32, #tpu.memory_space<hbm>>
    tpu.enqueue_dma source(%dma_start3A_226 : memref<128x64xf32, #tpu.memory_space<hbm>>) target(%arg7 : memref<128x64xf32, #tpu.memory_space<vmem>>) target_semaphore(%arg12 : memref<!tpu.dma_semaphore, #tpu.memory_space<semaphore_mem>>)
    %dma_wait3A_227 = arith.constant 0 : i32
    %dma_wait3A_228 = tpu.memref_slice %arg2[%add3A_170, %dma_wait3A_227] : memref<32768x64xf32, #tpu.memory_space<hbm>> -> memref<128x64xf32, #tpu.memory_space<hbm>>
    %dma_wait3A_229 = arith.constant 0 : i32
    %dma_wait3A_230 = tpu.memref_slice %arg2[%add3A_170, %dma_wait3A_229] : memref<32768x64xf32, #tpu.memory_space<hbm>> -> memref<128x64xf32, #tpu.memory_space<hbm>>
    tpu.wait_dma2 semaphore(%arg13 : memref<!tpu.dma_semaphore, #tpu.memory_space<semaphore_mem>>) src(%dma_wait3A_230 : memref<128x64xf32, #tpu.memory_space<hbm>>) dst(%arg8 : memref<128x64xf32, #tpu.memory_space<vmem>>)
    %dma_start3A_231 = arith.constant 5 : i32
    %dma_start3A_232 = arith.constant 0 : i32
    %dma_start3A_233 = tpu.memref_slice %arg5[%dma_start3A_231, %dma_start3A_232] : memref<8x128xi32, #tpu.memory_space<vmem>> -> memref<1x128xi32, #tpu.memory_space<vmem>>
    %dma_start3A_234 = tpu.memref_squeeze %dma_start3A_233 : memref<1x128xi32, #tpu.memory_space<vmem>> -> memref<128xi32, #tpu.memory_space<vmem>>
    %dma_start3A_235 = arith.constant 0 : i32
    %dma_start3A_236 = arith.constant 0 : i32
    %dma_start3A_237 = tpu.memref_slice %arg10[%dma_start3A_235, %dma_start3A_236] : memref<8192x64xf32, #tpu.memory_space<vmem_shared>> -> memref<8192x64xf32, #tpu.memory_space<vmem_shared>>
    tpu.enqueue_indirect_dma source(%arg8 : memref<128x64xf32, #tpu.memory_space<vmem>>) target(%dma_start3A_237 : memref<8192x64xf32, #tpu.memory_space<vmem_shared>>) offsets(%dma_start3A_234 : memref<128xi32, #tpu.memory_space<vmem>>) semaphore(%arg16 : memref<!tpu.dma_semaphore, #tpu.memory_space<semaphore_mem>>) {add = true}
    %dma_wait3A_238 = arith.constant 0 : i32
    %dma_wait3A_239 = tpu.memref_slice %arg2[%add3A_196, %dma_wait3A_238] : memref<32768x64xf32, #tpu.memory_space<hbm>> -> memref<128x64xf32, #tpu.memory_space<hbm>>
    %dma_wait3A_240 = arith.constant 0 : i32
    %dma_wait3A_241 = tpu.memref_slice %arg2[%add3A_196, %dma_wait3A_240] : memref<32768x64xf32, #tpu.memory_space<hbm>> -> memref<128x64xf32, #tpu.memory_space<hbm>>
    tpu.wait_dma2 semaphore(%arg11 : memref<!tpu.dma_semaphore, #tpu.memory_space<semaphore_mem>>) src(%dma_wait3A_241 : memref<128x64xf32, #tpu.memory_space<hbm>>) dst(%arg6 : memref<128x64xf32, #tpu.memory_space<vmem>>)
    %dma_start3A_242 = arith.constant 6 : i32
    %dma_start3A_243 = arith.constant 0 : i32
    %dma_start3A_244 = tpu.memref_slice %arg5[%dma_start3A_242, %dma_start3A_243] : memref<8x128xi32, #tpu.memory_space<vmem>> -> memref<1x128xi32, #tpu.memory_space<vmem>>
    %dma_start3A_245 = tpu.memref_squeeze %dma_start3A_244 : memref<1x128xi32, #tpu.memory_space<vmem>> -> memref<128xi32, #tpu.memory_space<vmem>>
    %dma_start3A_246 = arith.constant 0 : i32
    %dma_start3A_247 = arith.constant 0 : i32
    %dma_start3A_248 = tpu.memref_slice %arg10[%dma_start3A_246, %dma_start3A_247] : memref<8192x64xf32, #tpu.memory_space<vmem_shared>> -> memref<8192x64xf32, #tpu.memory_space<vmem_shared>>
    tpu.enqueue_indirect_dma source(%arg6 : memref<128x64xf32, #tpu.memory_space<vmem>>) target(%dma_start3A_248 : memref<8192x64xf32, #tpu.memory_space<vmem_shared>>) offsets(%dma_start3A_245 : memref<128xi32, #tpu.memory_space<vmem>>) semaphore(%arg14 : memref<!tpu.dma_semaphore, #tpu.memory_space<semaphore_mem>>) {add = true}
    %dma_wait3A_249 = arith.constant 0 : i32
    %dma_wait3A_250 = tpu.memref_slice %arg2[%add3A_222, %dma_wait3A_249] : memref<32768x64xf32, #tpu.memory_space<hbm>> -> memref<128x64xf32, #tpu.memory_space<hbm>>
    %dma_wait3A_251 = arith.constant 0 : i32
    %dma_wait3A_252 = tpu.memref_slice %arg2[%add3A_222, %dma_wait3A_251] : memref<32768x64xf32, #tpu.memory_space<hbm>> -> memref<128x64xf32, #tpu.memory_space<hbm>>
    tpu.wait_dma2 semaphore(%arg12 : memref<!tpu.dma_semaphore, #tpu.memory_space<semaphore_mem>>) src(%dma_wait3A_252 : memref<128x64xf32, #tpu.memory_space<hbm>>) dst(%arg7 : memref<128x64xf32, #tpu.memory_space<vmem>>)
    %dma_start3A_253 = arith.constant 7 : i32
    %dma_start3A_254 = arith.constant 0 : i32
    %dma_start3A_255 = tpu.memref_slice %arg5[%dma_start3A_253, %dma_start3A_254] : memref<8x128xi32, #tpu.memory_space<vmem>> -> memref<1x128xi32, #tpu.memory_space<vmem>>
    %dma_start3A_256 = tpu.memref_squeeze %dma_start3A_255 : memref<1x128xi32, #tpu.memory_space<vmem>> -> memref<128xi32, #tpu.memory_space<vmem>>
    %dma_start3A_257 = arith.constant 0 : i32
    %dma_start3A_258 = arith.constant 0 : i32
    %dma_start3A_259 = tpu.memref_slice %arg10[%dma_start3A_257, %dma_start3A_258] : memref<8192x64xf32, #tpu.memory_space<vmem_shared>> -> memref<8192x64xf32, #tpu.memory_space<vmem_shared>>
    tpu.enqueue_indirect_dma source(%arg7 : memref<128x64xf32, #tpu.memory_space<vmem>>) target(%dma_start3A_259 : memref<8192x64xf32, #tpu.memory_space<vmem_shared>>) offsets(%dma_start3A_256 : memref<128xi32, #tpu.memory_space<vmem>>) semaphore(%arg15 : memref<!tpu.dma_semaphore, #tpu.memory_space<semaphore_mem>>) {add = true}
    %dma_wait3A_260 = arith.constant 5 : i32
    %dma_wait3A_261 = arith.constant 0 : i32
    %dma_wait3A_262 = tpu.memref_slice %arg5[%dma_wait3A_260, %dma_wait3A_261] : memref<8x128xi32, #tpu.memory_space<vmem>> -> memref<1x128xi32, #tpu.memory_space<vmem>>
    %dma_wait3A_263 = tpu.memref_squeeze %dma_wait3A_262 : memref<1x128xi32, #tpu.memory_space<vmem>> -> memref<128xi32, #tpu.memory_space<vmem>>
    %dma_wait3A_264 = arith.constant 0 : i32
    %dma_wait3A_265 = arith.constant 0 : i32
    %dma_wait3A_266 = tpu.memref_slice %arg10[%dma_wait3A_264, %dma_wait3A_265] : memref<8192x64xf32, #tpu.memory_space<vmem_shared>> -> memref<8192x64xf32, #tpu.memory_space<vmem_shared>>
    tpu.wait_indirect_dma semaphore(%arg16 : memref<!tpu.dma_semaphore, #tpu.memory_space<semaphore_mem>>) src(%arg8 : memref<128x64xf32, #tpu.memory_space<vmem>>) dst(%dma_wait3A_266 : memref<8192x64xf32, #tpu.memory_space<vmem_shared>>)
    %dma_wait3A_267 = arith.constant 6 : i32
    %dma_wait3A_268 = arith.constant 0 : i32
    %dma_wait3A_269 = tpu.memref_slice %arg5[%dma_wait3A_267, %dma_wait3A_268] : memref<8x128xi32, #tpu.memory_space<vmem>> -> memref<1x128xi32, #tpu.memory_space<vmem>>
    %dma_wait3A_270 = tpu.memref_squeeze %dma_wait3A_269 : memref<1x128xi32, #tpu.memory_space<vmem>> -> memref<128xi32, #tpu.memory_space<vmem>>
    %dma_wait3A_271 = arith.constant 0 : i32
    %dma_wait3A_272 = arith.constant 0 : i32
    %dma_wait3A_273 = tpu.memref_slice %arg10[%dma_wait3A_271, %dma_wait3A_272] : memref<8192x64xf32, #tpu.memory_space<vmem_shared>> -> memref<8192x64xf32, #tpu.memory_space<vmem_shared>>
    tpu.wait_indirect_dma semaphore(%arg14 : memref<!tpu.dma_semaphore, #tpu.memory_space<semaphore_mem>>) src(%arg6 : memref<128x64xf32, #tpu.memory_space<vmem>>) dst(%dma_wait3A_273 : memref<8192x64xf32, #tpu.memory_space<vmem_shared>>)
    %dma_wait3A_274 = arith.constant 7 : i32
    %dma_wait3A_275 = arith.constant 0 : i32
    %dma_wait3A_276 = tpu.memref_slice %arg5[%dma_wait3A_274, %dma_wait3A_275] : memref<8x128xi32, #tpu.memory_space<vmem>> -> memref<1x128xi32, #tpu.memory_space<vmem>>
    %dma_wait3A_277 = tpu.memref_squeeze %dma_wait3A_276 : memref<1x128xi32, #tpu.memory_space<vmem>> -> memref<128xi32, #tpu.memory_space<vmem>>
    %dma_wait3A_278 = arith.constant 0 : i32
    %dma_wait3A_279 = arith.constant 0 : i32
    %dma_wait3A_280 = tpu.memref_slice %arg10[%dma_wait3A_278, %dma_wait3A_279] : memref<8192x64xf32, #tpu.memory_space<vmem_shared>> -> memref<8192x64xf32, #tpu.memory_space<vmem_shared>>
    tpu.wait_indirect_dma semaphore(%arg15 : memref<!tpu.dma_semaphore, #tpu.memory_space<semaphore_mem>>) src(%arg7 : memref<128x64xf32, #tpu.memory_space<vmem>>) dst(%dma_wait3A_280 : memref<8192x64xf32, #tpu.memory_space<vmem_shared>>)
    %barrier3A_281 = arith.constant 0 : index
    tpu.barrier barrier_id(%barrier3A_281)
    "tpu.region"() ({
      %run_scoped3A = tpu.sem_alloc : memref<!tpu.dma_semaphore, #tpu.memory_space<semaphore_mem>>
      %dma_start3A_282 = arith.constant 0 : i32
      %dma_start3A_283 = tpu.memref_slice %arg4[%arg0, %mul3A_2, %dma_start3A_282] : memref<2x8192x64xf32, #tpu.memory_space<hbm>> -> memref<1x512x64xf32, #tpu.memory_space<hbm>>
      %dma_start3A_284 = tpu.memref_squeeze %dma_start3A_283 : memref<1x512x64xf32, #tpu.memory_space<hbm>> -> memref<512x64xf32, #tpu.memory_space<hbm>>
      %dma_start3A_285 = arith.constant 0 : i32
      %dma_start3A_286 = tpu.memref_slice %arg10[%mul3A_2, %dma_start3A_285] : memref<8192x64xf32, #tpu.memory_space<vmem_shared>> -> memref<512x64xf32, #tpu.memory_space<vmem_shared>>
      tpu.enqueue_dma source(%dma_start3A_286 : memref<512x64xf32, #tpu.memory_space<vmem_shared>>) target(%dma_start3A_284 : memref<512x64xf32, #tpu.memory_space<hbm>>) target_semaphore(%run_scoped3A : memref<!tpu.dma_semaphore, #tpu.memory_space<semaphore_mem>>)
      %dma_wait3A_287 = arith.constant 0 : i32
      %dma_wait3A_288 = tpu.memref_slice %arg4[%arg0, %mul3A_2, %dma_wait3A_287] : memref<2x8192x64xf32, #tpu.memory_space<hbm>> -> memref<1x512x64xf32, #tpu.memory_space<hbm>>
      %dma_wait3A_289 = tpu.memref_squeeze %dma_wait3A_288 : memref<1x512x64xf32, #tpu.memory_space<hbm>> -> memref<512x64xf32, #tpu.memory_space<hbm>>
      %dma_wait3A_290 = arith.constant 0 : i32
      %dma_wait3A_291 = tpu.memref_slice %arg10[%mul3A_2, %dma_wait3A_290] : memref<8192x64xf32, #tpu.memory_space<vmem_shared>> -> memref<512x64xf32, #tpu.memory_space<vmem_shared>>
      tpu.wait_dma2 semaphore(%run_scoped3A : memref<!tpu.dma_semaphore, #tpu.memory_space<semaphore_mem>>) src(%dma_wait3A_291 : memref<512x64xf32, #tpu.memory_space<vmem_shared>>) dst(%dma_wait3A_289 : memref<512x64xf32, #tpu.memory_space<hbm>>)
      tpu.yield
    }) : () -> ()
    return
  }
}

#map = affine_map<(d0, d1) -> (0, 0)>
module attributes {stable_mosaic.version = 14 : i64} {
  func.func @gk(%arg0: i32, %arg1: i32, %arg2: memref<8192x32xf32, #tpu.memory_space<hbm>>, %arg3: memref<256x128xi32, #tpu.memory_space<hbm>>, %arg4: memref<32768x32xf32, #tpu.memory_space<hbm>>, %arg5: memref<8x128xi32, #tpu.memory_space<vmem>>, %arg6: memref<256x32xf32, #tpu.memory_space<vmem>>, %arg7: memref<256x32xf32, #tpu.memory_space<vmem>>, %arg8: memref<!tpu.dma_semaphore, #tpu.memory_space<semaphore_mem>>, %arg9: memref<!tpu.dma_semaphore, #tpu.memory_space<semaphore_mem>>, %arg10: memref<!tpu.dma_semaphore, #tpu.memory_space<semaphore_mem>>, %arg11: memref<!tpu.dma_semaphore, #tpu.memory_space<semaphore_mem>>) attributes {dimension_semantics = [#tpu.dimension_semantics<core_parallel>, #tpu.dimension_semantics<subcore_parallel>], iteration_bounds = array<i64: 2, 16>, scalar_prefetch = 0 : i64, scratch_operands = 7 : i64, tpu.core_type = #tpu.core_type<sc_vector_subcore>, window_params = [{transform_indices = #map}, {transform_indices = #map}, {transform_indices = #map}]} {
    %mul3A = arith.constant 2 : i32
    %mul3A_0 = arith.muli %arg1, %mul3A : i32
    %add3A = arith.addi %mul3A_0, %arg0 : i32
    %mul3A_1 = arith.constant 8 : i32
    %mul3A_2 = arith.muli %add3A, %mul3A_1 : i32
    "tpu.region"() ({
      %run_scoped3A = tpu.sem_alloc : memref<!tpu.dma_semaphore, #tpu.memory_space<semaphore_mem>>
      %dma_start3A_209 = arith.constant 0 : i32
      %dma_start3A_210 = tpu.memref_slice %arg3[%mul3A_2, %dma_start3A_209] : memref<256x128xi32, #tpu.memory_space<hbm>> -> memref<8x128xi32, #tpu.memory_space<hbm>>
      %dma_start3A_211 = arith.constant 0 : i32
      %dma_start3A_212 = tpu.memref_slice %arg3[%mul3A_2, %dma_start3A_211] : memref<256x128xi32, #tpu.memory_space<hbm>> -> memref<8x128xi32, #tpu.memory_space<hbm>>
      tpu.enqueue_dma source(%dma_start3A_212 : memref<8x128xi32, #tpu.memory_space<hbm>>) target(%arg5 : memref<8x128xi32, #tpu.memory_space<vmem>>) target_semaphore(%run_scoped3A : memref<!tpu.dma_semaphore, #tpu.memory_space<semaphore_mem>>)
      %dma_wait3A_213 = arith.constant 0 : i32
      %dma_wait3A_214 = tpu.memref_slice %arg3[%mul3A_2, %dma_wait3A_213] : memref<256x128xi32, #tpu.memory_space<hbm>> -> memref<8x128xi32, #tpu.memory_space<hbm>>
      %dma_wait3A_215 = arith.constant 0 : i32
      %dma_wait3A_216 = tpu.memref_slice %arg3[%mul3A_2, %dma_wait3A_215] : memref<256x128xi32, #tpu.memory_space<hbm>> -> memref<8x128xi32, #tpu.memory_space<hbm>>
      tpu.wait_dma2 semaphore(%run_scoped3A : memref<!tpu.dma_semaphore, #tpu.memory_space<semaphore_mem>>) src(%dma_wait3A_216 : memref<8x128xi32, #tpu.memory_space<hbm>>) dst(%arg5 : memref<8x128xi32, #tpu.memory_space<vmem>>)
      tpu.yield
    }) : () -> ()
    %dma_start3A = arith.constant 0 : i32
    %dma_start3A_3 = arith.constant 0 : i32
    %dma_start3A_4 = arith.constant 0 : i32
    %dma_start3A_5 = tpu.memref_slice %arg6[%dma_start3A_3, %dma_start3A_4] : memref<256x32xf32, #tpu.memory_space<vmem>> -> memref<128x32xf32, #tpu.memory_space<vmem>>
    %dma_start3A_6 = arith.constant 0 : i32
    %dma_start3A_7 = tpu.memref_slice %arg5[%dma_start3A, %dma_start3A_6] : memref<8x128xi32, #tpu.memory_space<vmem>> -> memref<1x128xi32, #tpu.memory_space<vmem>>
    %dma_start3A_8 = tpu.memref_squeeze %dma_start3A_7 : memref<1x128xi32, #tpu.memory_space<vmem>> -> memref<128xi32, #tpu.memory_space<vmem>>
    %dma_start3A_9 = arith.constant 0 : i32
    %dma_start3A_10 = arith.constant 0 : i32
    %dma_start3A_11 = tpu.memref_slice %arg2[%dma_start3A_9, %dma_start3A_10] : memref<8192x32xf32, #tpu.memory_space<hbm>> -> memref<8192x32xf32, #tpu.memory_space<hbm>>
    tpu.enqueue_indirect_dma source(%dma_start3A_11 : memref<8192x32xf32, #tpu.memory_space<hbm>>) target(%dma_start3A_5 : memref<128x32xf32, #tpu.memory_space<vmem>>) offsets(%dma_start3A_8 : memref<128xi32, #tpu.memory_space<vmem>>) semaphore(%arg8 : memref<!tpu.dma_semaphore, #tpu.memory_space<semaphore_mem>>)
    %dma_start3A_12 = arith.constant 1 : i32
    %dma_start3A_13 = arith.constant 128 : i32
    %dma_start3A_14 = arith.constant 0 : i32
    %dma_start3A_15 = tpu.memref_slice %arg6[%dma_start3A_13, %dma_start3A_14] : memref<256x32xf32, #tpu.memory_space<vmem>> -> memref<128x32xf32, #tpu.memory_space<vmem>>
    %dma_start3A_16 = arith.constant 0 : i32
    %dma_start3A_17 = tpu.memref_slice %arg5[%dma_start3A_12, %dma_start3A_16] : memref<8x128xi32, #tpu.memory_space<vmem>> -> memref<1x128xi32, #tpu.memory_space<vmem>>
    %dma_start3A_18 = tpu.memref_squeeze %dma_start3A_17 : memref<1x128xi32, #tpu.memory_space<vmem>> -> memref<128xi32, #tpu.memory_space<vmem>>
    %dma_start3A_19 = arith.constant 0 : i32
    %dma_start3A_20 = arith.constant 0 : i32
    %dma_start3A_21 = tpu.memref_slice %arg2[%dma_start3A_19, %dma_start3A_20] : memref<8192x32xf32, #tpu.memory_space<hbm>> -> memref<8192x32xf32, #tpu.memory_space<hbm>>
    tpu.enqueue_indirect_dma source(%dma_start3A_21 : memref<8192x32xf32, #tpu.memory_space<hbm>>) target(%dma_start3A_15 : memref<128x32xf32, #tpu.memory_space<vmem>>) offsets(%dma_start3A_18 : memref<128xi32, #tpu.memory_space<vmem>>) semaphore(%arg8 : memref<!tpu.dma_semaphore, #tpu.memory_space<semaphore_mem>>)
    %dma_wait3A = arith.constant 0 : i32
    %dma_wait3A_22 = arith.constant 0 : i32
    %dma_wait3A_23 = arith.constant 0 : i32
    %dma_wait3A_24 = tpu.memref_slice %arg6[%dma_wait3A_22, %dma_wait3A_23] : memref<256x32xf32, #tpu.memory_space<vmem>> -> memref<128x32xf32, #tpu.memory_space<vmem>>
    %dma_wait3A_25 = arith.constant 0 : i32
    %dma_wait3A_26 = tpu.memref_slice %arg5[%dma_wait3A, %dma_wait3A_25] : memref<8x128xi32, #tpu.memory_space<vmem>> -> memref<1x128xi32, #tpu.memory_space<vmem>>
    %dma_wait3A_27 = tpu.memref_squeeze %dma_wait3A_26 : memref<1x128xi32, #tpu.memory_space<vmem>> -> memref<128xi32, #tpu.memory_space<vmem>>
    %dma_wait3A_28 = arith.constant 0 : i32
    %dma_wait3A_29 = arith.constant 0 : i32
    %dma_wait3A_30 = tpu.memref_slice %arg2[%dma_wait3A_28, %dma_wait3A_29] : memref<8192x32xf32, #tpu.memory_space<hbm>> -> memref<8192x32xf32, #tpu.memory_space<hbm>>
    tpu.wait_indirect_dma semaphore(%arg8 : memref<!tpu.dma_semaphore, #tpu.memory_space<semaphore_mem>>) src(%dma_wait3A_30 : memref<8192x32xf32, #tpu.memory_space<hbm>>) dst(%dma_wait3A_24 : memref<128x32xf32, #tpu.memory_space<vmem>>)
    %dma_wait3A_31 = arith.constant 1 : i32
    %dma_wait3A_32 = arith.constant 128 : i32
    %dma_wait3A_33 = arith.constant 0 : i32
    %dma_wait3A_34 = tpu.memref_slice %arg6[%dma_wait3A_32, %dma_wait3A_33] : memref<256x32xf32, #tpu.memory_space<vmem>> -> memref<128x32xf32, #tpu.memory_space<vmem>>
    %dma_wait3A_35 = arith.constant 0 : i32
    %dma_wait3A_36 = tpu.memref_slice %arg5[%dma_wait3A_31, %dma_wait3A_35] : memref<8x128xi32, #tpu.memory_space<vmem>> -> memref<1x128xi32, #tpu.memory_space<vmem>>
    %dma_wait3A_37 = tpu.memref_squeeze %dma_wait3A_36 : memref<1x128xi32, #tpu.memory_space<vmem>> -> memref<128xi32, #tpu.memory_space<vmem>>
    %dma_wait3A_38 = arith.constant 0 : i32
    %dma_wait3A_39 = arith.constant 0 : i32
    %dma_wait3A_40 = tpu.memref_slice %arg2[%dma_wait3A_38, %dma_wait3A_39] : memref<8192x32xf32, #tpu.memory_space<hbm>> -> memref<8192x32xf32, #tpu.memory_space<hbm>>
    tpu.wait_indirect_dma semaphore(%arg8 : memref<!tpu.dma_semaphore, #tpu.memory_space<semaphore_mem>>) src(%dma_wait3A_40 : memref<8192x32xf32, #tpu.memory_space<hbm>>) dst(%dma_wait3A_34 : memref<128x32xf32, #tpu.memory_space<vmem>>)
    %mul3A_41 = arith.constant 1024 : i32
    %mul3A_42 = arith.muli %add3A, %mul3A_41 : i32
    %add3A_43 = arith.constant 0 : i32
    %add3A_44 = arith.addi %mul3A_42, %add3A_43 : i32
    %dma_start3A_45 = arith.constant 0 : i32
    %dma_start3A_46 = tpu.memref_slice %arg4[%add3A_44, %dma_start3A_45] : memref<32768x32xf32, #tpu.memory_space<hbm>> -> memref<256x32xf32, #tpu.memory_space<hbm>>
    %dma_start3A_47 = arith.constant 0 : i32
    %dma_start3A_48 = tpu.memref_slice %arg4[%add3A_44, %dma_start3A_47] : memref<32768x32xf32, #tpu.memory_space<hbm>> -> memref<256x32xf32, #tpu.memory_space<hbm>>
    tpu.enqueue_dma source(%arg6 : memref<256x32xf32, #tpu.memory_space<vmem>>) target(%dma_start3A_48 : memref<256x32xf32, #tpu.memory_space<hbm>>) target_semaphore(%arg10 : memref<!tpu.dma_semaphore, #tpu.memory_space<semaphore_mem>>)
    %dma_start3A_49 = arith.constant 2 : i32
    %dma_start3A_50 = arith.constant 0 : i32
    %dma_start3A_51 = arith.constant 0 : i32
    %dma_start3A_52 = tpu.memref_slice %arg7[%dma_start3A_50, %dma_start3A_51] : memref<256x32xf32, #tpu.memory_space<vmem>> -> memref<128x32xf32, #tpu.memory_space<vmem>>
    %dma_start3A_53 = arith.constant 0 : i32
    %dma_start3A_54 = tpu.memref_slice %arg5[%dma_start3A_49, %dma_start3A_53] : memref<8x128xi32, #tpu.memory_space<vmem>> -> memref<1x128xi32, #tpu.memory_space<vmem>>
    %dma_start3A_55 = tpu.memref_squeeze %dma_start3A_54 : memref<1x128xi32, #tpu.memory_space<vmem>> -> memref<128xi32, #tpu.memory_space<vmem>>
    %dma_start3A_56 = arith.constant 0 : i32
    %dma_start3A_57 = arith.constant 0 : i32
    %dma_start3A_58 = tpu.memref_slice %arg2[%dma_start3A_56, %dma_start3A_57] : memref<8192x32xf32, #tpu.memory_space<hbm>> -> memref<8192x32xf32, #tpu.memory_space<hbm>>
    tpu.enqueue_indirect_dma source(%dma_start3A_58 : memref<8192x32xf32, #tpu.memory_space<hbm>>) target(%dma_start3A_52 : memref<128x32xf32, #tpu.memory_space<vmem>>) offsets(%dma_start3A_55 : memref<128xi32, #tpu.memory_space<vmem>>) semaphore(%arg9 : memref<!tpu.dma_semaphore, #tpu.memory_space<semaphore_mem>>)
    %dma_start3A_59 = arith.constant 3 : i32
    %dma_start3A_60 = arith.constant 128 : i32
    %dma_start3A_61 = arith.constant 0 : i32
    %dma_start3A_62 = tpu.memref_slice %arg7[%dma_start3A_60, %dma_start3A_61] : memref<256x32xf32, #tpu.memory_space<vmem>> -> memref<128x32xf32, #tpu.memory_space<vmem>>
    %dma_start3A_63 = arith.constant 0 : i32
    %dma_start3A_64 = tpu.memref_slice %arg5[%dma_start3A_59, %dma_start3A_63] : memref<8x128xi32, #tpu.memory_space<vmem>> -> memref<1x128xi32, #tpu.memory_space<vmem>>
    %dma_start3A_65 = tpu.memref_squeeze %dma_start3A_64 : memref<1x128xi32, #tpu.memory_space<vmem>> -> memref<128xi32, #tpu.memory_space<vmem>>
    %dma_start3A_66 = arith.constant 0 : i32
    %dma_start3A_67 = arith.constant 0 : i32
    %dma_start3A_68 = tpu.memref_slice %arg2[%dma_start3A_66, %dma_start3A_67] : memref<8192x32xf32, #tpu.memory_space<hbm>> -> memref<8192x32xf32, #tpu.memory_space<hbm>>
    tpu.enqueue_indirect_dma source(%dma_start3A_68 : memref<8192x32xf32, #tpu.memory_space<hbm>>) target(%dma_start3A_62 : memref<128x32xf32, #tpu.memory_space<vmem>>) offsets(%dma_start3A_65 : memref<128xi32, #tpu.memory_space<vmem>>) semaphore(%arg9 : memref<!tpu.dma_semaphore, #tpu.memory_space<semaphore_mem>>)
    %dma_wait3A_69 = arith.constant 2 : i32
    %dma_wait3A_70 = arith.constant 0 : i32
    %dma_wait3A_71 = arith.constant 0 : i32
    %dma_wait3A_72 = tpu.memref_slice %arg7[%dma_wait3A_70, %dma_wait3A_71] : memref<256x32xf32, #tpu.memory_space<vmem>> -> memref<128x32xf32, #tpu.memory_space<vmem>>
    %dma_wait3A_73 = arith.constant 0 : i32
    %dma_wait3A_74 = tpu.memref_slice %arg5[%dma_wait3A_69, %dma_wait3A_73] : memref<8x128xi32, #tpu.memory_space<vmem>> -> memref<1x128xi32, #tpu.memory_space<vmem>>
    %dma_wait3A_75 = tpu.memref_squeeze %dma_wait3A_74 : memref<1x128xi32, #tpu.memory_space<vmem>> -> memref<128xi32, #tpu.memory_space<vmem>>
    %dma_wait3A_76 = arith.constant 0 : i32
    %dma_wait3A_77 = arith.constant 0 : i32
    %dma_wait3A_78 = tpu.memref_slice %arg2[%dma_wait3A_76, %dma_wait3A_77] : memref<8192x32xf32, #tpu.memory_space<hbm>> -> memref<8192x32xf32, #tpu.memory_space<hbm>>
    tpu.wait_indirect_dma semaphore(%arg9 : memref<!tpu.dma_semaphore, #tpu.memory_space<semaphore_mem>>) src(%dma_wait3A_78 : memref<8192x32xf32, #tpu.memory_space<hbm>>) dst(%dma_wait3A_72 : memref<128x32xf32, #tpu.memory_space<vmem>>)
    %dma_wait3A_79 = arith.constant 3 : i32
    %dma_wait3A_80 = arith.constant 128 : i32
    %dma_wait3A_81 = arith.constant 0 : i32
    %dma_wait3A_82 = tpu.memref_slice %arg7[%dma_wait3A_80, %dma_wait3A_81] : memref<256x32xf32, #tpu.memory_space<vmem>> -> memref<128x32xf32, #tpu.memory_space<vmem>>
    %dma_wait3A_83 = arith.constant 0 : i32
    %dma_wait3A_84 = tpu.memref_slice %arg5[%dma_wait3A_79, %dma_wait3A_83] : memref<8x128xi32, #tpu.memory_space<vmem>> -> memref<1x128xi32, #tpu.memory_space<vmem>>
    %dma_wait3A_85 = tpu.memref_squeeze %dma_wait3A_84 : memref<1x128xi32, #tpu.memory_space<vmem>> -> memref<128xi32, #tpu.memory_space<vmem>>
    %dma_wait3A_86 = arith.constant 0 : i32
    %dma_wait3A_87 = arith.constant 0 : i32
    %dma_wait3A_88 = tpu.memref_slice %arg2[%dma_wait3A_86, %dma_wait3A_87] : memref<8192x32xf32, #tpu.memory_space<hbm>> -> memref<8192x32xf32, #tpu.memory_space<hbm>>
    tpu.wait_indirect_dma semaphore(%arg9 : memref<!tpu.dma_semaphore, #tpu.memory_space<semaphore_mem>>) src(%dma_wait3A_88 : memref<8192x32xf32, #tpu.memory_space<hbm>>) dst(%dma_wait3A_82 : memref<128x32xf32, #tpu.memory_space<vmem>>)
    %mul3A_89 = arith.constant 1024 : i32
    %mul3A_90 = arith.muli %add3A, %mul3A_89 : i32
    %add3A_91 = arith.constant 256 : i32
    %add3A_92 = arith.addi %mul3A_90, %add3A_91 : i32
    %dma_start3A_93 = arith.constant 0 : i32
    %dma_start3A_94 = tpu.memref_slice %arg4[%add3A_92, %dma_start3A_93] : memref<32768x32xf32, #tpu.memory_space<hbm>> -> memref<256x32xf32, #tpu.memory_space<hbm>>
    %dma_start3A_95 = arith.constant 0 : i32
    %dma_start3A_96 = tpu.memref_slice %arg4[%add3A_92, %dma_start3A_95] : memref<32768x32xf32, #tpu.memory_space<hbm>> -> memref<256x32xf32, #tpu.memory_space<hbm>>
    tpu.enqueue_dma source(%arg7 : memref<256x32xf32, #tpu.memory_space<vmem>>) target(%dma_start3A_96 : memref<256x32xf32, #tpu.memory_space<hbm>>) target_semaphore(%arg11 : memref<!tpu.dma_semaphore, #tpu.memory_space<semaphore_mem>>)
    %dma_wait3A_97 = arith.constant 0 : i32
    %dma_wait3A_98 = tpu.memref_slice %arg4[%add3A_44, %dma_wait3A_97] : memref<32768x32xf32, #tpu.memory_space<hbm>> -> memref<256x32xf32, #tpu.memory_space<hbm>>
    %dma_wait3A_99 = arith.constant 0 : i32
    %dma_wait3A_100 = tpu.memref_slice %arg4[%add3A_44, %dma_wait3A_99] : memref<32768x32xf32, #tpu.memory_space<hbm>> -> memref<256x32xf32, #tpu.memory_space<hbm>>
    tpu.wait_dma2 semaphore(%arg10 : memref<!tpu.dma_semaphore, #tpu.memory_space<semaphore_mem>>) src(%arg6 : memref<256x32xf32, #tpu.memory_space<vmem>>) dst(%dma_wait3A_100 : memref<256x32xf32, #tpu.memory_space<hbm>>)
    %dma_start3A_101 = arith.constant 4 : i32
    %dma_start3A_102 = arith.constant 0 : i32
    %dma_start3A_103 = arith.constant 0 : i32
    %dma_start3A_104 = tpu.memref_slice %arg6[%dma_start3A_102, %dma_start3A_103] : memref<256x32xf32, #tpu.memory_space<vmem>> -> memref<128x32xf32, #tpu.memory_space<vmem>>
    %dma_start3A_105 = arith.constant 0 : i32
    %dma_start3A_106 = tpu.memref_slice %arg5[%dma_start3A_101, %dma_start3A_105] : memref<8x128xi32, #tpu.memory_space<vmem>> -> memref<1x128xi32, #tpu.memory_space<vmem>>
    %dma_start3A_107 = tpu.memref_squeeze %dma_start3A_106 : memref<1x128xi32, #tpu.memory_space<vmem>> -> memref<128xi32, #tpu.memory_space<vmem>>
    %dma_start3A_108 = arith.constant 0 : i32
    %dma_start3A_109 = arith.constant 0 : i32
    %dma_start3A_110 = tpu.memref_slice %arg2[%dma_start3A_108, %dma_start3A_109] : memref<8192x32xf32, #tpu.memory_space<hbm>> -> memref<8192x32xf32, #tpu.memory_space<hbm>>
    tpu.enqueue_indirect_dma source(%dma_start3A_110 : memref<8192x32xf32, #tpu.memory_space<hbm>>) target(%dma_start3A_104 : memref<128x32xf32, #tpu.memory_space<vmem>>) offsets(%dma_start3A_107 : memref<128xi32, #tpu.memory_space<vmem>>) semaphore(%arg8 : memref<!tpu.dma_semaphore, #tpu.memory_space<semaphore_mem>>)
    %dma_start3A_111 = arith.constant 5 : i32
    %dma_start3A_112 = arith.constant 128 : i32
    %dma_start3A_113 = arith.constant 0 : i32
    %dma_start3A_114 = tpu.memref_slice %arg6[%dma_start3A_112, %dma_start3A_113] : memref<256x32xf32, #tpu.memory_space<vmem>> -> memref<128x32xf32, #tpu.memory_space<vmem>>
    %dma_start3A_115 = arith.constant 0 : i32
    %dma_start3A_116 = tpu.memref_slice %arg5[%dma_start3A_111, %dma_start3A_115] : memref<8x128xi32, #tpu.memory_space<vmem>> -> memref<1x128xi32, #tpu.memory_space<vmem>>
    %dma_start3A_117 = tpu.memref_squeeze %dma_start3A_116 : memref<1x128xi32, #tpu.memory_space<vmem>> -> memref<128xi32, #tpu.memory_space<vmem>>
    %dma_start3A_118 = arith.constant 0 : i32
    %dma_start3A_119 = arith.constant 0 : i32
    %dma_start3A_120 = tpu.memref_slice %arg2[%dma_start3A_118, %dma_start3A_119] : memref<8192x32xf32, #tpu.memory_space<hbm>> -> memref<8192x32xf32, #tpu.memory_space<hbm>>
    tpu.enqueue_indirect_dma source(%dma_start3A_120 : memref<8192x32xf32, #tpu.memory_space<hbm>>) target(%dma_start3A_114 : memref<128x32xf32, #tpu.memory_space<vmem>>) offsets(%dma_start3A_117 : memref<128xi32, #tpu.memory_space<vmem>>) semaphore(%arg8 : memref<!tpu.dma_semaphore, #tpu.memory_space<semaphore_mem>>)
    %dma_wait3A_121 = arith.constant 4 : i32
    %dma_wait3A_122 = arith.constant 0 : i32
    %dma_wait3A_123 = arith.constant 0 : i32
    %dma_wait3A_124 = tpu.memref_slice %arg6[%dma_wait3A_122, %dma_wait3A_123] : memref<256x32xf32, #tpu.memory_space<vmem>> -> memref<128x32xf32, #tpu.memory_space<vmem>>
    %dma_wait3A_125 = arith.constant 0 : i32
    %dma_wait3A_126 = tpu.memref_slice %arg5[%dma_wait3A_121, %dma_wait3A_125] : memref<8x128xi32, #tpu.memory_space<vmem>> -> memref<1x128xi32, #tpu.memory_space<vmem>>
    %dma_wait3A_127 = tpu.memref_squeeze %dma_wait3A_126 : memref<1x128xi32, #tpu.memory_space<vmem>> -> memref<128xi32, #tpu.memory_space<vmem>>
    %dma_wait3A_128 = arith.constant 0 : i32
    %dma_wait3A_129 = arith.constant 0 : i32
    %dma_wait3A_130 = tpu.memref_slice %arg2[%dma_wait3A_128, %dma_wait3A_129] : memref<8192x32xf32, #tpu.memory_space<hbm>> -> memref<8192x32xf32, #tpu.memory_space<hbm>>
    tpu.wait_indirect_dma semaphore(%arg8 : memref<!tpu.dma_semaphore, #tpu.memory_space<semaphore_mem>>) src(%dma_wait3A_130 : memref<8192x32xf32, #tpu.memory_space<hbm>>) dst(%dma_wait3A_124 : memref<128x32xf32, #tpu.memory_space<vmem>>)
    %dma_wait3A_131 = arith.constant 5 : i32
    %dma_wait3A_132 = arith.constant 128 : i32
    %dma_wait3A_133 = arith.constant 0 : i32
    %dma_wait3A_134 = tpu.memref_slice %arg6[%dma_wait3A_132, %dma_wait3A_133] : memref<256x32xf32, #tpu.memory_space<vmem>> -> memref<128x32xf32, #tpu.memory_space<vmem>>
    %dma_wait3A_135 = arith.constant 0 : i32
    %dma_wait3A_136 = tpu.memref_slice %arg5[%dma_wait3A_131, %dma_wait3A_135] : memref<8x128xi32, #tpu.memory_space<vmem>> -> memref<1x128xi32, #tpu.memory_space<vmem>>
    %dma_wait3A_137 = tpu.memref_squeeze %dma_wait3A_136 : memref<1x128xi32, #tpu.memory_space<vmem>> -> memref<128xi32, #tpu.memory_space<vmem>>
    %dma_wait3A_138 = arith.constant 0 : i32
    %dma_wait3A_139 = arith.constant 0 : i32
    %dma_wait3A_140 = tpu.memref_slice %arg2[%dma_wait3A_138, %dma_wait3A_139] : memref<8192x32xf32, #tpu.memory_space<hbm>> -> memref<8192x32xf32, #tpu.memory_space<hbm>>
    tpu.wait_indirect_dma semaphore(%arg8 : memref<!tpu.dma_semaphore, #tpu.memory_space<semaphore_mem>>) src(%dma_wait3A_140 : memref<8192x32xf32, #tpu.memory_space<hbm>>) dst(%dma_wait3A_134 : memref<128x32xf32, #tpu.memory_space<vmem>>)
    %mul3A_141 = arith.constant 1024 : i32
    %mul3A_142 = arith.muli %add3A, %mul3A_141 : i32
    %add3A_143 = arith.constant 512 : i32
    %add3A_144 = arith.addi %mul3A_142, %add3A_143 : i32
    %dma_start3A_145 = arith.constant 0 : i32
    %dma_start3A_146 = tpu.memref_slice %arg4[%add3A_144, %dma_start3A_145] : memref<32768x32xf32, #tpu.memory_space<hbm>> -> memref<256x32xf32, #tpu.memory_space<hbm>>
    %dma_start3A_147 = arith.constant 0 : i32
    %dma_start3A_148 = tpu.memref_slice %arg4[%add3A_144, %dma_start3A_147] : memref<32768x32xf32, #tpu.memory_space<hbm>> -> memref<256x32xf32, #tpu.memory_space<hbm>>
    tpu.enqueue_dma source(%arg6 : memref<256x32xf32, #tpu.memory_space<vmem>>) target(%dma_start3A_148 : memref<256x32xf32, #tpu.memory_space<hbm>>) target_semaphore(%arg10 : memref<!tpu.dma_semaphore, #tpu.memory_space<semaphore_mem>>)
    %dma_wait3A_149 = arith.constant 0 : i32
    %dma_wait3A_150 = tpu.memref_slice %arg4[%add3A_92, %dma_wait3A_149] : memref<32768x32xf32, #tpu.memory_space<hbm>> -> memref<256x32xf32, #tpu.memory_space<hbm>>
    %dma_wait3A_151 = arith.constant 0 : i32
    %dma_wait3A_152 = tpu.memref_slice %arg4[%add3A_92, %dma_wait3A_151] : memref<32768x32xf32, #tpu.memory_space<hbm>> -> memref<256x32xf32, #tpu.memory_space<hbm>>
    tpu.wait_dma2 semaphore(%arg11 : memref<!tpu.dma_semaphore, #tpu.memory_space<semaphore_mem>>) src(%arg7 : memref<256x32xf32, #tpu.memory_space<vmem>>) dst(%dma_wait3A_152 : memref<256x32xf32, #tpu.memory_space<hbm>>)
    %dma_start3A_153 = arith.constant 6 : i32
    %dma_start3A_154 = arith.constant 0 : i32
    %dma_start3A_155 = arith.constant 0 : i32
    %dma_start3A_156 = tpu.memref_slice %arg7[%dma_start3A_154, %dma_start3A_155] : memref<256x32xf32, #tpu.memory_space<vmem>> -> memref<128x32xf32, #tpu.memory_space<vmem>>
    %dma_start3A_157 = arith.constant 0 : i32
    %dma_start3A_158 = tpu.memref_slice %arg5[%dma_start3A_153, %dma_start3A_157] : memref<8x128xi32, #tpu.memory_space<vmem>> -> memref<1x128xi32, #tpu.memory_space<vmem>>
    %dma_start3A_159 = tpu.memref_squeeze %dma_start3A_158 : memref<1x128xi32, #tpu.memory_space<vmem>> -> memref<128xi32, #tpu.memory_space<vmem>>
    %dma_start3A_160 = arith.constant 0 : i32
    %dma_start3A_161 = arith.constant 0 : i32
    %dma_start3A_162 = tpu.memref_slice %arg2[%dma_start3A_160, %dma_start3A_161] : memref<8192x32xf32, #tpu.memory_space<hbm>> -> memref<8192x32xf32, #tpu.memory_space<hbm>>
    tpu.enqueue_indirect_dma source(%dma_start3A_162 : memref<8192x32xf32, #tpu.memory_space<hbm>>) target(%dma_start3A_156 : memref<128x32xf32, #tpu.memory_space<vmem>>) offsets(%dma_start3A_159 : memref<128xi32, #tpu.memory_space<vmem>>) semaphore(%arg9 : memref<!tpu.dma_semaphore, #tpu.memory_space<semaphore_mem>>)
    %dma_start3A_163 = arith.constant 7 : i32
    %dma_start3A_164 = arith.constant 128 : i32
    %dma_start3A_165 = arith.constant 0 : i32
    %dma_start3A_166 = tpu.memref_slice %arg7[%dma_start3A_164, %dma_start3A_165] : memref<256x32xf32, #tpu.memory_space<vmem>> -> memref<128x32xf32, #tpu.memory_space<vmem>>
    %dma_start3A_167 = arith.constant 0 : i32
    %dma_start3A_168 = tpu.memref_slice %arg5[%dma_start3A_163, %dma_start3A_167] : memref<8x128xi32, #tpu.memory_space<vmem>> -> memref<1x128xi32, #tpu.memory_space<vmem>>
    %dma_start3A_169 = tpu.memref_squeeze %dma_start3A_168 : memref<1x128xi32, #tpu.memory_space<vmem>> -> memref<128xi32, #tpu.memory_space<vmem>>
    %dma_start3A_170 = arith.constant 0 : i32
    %dma_start3A_171 = arith.constant 0 : i32
    %dma_start3A_172 = tpu.memref_slice %arg2[%dma_start3A_170, %dma_start3A_171] : memref<8192x32xf32, #tpu.memory_space<hbm>> -> memref<8192x32xf32, #tpu.memory_space<hbm>>
    tpu.enqueue_indirect_dma source(%dma_start3A_172 : memref<8192x32xf32, #tpu.memory_space<hbm>>) target(%dma_start3A_166 : memref<128x32xf32, #tpu.memory_space<vmem>>) offsets(%dma_start3A_169 : memref<128xi32, #tpu.memory_space<vmem>>) semaphore(%arg9 : memref<!tpu.dma_semaphore, #tpu.memory_space<semaphore_mem>>)
    %dma_wait3A_173 = arith.constant 6 : i32
    %dma_wait3A_174 = arith.constant 0 : i32
    %dma_wait3A_175 = arith.constant 0 : i32
    %dma_wait3A_176 = tpu.memref_slice %arg7[%dma_wait3A_174, %dma_wait3A_175] : memref<256x32xf32, #tpu.memory_space<vmem>> -> memref<128x32xf32, #tpu.memory_space<vmem>>
    %dma_wait3A_177 = arith.constant 0 : i32
    %dma_wait3A_178 = tpu.memref_slice %arg5[%dma_wait3A_173, %dma_wait3A_177] : memref<8x128xi32, #tpu.memory_space<vmem>> -> memref<1x128xi32, #tpu.memory_space<vmem>>
    %dma_wait3A_179 = tpu.memref_squeeze %dma_wait3A_178 : memref<1x128xi32, #tpu.memory_space<vmem>> -> memref<128xi32, #tpu.memory_space<vmem>>
    %dma_wait3A_180 = arith.constant 0 : i32
    %dma_wait3A_181 = arith.constant 0 : i32
    %dma_wait3A_182 = tpu.memref_slice %arg2[%dma_wait3A_180, %dma_wait3A_181] : memref<8192x32xf32, #tpu.memory_space<hbm>> -> memref<8192x32xf32, #tpu.memory_space<hbm>>
    tpu.wait_indirect_dma semaphore(%arg9 : memref<!tpu.dma_semaphore, #tpu.memory_space<semaphore_mem>>) src(%dma_wait3A_182 : memref<8192x32xf32, #tpu.memory_space<hbm>>) dst(%dma_wait3A_176 : memref<128x32xf32, #tpu.memory_space<vmem>>)
    %dma_wait3A_183 = arith.constant 7 : i32
    %dma_wait3A_184 = arith.constant 128 : i32
    %dma_wait3A_185 = arith.constant 0 : i32
    %dma_wait3A_186 = tpu.memref_slice %arg7[%dma_wait3A_184, %dma_wait3A_185] : memref<256x32xf32, #tpu.memory_space<vmem>> -> memref<128x32xf32, #tpu.memory_space<vmem>>
    %dma_wait3A_187 = arith.constant 0 : i32
    %dma_wait3A_188 = tpu.memref_slice %arg5[%dma_wait3A_183, %dma_wait3A_187] : memref<8x128xi32, #tpu.memory_space<vmem>> -> memref<1x128xi32, #tpu.memory_space<vmem>>
    %dma_wait3A_189 = tpu.memref_squeeze %dma_wait3A_188 : memref<1x128xi32, #tpu.memory_space<vmem>> -> memref<128xi32, #tpu.memory_space<vmem>>
    %dma_wait3A_190 = arith.constant 0 : i32
    %dma_wait3A_191 = arith.constant 0 : i32
    %dma_wait3A_192 = tpu.memref_slice %arg2[%dma_wait3A_190, %dma_wait3A_191] : memref<8192x32xf32, #tpu.memory_space<hbm>> -> memref<8192x32xf32, #tpu.memory_space<hbm>>
    tpu.wait_indirect_dma semaphore(%arg9 : memref<!tpu.dma_semaphore, #tpu.memory_space<semaphore_mem>>) src(%dma_wait3A_192 : memref<8192x32xf32, #tpu.memory_space<hbm>>) dst(%dma_wait3A_186 : memref<128x32xf32, #tpu.memory_space<vmem>>)
    %mul3A_193 = arith.constant 1024 : i32
    %mul3A_194 = arith.muli %add3A, %mul3A_193 : i32
    %add3A_195 = arith.constant 768 : i32
    %add3A_196 = arith.addi %mul3A_194, %add3A_195 : i32
    %dma_start3A_197 = arith.constant 0 : i32
    %dma_start3A_198 = tpu.memref_slice %arg4[%add3A_196, %dma_start3A_197] : memref<32768x32xf32, #tpu.memory_space<hbm>> -> memref<256x32xf32, #tpu.memory_space<hbm>>
    %dma_start3A_199 = arith.constant 0 : i32
    %dma_start3A_200 = tpu.memref_slice %arg4[%add3A_196, %dma_start3A_199] : memref<32768x32xf32, #tpu.memory_space<hbm>> -> memref<256x32xf32, #tpu.memory_space<hbm>>
    tpu.enqueue_dma source(%arg7 : memref<256x32xf32, #tpu.memory_space<vmem>>) target(%dma_start3A_200 : memref<256x32xf32, #tpu.memory_space<hbm>>) target_semaphore(%arg11 : memref<!tpu.dma_semaphore, #tpu.memory_space<semaphore_mem>>)
    %dma_wait3A_201 = arith.constant 0 : i32
    %dma_wait3A_202 = tpu.memref_slice %arg4[%add3A_144, %dma_wait3A_201] : memref<32768x32xf32, #tpu.memory_space<hbm>> -> memref<256x32xf32, #tpu.memory_space<hbm>>
    %dma_wait3A_203 = arith.constant 0 : i32
    %dma_wait3A_204 = tpu.memref_slice %arg4[%add3A_144, %dma_wait3A_203] : memref<32768x32xf32, #tpu.memory_space<hbm>> -> memref<256x32xf32, #tpu.memory_space<hbm>>
    tpu.wait_dma2 semaphore(%arg10 : memref<!tpu.dma_semaphore, #tpu.memory_space<semaphore_mem>>) src(%arg6 : memref<256x32xf32, #tpu.memory_space<vmem>>) dst(%dma_wait3A_204 : memref<256x32xf32, #tpu.memory_space<hbm>>)
    %dma_wait3A_205 = arith.constant 0 : i32
    %dma_wait3A_206 = tpu.memref_slice %arg4[%add3A_196, %dma_wait3A_205] : memref<32768x32xf32, #tpu.memory_space<hbm>> -> memref<256x32xf32, #tpu.memory_space<hbm>>
    %dma_wait3A_207 = arith.constant 0 : i32
    %dma_wait3A_208 = tpu.memref_slice %arg4[%add3A_196, %dma_wait3A_207] : memref<32768x32xf32, #tpu.memory_space<hbm>> -> memref<256x32xf32, #tpu.memory_space<hbm>>
    tpu.wait_dma2 semaphore(%arg11 : memref<!tpu.dma_semaphore, #tpu.memory_space<semaphore_mem>>) src(%arg7 : memref<256x32xf32, #tpu.memory_space<vmem>>) dst(%dma_wait3A_208 : memref<256x32xf32, #tpu.memory_space<hbm>>)
    return
  }
}

#map = affine_map<(d0, d1) -> (0, 0)>
#map1 = affine_map<(d0, d1) -> (0, 0, 0)>
module attributes {stable_mosaic.version = 14 : i64} {
  func.func @sk(%arg0: i32, %arg1: i32, %arg2: memref<32768x64xf32, #tpu.memory_space<hbm>>, %arg3: memref<256x128xi32, #tpu.memory_space<hbm>>, %arg4: memref<2x8192x64xf32, #tpu.memory_space<hbm>>, %arg5: memref<8x128xi32, #tpu.memory_space<vmem>>, %arg6: memref<128x64xf32, #tpu.memory_space<vmem>>, %arg7: memref<128x64xf32, #tpu.memory_space<vmem>>, %arg8: memref<128x64xf32, #tpu.memory_space<vmem>>, %arg9: memref<16x64xf32, #tpu.memory_space<vmem>>, %arg10: memref<8192x64xf32, #tpu.memory_space<vmem_shared>>, %arg11: memref<!tpu.dma_semaphore, #tpu.memory_space<semaphore_mem>>, %arg12: memref<!tpu.dma_semaphore, #tpu.memory_space<semaphore_mem>>, %arg13: memref<!tpu.dma_semaphore, #tpu.memory_space<semaphore_mem>>, %arg14: memref<!tpu.dma_semaphore, #tpu.memory_space<semaphore_mem>>, %arg15: memref<!tpu.dma_semaphore, #tpu.memory_space<semaphore_mem>>, %arg16: memref<!tpu.dma_semaphore, #tpu.memory_space<semaphore_mem>>) attributes {dimension_semantics = [#tpu.dimension_semantics<core_parallel>, #tpu.dimension_semantics<subcore_parallel>], iteration_bounds = array<i64: 2, 16>, scalar_prefetch = 0 : i64, scratch_operands = 12 : i64, tpu.core_type = #tpu.core_type<sc_vector_subcore>, window_params = [{transform_indices = #map}, {transform_indices = #map}, {transform_indices = #map1}]} {
    %mul3A = arith.constant 2 : i32
    %mul3A_0 = arith.muli %arg1, %mul3A : i32
    %add3A = arith.addi %mul3A_0, %arg0 : i32
    %mul3A_1 = arith.constant 512 : i32
    %mul3A_2 = arith.muli %arg1, %mul3A_1 : i32
    %mul3A_3 = arith.constant 8 : i32
    %mul3A_4 = arith.muli %add3A, %mul3A_3 : i32
    "tpu.region"() ({
      %run_scoped3A = tpu.sem_alloc : memref<!tpu.dma_semaphore, #tpu.memory_space<semaphore_mem>>
      %dma_start3A_282 = arith.constant 0 : i32
      %dma_start3A_283 = tpu.memref_slice %arg3[%mul3A_4, %dma_start3A_282] : memref<256x128xi32, #tpu.memory_space<hbm>> -> memref<8x128xi32, #tpu.memory_space<hbm>>
      %dma_start3A_284 = arith.constant 0 : i32
      %dma_start3A_285 = tpu.memref_slice %arg3[%mul3A_4, %dma_start3A_284] : memref<256x128xi32, #tpu.memory_space<hbm>> -> memref<8x128xi32, #tpu.memory_space<hbm>>
      tpu.enqueue_dma source(%dma_start3A_285 : memref<8x128xi32, #tpu.memory_space<hbm>>) target(%arg5 : memref<8x128xi32, #tpu.memory_space<vmem>>) target_semaphore(%run_scoped3A : memref<!tpu.dma_semaphore, #tpu.memory_space<semaphore_mem>>)
      %dma_wait3A_286 = arith.constant 0 : i32
      %dma_wait3A_287 = tpu.memref_slice %arg3[%mul3A_4, %dma_wait3A_286] : memref<256x128xi32, #tpu.memory_space<hbm>> -> memref<8x128xi32, #tpu.memory_space<hbm>>
      %dma_wait3A_288 = arith.constant 0 : i32
      %dma_wait3A_289 = tpu.memref_slice %arg3[%mul3A_4, %dma_wait3A_288] : memref<256x128xi32, #tpu.memory_space<hbm>> -> memref<8x128xi32, #tpu.memory_space<hbm>>
      tpu.wait_dma2 semaphore(%run_scoped3A : memref<!tpu.dma_semaphore, #tpu.memory_space<semaphore_mem>>) src(%dma_wait3A_289 : memref<8x128xi32, #tpu.memory_space<hbm>>) dst(%arg5 : memref<8x128xi32, #tpu.memory_space<vmem>>)
      tpu.yield
    }) : () -> ()
    %mul3A_5 = arith.constant 1024 : i32
    %mul3A_6 = arith.muli %add3A, %mul3A_5 : i32
    %add3A_7 = arith.constant 0 : i32
    %add3A_8 = arith.addi %mul3A_6, %add3A_7 : i32
    %dma_start3A = arith.constant 0 : i32
    %dma_start3A_9 = tpu.memref_slice %arg2[%add3A_8, %dma_start3A] : memref<32768x64xf32, #tpu.memory_space<hbm>> -> memref<128x64xf32, #tpu.memory_space<hbm>>
    %dma_start3A_10 = arith.constant 0 : i32
    %dma_start3A_11 = tpu.memref_slice %arg2[%add3A_8, %dma_start3A_10] : memref<32768x64xf32, #tpu.memory_space<hbm>> -> memref<128x64xf32, #tpu.memory_space<hbm>>
    tpu.enqueue_dma source(%dma_start3A_11 : memref<128x64xf32, #tpu.memory_space<hbm>>) target(%arg6 : memref<128x64xf32, #tpu.memory_space<vmem>>) target_semaphore(%arg11 : memref<!tpu.dma_semaphore, #tpu.memory_space<semaphore_mem>>)
    %mul3A_12 = arith.constant 1024 : i32
    %mul3A_13 = arith.muli %add3A, %mul3A_12 : i32
    %add3A_14 = arith.constant 128 : i32
    %add3A_15 = arith.addi %mul3A_13, %add3A_14 : i32
    %dma_start3A_16 = arith.constant 0 : i32
    %dma_start3A_17 = tpu.memref_slice %arg2[%add3A_15, %dma_start3A_16] : memref<32768x64xf32, #tpu.memory_space<hbm>> -> memref<128x64xf32, #tpu.memory_space<hbm>>
    %dma_start3A_18 = arith.constant 0 : i32
    %dma_start3A_19 = tpu.memref_slice %arg2[%add3A_15, %dma_start3A_18] : memref<32768x64xf32, #tpu.memory_space<hbm>> -> memref<128x64xf32, #tpu.memory_space<hbm>>
    tpu.enqueue_dma source(%dma_start3A_19 : memref<128x64xf32, #tpu.memory_space<hbm>>) target(%arg7 : memref<128x64xf32, #tpu.memory_space<vmem>>) target_semaphore(%arg12 : memref<!tpu.dma_semaphore, #tpu.memory_space<semaphore_mem>>)
    %mul3A_20 = arith.constant 1024 : i32
    %mul3A_21 = arith.muli %add3A, %mul3A_20 : i32
    %add3A_22 = arith.constant 256 : i32
    %add3A_23 = arith.addi %mul3A_21, %add3A_22 : i32
    %dma_start3A_24 = arith.constant 0 : i32
    %dma_start3A_25 = tpu.memref_slice %arg2[%add3A_23, %dma_start3A_24] : memref<32768x64xf32, #tpu.memory_space<hbm>> -> memref<128x64xf32, #tpu.memory_space<hbm>>
    %dma_start3A_26 = arith.constant 0 : i32
    %dma_start3A_27 = tpu.memref_slice %arg2[%add3A_23, %dma_start3A_26] : memref<32768x64xf32, #tpu.memory_space<hbm>> -> memref<128x64xf32, #tpu.memory_space<hbm>>
    tpu.enqueue_dma source(%dma_start3A_27 : memref<128x64xf32, #tpu.memory_space<hbm>>) target(%arg8 : memref<128x64xf32, #tpu.memory_space<vmem>>) target_semaphore(%arg13 : memref<!tpu.dma_semaphore, #tpu.memory_space<semaphore_mem>>)
    %scan3A = arith.constant 0 : i32
    %scan3A_28 = arith.constant 0 : i32
    %scan3A_29 = arith.constant 64 : i32
    %scan3A_30 = arith.addi %scan3A_28, %scan3A_29 : i32
    %scan3A_31 = arith.constant 1 : i32
    %scan3A_32 = scf.for %scan3A_282 = %scan3A_28 to %scan3A_30 step %scan3A_31 iter_args(%scan3A_283 = %scan3A) -> (i32)  : i32 {
      %broadcast_in_dim3A = arith.constant 0.000000e+00 : f32
      %broadcast_in_dim3A_284 = vector.broadcast %broadcast_in_dim3A : f32 to vector<16xf32>
      %jit3A = arith.constant 4 : i32
      %div3A = arith.divsi %scan3A_282, %jit3A : i32
      %sign3A = arith.constant 0 : i32
      %sign3A_285 = arith.cmpi sgt, %scan3A_282, %sign3A : i32
      %sign3A_286 = arith.extui %sign3A_285 : i1 to i32
      %sign3A_287 = arith.constant 0 : i32
      %sign3A_288 = arith.cmpi slt, %scan3A_282, %sign3A_287 : i32
      %sign3A_289 = arith.extui %sign3A_288 : i1 to i32
      %sign3A_290 = arith.subi %sign3A_286, %sign3A_289 : i32
      %sign3A_291 = arith.constant 0 : i32
      %sign3A_292 = arith.cmpi sgt, %jit3A, %sign3A_291 : i32
      %sign3A_293 = arith.extui %sign3A_292 : i1 to i32
      %sign3A_294 = arith.constant 0 : i32
      %sign3A_295 = arith.cmpi slt, %jit3A, %sign3A_294 : i32
      %sign3A_296 = arith.extui %sign3A_295 : i1 to i32
      %sign3A_297 = arith.subi %sign3A_293, %sign3A_296 : i32
      %ne3A = arith.cmpi ne, %sign3A_290, %sign3A_297 : i32
      %rem3A = arith.remsi %scan3A_282, %jit3A : i32
      %ne3A_298 = arith.constant 0 : i32
      %ne3A_299 = arith.cmpi ne, %rem3A, %ne3A_298 : i32
      %and3A = arith.andi %ne3A, %ne3A_299 : i1
      %sub3A = arith.constant 1 : i32
      %sub3A_300 = arith.subi %div3A, %sub3A : i32
      %select_n3A = arith.select %and3A, %sub3A_300, %div3A : i32
      %jit3A_301 = arith.constant 4 : i32
      %eq3A = arith.constant 0 : i32
      %eq3A_302 = arith.cmpi eq, %jit3A_301, %eq3A : i32
      %jit3A_303 = arith.constant 1 : i32
      %select_n3A_304 = arith.select %eq3A_302, %jit3A_303, %jit3A_301 : i32
      %rem3A_305 = arith.remsi %scan3A_282, %select_n3A_304 : i32
      %ne3A_306 = arith.constant 0 : i32
      %ne3A_307 = arith.cmpi ne, %rem3A_305, %ne3A_306 : i32
      %lt3A = arith.constant 0 : i32
      %lt3A_308 = arith.cmpi slt, %rem3A_305, %lt3A : i32
      %lt3A_309 = arith.constant 0 : i32
      %lt3A_310 = arith.cmpi slt, %select_n3A_304, %lt3A_309 : i32
      %ne3A_311 = arith.xori %lt3A_308, %lt3A_310 : i1
      %and3A_312 = arith.andi %ne3A_311, %ne3A_307 : i1
      %add3A_313 = arith.addi %rem3A_305, %select_n3A_304 : i32
      %select_n3A_314 = arith.select %and3A_312, %add3A_313, %rem3A_305 : i32
      %mul3A_315 = arith.constant 16 : i32
      %mul3A_316 = arith.muli %select_n3A_314, %mul3A_315 : i32
      %swap3A = arith.index_cast %select_n3A : i32 to index
      %swap3A_317 = arith.index_cast %mul3A_316 : i32 to index
      %swap3A_318 = tpu.vector_load %arg9[%swap3A, %swap3A_317] {strides = array<i32>} : memref<16x64xf32, #tpu.memory_space<vmem>>, vector<1x16xf32>,
      %swap3A_319 = vector.shape_cast %swap3A_318 : vector<1x16xf32> to vector<16xf32>
      %swap3A_320 = vector.shape_cast %broadcast_in_dim3A_284 : vector<16xf32> to vector<1x16xf32>
      tpu.vector_store %arg9[%swap3A, %swap3A_317], %swap3A_320 {strides = array<i32>} : memref<16x64xf32, #tpu.memory_space<vmem>>, vector<1x16xf32>,
      %scan3A_321 = arith.constant 0 : i32
      scf.yield %scan3A_321 : i32
    }
    %scan3A_33 = arith.constant 64 : i32
    %add3A_34 = arith.constant 0 : i32
    %add3A_35 = arith.addi %mul3A_2, %add3A_34 : i32
    "tpu.region"() ({
      %run_scoped3A = tpu.sem_alloc : memref<!tpu.dma_semaphore, #tpu.memory_space<semaphore_mem>>
      %dma_start3A_282 = arith.constant 0 : i32
      %dma_start3A_283 = tpu.memref_slice %arg10[%add3A_35, %dma_start3A_282] : memref<8192x64xf32, #tpu.memory_space<vmem_shared>> -> memref<16x64xf32, #tpu.memory_space<vmem_shared>>
      %dma_start3A_284 = arith.constant 0 : i32
      %dma_start3A_285 = tpu.memref_slice %arg10[%add3A_35, %dma_start3A_284] : memref<8192x64xf32, #tpu.memory_space<vmem_shared>> -> memref<16x64xf32, #tpu.memory_space<vmem_shared>>
      tpu.enqueue_dma source(%arg9 : memref<16x64xf32, #tpu.memory_space<vmem>>) target(%dma_start3A_285 : memref<16x64xf32, #tpu.memory_space<vmem_shared>>) target_semaphore(%run_scoped3A : memref<!tpu.dma_semaphore, #tpu.memory_space<semaphore_mem>>)
      %dma_wait3A_286 = arith.constant 0 : i32
      %dma_wait3A_287 = tpu.memref_slice %arg10[%add3A_35, %dma_wait3A_286] : memref<8192x64xf32, #tpu.memory_space<vmem_shared>> -> memref<16x64xf32, #tpu.memory_space<vmem_shared>>
      %dma_wait3A_288 = arith.constant 0 : i32
      %dma_wait3A_289 = tpu.memref_slice %arg10[%add3A_35, %dma_wait3A_288] : memref<8192x64xf32, #tpu.memory_space<vmem_shared>> -> memref<16x64xf32, #tpu.memory_space<vmem_shared>>
      tpu.wait_dma2 semaphore(%run_scoped3A : memref<!tpu.dma_semaphore, #tpu.memory_space<semaphore_mem>>) src(%arg9 : memref<16x64xf32, #tpu.memory_space<vmem>>) dst(%dma_wait3A_289 : memref<16x64xf32, #tpu.memory_space<vmem_shared>>)
      tpu.yield
    }) : () -> ()
    %add3A_36 = arith.constant 16 : i32
    %add3A_37 = arith.addi %mul3A_2, %add3A_36 : i32
    "tpu.region"() ({
      %run_scoped3A = tpu.sem_alloc : memref<!tpu.dma_semaphore, #tpu.memory_space<semaphore_mem>>
      %dma_start3A_282 = arith.constant 0 : i32
      %dma_start3A_283 = tpu.memref_slice %arg10[%add3A_37, %dma_start3A_282] : memref<8192x64xf32, #tpu.memory_space<vmem_shared>> -> memref<16x64xf32, #tpu.memory_space<vmem_shared>>
      %dma_start3A_284 = arith.constant 0 : i32
      %dma_start3A_285 = tpu.memref_slice %arg10[%add3A_37, %dma_start3A_284] : memref<8192x64xf32, #tpu.memory_space<vmem_shared>> -> memref<16x64xf32, #tpu.memory_space<vmem_shared>>
      tpu.enqueue_dma source(%arg9 : memref<16x64xf32, #tpu.memory_space<vmem>>) target(%dma_start3A_285 : memref<16x64xf32, #tpu.memory_space<vmem_shared>>) target_semaphore(%run_scoped3A : memref<!tpu.dma_semaphore, #tpu.memory_space<semaphore_mem>>)
      %dma_wait3A_286 = arith.constant 0 : i32
      %dma_wait3A_287 = tpu.memref_slice %arg10[%add3A_37, %dma_wait3A_286] : memref<8192x64xf32, #tpu.memory_space<vmem_shared>> -> memref<16x64xf32, #tpu.memory_space<vmem_shared>>
      %dma_wait3A_288 = arith.constant 0 : i32
      %dma_wait3A_289 = tpu.memref_slice %arg10[%add3A_37, %dma_wait3A_288] : memref<8192x64xf32, #tpu.memory_space<vmem_shared>> -> memref<16x64xf32, #tpu.memory_space<vmem_shared>>
      tpu.wait_dma2 semaphore(%run_scoped3A : memref<!tpu.dma_semaphore, #tpu.memory_space<semaphore_mem>>) src(%arg9 : memref<16x64xf32, #tpu.memory_space<vmem>>) dst(%dma_wait3A_289 : memref<16x64xf32, #tpu.memory_space<vmem_shared>>)
      tpu.yield
    }) : () -> ()
    %add3A_38 = arith.constant 32 : i32
    %add3A_39 = arith.addi %mul3A_2, %add3A_38 : i32
    "tpu.region"() ({
      %run_scoped3A = tpu.sem_alloc : memref<!tpu.dma_semaphore, #tpu.memory_space<semaphore_mem>>
      %dma_start3A_282 = arith.constant 0 : i32
      %dma_start3A_283 = tpu.memref_slice %arg10[%add3A_39, %dma_start3A_282] : memref<8192x64xf32, #tpu.memory_space<vmem_shared>> -> memref<16x64xf32, #tpu.memory_space<vmem_shared>>
      %dma_start3A_284 = arith.constant 0 : i32
      %dma_start3A_285 = tpu.memref_slice %arg10[%add3A_39, %dma_start3A_284] : memref<8192x64xf32, #tpu.memory_space<vmem_shared>> -> memref<16x64xf32, #tpu.memory_space<vmem_shared>>
      tpu.enqueue_dma source(%arg9 : memref<16x64xf32, #tpu.memory_space<vmem>>) target(%dma_start3A_285 : memref<16x64xf32, #tpu.memory_space<vmem_shared>>) target_semaphore(%run_scoped3A : memref<!tpu.dma_semaphore, #tpu.memory_space<semaphore_mem>>)
      %dma_wait3A_286 = arith.constant 0 : i32
      %dma_wait3A_287 = tpu.memref_slice %arg10[%add3A_39, %dma_wait3A_286] : memref<8192x64xf32, #tpu.memory_space<vmem_shared>> -> memref<16x64xf32, #tpu.memory_space<vmem_shared>>
      %dma_wait3A_288 = arith.constant 0 : i32
      %dma_wait3A_289 = tpu.memref_slice %arg10[%add3A_39, %dma_wait3A_288] : memref<8192x64xf32, #tpu.memory_space<vmem_shared>> -> memref<16x64xf32, #tpu.memory_space<vmem_shared>>
      tpu.wait_dma2 semaphore(%run_scoped3A : memref<!tpu.dma_semaphore, #tpu.memory_space<semaphore_mem>>) src(%arg9 : memref<16x64xf32, #tpu.memory_space<vmem>>) dst(%dma_wait3A_289 : memref<16x64xf32, #tpu.memory_space<vmem_shared>>)
      tpu.yield
    }) : () -> ()
    %add3A_40 = arith.constant 48 : i32
    %add3A_41 = arith.addi %mul3A_2, %add3A_40 : i32
    "tpu.region"() ({
      %run_scoped3A = tpu.sem_alloc : memref<!tpu.dma_semaphore, #tpu.memory_space<semaphore_mem>>
      %dma_start3A_282 = arith.constant 0 : i32
      %dma_start3A_283 = tpu.memref_slice %arg10[%add3A_41, %dma_start3A_282] : memref<8192x64xf32, #tpu.memory_space<vmem_shared>> -> memref<16x64xf32, #tpu.memory_space<vmem_shared>>
      %dma_start3A_284 = arith.constant 0 : i32
      %dma_start3A_285 = tpu.memref_slice %arg10[%add3A_41, %dma_start3A_284] : memref<8192x64xf32, #tpu.memory_space<vmem_shared>> -> memref<16x64xf32, #tpu.memory_space<vmem_shared>>
      tpu.enqueue_dma source(%arg9 : memref<16x64xf32, #tpu.memory_space<vmem>>) target(%dma_start3A_285 : memref<16x64xf32, #tpu.memory_space<vmem_shared>>) target_semaphore(%run_scoped3A : memref<!tpu.dma_semaphore, #tpu.memory_space<semaphore_mem>>)
      %dma_wait3A_286 = arith.constant 0 : i32
      %dma_wait3A_287 = tpu.memref_slice %arg10[%add3A_41, %dma_wait3A_286] : memref<8192x64xf32, #tpu.memory_space<vmem_shared>> -> memref<16x64xf32, #tpu.memory_space<vmem_shared>>
      %dma_wait3A_288 = arith.constant 0 : i32
      %dma_wait3A_289 = tpu.memref_slice %arg10[%add3A_41, %dma_wait3A_288] : memref<8192x64xf32, #tpu.memory_space<vmem_shared>> -> memref<16x64xf32, #tpu.memory_space<vmem_shared>>
      tpu.wait_dma2 semaphore(%run_scoped3A : memref<!tpu.dma_semaphore, #tpu.memory_space<semaphore_mem>>) src(%arg9 : memref<16x64xf32, #tpu.memory_space<vmem>>) dst(%dma_wait3A_289 : memref<16x64xf32, #tpu.memory_space<vmem_shared>>)
      tpu.yield
    }) : () -> ()
    %add3A_42 = arith.constant 64 : i32
    %add3A_43 = arith.addi %mul3A_2, %add3A_42 : i32
    "tpu.region"() ({
      %run_scoped3A = tpu.sem_alloc : memref<!tpu.dma_semaphore, #tpu.memory_space<semaphore_mem>>
      %dma_start3A_282 = arith.constant 0 : i32
      %dma_start3A_283 = tpu.memref_slice %arg10[%add3A_43, %dma_start3A_282] : memref<8192x64xf32, #tpu.memory_space<vmem_shared>> -> memref<16x64xf32, #tpu.memory_space<vmem_shared>>
      %dma_start3A_284 = arith.constant 0 : i32
      %dma_start3A_285 = tpu.memref_slice %arg10[%add3A_43, %dma_start3A_284] : memref<8192x64xf32, #tpu.memory_space<vmem_shared>> -> memref<16x64xf32, #tpu.memory_space<vmem_shared>>
      tpu.enqueue_dma source(%arg9 : memref<16x64xf32, #tpu.memory_space<vmem>>) target(%dma_start3A_285 : memref<16x64xf32, #tpu.memory_space<vmem_shared>>) target_semaphore(%run_scoped3A : memref<!tpu.dma_semaphore, #tpu.memory_space<semaphore_mem>>)
      %dma_wait3A_286 = arith.constant 0 : i32
      %dma_wait3A_287 = tpu.memref_slice %arg10[%add3A_43, %dma_wait3A_286] : memref<8192x64xf32, #tpu.memory_space<vmem_shared>> -> memref<16x64xf32, #tpu.memory_space<vmem_shared>>
      %dma_wait3A_288 = arith.constant 0 : i32
      %dma_wait3A_289 = tpu.memref_slice %arg10[%add3A_43, %dma_wait3A_288] : memref<8192x64xf32, #tpu.memory_space<vmem_shared>> -> memref<16x64xf32, #tpu.memory_space<vmem_shared>>
      tpu.wait_dma2 semaphore(%run_scoped3A : memref<!tpu.dma_semaphore, #tpu.memory_space<semaphore_mem>>) src(%arg9 : memref<16x64xf32, #tpu.memory_space<vmem>>) dst(%dma_wait3A_289 : memref<16x64xf32, #tpu.memory_space<vmem_shared>>)
      tpu.yield
    }) : () -> ()
    %add3A_44 = arith.constant 80 : i32
    %add3A_45 = arith.addi %mul3A_2, %add3A_44 : i32
    "tpu.region"() ({
      %run_scoped3A = tpu.sem_alloc : memref<!tpu.dma_semaphore, #tpu.memory_space<semaphore_mem>>
      %dma_start3A_282 = arith.constant 0 : i32
      %dma_start3A_283 = tpu.memref_slice %arg10[%add3A_45, %dma_start3A_282] : memref<8192x64xf32, #tpu.memory_space<vmem_shared>> -> memref<16x64xf32, #tpu.memory_space<vmem_shared>>
      %dma_start3A_284 = arith.constant 0 : i32
      %dma_start3A_285 = tpu.memref_slice %arg10[%add3A_45, %dma_start3A_284] : memref<8192x64xf32, #tpu.memory_space<vmem_shared>> -> memref<16x64xf32, #tpu.memory_space<vmem_shared>>
      tpu.enqueue_dma source(%arg9 : memref<16x64xf32, #tpu.memory_space<vmem>>) target(%dma_start3A_285 : memref<16x64xf32, #tpu.memory_space<vmem_shared>>) target_semaphore(%run_scoped3A : memref<!tpu.dma_semaphore, #tpu.memory_space<semaphore_mem>>)
      %dma_wait3A_286 = arith.constant 0 : i32
      %dma_wait3A_287 = tpu.memref_slice %arg10[%add3A_45, %dma_wait3A_286] : memref<8192x64xf32, #tpu.memory_space<vmem_shared>> -> memref<16x64xf32, #tpu.memory_space<vmem_shared>>
      %dma_wait3A_288 = arith.constant 0 : i32
      %dma_wait3A_289 = tpu.memref_slice %arg10[%add3A_45, %dma_wait3A_288] : memref<8192x64xf32, #tpu.memory_space<vmem_shared>> -> memref<16x64xf32, #tpu.memory_space<vmem_shared>>
      tpu.wait_dma2 semaphore(%run_scoped3A : memref<!tpu.dma_semaphore, #tpu.memory_space<semaphore_mem>>) src(%arg9 : memref<16x64xf32, #tpu.memory_space<vmem>>) dst(%dma_wait3A_289 : memref<16x64xf32, #tpu.memory_space<vmem_shared>>)
      tpu.yield
    }) : () -> ()
    %add3A_46 = arith.constant 96 : i32
    %add3A_47 = arith.addi %mul3A_2, %add3A_46 : i32
    "tpu.region"() ({
      %run_scoped3A = tpu.sem_alloc : memref<!tpu.dma_semaphore, #tpu.memory_space<semaphore_mem>>
      %dma_start3A_282 = arith.constant 0 : i32
      %dma_start3A_283 = tpu.memref_slice %arg10[%add3A_47, %dma_start3A_282] : memref<8192x64xf32, #tpu.memory_space<vmem_shared>> -> memref<16x64xf32, #tpu.memory_space<vmem_shared>>
      %dma_start3A_284 = arith.constant 0 : i32
      %dma_start3A_285 = tpu.memref_slice %arg10[%add3A_47, %dma_start3A_284] : memref<8192x64xf32, #tpu.memory_space<vmem_shared>> -> memref<16x64xf32, #tpu.memory_space<vmem_shared>>
      tpu.enqueue_dma source(%arg9 : memref<16x64xf32, #tpu.memory_space<vmem>>) target(%dma_start3A_285 : memref<16x64xf32, #tpu.memory_space<vmem_shared>>) target_semaphore(%run_scoped3A : memref<!tpu.dma_semaphore, #tpu.memory_space<semaphore_mem>>)
      %dma_wait3A_286 = arith.constant 0 : i32
      %dma_wait3A_287 = tpu.memref_slice %arg10[%add3A_47, %dma_wait3A_286] : memref<8192x64xf32, #tpu.memory_space<vmem_shared>> -> memref<16x64xf32, #tpu.memory_space<vmem_shared>>
      %dma_wait3A_288 = arith.constant 0 : i32
      %dma_wait3A_289 = tpu.memref_slice %arg10[%add3A_47, %dma_wait3A_288] : memref<8192x64xf32, #tpu.memory_space<vmem_shared>> -> memref<16x64xf32, #tpu.memory_space<vmem_shared>>
      tpu.wait_dma2 semaphore(%run_scoped3A : memref<!tpu.dma_semaphore, #tpu.memory_space<semaphore_mem>>) src(%arg9 : memref<16x64xf32, #tpu.memory_space<vmem>>) dst(%dma_wait3A_289 : memref<16x64xf32, #tpu.memory_space<vmem_shared>>)
      tpu.yield
    }) : () -> ()
    %add3A_48 = arith.constant 112 : i32
    %add3A_49 = arith.addi %mul3A_2, %add3A_48 : i32
    "tpu.region"() ({
      %run_scoped3A = tpu.sem_alloc : memref<!tpu.dma_semaphore, #tpu.memory_space<semaphore_mem>>
      %dma_start3A_282 = arith.constant 0 : i32
      %dma_start3A_283 = tpu.memref_slice %arg10[%add3A_49, %dma_start3A_282] : memref<8192x64xf32, #tpu.memory_space<vmem_shared>> -> memref<16x64xf32, #tpu.memory_space<vmem_shared>>
      %dma_start3A_284 = arith.constant 0 : i32
      %dma_start3A_285 = tpu.memref_slice %arg10[%add3A_49, %dma_start3A_284] : memref<8192x64xf32, #tpu.memory_space<vmem_shared>> -> memref<16x64xf32, #tpu.memory_space<vmem_shared>>
      tpu.enqueue_dma source(%arg9 : memref<16x64xf32, #tpu.memory_space<vmem>>) target(%dma_start3A_285 : memref<16x64xf32, #tpu.memory_space<vmem_shared>>) target_semaphore(%run_scoped3A : memref<!tpu.dma_semaphore, #tpu.memory_space<semaphore_mem>>)
      %dma_wait3A_286 = arith.constant 0 : i32
      %dma_wait3A_287 = tpu.memref_slice %arg10[%add3A_49, %dma_wait3A_286] : memref<8192x64xf32, #tpu.memory_space<vmem_shared>> -> memref<16x64xf32, #tpu.memory_space<vmem_shared>>
      %dma_wait3A_288 = arith.constant 0 : i32
      %dma_wait3A_289 = tpu.memref_slice %arg10[%add3A_49, %dma_wait3A_288] : memref<8192x64xf32, #tpu.memory_space<vmem_shared>> -> memref<16x64xf32, #tpu.memory_space<vmem_shared>>
      tpu.wait_dma2 semaphore(%run_scoped3A : memref<!tpu.dma_semaphore, #tpu.memory_space<semaphore_mem>>) src(%arg9 : memref<16x64xf32, #tpu.memory_space<vmem>>) dst(%dma_wait3A_289 : memref<16x64xf32, #tpu.memory_space<vmem_shared>>)
      tpu.yield
    }) : () -> ()
    %add3A_50 = arith.constant 128 : i32
    %add3A_51 = arith.addi %mul3A_2, %add3A_50 : i32
    "tpu.region"() ({
      %run_scoped3A = tpu.sem_alloc : memref<!tpu.dma_semaphore, #tpu.memory_space<semaphore_mem>>
      %dma_start3A_282 = arith.constant 0 : i32
      %dma_start3A_283 = tpu.memref_slice %arg10[%add3A_51, %dma_start3A_282] : memref<8192x64xf32, #tpu.memory_space<vmem_shared>> -> memref<16x64xf32, #tpu.memory_space<vmem_shared>>
      %dma_start3A_284 = arith.constant 0 : i32
      %dma_start3A_285 = tpu.memref_slice %arg10[%add3A_51, %dma_start3A_284] : memref<8192x64xf32, #tpu.memory_space<vmem_shared>> -> memref<16x64xf32, #tpu.memory_space<vmem_shared>>
      tpu.enqueue_dma source(%arg9 : memref<16x64xf32, #tpu.memory_space<vmem>>) target(%dma_start3A_285 : memref<16x64xf32, #tpu.memory_space<vmem_shared>>) target_semaphore(%run_scoped3A : memref<!tpu.dma_semaphore, #tpu.memory_space<semaphore_mem>>)
      %dma_wait3A_286 = arith.constant 0 : i32
      %dma_wait3A_287 = tpu.memref_slice %arg10[%add3A_51, %dma_wait3A_286] : memref<8192x64xf32, #tpu.memory_space<vmem_shared>> -> memref<16x64xf32, #tpu.memory_space<vmem_shared>>
      %dma_wait3A_288 = arith.constant 0 : i32
      %dma_wait3A_289 = tpu.memref_slice %arg10[%add3A_51, %dma_wait3A_288] : memref<8192x64xf32, #tpu.memory_space<vmem_shared>> -> memref<16x64xf32, #tpu.memory_space<vmem_shared>>
      tpu.wait_dma2 semaphore(%run_scoped3A : memref<!tpu.dma_semaphore, #tpu.memory_space<semaphore_mem>>) src(%arg9 : memref<16x64xf32, #tpu.memory_space<vmem>>) dst(%dma_wait3A_289 : memref<16x64xf32, #tpu.memory_space<vmem_shared>>)
      tpu.yield
    }) : () -> ()
    %add3A_52 = arith.constant 144 : i32
    %add3A_53 = arith.addi %mul3A_2, %add3A_52 : i32
    "tpu.region"() ({
      %run_scoped3A = tpu.sem_alloc : memref<!tpu.dma_semaphore, #tpu.memory_space<semaphore_mem>>
      %dma_start3A_282 = arith.constant 0 : i32
      %dma_start3A_283 = tpu.memref_slice %arg10[%add3A_53, %dma_start3A_282] : memref<8192x64xf32, #tpu.memory_space<vmem_shared>> -> memref<16x64xf32, #tpu.memory_space<vmem_shared>>
      %dma_start3A_284 = arith.constant 0 : i32
      %dma_start3A_285 = tpu.memref_slice %arg10[%add3A_53, %dma_start3A_284] : memref<8192x64xf32, #tpu.memory_space<vmem_shared>> -> memref<16x64xf32, #tpu.memory_space<vmem_shared>>
      tpu.enqueue_dma source(%arg9 : memref<16x64xf32, #tpu.memory_space<vmem>>) target(%dma_start3A_285 : memref<16x64xf32, #tpu.memory_space<vmem_shared>>) target_semaphore(%run_scoped3A : memref<!tpu.dma_semaphore, #tpu.memory_space<semaphore_mem>>)
      %dma_wait3A_286 = arith.constant 0 : i32
      %dma_wait3A_287 = tpu.memref_slice %arg10[%add3A_53, %dma_wait3A_286] : memref<8192x64xf32, #tpu.memory_space<vmem_shared>> -> memref<16x64xf32, #tpu.memory_space<vmem_shared>>
      %dma_wait3A_288 = arith.constant 0 : i32
      %dma_wait3A_289 = tpu.memref_slice %arg10[%add3A_53, %dma_wait3A_288] : memref<8192x64xf32, #tpu.memory_space<vmem_shared>> -> memref<16x64xf32, #tpu.memory_space<vmem_shared>>
      tpu.wait_dma2 semaphore(%run_scoped3A : memref<!tpu.dma_semaphore, #tpu.memory_space<semaphore_mem>>) src(%arg9 : memref<16x64xf32, #tpu.memory_space<vmem>>) dst(%dma_wait3A_289 : memref<16x64xf32, #tpu.memory_space<vmem_shared>>)
      tpu.yield
    }) : () -> ()
    %add3A_54 = arith.constant 160 : i32
    %add3A_55 = arith.addi %mul3A_2, %add3A_54 : i32
    "tpu.region"() ({
      %run_scoped3A = tpu.sem_alloc : memref<!tpu.dma_semaphore, #tpu.memory_space<semaphore_mem>>
      %dma_start3A_282 = arith.constant 0 : i32
      %dma_start3A_283 = tpu.memref_slice %arg10[%add3A_55, %dma_start3A_282] : memref<8192x64xf32, #tpu.memory_space<vmem_shared>> -> memref<16x64xf32, #tpu.memory_space<vmem_shared>>
      %dma_start3A_284 = arith.constant 0 : i32
      %dma_start3A_285 = tpu.memref_slice %arg10[%add3A_55, %dma_start3A_284] : memref<8192x64xf32, #tpu.memory_space<vmem_shared>> -> memref<16x64xf32, #tpu.memory_space<vmem_shared>>
      tpu.enqueue_dma source(%arg9 : memref<16x64xf32, #tpu.memory_space<vmem>>) target(%dma_start3A_285 : memref<16x64xf32, #tpu.memory_space<vmem_shared>>) target_semaphore(%run_scoped3A : memref<!tpu.dma_semaphore, #tpu.memory_space<semaphore_mem>>)
      %dma_wait3A_286 = arith.constant 0 : i32
      %dma_wait3A_287 = tpu.memref_slice %arg10[%add3A_55, %dma_wait3A_286] : memref<8192x64xf32, #tpu.memory_space<vmem_shared>> -> memref<16x64xf32, #tpu.memory_space<vmem_shared>>
      %dma_wait3A_288 = arith.constant 0 : i32
      %dma_wait3A_289 = tpu.memref_slice %arg10[%add3A_55, %dma_wait3A_288] : memref<8192x64xf32, #tpu.memory_space<vmem_shared>> -> memref<16x64xf32, #tpu.memory_space<vmem_shared>>
      tpu.wait_dma2 semaphore(%run_scoped3A : memref<!tpu.dma_semaphore, #tpu.memory_space<semaphore_mem>>) src(%arg9 : memref<16x64xf32, #tpu.memory_space<vmem>>) dst(%dma_wait3A_289 : memref<16x64xf32, #tpu.memory_space<vmem_shared>>)
      tpu.yield
    }) : () -> ()
    %add3A_56 = arith.constant 176 : i32
    %add3A_57 = arith.addi %mul3A_2, %add3A_56 : i32
    "tpu.region"() ({
      %run_scoped3A = tpu.sem_alloc : memref<!tpu.dma_semaphore, #tpu.memory_space<semaphore_mem>>
      %dma_start3A_282 = arith.constant 0 : i32
      %dma_start3A_283 = tpu.memref_slice %arg10[%add3A_57, %dma_start3A_282] : memref<8192x64xf32, #tpu.memory_space<vmem_shared>> -> memref<16x64xf32, #tpu.memory_space<vmem_shared>>
      %dma_start3A_284 = arith.constant 0 : i32
      %dma_start3A_285 = tpu.memref_slice %arg10[%add3A_57, %dma_start3A_284] : memref<8192x64xf32, #tpu.memory_space<vmem_shared>> -> memref<16x64xf32, #tpu.memory_space<vmem_shared>>
      tpu.enqueue_dma source(%arg9 : memref<16x64xf32, #tpu.memory_space<vmem>>) target(%dma_start3A_285 : memref<16x64xf32, #tpu.memory_space<vmem_shared>>) target_semaphore(%run_scoped3A : memref<!tpu.dma_semaphore, #tpu.memory_space<semaphore_mem>>)
      %dma_wait3A_286 = arith.constant 0 : i32
      %dma_wait3A_287 = tpu.memref_slice %arg10[%add3A_57, %dma_wait3A_286] : memref<8192x64xf32, #tpu.memory_space<vmem_shared>> -> memref<16x64xf32, #tpu.memory_space<vmem_shared>>
      %dma_wait3A_288 = arith.constant 0 : i32
      %dma_wait3A_289 = tpu.memref_slice %arg10[%add3A_57, %dma_wait3A_288] : memref<8192x64xf32, #tpu.memory_space<vmem_shared>> -> memref<16x64xf32, #tpu.memory_space<vmem_shared>>
      tpu.wait_dma2 semaphore(%run_scoped3A : memref<!tpu.dma_semaphore, #tpu.memory_space<semaphore_mem>>) src(%arg9 : memref<16x64xf32, #tpu.memory_space<vmem>>) dst(%dma_wait3A_289 : memref<16x64xf32, #tpu.memory_space<vmem_shared>>)
      tpu.yield
    }) : () -> ()
    %add3A_58 = arith.constant 192 : i32
    %add3A_59 = arith.addi %mul3A_2, %add3A_58 : i32
    "tpu.region"() ({
      %run_scoped3A = tpu.sem_alloc : memref<!tpu.dma_semaphore, #tpu.memory_space<semaphore_mem>>
      %dma_start3A_282 = arith.constant 0 : i32
      %dma_start3A_283 = tpu.memref_slice %arg10[%add3A_59, %dma_start3A_282] : memref<8192x64xf32, #tpu.memory_space<vmem_shared>> -> memref<16x64xf32, #tpu.memory_space<vmem_shared>>
      %dma_start3A_284 = arith.constant 0 : i32
      %dma_start3A_285 = tpu.memref_slice %arg10[%add3A_59, %dma_start3A_284] : memref<8192x64xf32, #tpu.memory_space<vmem_shared>> -> memref<16x64xf32, #tpu.memory_space<vmem_shared>>
      tpu.enqueue_dma source(%arg9 : memref<16x64xf32, #tpu.memory_space<vmem>>) target(%dma_start3A_285 : memref<16x64xf32, #tpu.memory_space<vmem_shared>>) target_semaphore(%run_scoped3A : memref<!tpu.dma_semaphore, #tpu.memory_space<semaphore_mem>>)
      %dma_wait3A_286 = arith.constant 0 : i32
      %dma_wait3A_287 = tpu.memref_slice %arg10[%add3A_59, %dma_wait3A_286] : memref<8192x64xf32, #tpu.memory_space<vmem_shared>> -> memref<16x64xf32, #tpu.memory_space<vmem_shared>>
      %dma_wait3A_288 = arith.constant 0 : i32
      %dma_wait3A_289 = tpu.memref_slice %arg10[%add3A_59, %dma_wait3A_288] : memref<8192x64xf32, #tpu.memory_space<vmem_shared>> -> memref<16x64xf32, #tpu.memory_space<vmem_shared>>
      tpu.wait_dma2 semaphore(%run_scoped3A : memref<!tpu.dma_semaphore, #tpu.memory_space<semaphore_mem>>) src(%arg9 : memref<16x64xf32, #tpu.memory_space<vmem>>) dst(%dma_wait3A_289 : memref<16x64xf32, #tpu.memory_space<vmem_shared>>)
      tpu.yield
    }) : () -> ()
    %add3A_60 = arith.constant 208 : i32
    %add3A_61 = arith.addi %mul3A_2, %add3A_60 : i32
    "tpu.region"() ({
      %run_scoped3A = tpu.sem_alloc : memref<!tpu.dma_semaphore, #tpu.memory_space<semaphore_mem>>
      %dma_start3A_282 = arith.constant 0 : i32
      %dma_start3A_283 = tpu.memref_slice %arg10[%add3A_61, %dma_start3A_282] : memref<8192x64xf32, #tpu.memory_space<vmem_shared>> -> memref<16x64xf32, #tpu.memory_space<vmem_shared>>
      %dma_start3A_284 = arith.constant 0 : i32
      %dma_start3A_285 = tpu.memref_slice %arg10[%add3A_61, %dma_start3A_284] : memref<8192x64xf32, #tpu.memory_space<vmem_shared>> -> memref<16x64xf32, #tpu.memory_space<vmem_shared>>
      tpu.enqueue_dma source(%arg9 : memref<16x64xf32, #tpu.memory_space<vmem>>) target(%dma_start3A_285 : memref<16x64xf32, #tpu.memory_space<vmem_shared>>) target_semaphore(%run_scoped3A : memref<!tpu.dma_semaphore, #tpu.memory_space<semaphore_mem>>)
      %dma_wait3A_286 = arith.constant 0 : i32
      %dma_wait3A_287 = tpu.memref_slice %arg10[%add3A_61, %dma_wait3A_286] : memref<8192x64xf32, #tpu.memory_space<vmem_shared>> -> memref<16x64xf32, #tpu.memory_space<vmem_shared>>
      %dma_wait3A_288 = arith.constant 0 : i32
      %dma_wait3A_289 = tpu.memref_slice %arg10[%add3A_61, %dma_wait3A_288] : memref<8192x64xf32, #tpu.memory_space<vmem_shared>> -> memref<16x64xf32, #tpu.memory_space<vmem_shared>>
      tpu.wait_dma2 semaphore(%run_scoped3A : memref<!tpu.dma_semaphore, #tpu.memory_space<semaphore_mem>>) src(%arg9 : memref<16x64xf32, #tpu.memory_space<vmem>>) dst(%dma_wait3A_289 : memref<16x64xf32, #tpu.memory_space<vmem_shared>>)
      tpu.yield
    }) : () -> ()
    %add3A_62 = arith.constant 224 : i32
    %add3A_63 = arith.addi %mul3A_2, %add3A_62 : i32
    "tpu.region"() ({
      %run_scoped3A = tpu.sem_alloc : memref<!tpu.dma_semaphore, #tpu.memory_space<semaphore_mem>>
      %dma_start3A_282 = arith.constant 0 : i32
      %dma_start3A_283 = tpu.memref_slice %arg10[%add3A_63, %dma_start3A_282] : memref<8192x64xf32, #tpu.memory_space<vmem_shared>> -> memref<16x64xf32, #tpu.memory_space<vmem_shared>>
      %dma_start3A_284 = arith.constant 0 : i32
      %dma_start3A_285 = tpu.memref_slice %arg10[%add3A_63, %dma_start3A_284] : memref<8192x64xf32, #tpu.memory_space<vmem_shared>> -> memref<16x64xf32, #tpu.memory_space<vmem_shared>>
      tpu.enqueue_dma source(%arg9 : memref<16x64xf32, #tpu.memory_space<vmem>>) target(%dma_start3A_285 : memref<16x64xf32, #tpu.memory_space<vmem_shared>>) target_semaphore(%run_scoped3A : memref<!tpu.dma_semaphore, #tpu.memory_space<semaphore_mem>>)
      %dma_wait3A_286 = arith.constant 0 : i32
      %dma_wait3A_287 = tpu.memref_slice %arg10[%add3A_63, %dma_wait3A_286] : memref<8192x64xf32, #tpu.memory_space<vmem_shared>> -> memref<16x64xf32, #tpu.memory_space<vmem_shared>>
      %dma_wait3A_288 = arith.constant 0 : i32
      %dma_wait3A_289 = tpu.memref_slice %arg10[%add3A_63, %dma_wait3A_288] : memref<8192x64xf32, #tpu.memory_space<vmem_shared>> -> memref<16x64xf32, #tpu.memory_space<vmem_shared>>
      tpu.wait_dma2 semaphore(%run_scoped3A : memref<!tpu.dma_semaphore, #tpu.memory_space<semaphore_mem>>) src(%arg9 : memref<16x64xf32, #tpu.memory_space<vmem>>) dst(%dma_wait3A_289 : memref<16x64xf32, #tpu.memory_space<vmem_shared>>)
      tpu.yield
    }) : () -> ()
    %add3A_64 = arith.constant 240 : i32
    %add3A_65 = arith.addi %mul3A_2, %add3A_64 : i32
    "tpu.region"() ({
      %run_scoped3A = tpu.sem_alloc : memref<!tpu.dma_semaphore, #tpu.memory_space<semaphore_mem>>
      %dma_start3A_282 = arith.constant 0 : i32
      %dma_start3A_283 = tpu.memref_slice %arg10[%add3A_65, %dma_start3A_282] : memref<8192x64xf32, #tpu.memory_space<vmem_shared>> -> memref<16x64xf32, #tpu.memory_space<vmem_shared>>
      %dma_start3A_284 = arith.constant 0 : i32
      %dma_start3A_285 = tpu.memref_slice %arg10[%add3A_65, %dma_start3A_284] : memref<8192x64xf32, #tpu.memory_space<vmem_shared>> -> memref<16x64xf32, #tpu.memory_space<vmem_shared>>
      tpu.enqueue_dma source(%arg9 : memref<16x64xf32, #tpu.memory_space<vmem>>) target(%dma_start3A_285 : memref<16x64xf32, #tpu.memory_space<vmem_shared>>) target_semaphore(%run_scoped3A : memref<!tpu.dma_semaphore, #tpu.memory_space<semaphore_mem>>)
      %dma_wait3A_286 = arith.constant 0 : i32
      %dma_wait3A_287 = tpu.memref_slice %arg10[%add3A_65, %dma_wait3A_286] : memref<8192x64xf32, #tpu.memory_space<vmem_shared>> -> memref<16x64xf32, #tpu.memory_space<vmem_shared>>
      %dma_wait3A_288 = arith.constant 0 : i32
      %dma_wait3A_289 = tpu.memref_slice %arg10[%add3A_65, %dma_wait3A_288] : memref<8192x64xf32, #tpu.memory_space<vmem_shared>> -> memref<16x64xf32, #tpu.memory_space<vmem_shared>>
      tpu.wait_dma2 semaphore(%run_scoped3A : memref<!tpu.dma_semaphore, #tpu.memory_space<semaphore_mem>>) src(%arg9 : memref<16x64xf32, #tpu.memory_space<vmem>>) dst(%dma_wait3A_289 : memref<16x64xf32, #tpu.memory_space<vmem_shared>>)
      tpu.yield
    }) : () -> ()
    %add3A_66 = arith.constant 256 : i32
    %add3A_67 = arith.addi %mul3A_2, %add3A_66 : i32
    "tpu.region"() ({
      %run_scoped3A = tpu.sem_alloc : memref<!tpu.dma_semaphore, #tpu.memory_space<semaphore_mem>>
      %dma_start3A_282 = arith.constant 0 : i32
      %dma_start3A_283 = tpu.memref_slice %arg10[%add3A_67, %dma_start3A_282] : memref<8192x64xf32, #tpu.memory_space<vmem_shared>> -> memref<16x64xf32, #tpu.memory_space<vmem_shared>>
      %dma_start3A_284 = arith.constant 0 : i32
      %dma_start3A_285 = tpu.memref_slice %arg10[%add3A_67, %dma_start3A_284] : memref<8192x64xf32, #tpu.memory_space<vmem_shared>> -> memref<16x64xf32, #tpu.memory_space<vmem_shared>>
      tpu.enqueue_dma source(%arg9 : memref<16x64xf32, #tpu.memory_space<vmem>>) target(%dma_start3A_285 : memref<16x64xf32, #tpu.memory_space<vmem_shared>>) target_semaphore(%run_scoped3A : memref<!tpu.dma_semaphore, #tpu.memory_space<semaphore_mem>>)
      %dma_wait3A_286 = arith.constant 0 : i32
      %dma_wait3A_287 = tpu.memref_slice %arg10[%add3A_67, %dma_wait3A_286] : memref<8192x64xf32, #tpu.memory_space<vmem_shared>> -> memref<16x64xf32, #tpu.memory_space<vmem_shared>>
      %dma_wait3A_288 = arith.constant 0 : i32
      %dma_wait3A_289 = tpu.memref_slice %arg10[%add3A_67, %dma_wait3A_288] : memref<8192x64xf32, #tpu.memory_space<vmem_shared>> -> memref<16x64xf32, #tpu.memory_space<vmem_shared>>
      tpu.wait_dma2 semaphore(%run_scoped3A : memref<!tpu.dma_semaphore, #tpu.memory_space<semaphore_mem>>) src(%arg9 : memref<16x64xf32, #tpu.memory_space<vmem>>) dst(%dma_wait3A_289 : memref<16x64xf32, #tpu.memory_space<vmem_shared>>)
      tpu.yield
    }) : () -> ()
    %add3A_68 = arith.constant 272 : i32
    %add3A_69 = arith.addi %mul3A_2, %add3A_68 : i32
    "tpu.region"() ({
      %run_scoped3A = tpu.sem_alloc : memref<!tpu.dma_semaphore, #tpu.memory_space<semaphore_mem>>
      %dma_start3A_282 = arith.constant 0 : i32
      %dma_start3A_283 = tpu.memref_slice %arg10[%add3A_69, %dma_start3A_282] : memref<8192x64xf32, #tpu.memory_space<vmem_shared>> -> memref<16x64xf32, #tpu.memory_space<vmem_shared>>
      %dma_start3A_284 = arith.constant 0 : i32
      %dma_start3A_285 = tpu.memref_slice %arg10[%add3A_69, %dma_start3A_284] : memref<8192x64xf32, #tpu.memory_space<vmem_shared>> -> memref<16x64xf32, #tpu.memory_space<vmem_shared>>
      tpu.enqueue_dma source(%arg9 : memref<16x64xf32, #tpu.memory_space<vmem>>) target(%dma_start3A_285 : memref<16x64xf32, #tpu.memory_space<vmem_shared>>) target_semaphore(%run_scoped3A : memref<!tpu.dma_semaphore, #tpu.memory_space<semaphore_mem>>)
      %dma_wait3A_286 = arith.constant 0 : i32
      %dma_wait3A_287 = tpu.memref_slice %arg10[%add3A_69, %dma_wait3A_286] : memref<8192x64xf32, #tpu.memory_space<vmem_shared>> -> memref<16x64xf32, #tpu.memory_space<vmem_shared>>
      %dma_wait3A_288 = arith.constant 0 : i32
      %dma_wait3A_289 = tpu.memref_slice %arg10[%add3A_69, %dma_wait3A_288] : memref<8192x64xf32, #tpu.memory_space<vmem_shared>> -> memref<16x64xf32, #tpu.memory_space<vmem_shared>>
      tpu.wait_dma2 semaphore(%run_scoped3A : memref<!tpu.dma_semaphore, #tpu.memory_space<semaphore_mem>>) src(%arg9 : memref<16x64xf32, #tpu.memory_space<vmem>>) dst(%dma_wait3A_289 : memref<16x64xf32, #tpu.memory_space<vmem_shared>>)
      tpu.yield
    }) : () -> ()
    %add3A_70 = arith.constant 288 : i32
    %add3A_71 = arith.addi %mul3A_2, %add3A_70 : i32
    "tpu.region"() ({
      %run_scoped3A = tpu.sem_alloc : memref<!tpu.dma_semaphore, #tpu.memory_space<semaphore_mem>>
      %dma_start3A_282 = arith.constant 0 : i32
      %dma_start3A_283 = tpu.memref_slice %arg10[%add3A_71, %dma_start3A_282] : memref<8192x64xf32, #tpu.memory_space<vmem_shared>> -> memref<16x64xf32, #tpu.memory_space<vmem_shared>>
      %dma_start3A_284 = arith.constant 0 : i32
      %dma_start3A_285 = tpu.memref_slice %arg10[%add3A_71, %dma_start3A_284] : memref<8192x64xf32, #tpu.memory_space<vmem_shared>> -> memref<16x64xf32, #tpu.memory_space<vmem_shared>>
      tpu.enqueue_dma source(%arg9 : memref<16x64xf32, #tpu.memory_space<vmem>>) target(%dma_start3A_285 : memref<16x64xf32, #tpu.memory_space<vmem_shared>>) target_semaphore(%run_scoped3A : memref<!tpu.dma_semaphore, #tpu.memory_space<semaphore_mem>>)
      %dma_wait3A_286 = arith.constant 0 : i32
      %dma_wait3A_287 = tpu.memref_slice %arg10[%add3A_71, %dma_wait3A_286] : memref<8192x64xf32, #tpu.memory_space<vmem_shared>> -> memref<16x64xf32, #tpu.memory_space<vmem_shared>>
      %dma_wait3A_288 = arith.constant 0 : i32
      %dma_wait3A_289 = tpu.memref_slice %arg10[%add3A_71, %dma_wait3A_288] : memref<8192x64xf32, #tpu.memory_space<vmem_shared>> -> memref<16x64xf32, #tpu.memory_space<vmem_shared>>
      tpu.wait_dma2 semaphore(%run_scoped3A : memref<!tpu.dma_semaphore, #tpu.memory_space<semaphore_mem>>) src(%arg9 : memref<16x64xf32, #tpu.memory_space<vmem>>) dst(%dma_wait3A_289 : memref<16x64xf32, #tpu.memory_space<vmem_shared>>)
      tpu.yield
    }) : () -> ()
    %add3A_72 = arith.constant 304 : i32
    %add3A_73 = arith.addi %mul3A_2, %add3A_72 : i32
    "tpu.region"() ({
      %run_scoped3A = tpu.sem_alloc : memref<!tpu.dma_semaphore, #tpu.memory_space<semaphore_mem>>
      %dma_start3A_282 = arith.constant 0 : i32
      %dma_start3A_283 = tpu.memref_slice %arg10[%add3A_73, %dma_start3A_282] : memref<8192x64xf32, #tpu.memory_space<vmem_shared>> -> memref<16x64xf32, #tpu.memory_space<vmem_shared>>
      %dma_start3A_284 = arith.constant 0 : i32
      %dma_start3A_285 = tpu.memref_slice %arg10[%add3A_73, %dma_start3A_284] : memref<8192x64xf32, #tpu.memory_space<vmem_shared>> -> memref<16x64xf32, #tpu.memory_space<vmem_shared>>
      tpu.enqueue_dma source(%arg9 : memref<16x64xf32, #tpu.memory_space<vmem>>) target(%dma_start3A_285 : memref<16x64xf32, #tpu.memory_space<vmem_shared>>) target_semaphore(%run_scoped3A : memref<!tpu.dma_semaphore, #tpu.memory_space<semaphore_mem>>)
      %dma_wait3A_286 = arith.constant 0 : i32
      %dma_wait3A_287 = tpu.memref_slice %arg10[%add3A_73, %dma_wait3A_286] : memref<8192x64xf32, #tpu.memory_space<vmem_shared>> -> memref<16x64xf32, #tpu.memory_space<vmem_shared>>
      %dma_wait3A_288 = arith.constant 0 : i32
      %dma_wait3A_289 = tpu.memref_slice %arg10[%add3A_73, %dma_wait3A_288] : memref<8192x64xf32, #tpu.memory_space<vmem_shared>> -> memref<16x64xf32, #tpu.memory_space<vmem_shared>>
      tpu.wait_dma2 semaphore(%run_scoped3A : memref<!tpu.dma_semaphore, #tpu.memory_space<semaphore_mem>>) src(%arg9 : memref<16x64xf32, #tpu.memory_space<vmem>>) dst(%dma_wait3A_289 : memref<16x64xf32, #tpu.memory_space<vmem_shared>>)
      tpu.yield
    }) : () -> ()
    %add3A_74 = arith.constant 320 : i32
    %add3A_75 = arith.addi %mul3A_2, %add3A_74 : i32
    "tpu.region"() ({
      %run_scoped3A = tpu.sem_alloc : memref<!tpu.dma_semaphore, #tpu.memory_space<semaphore_mem>>
      %dma_start3A_282 = arith.constant 0 : i32
      %dma_start3A_283 = tpu.memref_slice %arg10[%add3A_75, %dma_start3A_282] : memref<8192x64xf32, #tpu.memory_space<vmem_shared>> -> memref<16x64xf32, #tpu.memory_space<vmem_shared>>
      %dma_start3A_284 = arith.constant 0 : i32
      %dma_start3A_285 = tpu.memref_slice %arg10[%add3A_75, %dma_start3A_284] : memref<8192x64xf32, #tpu.memory_space<vmem_shared>> -> memref<16x64xf32, #tpu.memory_space<vmem_shared>>
      tpu.enqueue_dma source(%arg9 : memref<16x64xf32, #tpu.memory_space<vmem>>) target(%dma_start3A_285 : memref<16x64xf32, #tpu.memory_space<vmem_shared>>) target_semaphore(%run_scoped3A : memref<!tpu.dma_semaphore, #tpu.memory_space<semaphore_mem>>)
      %dma_wait3A_286 = arith.constant 0 : i32
      %dma_wait3A_287 = tpu.memref_slice %arg10[%add3A_75, %dma_wait3A_286] : memref<8192x64xf32, #tpu.memory_space<vmem_shared>> -> memref<16x64xf32, #tpu.memory_space<vmem_shared>>
      %dma_wait3A_288 = arith.constant 0 : i32
      %dma_wait3A_289 = tpu.memref_slice %arg10[%add3A_75, %dma_wait3A_288] : memref<8192x64xf32, #tpu.memory_space<vmem_shared>> -> memref<16x64xf32, #tpu.memory_space<vmem_shared>>
      tpu.wait_dma2 semaphore(%run_scoped3A : memref<!tpu.dma_semaphore, #tpu.memory_space<semaphore_mem>>) src(%arg9 : memref<16x64xf32, #tpu.memory_space<vmem>>) dst(%dma_wait3A_289 : memref<16x64xf32, #tpu.memory_space<vmem_shared>>)
      tpu.yield
    }) : () -> ()
    %add3A_76 = arith.constant 336 : i32
    %add3A_77 = arith.addi %mul3A_2, %add3A_76 : i32
    "tpu.region"() ({
      %run_scoped3A = tpu.sem_alloc : memref<!tpu.dma_semaphore, #tpu.memory_space<semaphore_mem>>
      %dma_start3A_282 = arith.constant 0 : i32
      %dma_start3A_283 = tpu.memref_slice %arg10[%add3A_77, %dma_start3A_282] : memref<8192x64xf32, #tpu.memory_space<vmem_shared>> -> memref<16x64xf32, #tpu.memory_space<vmem_shared>>
      %dma_start3A_284 = arith.constant 0 : i32
      %dma_start3A_285 = tpu.memref_slice %arg10[%add3A_77, %dma_start3A_284] : memref<8192x64xf32, #tpu.memory_space<vmem_shared>> -> memref<16x64xf32, #tpu.memory_space<vmem_shared>>
      tpu.enqueue_dma source(%arg9 : memref<16x64xf32, #tpu.memory_space<vmem>>) target(%dma_start3A_285 : memref<16x64xf32, #tpu.memory_space<vmem_shared>>) target_semaphore(%run_scoped3A : memref<!tpu.dma_semaphore, #tpu.memory_space<semaphore_mem>>)
      %dma_wait3A_286 = arith.constant 0 : i32
      %dma_wait3A_287 = tpu.memref_slice %arg10[%add3A_77, %dma_wait3A_286] : memref<8192x64xf32, #tpu.memory_space<vmem_shared>> -> memref<16x64xf32, #tpu.memory_space<vmem_shared>>
      %dma_wait3A_288 = arith.constant 0 : i32
      %dma_wait3A_289 = tpu.memref_slice %arg10[%add3A_77, %dma_wait3A_288] : memref<8192x64xf32, #tpu.memory_space<vmem_shared>> -> memref<16x64xf32, #tpu.memory_space<vmem_shared>>
      tpu.wait_dma2 semaphore(%run_scoped3A : memref<!tpu.dma_semaphore, #tpu.memory_space<semaphore_mem>>) src(%arg9 : memref<16x64xf32, #tpu.memory_space<vmem>>) dst(%dma_wait3A_289 : memref<16x64xf32, #tpu.memory_space<vmem_shared>>)
      tpu.yield
    }) : () -> ()
    %add3A_78 = arith.constant 352 : i32
    %add3A_79 = arith.addi %mul3A_2, %add3A_78 : i32
    "tpu.region"() ({
      %run_scoped3A = tpu.sem_alloc : memref<!tpu.dma_semaphore, #tpu.memory_space<semaphore_mem>>
      %dma_start3A_282 = arith.constant 0 : i32
      %dma_start3A_283 = tpu.memref_slice %arg10[%add3A_79, %dma_start3A_282] : memref<8192x64xf32, #tpu.memory_space<vmem_shared>> -> memref<16x64xf32, #tpu.memory_space<vmem_shared>>
      %dma_start3A_284 = arith.constant 0 : i32
      %dma_start3A_285 = tpu.memref_slice %arg10[%add3A_79, %dma_start3A_284] : memref<8192x64xf32, #tpu.memory_space<vmem_shared>> -> memref<16x64xf32, #tpu.memory_space<vmem_shared>>
      tpu.enqueue_dma source(%arg9 : memref<16x64xf32, #tpu.memory_space<vmem>>) target(%dma_start3A_285 : memref<16x64xf32, #tpu.memory_space<vmem_shared>>) target_semaphore(%run_scoped3A : memref<!tpu.dma_semaphore, #tpu.memory_space<semaphore_mem>>)
      %dma_wait3A_286 = arith.constant 0 : i32
      %dma_wait3A_287 = tpu.memref_slice %arg10[%add3A_79, %dma_wait3A_286] : memref<8192x64xf32, #tpu.memory_space<vmem_shared>> -> memref<16x64xf32, #tpu.memory_space<vmem_shared>>
      %dma_wait3A_288 = arith.constant 0 : i32
      %dma_wait3A_289 = tpu.memref_slice %arg10[%add3A_79, %dma_wait3A_288] : memref<8192x64xf32, #tpu.memory_space<vmem_shared>> -> memref<16x64xf32, #tpu.memory_space<vmem_shared>>
      tpu.wait_dma2 semaphore(%run_scoped3A : memref<!tpu.dma_semaphore, #tpu.memory_space<semaphore_mem>>) src(%arg9 : memref<16x64xf32, #tpu.memory_space<vmem>>) dst(%dma_wait3A_289 : memref<16x64xf32, #tpu.memory_space<vmem_shared>>)
      tpu.yield
    }) : () -> ()
    %add3A_80 = arith.constant 368 : i32
    %add3A_81 = arith.addi %mul3A_2, %add3A_80 : i32
    "tpu.region"() ({
      %run_scoped3A = tpu.sem_alloc : memref<!tpu.dma_semaphore, #tpu.memory_space<semaphore_mem>>
      %dma_start3A_282 = arith.constant 0 : i32
      %dma_start3A_283 = tpu.memref_slice %arg10[%add3A_81, %dma_start3A_282] : memref<8192x64xf32, #tpu.memory_space<vmem_shared>> -> memref<16x64xf32, #tpu.memory_space<vmem_shared>>
      %dma_start3A_284 = arith.constant 0 : i32
      %dma_start3A_285 = tpu.memref_slice %arg10[%add3A_81, %dma_start3A_284] : memref<8192x64xf32, #tpu.memory_space<vmem_shared>> -> memref<16x64xf32, #tpu.memory_space<vmem_shared>>
      tpu.enqueue_dma source(%arg9 : memref<16x64xf32, #tpu.memory_space<vmem>>) target(%dma_start3A_285 : memref<16x64xf32, #tpu.memory_space<vmem_shared>>) target_semaphore(%run_scoped3A : memref<!tpu.dma_semaphore, #tpu.memory_space<semaphore_mem>>)
      %dma_wait3A_286 = arith.constant 0 : i32
      %dma_wait3A_287 = tpu.memref_slice %arg10[%add3A_81, %dma_wait3A_286] : memref<8192x64xf32, #tpu.memory_space<vmem_shared>> -> memref<16x64xf32, #tpu.memory_space<vmem_shared>>
      %dma_wait3A_288 = arith.constant 0 : i32
      %dma_wait3A_289 = tpu.memref_slice %arg10[%add3A_81, %dma_wait3A_288] : memref<8192x64xf32, #tpu.memory_space<vmem_shared>> -> memref<16x64xf32, #tpu.memory_space<vmem_shared>>
      tpu.wait_dma2 semaphore(%run_scoped3A : memref<!tpu.dma_semaphore, #tpu.memory_space<semaphore_mem>>) src(%arg9 : memref<16x64xf32, #tpu.memory_space<vmem>>) dst(%dma_wait3A_289 : memref<16x64xf32, #tpu.memory_space<vmem_shared>>)
      tpu.yield
    }) : () -> ()
    %add3A_82 = arith.constant 384 : i32
    %add3A_83 = arith.addi %mul3A_2, %add3A_82 : i32
    "tpu.region"() ({
      %run_scoped3A = tpu.sem_alloc : memref<!tpu.dma_semaphore, #tpu.memory_space<semaphore_mem>>
      %dma_start3A_282 = arith.constant 0 : i32
      %dma_start3A_283 = tpu.memref_slice %arg10[%add3A_83, %dma_start3A_282] : memref<8192x64xf32, #tpu.memory_space<vmem_shared>> -> memref<16x64xf32, #tpu.memory_space<vmem_shared>>
      %dma_start3A_284 = arith.constant 0 : i32
      %dma_start3A_285 = tpu.memref_slice %arg10[%add3A_83, %dma_start3A_284] : memref<8192x64xf32, #tpu.memory_space<vmem_shared>> -> memref<16x64xf32, #tpu.memory_space<vmem_shared>>
      tpu.enqueue_dma source(%arg9 : memref<16x64xf32, #tpu.memory_space<vmem>>) target(%dma_start3A_285 : memref<16x64xf32, #tpu.memory_space<vmem_shared>>) target_semaphore(%run_scoped3A : memref<!tpu.dma_semaphore, #tpu.memory_space<semaphore_mem>>)
      %dma_wait3A_286 = arith.constant 0 : i32
      %dma_wait3A_287 = tpu.memref_slice %arg10[%add3A_83, %dma_wait3A_286] : memref<8192x64xf32, #tpu.memory_space<vmem_shared>> -> memref<16x64xf32, #tpu.memory_space<vmem_shared>>
      %dma_wait3A_288 = arith.constant 0 : i32
      %dma_wait3A_289 = tpu.memref_slice %arg10[%add3A_83, %dma_wait3A_288] : memref<8192x64xf32, #tpu.memory_space<vmem_shared>> -> memref<16x64xf32, #tpu.memory_space<vmem_shared>>
      tpu.wait_dma2 semaphore(%run_scoped3A : memref<!tpu.dma_semaphore, #tpu.memory_space<semaphore_mem>>) src(%arg9 : memref<16x64xf32, #tpu.memory_space<vmem>>) dst(%dma_wait3A_289 : memref<16x64xf32, #tpu.memory_space<vmem_shared>>)
      tpu.yield
    }) : () -> ()
    %add3A_84 = arith.constant 400 : i32
    %add3A_85 = arith.addi %mul3A_2, %add3A_84 : i32
    "tpu.region"() ({
      %run_scoped3A = tpu.sem_alloc : memref<!tpu.dma_semaphore, #tpu.memory_space<semaphore_mem>>
      %dma_start3A_282 = arith.constant 0 : i32
      %dma_start3A_283 = tpu.memref_slice %arg10[%add3A_85, %dma_start3A_282] : memref<8192x64xf32, #tpu.memory_space<vmem_shared>> -> memref<16x64xf32, #tpu.memory_space<vmem_shared>>
      %dma_start3A_284 = arith.constant 0 : i32
      %dma_start3A_285 = tpu.memref_slice %arg10[%add3A_85, %dma_start3A_284] : memref<8192x64xf32, #tpu.memory_space<vmem_shared>> -> memref<16x64xf32, #tpu.memory_space<vmem_shared>>
      tpu.enqueue_dma source(%arg9 : memref<16x64xf32, #tpu.memory_space<vmem>>) target(%dma_start3A_285 : memref<16x64xf32, #tpu.memory_space<vmem_shared>>) target_semaphore(%run_scoped3A : memref<!tpu.dma_semaphore, #tpu.memory_space<semaphore_mem>>)
      %dma_wait3A_286 = arith.constant 0 : i32
      %dma_wait3A_287 = tpu.memref_slice %arg10[%add3A_85, %dma_wait3A_286] : memref<8192x64xf32, #tpu.memory_space<vmem_shared>> -> memref<16x64xf32, #tpu.memory_space<vmem_shared>>
      %dma_wait3A_288 = arith.constant 0 : i32
      %dma_wait3A_289 = tpu.memref_slice %arg10[%add3A_85, %dma_wait3A_288] : memref<8192x64xf32, #tpu.memory_space<vmem_shared>> -> memref<16x64xf32, #tpu.memory_space<vmem_shared>>
      tpu.wait_dma2 semaphore(%run_scoped3A : memref<!tpu.dma_semaphore, #tpu.memory_space<semaphore_mem>>) src(%arg9 : memref<16x64xf32, #tpu.memory_space<vmem>>) dst(%dma_wait3A_289 : memref<16x64xf32, #tpu.memory_space<vmem_shared>>)
      tpu.yield
    }) : () -> ()
    %add3A_86 = arith.constant 416 : i32
    %add3A_87 = arith.addi %mul3A_2, %add3A_86 : i32
    "tpu.region"() ({
      %run_scoped3A = tpu.sem_alloc : memref<!tpu.dma_semaphore, #tpu.memory_space<semaphore_mem>>
      %dma_start3A_282 = arith.constant 0 : i32
      %dma_start3A_283 = tpu.memref_slice %arg10[%add3A_87, %dma_start3A_282] : memref<8192x64xf32, #tpu.memory_space<vmem_shared>> -> memref<16x64xf32, #tpu.memory_space<vmem_shared>>
      %dma_start3A_284 = arith.constant 0 : i32
      %dma_start3A_285 = tpu.memref_slice %arg10[%add3A_87, %dma_start3A_284] : memref<8192x64xf32, #tpu.memory_space<vmem_shared>> -> memref<16x64xf32, #tpu.memory_space<vmem_shared>>
      tpu.enqueue_dma source(%arg9 : memref<16x64xf32, #tpu.memory_space<vmem>>) target(%dma_start3A_285 : memref<16x64xf32, #tpu.memory_space<vmem_shared>>) target_semaphore(%run_scoped3A : memref<!tpu.dma_semaphore, #tpu.memory_space<semaphore_mem>>)
      %dma_wait3A_286 = arith.constant 0 : i32
      %dma_wait3A_287 = tpu.memref_slice %arg10[%add3A_87, %dma_wait3A_286] : memref<8192x64xf32, #tpu.memory_space<vmem_shared>> -> memref<16x64xf32, #tpu.memory_space<vmem_shared>>
      %dma_wait3A_288 = arith.constant 0 : i32
      %dma_wait3A_289 = tpu.memref_slice %arg10[%add3A_87, %dma_wait3A_288] : memref<8192x64xf32, #tpu.memory_space<vmem_shared>> -> memref<16x64xf32, #tpu.memory_space<vmem_shared>>
      tpu.wait_dma2 semaphore(%run_scoped3A : memref<!tpu.dma_semaphore, #tpu.memory_space<semaphore_mem>>) src(%arg9 : memref<16x64xf32, #tpu.memory_space<vmem>>) dst(%dma_wait3A_289 : memref<16x64xf32, #tpu.memory_space<vmem_shared>>)
      tpu.yield
    }) : () -> ()
    %add3A_88 = arith.constant 432 : i32
    %add3A_89 = arith.addi %mul3A_2, %add3A_88 : i32
    "tpu.region"() ({
      %run_scoped3A = tpu.sem_alloc : memref<!tpu.dma_semaphore, #tpu.memory_space<semaphore_mem>>
      %dma_start3A_282 = arith.constant 0 : i32
      %dma_start3A_283 = tpu.memref_slice %arg10[%add3A_89, %dma_start3A_282] : memref<8192x64xf32, #tpu.memory_space<vmem_shared>> -> memref<16x64xf32, #tpu.memory_space<vmem_shared>>
      %dma_start3A_284 = arith.constant 0 : i32
      %dma_start3A_285 = tpu.memref_slice %arg10[%add3A_89, %dma_start3A_284] : memref<8192x64xf32, #tpu.memory_space<vmem_shared>> -> memref<16x64xf32, #tpu.memory_space<vmem_shared>>
      tpu.enqueue_dma source(%arg9 : memref<16x64xf32, #tpu.memory_space<vmem>>) target(%dma_start3A_285 : memref<16x64xf32, #tpu.memory_space<vmem_shared>>) target_semaphore(%run_scoped3A : memref<!tpu.dma_semaphore, #tpu.memory_space<semaphore_mem>>)
      %dma_wait3A_286 = arith.constant 0 : i32
      %dma_wait3A_287 = tpu.memref_slice %arg10[%add3A_89, %dma_wait3A_286] : memref<8192x64xf32, #tpu.memory_space<vmem_shared>> -> memref<16x64xf32, #tpu.memory_space<vmem_shared>>
      %dma_wait3A_288 = arith.constant 0 : i32
      %dma_wait3A_289 = tpu.memref_slice %arg10[%add3A_89, %dma_wait3A_288] : memref<8192x64xf32, #tpu.memory_space<vmem_shared>> -> memref<16x64xf32, #tpu.memory_space<vmem_shared>>
      tpu.wait_dma2 semaphore(%run_scoped3A : memref<!tpu.dma_semaphore, #tpu.memory_space<semaphore_mem>>) src(%arg9 : memref<16x64xf32, #tpu.memory_space<vmem>>) dst(%dma_wait3A_289 : memref<16x64xf32, #tpu.memory_space<vmem_shared>>)
      tpu.yield
    }) : () -> ()
    %add3A_90 = arith.constant 448 : i32
    %add3A_91 = arith.addi %mul3A_2, %add3A_90 : i32
    "tpu.region"() ({
      %run_scoped3A = tpu.sem_alloc : memref<!tpu.dma_semaphore, #tpu.memory_space<semaphore_mem>>
      %dma_start3A_282 = arith.constant 0 : i32
      %dma_start3A_283 = tpu.memref_slice %arg10[%add3A_91, %dma_start3A_282] : memref<8192x64xf32, #tpu.memory_space<vmem_shared>> -> memref<16x64xf32, #tpu.memory_space<vmem_shared>>
      %dma_start3A_284 = arith.constant 0 : i32
      %dma_start3A_285 = tpu.memref_slice %arg10[%add3A_91, %dma_start3A_284] : memref<8192x64xf32, #tpu.memory_space<vmem_shared>> -> memref<16x64xf32, #tpu.memory_space<vmem_shared>>
      tpu.enqueue_dma source(%arg9 : memref<16x64xf32, #tpu.memory_space<vmem>>) target(%dma_start3A_285 : memref<16x64xf32, #tpu.memory_space<vmem_shared>>) target_semaphore(%run_scoped3A : memref<!tpu.dma_semaphore, #tpu.memory_space<semaphore_mem>>)
      %dma_wait3A_286 = arith.constant 0 : i32
      %dma_wait3A_287 = tpu.memref_slice %arg10[%add3A_91, %dma_wait3A_286] : memref<8192x64xf32, #tpu.memory_space<vmem_shared>> -> memref<16x64xf32, #tpu.memory_space<vmem_shared>>
      %dma_wait3A_288 = arith.constant 0 : i32
      %dma_wait3A_289 = tpu.memref_slice %arg10[%add3A_91, %dma_wait3A_288] : memref<8192x64xf32, #tpu.memory_space<vmem_shared>> -> memref<16x64xf32, #tpu.memory_space<vmem_shared>>
      tpu.wait_dma2 semaphore(%run_scoped3A : memref<!tpu.dma_semaphore, #tpu.memory_space<semaphore_mem>>) src(%arg9 : memref<16x64xf32, #tpu.memory_space<vmem>>) dst(%dma_wait3A_289 : memref<16x64xf32, #tpu.memory_space<vmem_shared>>)
      tpu.yield
    }) : () -> ()
    %add3A_92 = arith.constant 464 : i32
    %add3A_93 = arith.addi %mul3A_2, %add3A_92 : i32
    "tpu.region"() ({
      %run_scoped3A = tpu.sem_alloc : memref<!tpu.dma_semaphore, #tpu.memory_space<semaphore_mem>>
      %dma_start3A_282 = arith.constant 0 : i32
      %dma_start3A_283 = tpu.memref_slice %arg10[%add3A_93, %dma_start3A_282] : memref<8192x64xf32, #tpu.memory_space<vmem_shared>> -> memref<16x64xf32, #tpu.memory_space<vmem_shared>>
      %dma_start3A_284 = arith.constant 0 : i32
      %dma_start3A_285 = tpu.memref_slice %arg10[%add3A_93, %dma_start3A_284] : memref<8192x64xf32, #tpu.memory_space<vmem_shared>> -> memref<16x64xf32, #tpu.memory_space<vmem_shared>>
      tpu.enqueue_dma source(%arg9 : memref<16x64xf32, #tpu.memory_space<vmem>>) target(%dma_start3A_285 : memref<16x64xf32, #tpu.memory_space<vmem_shared>>) target_semaphore(%run_scoped3A : memref<!tpu.dma_semaphore, #tpu.memory_space<semaphore_mem>>)
      %dma_wait3A_286 = arith.constant 0 : i32
      %dma_wait3A_287 = tpu.memref_slice %arg10[%add3A_93, %dma_wait3A_286] : memref<8192x64xf32, #tpu.memory_space<vmem_shared>> -> memref<16x64xf32, #tpu.memory_space<vmem_shared>>
      %dma_wait3A_288 = arith.constant 0 : i32
      %dma_wait3A_289 = tpu.memref_slice %arg10[%add3A_93, %dma_wait3A_288] : memref<8192x64xf32, #tpu.memory_space<vmem_shared>> -> memref<16x64xf32, #tpu.memory_space<vmem_shared>>
      tpu.wait_dma2 semaphore(%run_scoped3A : memref<!tpu.dma_semaphore, #tpu.memory_space<semaphore_mem>>) src(%arg9 : memref<16x64xf32, #tpu.memory_space<vmem>>) dst(%dma_wait3A_289 : memref<16x64xf32, #tpu.memory_space<vmem_shared>>)
      tpu.yield
    }) : () -> ()
    %add3A_94 = arith.constant 480 : i32
    %add3A_95 = arith.addi %mul3A_2, %add3A_94 : i32
    "tpu.region"() ({
      %run_scoped3A = tpu.sem_alloc : memref<!tpu.dma_semaphore, #tpu.memory_space<semaphore_mem>>
      %dma_start3A_282 = arith.constant 0 : i32
      %dma_start3A_283 = tpu.memref_slice %arg10[%add3A_95, %dma_start3A_282] : memref<8192x64xf32, #tpu.memory_space<vmem_shared>> -> memref<16x64xf32, #tpu.memory_space<vmem_shared>>
      %dma_start3A_284 = arith.constant 0 : i32
      %dma_start3A_285 = tpu.memref_slice %arg10[%add3A_95, %dma_start3A_284] : memref<8192x64xf32, #tpu.memory_space<vmem_shared>> -> memref<16x64xf32, #tpu.memory_space<vmem_shared>>
      tpu.enqueue_dma source(%arg9 : memref<16x64xf32, #tpu.memory_space<vmem>>) target(%dma_start3A_285 : memref<16x64xf32, #tpu.memory_space<vmem_shared>>) target_semaphore(%run_scoped3A : memref<!tpu.dma_semaphore, #tpu.memory_space<semaphore_mem>>)
      %dma_wait3A_286 = arith.constant 0 : i32
      %dma_wait3A_287 = tpu.memref_slice %arg10[%add3A_95, %dma_wait3A_286] : memref<8192x64xf32, #tpu.memory_space<vmem_shared>> -> memref<16x64xf32, #tpu.memory_space<vmem_shared>>
      %dma_wait3A_288 = arith.constant 0 : i32
      %dma_wait3A_289 = tpu.memref_slice %arg10[%add3A_95, %dma_wait3A_288] : memref<8192x64xf32, #tpu.memory_space<vmem_shared>> -> memref<16x64xf32, #tpu.memory_space<vmem_shared>>
      tpu.wait_dma2 semaphore(%run_scoped3A : memref<!tpu.dma_semaphore, #tpu.memory_space<semaphore_mem>>) src(%arg9 : memref<16x64xf32, #tpu.memory_space<vmem>>) dst(%dma_wait3A_289 : memref<16x64xf32, #tpu.memory_space<vmem_shared>>)
      tpu.yield
    }) : () -> ()
    %add3A_96 = arith.constant 496 : i32
    %add3A_97 = arith.addi %mul3A_2, %add3A_96 : i32
    "tpu.region"() ({
      %run_scoped3A = tpu.sem_alloc : memref<!tpu.dma_semaphore, #tpu.memory_space<semaphore_mem>>
      %dma_start3A_282 = arith.constant 0 : i32
      %dma_start3A_283 = tpu.memref_slice %arg10[%add3A_97, %dma_start3A_282] : memref<8192x64xf32, #tpu.memory_space<vmem_shared>> -> memref<16x64xf32, #tpu.memory_space<vmem_shared>>
      %dma_start3A_284 = arith.constant 0 : i32
      %dma_start3A_285 = tpu.memref_slice %arg10[%add3A_97, %dma_start3A_284] : memref<8192x64xf32, #tpu.memory_space<vmem_shared>> -> memref<16x64xf32, #tpu.memory_space<vmem_shared>>
      tpu.enqueue_dma source(%arg9 : memref<16x64xf32, #tpu.memory_space<vmem>>) target(%dma_start3A_285 : memref<16x64xf32, #tpu.memory_space<vmem_shared>>) target_semaphore(%run_scoped3A : memref<!tpu.dma_semaphore, #tpu.memory_space<semaphore_mem>>)
      %dma_wait3A_286 = arith.constant 0 : i32
      %dma_wait3A_287 = tpu.memref_slice %arg10[%add3A_97, %dma_wait3A_286] : memref<8192x64xf32, #tpu.memory_space<vmem_shared>> -> memref<16x64xf32, #tpu.memory_space<vmem_shared>>
      %dma_wait3A_288 = arith.constant 0 : i32
      %dma_wait3A_289 = tpu.memref_slice %arg10[%add3A_97, %dma_wait3A_288] : memref<8192x64xf32, #tpu.memory_space<vmem_shared>> -> memref<16x64xf32, #tpu.memory_space<vmem_shared>>
      tpu.wait_dma2 semaphore(%run_scoped3A : memref<!tpu.dma_semaphore, #tpu.memory_space<semaphore_mem>>) src(%arg9 : memref<16x64xf32, #tpu.memory_space<vmem>>) dst(%dma_wait3A_289 : memref<16x64xf32, #tpu.memory_space<vmem_shared>>)
      tpu.yield
    }) : () -> ()
    %barrier3A = arith.constant 0 : index
    tpu.barrier barrier_id(%barrier3A)
    %dma_wait3A = arith.constant 0 : i32
    %dma_wait3A_98 = tpu.memref_slice %arg2[%add3A_8, %dma_wait3A] : memref<32768x64xf32, #tpu.memory_space<hbm>> -> memref<128x64xf32, #tpu.memory_space<hbm>>
    %dma_wait3A_99 = arith.constant 0 : i32
    %dma_wait3A_100 = tpu.memref_slice %arg2[%add3A_8, %dma_wait3A_99] : memref<32768x64xf32, #tpu.memory_space<hbm>> -> memref<128x64xf32, #tpu.memory_space<hbm>>
    tpu.wait_dma2 semaphore(%arg11 : memref<!tpu.dma_semaphore, #tpu.memory_space<semaphore_mem>>) src(%dma_wait3A_100 : memref<128x64xf32, #tpu.memory_space<hbm>>) dst(%arg6 : memref<128x64xf32, #tpu.memory_space<vmem>>)
    %dma_start3A_101 = arith.constant 0 : i32
    %dma_start3A_102 = arith.constant 0 : i32
    %dma_start3A_103 = tpu.memref_slice %arg5[%dma_start3A_101, %dma_start3A_102] : memref<8x128xi32, #tpu.memory_space<vmem>> -> memref<1x128xi32, #tpu.memory_space<vmem>>
    %dma_start3A_104 = tpu.memref_squeeze %dma_start3A_103 : memref<1x128xi32, #tpu.memory_space<vmem>> -> memref<128xi32, #tpu.memory_space<vmem>>
    %dma_start3A_105 = arith.constant 0 : i32
    %dma_start3A_106 = arith.constant 0 : i32
    %dma_start3A_107 = tpu.memref_slice %arg10[%dma_start3A_105, %dma_start3A_106] : memref<8192x64xf32, #tpu.memory_space<vmem_shared>> -> memref<8192x64xf32, #tpu.memory_space<vmem_shared>>
    tpu.enqueue_indirect_dma source(%arg6 : memref<128x64xf32, #tpu.memory_space<vmem>>) target(%dma_start3A_107 : memref<8192x64xf32, #tpu.memory_space<vmem_shared>>) offsets(%dma_start3A_104 : memref<128xi32, #tpu.memory_space<vmem>>) semaphore(%arg14 : memref<!tpu.dma_semaphore, #tpu.memory_space<semaphore_mem>>) {add = true}
    %dma_wait3A_108 = arith.constant 0 : i32
    %dma_wait3A_109 = arith.constant 0 : i32
    %dma_wait3A_110 = tpu.memref_slice %arg5[%dma_wait3A_108, %dma_wait3A_109] : memref<8x128xi32, #tpu.memory_space<vmem>> -> memref<1x128xi32, #tpu.memory_space<vmem>>
    %dma_wait3A_111 = tpu.memref_squeeze %dma_wait3A_110 : memref<1x128xi32, #tpu.memory_space<vmem>> -> memref<128xi32, #tpu.memory_space<vmem>>
    %dma_wait3A_112 = arith.constant 0 : i32
    %dma_wait3A_113 = arith.constant 0 : i32
    %dma_wait3A_114 = tpu.memref_slice %arg10[%dma_wait3A_112, %dma_wait3A_113] : memref<8192x64xf32, #tpu.memory_space<vmem_shared>> -> memref<8192x64xf32, #tpu.memory_space<vmem_shared>>
    tpu.wait_indirect_dma semaphore(%arg14 : memref<!tpu.dma_semaphore, #tpu.memory_space<semaphore_mem>>) src(%arg6 : memref<128x64xf32, #tpu.memory_space<vmem>>) dst(%dma_wait3A_114 : memref<8192x64xf32, #tpu.memory_space<vmem_shared>>)
    %mul3A_115 = arith.constant 1024 : i32
    %mul3A_116 = arith.muli %add3A, %mul3A_115 : i32
    %add3A_117 = arith.constant 384 : i32
    %add3A_118 = arith.addi %mul3A_116, %add3A_117 : i32
    %dma_start3A_119 = arith.constant 0 : i32
    %dma_start3A_120 = tpu.memref_slice %arg2[%add3A_118, %dma_start3A_119] : memref<32768x64xf32, #tpu.memory_space<hbm>> -> memref<128x64xf32, #tpu.memory_space<hbm>>
    %dma_start3A_121 = arith.constant 0 : i32
    %dma_start3A_122 = tpu.memref_slice %arg2[%add3A_118, %dma_start3A_121] : memref<32768x64xf32, #tpu.memory_space<hbm>> -> memref<128x64xf32, #tpu.memory_space<hbm>>
    tpu.enqueue_dma source(%dma_start3A_122 : memref<128x64xf32, #tpu.memory_space<hbm>>) target(%arg6 : memref<128x64xf32, #tpu.memory_space<vmem>>) target_semaphore(%arg11 : memref<!tpu.dma_semaphore, #tpu.memory_space<semaphore_mem>>)
    %dma_wait3A_123 = arith.constant 0 : i32
    %dma_wait3A_124 = tpu.memref_slice %arg2[%add3A_15, %dma_wait3A_123] : memref<32768x64xf32, #tpu.memory_space<hbm>> -> memref<128x64xf32, #tpu.memory_space<hbm>>
    %dma_wait3A_125 = arith.constant 0 : i32
    %dma_wait3A_126 = tpu.memref_slice %arg2[%add3A_15, %dma_wait3A_125] : memref<32768x64xf32, #tpu.memory_space<hbm>> -> memref<128x64xf32, #tpu.memory_space<hbm>>
    tpu.wait_dma2 semaphore(%arg12 : memref<!tpu.dma_semaphore, #tpu.memory_space<semaphore_mem>>) src(%dma_wait3A_126 : memref<128x64xf32, #tpu.memory_space<hbm>>) dst(%arg7 : memref<128x64xf32, #tpu.memory_space<vmem>>)
    %dma_start3A_127 = arith.constant 1 : i32
    %dma_start3A_128 = arith.constant 0 : i32
    %dma_start3A_129 = tpu.memref_slice %arg5[%dma_start3A_127, %dma_start3A_128] : memref<8x128xi32, #tpu.memory_space<vmem>> -> memref<1x128xi32, #tpu.memory_space<vmem>>
    %dma_start3A_130 = tpu.memref_squeeze %dma_start3A_129 : memref<1x128xi32, #tpu.memory_space<vmem>> -> memref<128xi32, #tpu.memory_space<vmem>>
    %dma_start3A_131 = arith.constant 0 : i32
    %dma_start3A_132 = arith.constant 0 : i32
    %dma_start3A_133 = tpu.memref_slice %arg10[%dma_start3A_131, %dma_start3A_132] : memref<8192x64xf32, #tpu.memory_space<vmem_shared>> -> memref<8192x64xf32, #tpu.memory_space<vmem_shared>>
    tpu.enqueue_indirect_dma source(%arg7 : memref<128x64xf32, #tpu.memory_space<vmem>>) target(%dma_start3A_133 : memref<8192x64xf32, #tpu.memory_space<vmem_shared>>) offsets(%dma_start3A_130 : memref<128xi32, #tpu.memory_space<vmem>>) semaphore(%arg15 : memref<!tpu.dma_semaphore, #tpu.memory_space<semaphore_mem>>) {add = true}
    %dma_wait3A_134 = arith.constant 1 : i32
    %dma_wait3A_135 = arith.constant 0 : i32
    %dma_wait3A_136 = tpu.memref_slice %arg5[%dma_wait3A_134, %dma_wait3A_135] : memref<8x128xi32, #tpu.memory_space<vmem>> -> memref<1x128xi32, #tpu.memory_space<vmem>>
    %dma_wait3A_137 = tpu.memref_squeeze %dma_wait3A_136 : memref<1x128xi32, #tpu.memory_space<vmem>> -> memref<128xi32, #tpu.memory_space<vmem>>
    %dma_wait3A_138 = arith.constant 0 : i32
    %dma_wait3A_139 = arith.constant 0 : i32
    %dma_wait3A_140 = tpu.memref_slice %arg10[%dma_wait3A_138, %dma_wait3A_139] : memref<8192x64xf32, #tpu.memory_space<vmem_shared>> -> memref<8192x64xf32, #tpu.memory_space<vmem_shared>>
    tpu.wait_indirect_dma semaphore(%arg15 : memref<!tpu.dma_semaphore, #tpu.memory_space<semaphore_mem>>) src(%arg7 : memref<128x64xf32, #tpu.memory_space<vmem>>) dst(%dma_wait3A_140 : memref<8192x64xf32, #tpu.memory_space<vmem_shared>>)
    %mul3A_141 = arith.constant 1024 : i32
    %mul3A_142 = arith.muli %add3A, %mul3A_141 : i32
    %add3A_143 = arith.constant 512 : i32
    %add3A_144 = arith.addi %mul3A_142, %add3A_143 : i32
    %dma_start3A_145 = arith.constant 0 : i32
    %dma_start3A_146 = tpu.memref_slice %arg2[%add3A_144, %dma_start3A_145] : memref<32768x64xf32, #tpu.memory_space<hbm>> -> memref<128x64xf32, #tpu.memory_space<hbm>>
    %dma_start3A_147 = arith.constant 0 : i32
    %dma_start3A_148 = tpu.memref_slice %arg2[%add3A_144, %dma_start3A_147] : memref<32768x64xf32, #tpu.memory_space<hbm>> -> memref<128x64xf32, #tpu.memory_space<hbm>>
    tpu.enqueue_dma source(%dma_start3A_148 : memref<128x64xf32, #tpu.memory_space<hbm>>) target(%arg7 : memref<128x64xf32, #tpu.memory_space<vmem>>) target_semaphore(%arg12 : memref<!tpu.dma_semaphore, #tpu.memory_space<semaphore_mem>>)
    %dma_wait3A_149 = arith.constant 0 : i32
    %dma_wait3A_150 = tpu.memref_slice %arg2[%add3A_23, %dma_wait3A_149] : memref<32768x64xf32, #tpu.memory_space<hbm>> -> memref<128x64xf32, #tpu.memory_space<hbm>>
    %dma_wait3A_151 = arith.constant 0 : i32
    %dma_wait3A_152 = tpu.memref_slice %arg2[%add3A_23, %dma_wait3A_151] : memref<32768x64xf32, #tpu.memory_space<hbm>> -> memref<128x64xf32, #tpu.memory_space<hbm>>
    tpu.wait_dma2 semaphore(%arg13 : memref<!tpu.dma_semaphore, #tpu.memory_space<semaphore_mem>>) src(%dma_wait3A_152 : memref<128x64xf32, #tpu.memory_space<hbm>>) dst(%arg8 : memref<128x64xf32, #tpu.memory_space<vmem>>)
    %dma_start3A_153 = arith.constant 2 : i32
    %dma_start3A_154 = arith.constant 0 : i32
    %dma_start3A_155 = tpu.memref_slice %arg5[%dma_start3A_153, %dma_start3A_154] : memref<8x128xi32, #tpu.memory_space<vmem>> -> memref<1x128xi32, #tpu.memory_space<vmem>>
    %dma_start3A_156 = tpu.memref_squeeze %dma_start3A_155 : memref<1x128xi32, #tpu.memory_space<vmem>> -> memref<128xi32, #tpu.memory_space<vmem>>
    %dma_start3A_157 = arith.constant 0 : i32
    %dma_start3A_158 = arith.constant 0 : i32
    %dma_start3A_159 = tpu.memref_slice %arg10[%dma_start3A_157, %dma_start3A_158] : memref<8192x64xf32, #tpu.memory_space<vmem_shared>> -> memref<8192x64xf32, #tpu.memory_space<vmem_shared>>
    tpu.enqueue_indirect_dma source(%arg8 : memref<128x64xf32, #tpu.memory_space<vmem>>) target(%dma_start3A_159 : memref<8192x64xf32, #tpu.memory_space<vmem_shared>>) offsets(%dma_start3A_156 : memref<128xi32, #tpu.memory_space<vmem>>) semaphore(%arg16 : memref<!tpu.dma_semaphore, #tpu.memory_space<semaphore_mem>>) {add = true}
    %dma_wait3A_160 = arith.constant 2 : i32
    %dma_wait3A_161 = arith.constant 0 : i32
    %dma_wait3A_162 = tpu.memref_slice %arg5[%dma_wait3A_160, %dma_wait3A_161] : memref<8x128xi32, #tpu.memory_space<vmem>> -> memref<1x128xi32, #tpu.memory_space<vmem>>
    %dma_wait3A_163 = tpu.memref_squeeze %dma_wait3A_162 : memref<1x128xi32, #tpu.memory_space<vmem>> -> memref<128xi32, #tpu.memory_space<vmem>>
    %dma_wait3A_164 = arith.constant 0 : i32
    %dma_wait3A_165 = arith.constant 0 : i32
    %dma_wait3A_166 = tpu.memref_slice %arg10[%dma_wait3A_164, %dma_wait3A_165] : memref<8192x64xf32, #tpu.memory_space<vmem_shared>> -> memref<8192x64xf32, #tpu.memory_space<vmem_shared>>
    tpu.wait_indirect_dma semaphore(%arg16 : memref<!tpu.dma_semaphore, #tpu.memory_space<semaphore_mem>>) src(%arg8 : memref<128x64xf32, #tpu.memory_space<vmem>>) dst(%dma_wait3A_166 : memref<8192x64xf32, #tpu.memory_space<vmem_shared>>)
    %mul3A_167 = arith.constant 1024 : i32
    %mul3A_168 = arith.muli %add3A, %mul3A_167 : i32
    %add3A_169 = arith.constant 640 : i32
    %add3A_170 = arith.addi %mul3A_168, %add3A_169 : i32
    %dma_start3A_171 = arith.constant 0 : i32
    %dma_start3A_172 = tpu.memref_slice %arg2[%add3A_170, %dma_start3A_171] : memref<32768x64xf32, #tpu.memory_space<hbm>> -> memref<128x64xf32, #tpu.memory_space<hbm>>
    %dma_start3A_173 = arith.constant 0 : i32
    %dma_start3A_174 = tpu.memref_slice %arg2[%add3A_170, %dma_start3A_173] : memref<32768x64xf32, #tpu.memory_space<hbm>> -> memref<128x64xf32, #tpu.memory_space<hbm>>
    tpu.enqueue_dma source(%dma_start3A_174 : memref<128x64xf32, #tpu.memory_space<hbm>>) target(%arg8 : memref<128x64xf32, #tpu.memory_space<vmem>>) target_semaphore(%arg13 : memref<!tpu.dma_semaphore, #tpu.memory_space<semaphore_mem>>)
    %dma_wait3A_175 = arith.constant 0 : i32
    %dma_wait3A_176 = tpu.memref_slice %arg2[%add3A_118, %dma_wait3A_175] : memref<32768x64xf32, #tpu.memory_space<hbm>> -> memref<128x64xf32, #tpu.memory_space<hbm>>
    %dma_wait3A_177 = arith.constant 0 : i32
    %dma_wait3A_178 = tpu.memref_slice %arg2[%add3A_118, %dma_wait3A_177] : memref<32768x64xf32, #tpu.memory_space<hbm>> -> memref<128x64xf32, #tpu.memory_space<hbm>>
    tpu.wait_dma2 semaphore(%arg11 : memref<!tpu.dma_semaphore, #tpu.memory_space<semaphore_mem>>) src(%dma_wait3A_178 : memref<128x64xf32, #tpu.memory_space<hbm>>) dst(%arg6 : memref<128x64xf32, #tpu.memory_space<vmem>>)
    %dma_start3A_179 = arith.constant 3 : i32
    %dma_start3A_180 = arith.constant 0 : i32
    %dma_start3A_181 = tpu.memref_slice %arg5[%dma_start3A_179, %dma_start3A_180] : memref<8x128xi32, #tpu.memory_space<vmem>> -> memref<1x128xi32, #tpu.memory_space<vmem>>
    %dma_start3A_182 = tpu.memref_squeeze %dma_start3A_181 : memref<1x128xi32, #tpu.memory_space<vmem>> -> memref<128xi32, #tpu.memory_space<vmem>>
    %dma_start3A_183 = arith.constant 0 : i32
    %dma_start3A_184 = arith.constant 0 : i32
    %dma_start3A_185 = tpu.memref_slice %arg10[%dma_start3A_183, %dma_start3A_184] : memref<8192x64xf32, #tpu.memory_space<vmem_shared>> -> memref<8192x64xf32, #tpu.memory_space<vmem_shared>>
    tpu.enqueue_indirect_dma source(%arg6 : memref<128x64xf32, #tpu.memory_space<vmem>>) target(%dma_start3A_185 : memref<8192x64xf32, #tpu.memory_space<vmem_shared>>) offsets(%dma_start3A_182 : memref<128xi32, #tpu.memory_space<vmem>>) semaphore(%arg14 : memref<!tpu.dma_semaphore, #tpu.memory_space<semaphore_mem>>) {add = true}
    %dma_wait3A_186 = arith.constant 3 : i32
    %dma_wait3A_187 = arith.constant 0 : i32
    %dma_wait3A_188 = tpu.memref_slice %arg5[%dma_wait3A_186, %dma_wait3A_187] : memref<8x128xi32, #tpu.memory_space<vmem>> -> memref<1x128xi32, #tpu.memory_space<vmem>>
    %dma_wait3A_189 = tpu.memref_squeeze %dma_wait3A_188 : memref<1x128xi32, #tpu.memory_space<vmem>> -> memref<128xi32, #tpu.memory_space<vmem>>
    %dma_wait3A_190 = arith.constant 0 : i32
    %dma_wait3A_191 = arith.constant 0 : i32
    %dma_wait3A_192 = tpu.memref_slice %arg10[%dma_wait3A_190, %dma_wait3A_191] : memref<8192x64xf32, #tpu.memory_space<vmem_shared>> -> memref<8192x64xf32, #tpu.memory_space<vmem_shared>>
    tpu.wait_indirect_dma semaphore(%arg14 : memref<!tpu.dma_semaphore, #tpu.memory_space<semaphore_mem>>) src(%arg6 : memref<128x64xf32, #tpu.memory_space<vmem>>) dst(%dma_wait3A_192 : memref<8192x64xf32, #tpu.memory_space<vmem_shared>>)
    %mul3A_193 = arith.constant 1024 : i32
    %mul3A_194 = arith.muli %add3A, %mul3A_193 : i32
    %add3A_195 = arith.constant 768 : i32
    %add3A_196 = arith.addi %mul3A_194, %add3A_195 : i32
    %dma_start3A_197 = arith.constant 0 : i32
    %dma_start3A_198 = tpu.memref_slice %arg2[%add3A_196, %dma_start3A_197] : memref<32768x64xf32, #tpu.memory_space<hbm>> -> memref<128x64xf32, #tpu.memory_space<hbm>>
    %dma_start3A_199 = arith.constant 0 : i32
    %dma_start3A_200 = tpu.memref_slice %arg2[%add3A_196, %dma_start3A_199] : memref<32768x64xf32, #tpu.memory_space<hbm>> -> memref<128x64xf32, #tpu.memory_space<hbm>>
    tpu.enqueue_dma source(%dma_start3A_200 : memref<128x64xf32, #tpu.memory_space<hbm>>) target(%arg6 : memref<128x64xf32, #tpu.memory_space<vmem>>) target_semaphore(%arg11 : memref<!tpu.dma_semaphore, #tpu.memory_space<semaphore_mem>>)
    %dma_wait3A_201 = arith.constant 0 : i32
    %dma_wait3A_202 = tpu.memref_slice %arg2[%add3A_144, %dma_wait3A_201] : memref<32768x64xf32, #tpu.memory_space<hbm>> -> memref<128x64xf32, #tpu.memory_space<hbm>>
    %dma_wait3A_203 = arith.constant 0 : i32
    %dma_wait3A_204 = tpu.memref_slice %arg2[%add3A_144, %dma_wait3A_203] : memref<32768x64xf32, #tpu.memory_space<hbm>> -> memref<128x64xf32, #tpu.memory_space<hbm>>
    tpu.wait_dma2 semaphore(%arg12 : memref<!tpu.dma_semaphore, #tpu.memory_space<semaphore_mem>>) src(%dma_wait3A_204 : memref<128x64xf32, #tpu.memory_space<hbm>>) dst(%arg7 : memref<128x64xf32, #tpu.memory_space<vmem>>)
    %dma_start3A_205 = arith.constant 4 : i32
    %dma_start3A_206 = arith.constant 0 : i32
    %dma_start3A_207 = tpu.memref_slice %arg5[%dma_start3A_205, %dma_start3A_206] : memref<8x128xi32, #tpu.memory_space<vmem>> -> memref<1x128xi32, #tpu.memory_space<vmem>>
    %dma_start3A_208 = tpu.memref_squeeze %dma_start3A_207 : memref<1x128xi32, #tpu.memory_space<vmem>> -> memref<128xi32, #tpu.memory_space<vmem>>
    %dma_start3A_209 = arith.constant 0 : i32
    %dma_start3A_210 = arith.constant 0 : i32
    %dma_start3A_211 = tpu.memref_slice %arg10[%dma_start3A_209, %dma_start3A_210] : memref<8192x64xf32, #tpu.memory_space<vmem_shared>> -> memref<8192x64xf32, #tpu.memory_space<vmem_shared>>
    tpu.enqueue_indirect_dma source(%arg7 : memref<128x64xf32, #tpu.memory_space<vmem>>) target(%dma_start3A_211 : memref<8192x64xf32, #tpu.memory_space<vmem_shared>>) offsets(%dma_start3A_208 : memref<128xi32, #tpu.memory_space<vmem>>) semaphore(%arg15 : memref<!tpu.dma_semaphore, #tpu.memory_space<semaphore_mem>>) {add = true}
    %dma_wait3A_212 = arith.constant 4 : i32
    %dma_wait3A_213 = arith.constant 0 : i32
    %dma_wait3A_214 = tpu.memref_slice %arg5[%dma_wait3A_212, %dma_wait3A_213] : memref<8x128xi32, #tpu.memory_space<vmem>> -> memref<1x128xi32, #tpu.memory_space<vmem>>
    %dma_wait3A_215 = tpu.memref_squeeze %dma_wait3A_214 : memref<1x128xi32, #tpu.memory_space<vmem>> -> memref<128xi32, #tpu.memory_space<vmem>>
    %dma_wait3A_216 = arith.constant 0 : i32
    %dma_wait3A_217 = arith.constant 0 : i32
    %dma_wait3A_218 = tpu.memref_slice %arg10[%dma_wait3A_216, %dma_wait3A_217] : memref<8192x64xf32, #tpu.memory_space<vmem_shared>> -> memref<8192x64xf32, #tpu.memory_space<vmem_shared>>
    tpu.wait_indirect_dma semaphore(%arg15 : memref<!tpu.dma_semaphore, #tpu.memory_space<semaphore_mem>>) src(%arg7 : memref<128x64xf32, #tpu.memory_space<vmem>>) dst(%dma_wait3A_218 : memref<8192x64xf32, #tpu.memory_space<vmem_shared>>)
    %mul3A_219 = arith.constant 1024 : i32
    %mul3A_220 = arith.muli %add3A, %mul3A_219 : i32
    %add3A_221 = arith.constant 896 : i32
    %add3A_222 = arith.addi %mul3A_220, %add3A_221 : i32
    %dma_start3A_223 = arith.constant 0 : i32
    %dma_start3A_224 = tpu.memref_slice %arg2[%add3A_222, %dma_start3A_223] : memref<32768x64xf32, #tpu.memory_space<hbm>> -> memref<128x64xf32, #tpu.memory_space<hbm>>
    %dma_start3A_225 = arith.constant 0 : i32
    %dma_start3A_226 = tpu.memref_slice %arg2[%add3A_222, %dma_start3A_225] : memref<32768x64xf32, #tpu.memory_space<hbm>> -> memref<128x64xf32, #tpu.memory_space<hbm>>
    tpu.enqueue_dma source(%dma_start3A_226 : memref<128x64xf32, #tpu.memory_space<hbm>>) target(%arg7 : memref<128x64xf32, #tpu.memory_space<vmem>>) target_semaphore(%arg12 : memref<!tpu.dma_semaphore, #tpu.memory_space<semaphore_mem>>)
    %dma_wait3A_227 = arith.constant 0 : i32
    %dma_wait3A_228 = tpu.memref_slice %arg2[%add3A_170, %dma_wait3A_227] : memref<32768x64xf32, #tpu.memory_space<hbm>> -> memref<128x64xf32, #tpu.memory_space<hbm>>
    %dma_wait3A_229 = arith.constant 0 : i32
    %dma_wait3A_230 = tpu.memref_slice %arg2[%add3A_170, %dma_wait3A_229] : memref<32768x64xf32, #tpu.memory_space<hbm>> -> memref<128x64xf32, #tpu.memory_space<hbm>>
    tpu.wait_dma2 semaphore(%arg13 : memref<!tpu.dma_semaphore, #tpu.memory_space<semaphore_mem>>) src(%dma_wait3A_230 : memref<128x64xf32, #tpu.memory_space<hbm>>) dst(%arg8 : memref<128x64xf32, #tpu.memory_space<vmem>>)
    %dma_start3A_231 = arith.constant 5 : i32
    %dma_start3A_232 = arith.constant 0 : i32
    %dma_start3A_233 = tpu.memref_slice %arg5[%dma_start3A_231, %dma_start3A_232] : memref<8x128xi32, #tpu.memory_space<vmem>> -> memref<1x128xi32, #tpu.memory_space<vmem>>
    %dma_start3A_234 = tpu.memref_squeeze %dma_start3A_233 : memref<1x128xi32, #tpu.memory_space<vmem>> -> memref<128xi32, #tpu.memory_space<vmem>>
    %dma_start3A_235 = arith.constant 0 : i32
    %dma_start3A_236 = arith.constant 0 : i32
    %dma_start3A_237 = tpu.memref_slice %arg10[%dma_start3A_235, %dma_start3A_236] : memref<8192x64xf32, #tpu.memory_space<vmem_shared>> -> memref<8192x64xf32, #tpu.memory_space<vmem_shared>>
    tpu.enqueue_indirect_dma source(%arg8 : memref<128x64xf32, #tpu.memory_space<vmem>>) target(%dma_start3A_237 : memref<8192x64xf32, #tpu.memory_space<vmem_shared>>) offsets(%dma_start3A_234 : memref<128xi32, #tpu.memory_space<vmem>>) semaphore(%arg16 : memref<!tpu.dma_semaphore, #tpu.memory_space<semaphore_mem>>) {add = true}
    %dma_wait3A_238 = arith.constant 0 : i32
    %dma_wait3A_239 = tpu.memref_slice %arg2[%add3A_196, %dma_wait3A_238] : memref<32768x64xf32, #tpu.memory_space<hbm>> -> memref<128x64xf32, #tpu.memory_space<hbm>>
    %dma_wait3A_240 = arith.constant 0 : i32
    %dma_wait3A_241 = tpu.memref_slice %arg2[%add3A_196, %dma_wait3A_240] : memref<32768x64xf32, #tpu.memory_space<hbm>> -> memref<128x64xf32, #tpu.memory_space<hbm>>
    tpu.wait_dma2 semaphore(%arg11 : memref<!tpu.dma_semaphore, #tpu.memory_space<semaphore_mem>>) src(%dma_wait3A_241 : memref<128x64xf32, #tpu.memory_space<hbm>>) dst(%arg6 : memref<128x64xf32, #tpu.memory_space<vmem>>)
    %dma_start3A_242 = arith.constant 6 : i32
    %dma_start3A_243 = arith.constant 0 : i32
    %dma_start3A_244 = tpu.memref_slice %arg5[%dma_start3A_242, %dma_start3A_243] : memref<8x128xi32, #tpu.memory_space<vmem>> -> memref<1x128xi32, #tpu.memory_space<vmem>>
    %dma_start3A_245 = tpu.memref_squeeze %dma_start3A_244 : memref<1x128xi32, #tpu.memory_space<vmem>> -> memref<128xi32, #tpu.memory_space<vmem>>
    %dma_start3A_246 = arith.constant 0 : i32
    %dma_start3A_247 = arith.constant 0 : i32
    %dma_start3A_248 = tpu.memref_slice %arg10[%dma_start3A_246, %dma_start3A_247] : memref<8192x64xf32, #tpu.memory_space<vmem_shared>> -> memref<8192x64xf32, #tpu.memory_space<vmem_shared>>
    tpu.enqueue_indirect_dma source(%arg6 : memref<128x64xf32, #tpu.memory_space<vmem>>) target(%dma_start3A_248 : memref<8192x64xf32, #tpu.memory_space<vmem_shared>>) offsets(%dma_start3A_245 : memref<128xi32, #tpu.memory_space<vmem>>) semaphore(%arg14 : memref<!tpu.dma_semaphore, #tpu.memory_space<semaphore_mem>>) {add = true}
    %dma_wait3A_249 = arith.constant 0 : i32
    %dma_wait3A_250 = tpu.memref_slice %arg2[%add3A_222, %dma_wait3A_249] : memref<32768x64xf32, #tpu.memory_space<hbm>> -> memref<128x64xf32, #tpu.memory_space<hbm>>
    %dma_wait3A_251 = arith.constant 0 : i32
    %dma_wait3A_252 = tpu.memref_slice %arg2[%add3A_222, %dma_wait3A_251] : memref<32768x64xf32, #tpu.memory_space<hbm>> -> memref<128x64xf32, #tpu.memory_space<hbm>>
    tpu.wait_dma2 semaphore(%arg12 : memref<!tpu.dma_semaphore, #tpu.memory_space<semaphore_mem>>) src(%dma_wait3A_252 : memref<128x64xf32, #tpu.memory_space<hbm>>) dst(%arg7 : memref<128x64xf32, #tpu.memory_space<vmem>>)
    %dma_start3A_253 = arith.constant 7 : i32
    %dma_start3A_254 = arith.constant 0 : i32
    %dma_start3A_255 = tpu.memref_slice %arg5[%dma_start3A_253, %dma_start3A_254] : memref<8x128xi32, #tpu.memory_space<vmem>> -> memref<1x128xi32, #tpu.memory_space<vmem>>
    %dma_start3A_256 = tpu.memref_squeeze %dma_start3A_255 : memref<1x128xi32, #tpu.memory_space<vmem>> -> memref<128xi32, #tpu.memory_space<vmem>>
    %dma_start3A_257 = arith.constant 0 : i32
    %dma_start3A_258 = arith.constant 0 : i32
    %dma_start3A_259 = tpu.memref_slice %arg10[%dma_start3A_257, %dma_start3A_258] : memref<8192x64xf32, #tpu.memory_space<vmem_shared>> -> memref<8192x64xf32, #tpu.memory_space<vmem_shared>>
    tpu.enqueue_indirect_dma source(%arg7 : memref<128x64xf32, #tpu.memory_space<vmem>>) target(%dma_start3A_259 : memref<8192x64xf32, #tpu.memory_space<vmem_shared>>) offsets(%dma_start3A_256 : memref<128xi32, #tpu.memory_space<vmem>>) semaphore(%arg15 : memref<!tpu.dma_semaphore, #tpu.memory_space<semaphore_mem>>) {add = true}
    %dma_wait3A_260 = arith.constant 5 : i32
    %dma_wait3A_261 = arith.constant 0 : i32
    %dma_wait3A_262 = tpu.memref_slice %arg5[%dma_wait3A_260, %dma_wait3A_261] : memref<8x128xi32, #tpu.memory_space<vmem>> -> memref<1x128xi32, #tpu.memory_space<vmem>>
    %dma_wait3A_263 = tpu.memref_squeeze %dma_wait3A_262 : memref<1x128xi32, #tpu.memory_space<vmem>> -> memref<128xi32, #tpu.memory_space<vmem>>
    %dma_wait3A_264 = arith.constant 0 : i32
    %dma_wait3A_265 = arith.constant 0 : i32
    %dma_wait3A_266 = tpu.memref_slice %arg10[%dma_wait3A_264, %dma_wait3A_265] : memref<8192x64xf32, #tpu.memory_space<vmem_shared>> -> memref<8192x64xf32, #tpu.memory_space<vmem_shared>>
    tpu.wait_indirect_dma semaphore(%arg16 : memref<!tpu.dma_semaphore, #tpu.memory_space<semaphore_mem>>) src(%arg8 : memref<128x64xf32, #tpu.memory_space<vmem>>) dst(%dma_wait3A_266 : memref<8192x64xf32, #tpu.memory_space<vmem_shared>>)
    %dma_wait3A_267 = arith.constant 6 : i32
    %dma_wait3A_268 = arith.constant 0 : i32
    %dma_wait3A_269 = tpu.memref_slice %arg5[%dma_wait3A_267, %dma_wait3A_268] : memref<8x128xi32, #tpu.memory_space<vmem>> -> memref<1x128xi32, #tpu.memory_space<vmem>>
    %dma_wait3A_270 = tpu.memref_squeeze %dma_wait3A_269 : memref<1x128xi32, #tpu.memory_space<vmem>> -> memref<128xi32, #tpu.memory_space<vmem>>
    %dma_wait3A_271 = arith.constant 0 : i32
    %dma_wait3A_272 = arith.constant 0 : i32
    %dma_wait3A_273 = tpu.memref_slice %arg10[%dma_wait3A_271, %dma_wait3A_272] : memref<8192x64xf32, #tpu.memory_space<vmem_shared>> -> memref<8192x64xf32, #tpu.memory_space<vmem_shared>>
    tpu.wait_indirect_dma semaphore(%arg14 : memref<!tpu.dma_semaphore, #tpu.memory_space<semaphore_mem>>) src(%arg6 : memref<128x64xf32, #tpu.memory_space<vmem>>) dst(%dma_wait3A_273 : memref<8192x64xf32, #tpu.memory_space<vmem_shared>>)
    %dma_wait3A_274 = arith.constant 7 : i32
    %dma_wait3A_275 = arith.constant 0 : i32
    %dma_wait3A_276 = tpu.memref_slice %arg5[%dma_wait3A_274, %dma_wait3A_275] : memref<8x128xi32, #tpu.memory_space<vmem>> -> memref<1x128xi32, #tpu.memory_space<vmem>>
    %dma_wait3A_277 = tpu.memref_squeeze %dma_wait3A_276 : memref<1x128xi32, #tpu.memory_space<vmem>> -> memref<128xi32, #tpu.memory_space<vmem>>
    %dma_wait3A_278 = arith.constant 0 : i32
    %dma_wait3A_279 = arith.constant 0 : i32
    %dma_wait3A_280 = tpu.memref_slice %arg10[%dma_wait3A_278, %dma_wait3A_279] : memref<8192x64xf32, #tpu.memory_space<vmem_shared>> -> memref<8192x64xf32, #tpu.memory_space<vmem_shared>>
    tpu.wait_indirect_dma semaphore(%arg15 : memref<!tpu.dma_semaphore, #tpu.memory_space<semaphore_mem>>) src(%arg7 : memref<128x64xf32, #tpu.memory_space<vmem>>) dst(%dma_wait3A_280 : memref<8192x64xf32, #tpu.memory_space<vmem_shared>>)
    %barrier3A_281 = arith.constant 0 : index
    tpu.barrier barrier_id(%barrier3A_281)
    "tpu.region"() ({
      %run_scoped3A = tpu.sem_alloc : memref<!tpu.dma_semaphore, #tpu.memory_space<semaphore_mem>>
      %dma_start3A_282 = arith.constant 0 : i32
      %dma_start3A_283 = tpu.memref_slice %arg4[%arg0, %mul3A_2, %dma_start3A_282] : memref<2x8192x64xf32, #tpu.memory_space<hbm>> -> memref<1x512x64xf32, #tpu.memory_space<hbm>>
      %dma_start3A_284 = tpu.memref_squeeze %dma_start3A_283 : memref<1x512x64xf32, #tpu.memory_space<hbm>> -> memref<512x64xf32, #tpu.memory_space<hbm>>
      %dma_start3A_285 = arith.constant 0 : i32
      %dma_start3A_286 = tpu.memref_slice %arg10[%mul3A_2, %dma_start3A_285] : memref<8192x64xf32, #tpu.memory_space<vmem_shared>> -> memref<512x64xf32, #tpu.memory_space<vmem_shared>>
      tpu.enqueue_dma source(%dma_start3A_286 : memref<512x64xf32, #tpu.memory_space<vmem_shared>>) target(%dma_start3A_284 : memref<512x64xf32, #tpu.memory_space<hbm>>) target_semaphore(%run_scoped3A : memref<!tpu.dma_semaphore, #tpu.memory_space<semaphore_mem>>)
      %dma_wait3A_287 = arith.constant 0 : i32
      %dma_wait3A_288 = tpu.memref_slice %arg4[%arg0, %mul3A_2, %dma_wait3A_287] : memref<2x8192x64xf32, #tpu.memory_space<hbm>> -> memref<1x512x64xf32, #tpu.memory_space<hbm>>
      %dma_wait3A_289 = tpu.memref_squeeze %dma_wait3A_288 : memref<1x512x64xf32, #tpu.memory_space<hbm>> -> memref<512x64xf32, #tpu.memory_space<hbm>>
      %dma_wait3A_290 = arith.constant 0 : i32
      %dma_wait3A_291 = tpu.memref_slice %arg10[%mul3A_2, %dma_wait3A_290] : memref<8192x64xf32, #tpu.memory_space<vmem_shared>> -> memref<512x64xf32, #tpu.memory_space<vmem_shared>>
      tpu.wait_dma2 semaphore(%run_scoped3A : memref<!tpu.dma_semaphore, #tpu.memory_space<semaphore_mem>>) src(%dma_wait3A_291 : memref<512x64xf32, #tpu.memory_space<vmem_shared>>) dst(%dma_wait3A_289 : memref<512x64xf32, #tpu.memory_space<hbm>>)
      tpu.yield
    }) : () -> ()
    return
  }
}

#map = affine_map<(d0, d1) -> (0, 0)>
module attributes {stable_mosaic.version = 14 : i64} {
  func.func @gk(%arg0: i32, %arg1: i32, %arg2: memref<8192x64xf32, #tpu.memory_space<hbm>>, %arg3: memref<256x128xi32, #tpu.memory_space<hbm>>, %arg4: memref<32768x64xf32, #tpu.memory_space<hbm>>, %arg5: memref<8x128xi32, #tpu.memory_space<vmem>>, %arg6: memref<256x64xf32, #tpu.memory_space<vmem>>, %arg7: memref<256x64xf32, #tpu.memory_space<vmem>>, %arg8: memref<!tpu.dma_semaphore, #tpu.memory_space<semaphore_mem>>, %arg9: memref<!tpu.dma_semaphore, #tpu.memory_space<semaphore_mem>>, %arg10: memref<!tpu.dma_semaphore, #tpu.memory_space<semaphore_mem>>, %arg11: memref<!tpu.dma_semaphore, #tpu.memory_space<semaphore_mem>>) attributes {dimension_semantics = [#tpu.dimension_semantics<core_parallel>, #tpu.dimension_semantics<subcore_parallel>], iteration_bounds = array<i64: 2, 16>, scalar_prefetch = 0 : i64, scratch_operands = 7 : i64, tpu.core_type = #tpu.core_type<sc_vector_subcore>, window_params = [{transform_indices = #map}, {transform_indices = #map}, {transform_indices = #map}]} {
    %mul3A = arith.constant 2 : i32
    %mul3A_0 = arith.muli %arg1, %mul3A : i32
    %add3A = arith.addi %mul3A_0, %arg0 : i32
    %mul3A_1 = arith.constant 8 : i32
    %mul3A_2 = arith.muli %add3A, %mul3A_1 : i32
    "tpu.region"() ({
      %run_scoped3A = tpu.sem_alloc : memref<!tpu.dma_semaphore, #tpu.memory_space<semaphore_mem>>
      %dma_start3A_209 = arith.constant 0 : i32
      %dma_start3A_210 = tpu.memref_slice %arg3[%mul3A_2, %dma_start3A_209] : memref<256x128xi32, #tpu.memory_space<hbm>> -> memref<8x128xi32, #tpu.memory_space<hbm>>
      %dma_start3A_211 = arith.constant 0 : i32
      %dma_start3A_212 = tpu.memref_slice %arg3[%mul3A_2, %dma_start3A_211] : memref<256x128xi32, #tpu.memory_space<hbm>> -> memref<8x128xi32, #tpu.memory_space<hbm>>
      tpu.enqueue_dma source(%dma_start3A_212 : memref<8x128xi32, #tpu.memory_space<hbm>>) target(%arg5 : memref<8x128xi32, #tpu.memory_space<vmem>>) target_semaphore(%run_scoped3A : memref<!tpu.dma_semaphore, #tpu.memory_space<semaphore_mem>>)
      %dma_wait3A_213 = arith.constant 0 : i32
      %dma_wait3A_214 = tpu.memref_slice %arg3[%mul3A_2, %dma_wait3A_213] : memref<256x128xi32, #tpu.memory_space<hbm>> -> memref<8x128xi32, #tpu.memory_space<hbm>>
      %dma_wait3A_215 = arith.constant 0 : i32
      %dma_wait3A_216 = tpu.memref_slice %arg3[%mul3A_2, %dma_wait3A_215] : memref<256x128xi32, #tpu.memory_space<hbm>> -> memref<8x128xi32, #tpu.memory_space<hbm>>
      tpu.wait_dma2 semaphore(%run_scoped3A : memref<!tpu.dma_semaphore, #tpu.memory_space<semaphore_mem>>) src(%dma_wait3A_216 : memref<8x128xi32, #tpu.memory_space<hbm>>) dst(%arg5 : memref<8x128xi32, #tpu.memory_space<vmem>>)
      tpu.yield
    }) : () -> ()
    %dma_start3A = arith.constant 0 : i32
    %dma_start3A_3 = arith.constant 0 : i32
    %dma_start3A_4 = arith.constant 0 : i32
    %dma_start3A_5 = tpu.memref_slice %arg6[%dma_start3A_3, %dma_start3A_4] : memref<256x64xf32, #tpu.memory_space<vmem>> -> memref<128x64xf32, #tpu.memory_space<vmem>>
    %dma_start3A_6 = arith.constant 0 : i32
    %dma_start3A_7 = tpu.memref_slice %arg5[%dma_start3A, %dma_start3A_6] : memref<8x128xi32, #tpu.memory_space<vmem>> -> memref<1x128xi32, #tpu.memory_space<vmem>>
    %dma_start3A_8 = tpu.memref_squeeze %dma_start3A_7 : memref<1x128xi32, #tpu.memory_space<vmem>> -> memref<128xi32, #tpu.memory_space<vmem>>
    %dma_start3A_9 = arith.constant 0 : i32
    %dma_start3A_10 = arith.constant 0 : i32
    %dma_start3A_11 = tpu.memref_slice %arg2[%dma_start3A_9, %dma_start3A_10] : memref<8192x64xf32, #tpu.memory_space<hbm>> -> memref<8192x64xf32, #tpu.memory_space<hbm>>
    tpu.enqueue_indirect_dma source(%dma_start3A_11 : memref<8192x64xf32, #tpu.memory_space<hbm>>) target(%dma_start3A_5 : memref<128x64xf32, #tpu.memory_space<vmem>>) offsets(%dma_start3A_8 : memref<128xi32, #tpu.memory_space<vmem>>) semaphore(%arg8 : memref<!tpu.dma_semaphore, #tpu.memory_space<semaphore_mem>>)
    %dma_start3A_12 = arith.constant 1 : i32
    %dma_start3A_13 = arith.constant 128 : i32
    %dma_start3A_14 = arith.constant 0 : i32
    %dma_start3A_15 = tpu.memref_slice %arg6[%dma_start3A_13, %dma_start3A_14] : memref<256x64xf32, #tpu.memory_space<vmem>> -> memref<128x64xf32, #tpu.memory_space<vmem>>
    %dma_start3A_16 = arith.constant 0 : i32
    %dma_start3A_17 = tpu.memref_slice %arg5[%dma_start3A_12, %dma_start3A_16] : memref<8x128xi32, #tpu.memory_space<vmem>> -> memref<1x128xi32, #tpu.memory_space<vmem>>
    %dma_start3A_18 = tpu.memref_squeeze %dma_start3A_17 : memref<1x128xi32, #tpu.memory_space<vmem>> -> memref<128xi32, #tpu.memory_space<vmem>>
    %dma_start3A_19 = arith.constant 0 : i32
    %dma_start3A_20 = arith.constant 0 : i32
    %dma_start3A_21 = tpu.memref_slice %arg2[%dma_start3A_19, %dma_start3A_20] : memref<8192x64xf32, #tpu.memory_space<hbm>> -> memref<8192x64xf32, #tpu.memory_space<hbm>>
    tpu.enqueue_indirect_dma source(%dma_start3A_21 : memref<8192x64xf32, #tpu.memory_space<hbm>>) target(%dma_start3A_15 : memref<128x64xf32, #tpu.memory_space<vmem>>) offsets(%dma_start3A_18 : memref<128xi32, #tpu.memory_space<vmem>>) semaphore(%arg8 : memref<!tpu.dma_semaphore, #tpu.memory_space<semaphore_mem>>)
    %dma_wait3A = arith.constant 0 : i32
    %dma_wait3A_22 = arith.constant 0 : i32
    %dma_wait3A_23 = arith.constant 0 : i32
    %dma_wait3A_24 = tpu.memref_slice %arg6[%dma_wait3A_22, %dma_wait3A_23] : memref<256x64xf32, #tpu.memory_space<vmem>> -> memref<128x64xf32, #tpu.memory_space<vmem>>
    %dma_wait3A_25 = arith.constant 0 : i32
    %dma_wait3A_26 = tpu.memref_slice %arg5[%dma_wait3A, %dma_wait3A_25] : memref<8x128xi32, #tpu.memory_space<vmem>> -> memref<1x128xi32, #tpu.memory_space<vmem>>
    %dma_wait3A_27 = tpu.memref_squeeze %dma_wait3A_26 : memref<1x128xi32, #tpu.memory_space<vmem>> -> memref<128xi32, #tpu.memory_space<vmem>>
    %dma_wait3A_28 = arith.constant 0 : i32
    %dma_wait3A_29 = arith.constant 0 : i32
    %dma_wait3A_30 = tpu.memref_slice %arg2[%dma_wait3A_28, %dma_wait3A_29] : memref<8192x64xf32, #tpu.memory_space<hbm>> -> memref<8192x64xf32, #tpu.memory_space<hbm>>
    tpu.wait_indirect_dma semaphore(%arg8 : memref<!tpu.dma_semaphore, #tpu.memory_space<semaphore_mem>>) src(%dma_wait3A_30 : memref<8192x64xf32, #tpu.memory_space<hbm>>) dst(%dma_wait3A_24 : memref<128x64xf32, #tpu.memory_space<vmem>>)
    %dma_wait3A_31 = arith.constant 1 : i32
    %dma_wait3A_32 = arith.constant 128 : i32
    %dma_wait3A_33 = arith.constant 0 : i32
    %dma_wait3A_34 = tpu.memref_slice %arg6[%dma_wait3A_32, %dma_wait3A_33] : memref<256x64xf32, #tpu.memory_space<vmem>> -> memref<128x64xf32, #tpu.memory_space<vmem>>
    %dma_wait3A_35 = arith.constant 0 : i32
    %dma_wait3A_36 = tpu.memref_slice %arg5[%dma_wait3A_31, %dma_wait3A_35] : memref<8x128xi32, #tpu.memory_space<vmem>> -> memref<1x128xi32, #tpu.memory_space<vmem>>
    %dma_wait3A_37 = tpu.memref_squeeze %dma_wait3A_36 : memref<1x128xi32, #tpu.memory_space<vmem>> -> memref<128xi32, #tpu.memory_space<vmem>>
    %dma_wait3A_38 = arith.constant 0 : i32
    %dma_wait3A_39 = arith.constant 0 : i32
    %dma_wait3A_40 = tpu.memref_slice %arg2[%dma_wait3A_38, %dma_wait3A_39] : memref<8192x64xf32, #tpu.memory_space<hbm>> -> memref<8192x64xf32, #tpu.memory_space<hbm>>
    tpu.wait_indirect_dma semaphore(%arg8 : memref<!tpu.dma_semaphore, #tpu.memory_space<semaphore_mem>>) src(%dma_wait3A_40 : memref<8192x64xf32, #tpu.memory_space<hbm>>) dst(%dma_wait3A_34 : memref<128x64xf32, #tpu.memory_space<vmem>>)
    %mul3A_41 = arith.constant 1024 : i32
    %mul3A_42 = arith.muli %add3A, %mul3A_41 : i32
    %add3A_43 = arith.constant 0 : i32
    %add3A_44 = arith.addi %mul3A_42, %add3A_43 : i32
    %dma_start3A_45 = arith.constant 0 : i32
    %dma_start3A_46 = tpu.memref_slice %arg4[%add3A_44, %dma_start3A_45] : memref<32768x64xf32, #tpu.memory_space<hbm>> -> memref<256x64xf32, #tpu.memory_space<hbm>>
    %dma_start3A_47 = arith.constant 0 : i32
    %dma_start3A_48 = tpu.memref_slice %arg4[%add3A_44, %dma_start3A_47] : memref<32768x64xf32, #tpu.memory_space<hbm>> -> memref<256x64xf32, #tpu.memory_space<hbm>>
    tpu.enqueue_dma source(%arg6 : memref<256x64xf32, #tpu.memory_space<vmem>>) target(%dma_start3A_48 : memref<256x64xf32, #tpu.memory_space<hbm>>) target_semaphore(%arg10 : memref<!tpu.dma_semaphore, #tpu.memory_space<semaphore_mem>>)
    %dma_start3A_49 = arith.constant 2 : i32
    %dma_start3A_50 = arith.constant 0 : i32
    %dma_start3A_51 = arith.constant 0 : i32
    %dma_start3A_52 = tpu.memref_slice %arg7[%dma_start3A_50, %dma_start3A_51] : memref<256x64xf32, #tpu.memory_space<vmem>> -> memref<128x64xf32, #tpu.memory_space<vmem>>
    %dma_start3A_53 = arith.constant 0 : i32
    %dma_start3A_54 = tpu.memref_slice %arg5[%dma_start3A_49, %dma_start3A_53] : memref<8x128xi32, #tpu.memory_space<vmem>> -> memref<1x128xi32, #tpu.memory_space<vmem>>
    %dma_start3A_55 = tpu.memref_squeeze %dma_start3A_54 : memref<1x128xi32, #tpu.memory_space<vmem>> -> memref<128xi32, #tpu.memory_space<vmem>>
    %dma_start3A_56 = arith.constant 0 : i32
    %dma_start3A_57 = arith.constant 0 : i32
    %dma_start3A_58 = tpu.memref_slice %arg2[%dma_start3A_56, %dma_start3A_57] : memref<8192x64xf32, #tpu.memory_space<hbm>> -> memref<8192x64xf32, #tpu.memory_space<hbm>>
    tpu.enqueue_indirect_dma source(%dma_start3A_58 : memref<8192x64xf32, #tpu.memory_space<hbm>>) target(%dma_start3A_52 : memref<128x64xf32, #tpu.memory_space<vmem>>) offsets(%dma_start3A_55 : memref<128xi32, #tpu.memory_space<vmem>>) semaphore(%arg9 : memref<!tpu.dma_semaphore, #tpu.memory_space<semaphore_mem>>)
    %dma_start3A_59 = arith.constant 3 : i32
    %dma_start3A_60 = arith.constant 128 : i32
    %dma_start3A_61 = arith.constant 0 : i32
    %dma_start3A_62 = tpu.memref_slice %arg7[%dma_start3A_60, %dma_start3A_61] : memref<256x64xf32, #tpu.memory_space<vmem>> -> memref<128x64xf32, #tpu.memory_space<vmem>>
    %dma_start3A_63 = arith.constant 0 : i32
    %dma_start3A_64 = tpu.memref_slice %arg5[%dma_start3A_59, %dma_start3A_63] : memref<8x128xi32, #tpu.memory_space<vmem>> -> memref<1x128xi32, #tpu.memory_space<vmem>>
    %dma_start3A_65 = tpu.memref_squeeze %dma_start3A_64 : memref<1x128xi32, #tpu.memory_space<vmem>> -> memref<128xi32, #tpu.memory_space<vmem>>
    %dma_start3A_66 = arith.constant 0 : i32
    %dma_start3A_67 = arith.constant 0 : i32
    %dma_start3A_68 = tpu.memref_slice %arg2[%dma_start3A_66, %dma_start3A_67] : memref<8192x64xf32, #tpu.memory_space<hbm>> -> memref<8192x64xf32, #tpu.memory_space<hbm>>
    tpu.enqueue_indirect_dma source(%dma_start3A_68 : memref<8192x64xf32, #tpu.memory_space<hbm>>) target(%dma_start3A_62 : memref<128x64xf32, #tpu.memory_space<vmem>>) offsets(%dma_start3A_65 : memref<128xi32, #tpu.memory_space<vmem>>) semaphore(%arg9 : memref<!tpu.dma_semaphore, #tpu.memory_space<semaphore_mem>>)
    %dma_wait3A_69 = arith.constant 2 : i32
    %dma_wait3A_70 = arith.constant 0 : i32
    %dma_wait3A_71 = arith.constant 0 : i32
    %dma_wait3A_72 = tpu.memref_slice %arg7[%dma_wait3A_70, %dma_wait3A_71] : memref<256x64xf32, #tpu.memory_space<vmem>> -> memref<128x64xf32, #tpu.memory_space<vmem>>
    %dma_wait3A_73 = arith.constant 0 : i32
    %dma_wait3A_74 = tpu.memref_slice %arg5[%dma_wait3A_69, %dma_wait3A_73] : memref<8x128xi32, #tpu.memory_space<vmem>> -> memref<1x128xi32, #tpu.memory_space<vmem>>
    %dma_wait3A_75 = tpu.memref_squeeze %dma_wait3A_74 : memref<1x128xi32, #tpu.memory_space<vmem>> -> memref<128xi32, #tpu.memory_space<vmem>>
    %dma_wait3A_76 = arith.constant 0 : i32
    %dma_wait3A_77 = arith.constant 0 : i32
    %dma_wait3A_78 = tpu.memref_slice %arg2[%dma_wait3A_76, %dma_wait3A_77] : memref<8192x64xf32, #tpu.memory_space<hbm>> -> memref<8192x64xf32, #tpu.memory_space<hbm>>
    tpu.wait_indirect_dma semaphore(%arg9 : memref<!tpu.dma_semaphore, #tpu.memory_space<semaphore_mem>>) src(%dma_wait3A_78 : memref<8192x64xf32, #tpu.memory_space<hbm>>) dst(%dma_wait3A_72 : memref<128x64xf32, #tpu.memory_space<vmem>>)
    %dma_wait3A_79 = arith.constant 3 : i32
    %dma_wait3A_80 = arith.constant 128 : i32
    %dma_wait3A_81 = arith.constant 0 : i32
    %dma_wait3A_82 = tpu.memref_slice %arg7[%dma_wait3A_80, %dma_wait3A_81] : memref<256x64xf32, #tpu.memory_space<vmem>> -> memref<128x64xf32, #tpu.memory_space<vmem>>
    %dma_wait3A_83 = arith.constant 0 : i32
    %dma_wait3A_84 = tpu.memref_slice %arg5[%dma_wait3A_79, %dma_wait3A_83] : memref<8x128xi32, #tpu.memory_space<vmem>> -> memref<1x128xi32, #tpu.memory_space<vmem>>
    %dma_wait3A_85 = tpu.memref_squeeze %dma_wait3A_84 : memref<1x128xi32, #tpu.memory_space<vmem>> -> memref<128xi32, #tpu.memory_space<vmem>>
    %dma_wait3A_86 = arith.constant 0 : i32
    %dma_wait3A_87 = arith.constant 0 : i32
    %dma_wait3A_88 = tpu.memref_slice %arg2[%dma_wait3A_86, %dma_wait3A_87] : memref<8192x64xf32, #tpu.memory_space<hbm>> -> memref<8192x64xf32, #tpu.memory_space<hbm>>
    tpu.wait_indirect_dma semaphore(%arg9 : memref<!tpu.dma_semaphore, #tpu.memory_space<semaphore_mem>>) src(%dma_wait3A_88 : memref<8192x64xf32, #tpu.memory_space<hbm>>) dst(%dma_wait3A_82 : memref<128x64xf32, #tpu.memory_space<vmem>>)
    %mul3A_89 = arith.constant 1024 : i32
    %mul3A_90 = arith.muli %add3A, %mul3A_89 : i32
    %add3A_91 = arith.constant 256 : i32
    %add3A_92 = arith.addi %mul3A_90, %add3A_91 : i32
    %dma_start3A_93 = arith.constant 0 : i32
    %dma_start3A_94 = tpu.memref_slice %arg4[%add3A_92, %dma_start3A_93] : memref<32768x64xf32, #tpu.memory_space<hbm>> -> memref<256x64xf32, #tpu.memory_space<hbm>>
    %dma_start3A_95 = arith.constant 0 : i32
    %dma_start3A_96 = tpu.memref_slice %arg4[%add3A_92, %dma_start3A_95] : memref<32768x64xf32, #tpu.memory_space<hbm>> -> memref<256x64xf32, #tpu.memory_space<hbm>>
    tpu.enqueue_dma source(%arg7 : memref<256x64xf32, #tpu.memory_space<vmem>>) target(%dma_start3A_96 : memref<256x64xf32, #tpu.memory_space<hbm>>) target_semaphore(%arg11 : memref<!tpu.dma_semaphore, #tpu.memory_space<semaphore_mem>>)
    %dma_wait3A_97 = arith.constant 0 : i32
    %dma_wait3A_98 = tpu.memref_slice %arg4[%add3A_44, %dma_wait3A_97] : memref<32768x64xf32, #tpu.memory_space<hbm>> -> memref<256x64xf32, #tpu.memory_space<hbm>>
    %dma_wait3A_99 = arith.constant 0 : i32
    %dma_wait3A_100 = tpu.memref_slice %arg4[%add3A_44, %dma_wait3A_99] : memref<32768x64xf32, #tpu.memory_space<hbm>> -> memref<256x64xf32, #tpu.memory_space<hbm>>
    tpu.wait_dma2 semaphore(%arg10 : memref<!tpu.dma_semaphore, #tpu.memory_space<semaphore_mem>>) src(%arg6 : memref<256x64xf32, #tpu.memory_space<vmem>>) dst(%dma_wait3A_100 : memref<256x64xf32, #tpu.memory_space<hbm>>)
    %dma_start3A_101 = arith.constant 4 : i32
    %dma_start3A_102 = arith.constant 0 : i32
    %dma_start3A_103 = arith.constant 0 : i32
    %dma_start3A_104 = tpu.memref_slice %arg6[%dma_start3A_102, %dma_start3A_103] : memref<256x64xf32, #tpu.memory_space<vmem>> -> memref<128x64xf32, #tpu.memory_space<vmem>>
    %dma_start3A_105 = arith.constant 0 : i32
    %dma_start3A_106 = tpu.memref_slice %arg5[%dma_start3A_101, %dma_start3A_105] : memref<8x128xi32, #tpu.memory_space<vmem>> -> memref<1x128xi32, #tpu.memory_space<vmem>>
    %dma_start3A_107 = tpu.memref_squeeze %dma_start3A_106 : memref<1x128xi32, #tpu.memory_space<vmem>> -> memref<128xi32, #tpu.memory_space<vmem>>
    %dma_start3A_108 = arith.constant 0 : i32
    %dma_start3A_109 = arith.constant 0 : i32
    %dma_start3A_110 = tpu.memref_slice %arg2[%dma_start3A_108, %dma_start3A_109] : memref<8192x64xf32, #tpu.memory_space<hbm>> -> memref<8192x64xf32, #tpu.memory_space<hbm>>
    tpu.enqueue_indirect_dma source(%dma_start3A_110 : memref<8192x64xf32, #tpu.memory_space<hbm>>) target(%dma_start3A_104 : memref<128x64xf32, #tpu.memory_space<vmem>>) offsets(%dma_start3A_107 : memref<128xi32, #tpu.memory_space<vmem>>) semaphore(%arg8 : memref<!tpu.dma_semaphore, #tpu.memory_space<semaphore_mem>>)
    %dma_start3A_111 = arith.constant 5 : i32
    %dma_start3A_112 = arith.constant 128 : i32
    %dma_start3A_113 = arith.constant 0 : i32
    %dma_start3A_114 = tpu.memref_slice %arg6[%dma_start3A_112, %dma_start3A_113] : memref<256x64xf32, #tpu.memory_space<vmem>> -> memref<128x64xf32, #tpu.memory_space<vmem>>
    %dma_start3A_115 = arith.constant 0 : i32
    %dma_start3A_116 = tpu.memref_slice %arg5[%dma_start3A_111, %dma_start3A_115] : memref<8x128xi32, #tpu.memory_space<vmem>> -> memref<1x128xi32, #tpu.memory_space<vmem>>
    %dma_start3A_117 = tpu.memref_squeeze %dma_start3A_116 : memref<1x128xi32, #tpu.memory_space<vmem>> -> memref<128xi32, #tpu.memory_space<vmem>>
    %dma_start3A_118 = arith.constant 0 : i32
    %dma_start3A_119 = arith.constant 0 : i32
    %dma_start3A_120 = tpu.memref_slice %arg2[%dma_start3A_118, %dma_start3A_119] : memref<8192x64xf32, #tpu.memory_space<hbm>> -> memref<8192x64xf32, #tpu.memory_space<hbm>>
    tpu.enqueue_indirect_dma source(%dma_start3A_120 : memref<8192x64xf32, #tpu.memory_space<hbm>>) target(%dma_start3A_114 : memref<128x64xf32, #tpu.memory_space<vmem>>) offsets(%dma_start3A_117 : memref<128xi32, #tpu.memory_space<vmem>>) semaphore(%arg8 : memref<!tpu.dma_semaphore, #tpu.memory_space<semaphore_mem>>)
    %dma_wait3A_121 = arith.constant 4 : i32
    %dma_wait3A_122 = arith.constant 0 : i32
    %dma_wait3A_123 = arith.constant 0 : i32
    %dma_wait3A_124 = tpu.memref_slice %arg6[%dma_wait3A_122, %dma_wait3A_123] : memref<256x64xf32, #tpu.memory_space<vmem>> -> memref<128x64xf32, #tpu.memory_space<vmem>>
    %dma_wait3A_125 = arith.constant 0 : i32
    %dma_wait3A_126 = tpu.memref_slice %arg5[%dma_wait3A_121, %dma_wait3A_125] : memref<8x128xi32, #tpu.memory_space<vmem>> -> memref<1x128xi32, #tpu.memory_space<vmem>>
    %dma_wait3A_127 = tpu.memref_squeeze %dma_wait3A_126 : memref<1x128xi32, #tpu.memory_space<vmem>> -> memref<128xi32, #tpu.memory_space<vmem>>
    %dma_wait3A_128 = arith.constant 0 : i32
    %dma_wait3A_129 = arith.constant 0 : i32
    %dma_wait3A_130 = tpu.memref_slice %arg2[%dma_wait3A_128, %dma_wait3A_129] : memref<8192x64xf32, #tpu.memory_space<hbm>> -> memref<8192x64xf32, #tpu.memory_space<hbm>>
    tpu.wait_indirect_dma semaphore(%arg8 : memref<!tpu.dma_semaphore, #tpu.memory_space<semaphore_mem>>) src(%dma_wait3A_130 : memref<8192x64xf32, #tpu.memory_space<hbm>>) dst(%dma_wait3A_124 : memref<128x64xf32, #tpu.memory_space<vmem>>)
    %dma_wait3A_131 = arith.constant 5 : i32
    %dma_wait3A_132 = arith.constant 128 : i32
    %dma_wait3A_133 = arith.constant 0 : i32
    %dma_wait3A_134 = tpu.memref_slice %arg6[%dma_wait3A_132, %dma_wait3A_133] : memref<256x64xf32, #tpu.memory_space<vmem>> -> memref<128x64xf32, #tpu.memory_space<vmem>>
    %dma_wait3A_135 = arith.constant 0 : i32
    %dma_wait3A_136 = tpu.memref_slice %arg5[%dma_wait3A_131, %dma_wait3A_135] : memref<8x128xi32, #tpu.memory_space<vmem>> -> memref<1x128xi32, #tpu.memory_space<vmem>>
    %dma_wait3A_137 = tpu.memref_squeeze %dma_wait3A_136 : memref<1x128xi32, #tpu.memory_space<vmem>> -> memref<128xi32, #tpu.memory_space<vmem>>
    %dma_wait3A_138 = arith.constant 0 : i32
    %dma_wait3A_139 = arith.constant 0 : i32
    %dma_wait3A_140 = tpu.memref_slice %arg2[%dma_wait3A_138, %dma_wait3A_139] : memref<8192x64xf32, #tpu.memory_space<hbm>> -> memref<8192x64xf32, #tpu.memory_space<hbm>>
    tpu.wait_indirect_dma semaphore(%arg8 : memref<!tpu.dma_semaphore, #tpu.memory_space<semaphore_mem>>) src(%dma_wait3A_140 : memref<8192x64xf32, #tpu.memory_space<hbm>>) dst(%dma_wait3A_134 : memref<128x64xf32, #tpu.memory_space<vmem>>)
    %mul3A_141 = arith.constant 1024 : i32
    %mul3A_142 = arith.muli %add3A, %mul3A_141 : i32
    %add3A_143 = arith.constant 512 : i32
    %add3A_144 = arith.addi %mul3A_142, %add3A_143 : i32
    %dma_start3A_145 = arith.constant 0 : i32
    %dma_start3A_146 = tpu.memref_slice %arg4[%add3A_144, %dma_start3A_145] : memref<32768x64xf32, #tpu.memory_space<hbm>> -> memref<256x64xf32, #tpu.memory_space<hbm>>
    %dma_start3A_147 = arith.constant 0 : i32
    %dma_start3A_148 = tpu.memref_slice %arg4[%add3A_144, %dma_start3A_147] : memref<32768x64xf32, #tpu.memory_space<hbm>> -> memref<256x64xf32, #tpu.memory_space<hbm>>
    tpu.enqueue_dma source(%arg6 : memref<256x64xf32, #tpu.memory_space<vmem>>) target(%dma_start3A_148 : memref<256x64xf32, #tpu.memory_space<hbm>>) target_semaphore(%arg10 : memref<!tpu.dma_semaphore, #tpu.memory_space<semaphore_mem>>)
    %dma_wait3A_149 = arith.constant 0 : i32
    %dma_wait3A_150 = tpu.memref_slice %arg4[%add3A_92, %dma_wait3A_149] : memref<32768x64xf32, #tpu.memory_space<hbm>> -> memref<256x64xf32, #tpu.memory_space<hbm>>
    %dma_wait3A_151 = arith.constant 0 : i32
    %dma_wait3A_152 = tpu.memref_slice %arg4[%add3A_92, %dma_wait3A_151] : memref<32768x64xf32, #tpu.memory_space<hbm>> -> memref<256x64xf32, #tpu.memory_space<hbm>>
    tpu.wait_dma2 semaphore(%arg11 : memref<!tpu.dma_semaphore, #tpu.memory_space<semaphore_mem>>) src(%arg7 : memref<256x64xf32, #tpu.memory_space<vmem>>) dst(%dma_wait3A_152 : memref<256x64xf32, #tpu.memory_space<hbm>>)
    %dma_start3A_153 = arith.constant 6 : i32
    %dma_start3A_154 = arith.constant 0 : i32
    %dma_start3A_155 = arith.constant 0 : i32
    %dma_start3A_156 = tpu.memref_slice %arg7[%dma_start3A_154, %dma_start3A_155] : memref<256x64xf32, #tpu.memory_space<vmem>> -> memref<128x64xf32, #tpu.memory_space<vmem>>
    %dma_start3A_157 = arith.constant 0 : i32
    %dma_start3A_158 = tpu.memref_slice %arg5[%dma_start3A_153, %dma_start3A_157] : memref<8x128xi32, #tpu.memory_space<vmem>> -> memref<1x128xi32, #tpu.memory_space<vmem>>
    %dma_start3A_159 = tpu.memref_squeeze %dma_start3A_158 : memref<1x128xi32, #tpu.memory_space<vmem>> -> memref<128xi32, #tpu.memory_space<vmem>>
    %dma_start3A_160 = arith.constant 0 : i32
    %dma_start3A_161 = arith.constant 0 : i32
    %dma_start3A_162 = tpu.memref_slice %arg2[%dma_start3A_160, %dma_start3A_161] : memref<8192x64xf32, #tpu.memory_space<hbm>> -> memref<8192x64xf32, #tpu.memory_space<hbm>>
    tpu.enqueue_indirect_dma source(%dma_start3A_162 : memref<8192x64xf32, #tpu.memory_space<hbm>>) target(%dma_start3A_156 : memref<128x64xf32, #tpu.memory_space<vmem>>) offsets(%dma_start3A_159 : memref<128xi32, #tpu.memory_space<vmem>>) semaphore(%arg9 : memref<!tpu.dma_semaphore, #tpu.memory_space<semaphore_mem>>)
    %dma_start3A_163 = arith.constant 7 : i32
    %dma_start3A_164 = arith.constant 128 : i32
    %dma_start3A_165 = arith.constant 0 : i32
    %dma_start3A_166 = tpu.memref_slice %arg7[%dma_start3A_164, %dma_start3A_165] : memref<256x64xf32, #tpu.memory_space<vmem>> -> memref<128x64xf32, #tpu.memory_space<vmem>>
    %dma_start3A_167 = arith.constant 0 : i32
    %dma_start3A_168 = tpu.memref_slice %arg5[%dma_start3A_163, %dma_start3A_167] : memref<8x128xi32, #tpu.memory_space<vmem>> -> memref<1x128xi32, #tpu.memory_space<vmem>>
    %dma_start3A_169 = tpu.memref_squeeze %dma_start3A_168 : memref<1x128xi32, #tpu.memory_space<vmem>> -> memref<128xi32, #tpu.memory_space<vmem>>
    %dma_start3A_170 = arith.constant 0 : i32
    %dma_start3A_171 = arith.constant 0 : i32
    %dma_start3A_172 = tpu.memref_slice %arg2[%dma_start3A_170, %dma_start3A_171] : memref<8192x64xf32, #tpu.memory_space<hbm>> -> memref<8192x64xf32, #tpu.memory_space<hbm>>
    tpu.enqueue_indirect_dma source(%dma_start3A_172 : memref<8192x64xf32, #tpu.memory_space<hbm>>) target(%dma_start3A_166 : memref<128x64xf32, #tpu.memory_space<vmem>>) offsets(%dma_start3A_169 : memref<128xi32, #tpu.memory_space<vmem>>) semaphore(%arg9 : memref<!tpu.dma_semaphore, #tpu.memory_space<semaphore_mem>>)
    %dma_wait3A_173 = arith.constant 6 : i32
    %dma_wait3A_174 = arith.constant 0 : i32
    %dma_wait3A_175 = arith.constant 0 : i32
    %dma_wait3A_176 = tpu.memref_slice %arg7[%dma_wait3A_174, %dma_wait3A_175] : memref<256x64xf32, #tpu.memory_space<vmem>> -> memref<128x64xf32, #tpu.memory_space<vmem>>
    %dma_wait3A_177 = arith.constant 0 : i32
    %dma_wait3A_178 = tpu.memref_slice %arg5[%dma_wait3A_173, %dma_wait3A_177] : memref<8x128xi32, #tpu.memory_space<vmem>> -> memref<1x128xi32, #tpu.memory_space<vmem>>
    %dma_wait3A_179 = tpu.memref_squeeze %dma_wait3A_178 : memref<1x128xi32, #tpu.memory_space<vmem>> -> memref<128xi32, #tpu.memory_space<vmem>>
    %dma_wait3A_180 = arith.constant 0 : i32
    %dma_wait3A_181 = arith.constant 0 : i32
    %dma_wait3A_182 = tpu.memref_slice %arg2[%dma_wait3A_180, %dma_wait3A_181] : memref<8192x64xf32, #tpu.memory_space<hbm>> -> memref<8192x64xf32, #tpu.memory_space<hbm>>
    tpu.wait_indirect_dma semaphore(%arg9 : memref<!tpu.dma_semaphore, #tpu.memory_space<semaphore_mem>>) src(%dma_wait3A_182 : memref<8192x64xf32, #tpu.memory_space<hbm>>) dst(%dma_wait3A_176 : memref<128x64xf32, #tpu.memory_space<vmem>>)
    %dma_wait3A_183 = arith.constant 7 : i32
    %dma_wait3A_184 = arith.constant 128 : i32
    %dma_wait3A_185 = arith.constant 0 : i32
    %dma_wait3A_186 = tpu.memref_slice %arg7[%dma_wait3A_184, %dma_wait3A_185] : memref<256x64xf32, #tpu.memory_space<vmem>> -> memref<128x64xf32, #tpu.memory_space<vmem>>
    %dma_wait3A_187 = arith.constant 0 : i32
    %dma_wait3A_188 = tpu.memref_slice %arg5[%dma_wait3A_183, %dma_wait3A_187] : memref<8x128xi32, #tpu.memory_space<vmem>> -> memref<1x128xi32, #tpu.memory_space<vmem>>
    %dma_wait3A_189 = tpu.memref_squeeze %dma_wait3A_188 : memref<1x128xi32, #tpu.memory_space<vmem>> -> memref<128xi32, #tpu.memory_space<vmem>>
    %dma_wait3A_190 = arith.constant 0 : i32
    %dma_wait3A_191 = arith.constant 0 : i32
    %dma_wait3A_192 = tpu.memref_slice %arg2[%dma_wait3A_190, %dma_wait3A_191] : memref<8192x64xf32, #tpu.memory_space<hbm>> -> memref<8192x64xf32, #tpu.memory_space<hbm>>
    tpu.wait_indirect_dma semaphore(%arg9 : memref<!tpu.dma_semaphore, #tpu.memory_space<semaphore_mem>>) src(%dma_wait3A_192 : memref<8192x64xf32, #tpu.memory_space<hbm>>) dst(%dma_wait3A_186 : memref<128x64xf32, #tpu.memory_space<vmem>>)
    %mul3A_193 = arith.constant 1024 : i32
    %mul3A_194 = arith.muli %add3A, %mul3A_193 : i32
    %add3A_195 = arith.constant 768 : i32
    %add3A_196 = arith.addi %mul3A_194, %add3A_195 : i32
    %dma_start3A_197 = arith.constant 0 : i32
    %dma_start3A_198 = tpu.memref_slice %arg4[%add3A_196, %dma_start3A_197] : memref<32768x64xf32, #tpu.memory_space<hbm>> -> memref<256x64xf32, #tpu.memory_space<hbm>>
    %dma_start3A_199 = arith.constant 0 : i32
    %dma_start3A_200 = tpu.memref_slice %arg4[%add3A_196, %dma_start3A_199] : memref<32768x64xf32, #tpu.memory_space<hbm>> -> memref<256x64xf32, #tpu.memory_space<hbm>>
    tpu.enqueue_dma source(%arg7 : memref<256x64xf32, #tpu.memory_space<vmem>>) target(%dma_start3A_200 : memref<256x64xf32, #tpu.memory_space<hbm>>) target_semaphore(%arg11 : memref<!tpu.dma_semaphore, #tpu.memory_space<semaphore_mem>>)
    %dma_wait3A_201 = arith.constant 0 : i32
    %dma_wait3A_202 = tpu.memref_slice %arg4[%add3A_144, %dma_wait3A_201] : memref<32768x64xf32, #tpu.memory_space<hbm>> -> memref<256x64xf32, #tpu.memory_space<hbm>>
    %dma_wait3A_203 = arith.constant 0 : i32
    %dma_wait3A_204 = tpu.memref_slice %arg4[%add3A_144, %dma_wait3A_203] : memref<32768x64xf32, #tpu.memory_space<hbm>> -> memref<256x64xf32, #tpu.memory_space<hbm>>
    tpu.wait_dma2 semaphore(%arg10 : memref<!tpu.dma_semaphore, #tpu.memory_space<semaphore_mem>>) src(%arg6 : memref<256x64xf32, #tpu.memory_space<vmem>>) dst(%dma_wait3A_204 : memref<256x64xf32, #tpu.memory_space<hbm>>)
    %dma_wait3A_205 = arith.constant 0 : i32
    %dma_wait3A_206 = tpu.memref_slice %arg4[%add3A_196, %dma_wait3A_205] : memref<32768x64xf32, #tpu.memory_space<hbm>> -> memref<256x64xf32, #tpu.memory_space<hbm>>
    %dma_wait3A_207 = arith.constant 0 : i32
    %dma_wait3A_208 = tpu.memref_slice %arg4[%add3A_196, %dma_wait3A_207] : memref<32768x64xf32, #tpu.memory_space<hbm>> -> memref<256x64xf32, #tpu.memory_space<hbm>>
    tpu.wait_dma2 semaphore(%arg11 : memref<!tpu.dma_semaphore, #tpu.memory_space<semaphore_mem>>) src(%arg7 : memref<256x64xf32, #tpu.memory_space<vmem>>) dst(%dma_wait3A_208 : memref<256x64xf32, #tpu.memory_space<hbm>>)
    return
  }
}

module attributes {stable_mosaic.version = 14 : i64} {
  func.func @_pre_body(%arg0: memref<8192x32xf32, #tpu.memory_space<vmem>>, %arg1: memref<1x32xf32, #tpu.memory_space<vmem>>, %arg2: memref<1x32xf32, #tpu.memory_space<vmem>>, %arg3: memref<32x64xf32, #tpu.memory_space<vmem>>, %arg4: memref<1x64xf32, #tpu.memory_space<vmem>>, %arg5: memref<2048x128xf32, #tpu.memory_space<vmem>>, %arg6: memref<4096x128xf32, #tpu.memory_space<vmem>>) attributes {dimension_semantics = [], scalar_prefetch = 0 : i64, scratch_operands = 0 : i64, tpu.core_type = #tpu.core_type<tc>} {
    %get3A = arith.constant 0 : index
    %get3A_0 = arith.constant 0 : index
    %get3A_1 = vector.load %arg0[%get3A, %get3A_0] : memref<8192x32xf32, #tpu.memory_space<vmem>>, vector<8192x32xf32>
    %get3A_2 = arith.constant 0 : index
    %get3A_3 = arith.constant 0 : index
    %get3A_4 = vector.load %arg1[%get3A_2, %get3A_3] : memref<1x32xf32, #tpu.memory_space<vmem>>, vector<1x32xf32>
    %mul3A = vector.broadcast %get3A_4 : vector<1x32xf32> to vector<8192x32xf32>
    %mul3A_5 = arith.mulf %get3A_1, %mul3A : vector<8192x32xf32>
    %get3A_6 = arith.constant 0 : index
    %get3A_7 = arith.constant 0 : index
    %get3A_8 = vector.load %arg2[%get3A_6, %get3A_7] : memref<1x32xf32, #tpu.memory_space<vmem>>, vector<1x32xf32>
    %add3A = vector.broadcast %get3A_8 : vector<1x32xf32> to vector<8192x32xf32>
    %add3A_9 = arith.addf %mul3A_5, %add3A : vector<8192x32xf32>
    %reshape3A = vector.shape_cast %add3A_9 : vector<8192x32xf32> to vector<2048x4x32xf32>
    %slice3A = vector.extract_strided_slice %reshape3A {offsets = [0, 0, 0], sizes = [2048, 1, 32], strides = [1, 1, 1]} : vector<2048x4x32xf32> to vector<2048x1x32xf32>
    %squeeze3A = vector.shape_cast %slice3A : vector<2048x1x32xf32> to vector<2048x32xf32>
    %slice3A_10 = vector.extract_strided_slice %reshape3A {offsets = [0, 1, 0], sizes = [2048, 1, 32], strides = [1, 1, 1]} : vector<2048x4x32xf32> to vector<2048x1x32xf32>
    %squeeze3A_11 = vector.shape_cast %slice3A_10 : vector<2048x1x32xf32> to vector<2048x32xf32>
    %slice3A_12 = vector.extract_strided_slice %reshape3A {offsets = [0, 2, 0], sizes = [2048, 1, 32], strides = [1, 1, 1]} : vector<2048x4x32xf32> to vector<2048x1x32xf32>
    %squeeze3A_13 = vector.shape_cast %slice3A_12 : vector<2048x1x32xf32> to vector<2048x32xf32>
    %slice3A_14 = vector.extract_strided_slice %reshape3A {offsets = [0, 3, 0], sizes = [2048, 1, 32], strides = [1, 1, 1]} : vector<2048x4x32xf32> to vector<2048x1x32xf32>
    %squeeze3A_15 = vector.shape_cast %slice3A_14 : vector<2048x1x32xf32> to vector<2048x32xf32>
    %concatenate3A = tpu.concatenate %squeeze3A, %squeeze3A_11, %squeeze3A_13, %squeeze3A_15 in 1 : vector<2048x32xf32>, vector<2048x32xf32>, vector<2048x32xf32>, vector<2048x32xf32> -> vector<2048x128xf32>
    %swap3A = arith.constant 0 : index
    %swap3A_16 = arith.constant 0 : index
    %swap3A_17 = vector.load %arg5[%swap3A, %swap3A_16] : memref<2048x128xf32, #tpu.memory_space<vmem>>, vector<2048x128xf32>
    tpu.vector_store %arg5[%swap3A, %swap3A_16], %concatenate3A {strides = array<i32>} : memref<2048x128xf32, #tpu.memory_space<vmem>>, vector<2048x128xf32>,
    %get3A_18 = arith.constant 0 : index
    %get3A_19 = arith.constant 0 : index
    %get3A_20 = vector.load %arg3[%get3A_18, %get3A_19] : memref<32x64xf32, #tpu.memory_space<vmem>>, vector<32x64xf32>
    %dot_general3A = arith.constant dense<0.000000e+00> : vector<8192x64xf32>
    %dot_general3A_21 = tpu.matmul %add3A_9, %get3A_20, %dot_general3A {dimension_numbers = #tpu.dot_dimension_numbers<[1], [0], [0], [1], [0, 0, 1, 1], [], []>, transpose_lhs_hint = false} : vector<8192x32xf32>, vector<32x64xf32>, vector<8192x64xf32> -> vector<8192x64xf32>
    %get3A_22 = arith.constant 0 : index
    %get3A_23 = arith.constant 0 : index
    %get3A_24 = vector.load %arg4[%get3A_22, %get3A_23] : memref<1x64xf32, #tpu.memory_space<vmem>>, vector<1x64xf32>
    %add3A_25 = vector.broadcast %get3A_24 : vector<1x64xf32> to vector<8192x64xf32>
    %add3A_26 = arith.addf %dot_general3A_21, %add3A_25 : vector<8192x64xf32>
    %reshape3A_27 = vector.shape_cast %add3A_26 : vector<8192x64xf32> to vector<4096x2x64xf32>
    %slice3A_28 = vector.extract_strided_slice %reshape3A_27 {offsets = [0, 0, 0], sizes = [4096, 1, 64], strides = [1, 1, 1]} : vector<4096x2x64xf32> to vector<4096x1x64xf32>
    %squeeze3A_29 = vector.shape_cast %slice3A_28 : vector<4096x1x64xf32> to vector<4096x64xf32>
    %slice3A_30 = vector.extract_strided_slice %reshape3A_27 {offsets = [0, 1, 0], sizes = [4096, 1, 64], strides = [1, 1, 1]} : vector<4096x2x64xf32> to vector<4096x1x64xf32>
    %squeeze3A_31 = vector.shape_cast %slice3A_30 : vector<4096x1x64xf32> to vector<4096x64xf32>
    %concatenate3A_32 = tpu.concatenate %squeeze3A_29, %squeeze3A_31 in 1 : vector<4096x64xf32>, vector<4096x64xf32> -> vector<4096x128xf32>
    %swap3A_33 = arith.constant 0 : index
    %swap3A_34 = arith.constant 0 : index
    %swap3A_35 = vector.load %arg6[%swap3A_33, %swap3A_34] : memref<4096x128xf32, #tpu.memory_space<vmem>>, vector<4096x128xf32>
    tpu.vector_store %arg6[%swap3A_33, %swap3A_34], %concatenate3A_32 {strides = array<i32>} : memref<4096x128xf32, #tpu.memory_space<vmem>>, vector<4096x128xf32>,
    return
  }
}

module attributes {stable_mosaic.version = 14 : i64} {
  func.func @_msg1_body(%arg0: i32, %arg1: memref<7x4096xf32, #tpu.memory_space<vmem>>, %arg2: memref<1024x128xf32, #tpu.memory_space<vmem>>, %arg3: memref<7x224xf32, #tpu.memory_space<vmem>>, %arg4: memref<32x224xf32, #tpu.memory_space<vmem>>, %arg5: memref<224x64xf32, #tpu.memory_space<vmem>>, %arg6: memref<2048x128xf32, #tpu.memory_space<vmem>>) attributes {dimension_semantics = [#tpu.dimension_semantics<arbitrary>], iteration_bounds = array<i64: 8>, scalar_prefetch = 0 : i64, scratch_operands = 0 : i64, tpu.core_type = #tpu.core_type<tc>, window_params = [{transform_indices = @transform_0, window_bounds = array<i64: 7, 4096>}, {transform_indices = @transform_1, window_bounds = array<i64: 1024, 128>}, {pipeline_mode = #tpu.pipeline_mode<synchronous>, transform_indices = @transform_2, window_bounds = array<i64: 7, 224>}, {pipeline_mode = #tpu.pipeline_mode<synchronous>, transform_indices = @transform_3, window_bounds = array<i64: 32, 224>}, {pipeline_mode = #tpu.pipeline_mode<synchronous>, transform_indices = @transform_4, window_bounds = array<i64: 224, 64>}, {transform_indices = @transform_5, window_bounds = array<i64: 2048, 128>}]} {
    %get3A = arith.constant 0 : index
    %get3A_0 = arith.constant 0 : index
    %get3A_1 = vector.load %arg1[%get3A, %get3A_0] : memref<7x4096xf32, #tpu.memory_space<vmem>>, vector<7x4096xf32>
    %transpose3A = tpu.transpose %get3A_1, [1, 0] : vector<7x4096xf32> -> vector<4096x7xf32>
    %reshape3A = vector.shape_cast %transpose3A : vector<4096x7xf32> to vector<1024x4x7xf32>
    %get3A_2 = arith.constant 0 : index
    %get3A_3 = arith.constant 0 : index
    %get3A_4 = vector.load %arg2[%get3A_2, %get3A_3] : memref<1024x128xf32, #tpu.memory_space<vmem>>, vector<1024x32xf32>
    %slice3A = vector.extract_strided_slice %reshape3A {offsets = [0, 0, 0], sizes = [1024, 1, 7], strides = [1, 1, 1]} : vector<1024x4x7xf32> to vector<1024x1x7xf32>
    %squeeze3A = vector.shape_cast %slice3A : vector<1024x1x7xf32> to vector<1024x7xf32>
    %get3A_5 = arith.constant 0 : index
    %get3A_6 = arith.constant 0 : index
    %get3A_7 = vector.load %arg3[%get3A_5, %get3A_6] : memref<7x224xf32, #tpu.memory_space<vmem>>, vector<7x224xf32>
    %dot_general3A = arith.constant dense<0.000000e+00> : vector<1024x224xf32>
    %dot_general3A_8 = tpu.matmul %squeeze3A, %get3A_7, %dot_general3A {dimension_numbers = #tpu.dot_dimension_numbers<[1], [0], [0], [1], [0, 0, 1, 1], [], []>, transpose_lhs_hint = false} : vector<1024x7xf32>, vector<7x224xf32>, vector<1024x224xf32> -> vector<1024x224xf32>
    %get3A_9 = arith.constant 0 : index
    %get3A_10 = arith.constant 0 : index
    %get3A_11 = vector.load %arg4[%get3A_9, %get3A_10] : memref<32x224xf32, #tpu.memory_space<vmem>>, vector<32x224xf32>
    %dot_general3A_12 = arith.constant dense<0.000000e+00> : vector<1024x224xf32>
    %dot_general3A_13 = tpu.matmul %get3A_4, %get3A_11, %dot_general3A_12 {dimension_numbers = #tpu.dot_dimension_numbers<[1], [0], [0], [1], [0, 0, 1, 1], [], []>, transpose_lhs_hint = false} : vector<1024x32xf32>, vector<32x224xf32>, vector<1024x224xf32> -> vector<1024x224xf32>
    %mul3A = arith.mulf %dot_general3A_8, %dot_general3A_13 : vector<1024x224xf32>
    %get3A_14 = arith.constant 0 : index
    %get3A_15 = arith.constant 0 : index
    %get3A_16 = vector.load %arg5[%get3A_14, %get3A_15] : memref<224x64xf32, #tpu.memory_space<vmem>>, vector<224x64xf32>
    %dot_general3A_17 = arith.constant dense<0.000000e+00> : vector<1024x64xf32>
    %dot_general3A_18 = tpu.matmul %mul3A, %get3A_16, %dot_general3A_17 {dimension_numbers = #tpu.dot_dimension_numbers<[1], [0], [0], [1], [0, 0, 1, 1], [], []>, transpose_lhs_hint = false} : vector<1024x224xf32>, vector<224x64xf32>, vector<1024x64xf32> -> vector<1024x64xf32>
    %get3A_19 = arith.constant 0 : index
    %get3A_20 = arith.constant 32 : index
    %get3A_21 = vector.load %arg2[%get3A_19, %get3A_20] : memref<1024x128xf32, #tpu.memory_space<vmem>>, vector<1024x32xf32>
    %slice3A_22 = vector.extract_strided_slice %reshape3A {offsets = [0, 1, 0], sizes = [1024, 1, 7], strides = [1, 1, 1]} : vector<1024x4x7xf32> to vector<1024x1x7xf32>
    %squeeze3A_23 = vector.shape_cast %slice3A_22 : vector<1024x1x7xf32> to vector<1024x7xf32>
    %get3A_24 = arith.constant 0 : index
    %get3A_25 = arith.constant 0 : index
    %get3A_26 = vector.load %arg3[%get3A_24, %get3A_25] : memref<7x224xf32, #tpu.memory_space<vmem>>, vector<7x224xf32>
    %dot_general3A_27 = arith.constant dense<0.000000e+00> : vector<1024x224xf32>
    %dot_general3A_28 = tpu.matmul %squeeze3A_23, %get3A_26, %dot_general3A_27 {dimension_numbers = #tpu.dot_dimension_numbers<[1], [0], [0], [1], [0, 0, 1, 1], [], []>, transpose_lhs_hint = false} : vector<1024x7xf32>, vector<7x224xf32>, vector<1024x224xf32> -> vector<1024x224xf32>
    %get3A_29 = arith.constant 0 : index
    %get3A_30 = arith.constant 0 : index
    %get3A_31 = vector.load %arg4[%get3A_29, %get3A_30] : memref<32x224xf32, #tpu.memory_space<vmem>>, vector<32x224xf32>
    %dot_general3A_32 = arith.constant dense<0.000000e+00> : vector<1024x224xf32>
    %dot_general3A_33 = tpu.matmul %get3A_21, %get3A_31, %dot_general3A_32 {dimension_numbers = #tpu.dot_dimension_numbers<[1], [0], [0], [1], [0, 0, 1, 1], [], []>, transpose_lhs_hint = false} : vector<1024x32xf32>, vector<32x224xf32>, vector<1024x224xf32> -> vector<1024x224xf32>
    %mul3A_34 = arith.mulf %dot_general3A_28, %dot_general3A_33 : vector<1024x224xf32>
    %get3A_35 = arith.constant 0 : index
    %get3A_36 = arith.constant 0 : index
    %get3A_37 = vector.load %arg5[%get3A_35, %get3A_36] : memref<224x64xf32, #tpu.memory_space<vmem>>, vector<224x64xf32>
    %dot_general3A_38 = arith.constant dense<0.000000e+00> : vector<1024x64xf32>
    %dot_general3A_39 = tpu.matmul %mul3A_34, %get3A_37, %dot_general3A_38 {dimension_numbers = #tpu.dot_dimension_numbers<[1], [0], [0], [1], [0, 0, 1, 1], [], []>, transpose_lhs_hint = false} : vector<1024x224xf32>, vector<224x64xf32>, vector<1024x64xf32> -> vector<1024x64xf32>
    %get3A_40 = arith.constant 0 : index
    %get3A_41 = arith.constant 64 : index
    %get3A_42 = vector.load %arg2[%get3A_40, %get3A_41] : memref<1024x128xf32, #tpu.memory_space<vmem>>, vector<1024x32xf32>
    %slice3A_43 = vector.extract_strided_slice %reshape3A {offsets = [0, 2, 0], sizes = [1024, 1, 7], strides = [1, 1, 1]} : vector<1024x4x7xf32> to vector<1024x1x7xf32>
    %squeeze3A_44 = vector.shape_cast %slice3A_43 : vector<1024x1x7xf32> to vector<1024x7xf32>
    %get3A_45 = arith.constant 0 : index
    %get3A_46 = arith.constant 0 : index
    %get3A_47 = vector.load %arg3[%get3A_45, %get3A_46] : memref<7x224xf32, #tpu.memory_space<vmem>>, vector<7x224xf32>
    %dot_general3A_48 = arith.constant dense<0.000000e+00> : vector<1024x224xf32>
    %dot_general3A_49 = tpu.matmul %squeeze3A_44, %get3A_47, %dot_general3A_48 {dimension_numbers = #tpu.dot_dimension_numbers<[1], [0], [0], [1], [0, 0, 1, 1], [], []>, transpose_lhs_hint = false} : vector<1024x7xf32>, vector<7x224xf32>, vector<1024x224xf32> -> vector<1024x224xf32>
    %get3A_50 = arith.constant 0 : index
    %get3A_51 = arith.constant 0 : index
    %get3A_52 = vector.load %arg4[%get3A_50, %get3A_51] : memref<32x224xf32, #tpu.memory_space<vmem>>, vector<32x224xf32>
    %dot_general3A_53 = arith.constant dense<0.000000e+00> : vector<1024x224xf32>
    %dot_general3A_54 = tpu.matmul %get3A_42, %get3A_52, %dot_general3A_53 {dimension_numbers = #tpu.dot_dimension_numbers<[1], [0], [0], [1], [0, 0, 1, 1], [], []>, transpose_lhs_hint = false} : vector<1024x32xf32>, vector<32x224xf32>, vector<1024x224xf32> -> vector<1024x224xf32>
    %mul3A_55 = arith.mulf %dot_general3A_49, %dot_general3A_54 : vector<1024x224xf32>
    %get3A_56 = arith.constant 0 : index
    %get3A_57 = arith.constant 0 : index
    %get3A_58 = vector.load %arg5[%get3A_56, %get3A_57] : memref<224x64xf32, #tpu.memory_space<vmem>>, vector<224x64xf32>
    %dot_general3A_59 = arith.constant dense<0.000000e+00> : vector<1024x64xf32>
    %dot_general3A_60 = tpu.matmul %mul3A_55, %get3A_58, %dot_general3A_59 {dimension_numbers = #tpu.dot_dimension_numbers<[1], [0], [0], [1], [0, 0, 1, 1], [], []>, transpose_lhs_hint = false} : vector<1024x224xf32>, vector<224x64xf32>, vector<1024x64xf32> -> vector<1024x64xf32>
    %get3A_61 = arith.constant 0 : index
    %get3A_62 = arith.constant 96 : index
    %get3A_63 = vector.load %arg2[%get3A_61, %get3A_62] : memref<1024x128xf32, #tpu.memory_space<vmem>>, vector<1024x32xf32>
    %slice3A_64 = vector.extract_strided_slice %reshape3A {offsets = [0, 3, 0], sizes = [1024, 1, 7], strides = [1, 1, 1]} : vector<1024x4x7xf32> to vector<1024x1x7xf32>
    %squeeze3A_65 = vector.shape_cast %slice3A_64 : vector<1024x1x7xf32> to vector<1024x7xf32>
    %get3A_66 = arith.constant 0 : index
    %get3A_67 = arith.constant 0 : index
    %get3A_68 = vector.load %arg3[%get3A_66, %get3A_67] : memref<7x224xf32, #tpu.memory_space<vmem>>, vector<7x224xf32>
    %dot_general3A_69 = arith.constant dense<0.000000e+00> : vector<1024x224xf32>
    %dot_general3A_70 = tpu.matmul %squeeze3A_65, %get3A_68, %dot_general3A_69 {dimension_numbers = #tpu.dot_dimension_numbers<[1], [0], [0], [1], [0, 0, 1, 1], [], []>, transpose_lhs_hint = false} : vector<1024x7xf32>, vector<7x224xf32>, vector<1024x224xf32> -> vector<1024x224xf32>
    %get3A_71 = arith.constant 0 : index
    %get3A_72 = arith.constant 0 : index
    %get3A_73 = vector.load %arg4[%get3A_71, %get3A_72] : memref<32x224xf32, #tpu.memory_space<vmem>>, vector<32x224xf32>
    %dot_general3A_74 = arith.constant dense<0.000000e+00> : vector<1024x224xf32>
    %dot_general3A_75 = tpu.matmul %get3A_63, %get3A_73, %dot_general3A_74 {dimension_numbers = #tpu.dot_dimension_numbers<[1], [0], [0], [1], [0, 0, 1, 1], [], []>, transpose_lhs_hint = false} : vector<1024x32xf32>, vector<32x224xf32>, vector<1024x224xf32> -> vector<1024x224xf32>
    %mul3A_76 = arith.mulf %dot_general3A_70, %dot_general3A_75 : vector<1024x224xf32>
    %get3A_77 = arith.constant 0 : index
    %get3A_78 = arith.constant 0 : index
    %get3A_79 = vector.load %arg5[%get3A_77, %get3A_78] : memref<224x64xf32, #tpu.memory_space<vmem>>, vector<224x64xf32>
    %dot_general3A_80 = arith.constant dense<0.000000e+00> : vector<1024x64xf32>
    %dot_general3A_81 = tpu.matmul %mul3A_76, %get3A_79, %dot_general3A_80 {dimension_numbers = #tpu.dot_dimension_numbers<[1], [0], [0], [1], [0, 0, 1, 1], [], []>, transpose_lhs_hint = false} : vector<1024x224xf32>, vector<224x64xf32>, vector<1024x64xf32> -> vector<1024x64xf32>
    %concatenate3A = tpu.concatenate %dot_general3A_18, %dot_general3A_39 in 1 : vector<1024x64xf32>, vector<1024x64xf32> -> vector<1024x128xf32>
    %concatenate3A_82 = tpu.concatenate %dot_general3A_60, %dot_general3A_81 in 1 : vector<1024x64xf32>, vector<1024x64xf32> -> vector<1024x128xf32>
    %broadcast_in_dim3A = vector.shape_cast %concatenate3A : vector<1024x128xf32> to vector<1024x1x128xf32>
    %broadcast_in_dim3A_83 = vector.shape_cast %concatenate3A_82 : vector<1024x128xf32> to vector<1024x1x128xf32>
    %concatenate3A_84 = tpu.concatenate %broadcast_in_dim3A, %broadcast_in_dim3A_83 in 1 : vector<1024x1x128xf32>, vector<1024x1x128xf32> -> vector<1024x2x128xf32>
    %reshape3A_85 = vector.shape_cast %concatenate3A_84 : vector<1024x2x128xf32> to vector<2048x128xf32>
    %swap3A = arith.constant 0 : index
    %swap3A_86 = arith.constant 0 : index
    %swap3A_87 = vector.load %arg6[%swap3A, %swap3A_86] : memref<2048x128xf32, #tpu.memory_space<vmem>>, vector<2048x128xf32>
    tpu.vector_store %arg6[%swap3A, %swap3A_86], %reshape3A_85 {strides = array<i32>} : memref<2048x128xf32, #tpu.memory_space<vmem>>, vector<2048x128xf32>,
    return
  }
  func.func @transform_0(%arg0: i32) -> (i32, i32) {
    %c0_i32 = arith.constant 0 : i32
    %c0_i32_0 = arith.constant 0 : i32
    return %c0_i32, %arg0 : i32, i32
  }
  func.func @transform_1(%arg0: i32) -> (i32, i32) {
    %c0_i32 = arith.constant 0 : i32
    %c0_i32_0 = arith.constant 0 : i32
    return %arg0, %c0_i32 : i32, i32
  }
  func.func @transform_2(%arg0: i32) -> (i32, i32) {
    %c0_i32 = arith.constant 0 : i32
    %c0_i32_0 = arith.constant 0 : i32
    %c0_i32_1 = arith.constant 0 : i32
    return %c0_i32, %c0_i32_0 : i32, i32
  }
  func.func @transform_3(%arg0: i32) -> (i32, i32) {
    %c0_i32 = arith.constant 0 : i32
    %c0_i32_0 = arith.constant 0 : i32
    %c0_i32_1 = arith.constant 0 : i32
    return %c0_i32, %c0_i32_0 : i32, i32
  }
  func.func @transform_4(%arg0: i32) -> (i32, i32) {
    %c0_i32 = arith.constant 0 : i32
    %c0_i32_0 = arith.constant 0 : i32
    %c0_i32_1 = arith.constant 0 : i32
    return %c0_i32, %c0_i32_0 : i32, i32
  }
  func.func @transform_5(%arg0: i32) -> (i32, i32) {
    %c0_i32 = arith.constant 0 : i32
    %c0_i32_0 = arith.constant 0 : i32
    return %arg0, %c0_i32 : i32, i32
  }
}

module attributes {stable_mosaic.version = 14 : i64} {
  func.func @_hidden_body(%arg0: memref<2x4096x128xf32, #tpu.memory_space<vmem>>, %arg1: memref<4096x128xf32, #tpu.memory_space<vmem>>, %arg2: memref<64x64xf32, #tpu.memory_space<vmem>>, %arg3: memref<1x64xf32, #tpu.memory_space<vmem>>, %arg4: memref<4096x128xf32, #tpu.memory_space<vmem>>, %arg5: memref<4096x128xf32, #tpu.memory_space<vmem>>) attributes {dimension_semantics = [], scalar_prefetch = 0 : i64, scratch_operands = 0 : i64, tpu.core_type = #tpu.core_type<tc>} {
    %get3A = arith.constant 0 : index
    %get3A_0 = arith.constant 0 : index
    %get3A_1 = arith.constant 0 : index
    %get3A_2 = vector.load %arg0[%get3A, %get3A_0, %get3A_1] : memref<2x4096x128xf32, #tpu.memory_space<vmem>>, vector<1x4096x128xf32>
    %get3A_3 = vector.shape_cast %get3A_2 : vector<1x4096x128xf32> to vector<4096x128xf32>
    %slice3A = vector.extract_strided_slice %get3A_3 {offsets = [0, 0], sizes = [4096, 64], strides = [1, 1]} : vector<4096x128xf32> to vector<4096x64xf32>
    %get3A_4 = arith.constant 1 : index
    %get3A_5 = arith.constant 0 : index
    %get3A_6 = arith.constant 0 : index
    %get3A_7 = vector.load %arg0[%get3A_4, %get3A_5, %get3A_6] : memref<2x4096x128xf32, #tpu.memory_space<vmem>>, vector<1x4096x128xf32>
    %get3A_8 = vector.shape_cast %get3A_7 : vector<1x4096x128xf32> to vector<4096x128xf32>
    %slice3A_9 = vector.extract_strided_slice %get3A_8 {offsets = [0, 0], sizes = [4096, 64], strides = [1, 1]} : vector<4096x128xf32> to vector<4096x64xf32>
    %add3A = arith.addf %slice3A, %slice3A_9 : vector<4096x64xf32>
    %get3A_10 = arith.constant 0 : index
    %get3A_11 = arith.constant 0 : index
    %get3A_12 = vector.load %arg1[%get3A_10, %get3A_11] : memref<4096x128xf32, #tpu.memory_space<vmem>>, vector<4096x64xf32>
    %add3A_13 = arith.addf %add3A, %get3A_12 : vector<4096x64xf32>
    %max3A = arith.constant 0.000000e+00 : f32
    %max3A_14 = vector.broadcast %max3A : f32 to vector<4096x64xf32>
    %max3A_15 = arith.maximumf %add3A_13, %max3A_14 : vector<4096x64xf32>
    %get3A_16 = arith.constant 0 : index
    %get3A_17 = arith.constant 0 : index
    %get3A_18 = arith.constant 0 : index
    %get3A_19 = vector.load %arg0[%get3A_16, %get3A_17, %get3A_18] : memref<2x4096x128xf32, #tpu.memory_space<vmem>>, vector<1x4096x128xf32>
    %get3A_20 = vector.shape_cast %get3A_19 : vector<1x4096x128xf32> to vector<4096x128xf32>
    %slice3A_21 = vector.extract_strided_slice %get3A_20 {offsets = [0, 64], sizes = [4096, 64], strides = [1, 1]} : vector<4096x128xf32> to vector<4096x64xf32>
    %get3A_22 = arith.constant 1 : index
    %get3A_23 = arith.constant 0 : index
    %get3A_24 = arith.constant 0 : index
    %get3A_25 = vector.load %arg0[%get3A_22, %get3A_23, %get3A_24] : memref<2x4096x128xf32, #tpu.memory_space<vmem>>, vector<1x4096x128xf32>
    %get3A_26 = vector.shape_cast %get3A_25 : vector<1x4096x128xf32> to vector<4096x128xf32>
    %slice3A_27 = vector.extract_strided_slice %get3A_26 {offsets = [0, 64], sizes = [4096, 64], strides = [1, 1]} : vector<4096x128xf32> to vector<4096x64xf32>
    %add3A_28 = arith.addf %slice3A_21, %slice3A_27 : vector<4096x64xf32>
    %get3A_29 = arith.constant 0 : index
    %get3A_30 = arith.constant 64 : index
    %get3A_31 = vector.load %arg1[%get3A_29, %get3A_30] : memref<4096x128xf32, #tpu.memory_space<vmem>>, vector<4096x64xf32>
    %add3A_32 = arith.addf %add3A_28, %get3A_31 : vector<4096x64xf32>
    %max3A_33 = arith.constant 0.000000e+00 : f32
    %max3A_34 = vector.broadcast %max3A_33 : f32 to vector<4096x64xf32>
    %max3A_35 = arith.maximumf %add3A_32, %max3A_34 : vector<4096x64xf32>
    %concatenate3A = tpu.concatenate %max3A_15, %max3A_35 in 1 : vector<4096x64xf32>, vector<4096x64xf32> -> vector<4096x128xf32>
    %swap3A = arith.constant 0 : index
    %swap3A_36 = arith.constant 0 : index
    %swap3A_37 = vector.load %arg4[%swap3A, %swap3A_36] : memref<4096x128xf32, #tpu.memory_space<vmem>>, vector<4096x128xf32>
    tpu.vector_store %arg4[%swap3A, %swap3A_36], %concatenate3A {strides = array<i32>} : memref<4096x128xf32, #tpu.memory_space<vmem>>, vector<4096x128xf32>,
    %get3A_38 = arith.constant 0 : index
    %get3A_39 = arith.constant 0 : index
    %get3A_40 = vector.load %arg2[%get3A_38, %get3A_39] : memref<64x64xf32, #tpu.memory_space<vmem>>, vector<64x64xf32>
    %dot_general3A = arith.constant dense<0.000000e+00> : vector<4096x64xf32>
    %dot_general3A_41 = tpu.matmul %max3A_15, %get3A_40, %dot_general3A {dimension_numbers = #tpu.dot_dimension_numbers<[1], [0], [0], [1], [0, 0, 1, 1], [], []>, transpose_lhs_hint = false} : vector<4096x64xf32>, vector<64x64xf32>, vector<4096x64xf32> -> vector<4096x64xf32>
    %get3A_42 = arith.constant 0 : index
    %get3A_43 = arith.constant 0 : index
    %get3A_44 = vector.load %arg3[%get3A_42, %get3A_43] : memref<1x64xf32, #tpu.memory_space<vmem>>, vector<1x64xf32>
    %add3A_45 = vector.broadcast %get3A_44 : vector<1x64xf32> to vector<4096x64xf32>
    %add3A_46 = arith.addf %dot_general3A_41, %add3A_45 : vector<4096x64xf32>
    %get3A_47 = arith.constant 0 : index
    %get3A_48 = arith.constant 0 : index
    %get3A_49 = vector.load %arg2[%get3A_47, %get3A_48] : memref<64x64xf32, #tpu.memory_space<vmem>>, vector<64x64xf32>
    %dot_general3A_50 = arith.constant dense<0.000000e+00> : vector<4096x64xf32>
    %dot_general3A_51 = tpu.matmul %max3A_35, %get3A_49, %dot_general3A_50 {dimension_numbers = #tpu.dot_dimension_numbers<[1], [0], [0], [1], [0, 0, 1, 1], [], []>, transpose_lhs_hint = false} : vector<4096x64xf32>, vector<64x64xf32>, vector<4096x64xf32> -> vector<4096x64xf32>
    %get3A_52 = arith.constant 0 : index
    %get3A_53 = arith.constant 0 : index
    %get3A_54 = vector.load %arg3[%get3A_52, %get3A_53] : memref<1x64xf32, #tpu.memory_space<vmem>>, vector<1x64xf32>
    %add3A_55 = vector.broadcast %get3A_54 : vector<1x64xf32> to vector<4096x64xf32>
    %add3A_56 = arith.addf %dot_general3A_51, %add3A_55 : vector<4096x64xf32>
    %concatenate3A_57 = tpu.concatenate %add3A_46, %add3A_56 in 1 : vector<4096x64xf32>, vector<4096x64xf32> -> vector<4096x128xf32>
    %swap3A_58 = arith.constant 0 : index
    %swap3A_59 = arith.constant 0 : index
    %swap3A_60 = vector.load %arg5[%swap3A_58, %swap3A_59] : memref<4096x128xf32, #tpu.memory_space<vmem>>, vector<4096x128xf32>
    tpu.vector_store %arg5[%swap3A_58, %swap3A_59], %concatenate3A_57 {strides = array<i32>} : memref<4096x128xf32, #tpu.memory_space<vmem>>, vector<4096x128xf32>,
    return
  }
}

module attributes {stable_mosaic.version = 14 : i64} {
  func.func @_msg2_body(%arg0: i32, %arg1: memref<7x4096xf32, #tpu.memory_space<vmem>>, %arg2: memref<2048x128xf32, #tpu.memory_space<vmem>>, %arg3: memref<7x448xf32, #tpu.memory_space<vmem>>, %arg4: memref<64x448xf32, #tpu.memory_space<vmem>>, %arg5: memref<448x64xf32, #tpu.memory_space<vmem>>, %arg6: memref<2048x128xf32, #tpu.memory_space<vmem>>) attributes {dimension_semantics = [#tpu.dimension_semantics<arbitrary>], iteration_bounds = array<i64: 8>, scalar_prefetch = 0 : i64, scratch_operands = 0 : i64, tpu.core_type = #tpu.core_type<tc>, window_params = [{transform_indices = @transform_0, window_bounds = array<i64: 7, 4096>}, {transform_indices = @transform_1, window_bounds = array<i64: 2048, 128>}, {pipeline_mode = #tpu.pipeline_mode<synchronous>, transform_indices = @transform_2, window_bounds = array<i64: 7, 448>}, {pipeline_mode = #tpu.pipeline_mode<synchronous>, transform_indices = @transform_3, window_bounds = array<i64: 64, 448>}, {pipeline_mode = #tpu.pipeline_mode<synchronous>, transform_indices = @transform_4, window_bounds = array<i64: 448, 64>}, {transform_indices = @transform_5, window_bounds = array<i64: 2048, 128>}]} {
    %get3A = arith.constant 0 : index
    %get3A_0 = arith.constant 0 : index
    %get3A_1 = vector.load %arg1[%get3A, %get3A_0] : memref<7x4096xf32, #tpu.memory_space<vmem>>, vector<7x4096xf32>
    %transpose3A = tpu.transpose %get3A_1, [1, 0] : vector<7x4096xf32> -> vector<4096x7xf32>
    %reshape3A = vector.shape_cast %transpose3A : vector<4096x7xf32> to vector<2048x2x7xf32>
    %get3A_2 = arith.constant 0 : index
    %get3A_3 = arith.constant 0 : index
    %get3A_4 = vector.load %arg2[%get3A_2, %get3A_3] : memref<2048x128xf32, #tpu.memory_space<vmem>>, vector<2048x64xf32>
    %slice3A = vector.extract_strided_slice %reshape3A {offsets = [0, 0, 0], sizes = [2048, 1, 7], strides = [1, 1, 1]} : vector<2048x2x7xf32> to vector<2048x1x7xf32>
    %squeeze3A = vector.shape_cast %slice3A : vector<2048x1x7xf32> to vector<2048x7xf32>
    %get3A_5 = arith.constant 0 : index
    %get3A_6 = arith.constant 0 : index
    %get3A_7 = vector.load %arg3[%get3A_5, %get3A_6] : memref<7x448xf32, #tpu.memory_space<vmem>>, vector<7x448xf32>
    %dot_general3A = arith.constant dense<0.000000e+00> : vector<2048x448xf32>
    %dot_general3A_8 = tpu.matmul %squeeze3A, %get3A_7, %dot_general3A {dimension_numbers = #tpu.dot_dimension_numbers<[1], [0], [0], [1], [0, 0, 1, 1], [], []>, transpose_lhs_hint = false} : vector<2048x7xf32>, vector<7x448xf32>, vector<2048x448xf32> -> vector<2048x448xf32>
    %get3A_9 = arith.constant 0 : index
    %get3A_10 = arith.constant 0 : index
    %get3A_11 = vector.load %arg4[%get3A_9, %get3A_10] : memref<64x448xf32, #tpu.memory_space<vmem>>, vector<64x448xf32>
    %dot_general3A_12 = arith.constant dense<0.000000e+00> : vector<2048x448xf32>
    %dot_general3A_13 = tpu.matmul %get3A_4, %get3A_11, %dot_general3A_12 {dimension_numbers = #tpu.dot_dimension_numbers<[1], [0], [0], [1], [0, 0, 1, 1], [], []>, transpose_lhs_hint = false} : vector<2048x64xf32>, vector<64x448xf32>, vector<2048x448xf32> -> vector<2048x448xf32>
    %mul3A = arith.mulf %dot_general3A_8, %dot_general3A_13 : vector<2048x448xf32>
    %get3A_14 = arith.constant 0 : index
    %get3A_15 = arith.constant 0 : index
    %get3A_16 = vector.load %arg5[%get3A_14, %get3A_15] : memref<448x64xf32, #tpu.memory_space<vmem>>, vector<448x64xf32>
    %dot_general3A_17 = arith.constant dense<0.000000e+00> : vector<2048x64xf32>
    %dot_general3A_18 = tpu.matmul %mul3A, %get3A_16, %dot_general3A_17 {dimension_numbers = #tpu.dot_dimension_numbers<[1], [0], [0], [1], [0, 0, 1, 1], [], []>, transpose_lhs_hint = false} : vector<2048x448xf32>, vector<448x64xf32>, vector<2048x64xf32> -> vector<2048x64xf32>
    %get3A_19 = arith.constant 0 : index
    %get3A_20 = arith.constant 64 : index
    %get3A_21 = vector.load %arg2[%get3A_19, %get3A_20] : memref<2048x128xf32, #tpu.memory_space<vmem>>, vector<2048x64xf32>
    %slice3A_22 = vector.extract_strided_slice %reshape3A {offsets = [0, 1, 0], sizes = [2048, 1, 7], strides = [1, 1, 1]} : vector<2048x2x7xf32> to vector<2048x1x7xf32>
    %squeeze3A_23 = vector.shape_cast %slice3A_22 : vector<2048x1x7xf32> to vector<2048x7xf32>
    %get3A_24 = arith.constant 0 : index
    %get3A_25 = arith.constant 0 : index
    %get3A_26 = vector.load %arg3[%get3A_24, %get3A_25] : memref<7x448xf32, #tpu.memory_space<vmem>>, vector<7x448xf32>
    %dot_general3A_27 = arith.constant dense<0.000000e+00> : vector<2048x448xf32>
    %dot_general3A_28 = tpu.matmul %squeeze3A_23, %get3A_26, %dot_general3A_27 {dimension_numbers = #tpu.dot_dimension_numbers<[1], [0], [0], [1], [0, 0, 1, 1], [], []>, transpose_lhs_hint = false} : vector<2048x7xf32>, vector<7x448xf32>, vector<2048x448xf32> -> vector<2048x448xf32>
    %get3A_29 = arith.constant 0 : index
    %get3A_30 = arith.constant 0 : index
    %get3A_31 = vector.load %arg4[%get3A_29, %get3A_30] : memref<64x448xf32, #tpu.memory_space<vmem>>, vector<64x448xf32>
    %dot_general3A_32 = arith.constant dense<0.000000e+00> : vector<2048x448xf32>
    %dot_general3A_33 = tpu.matmul %get3A_21, %get3A_31, %dot_general3A_32 {dimension_numbers = #tpu.dot_dimension_numbers<[1], [0], [0], [1], [0, 0, 1, 1], [], []>, transpose_lhs_hint = false} : vector<2048x64xf32>, vector<64x448xf32>, vector<2048x448xf32> -> vector<2048x448xf32>
    %mul3A_34 = arith.mulf %dot_general3A_28, %dot_general3A_33 : vector<2048x448xf32>
    %get3A_35 = arith.constant 0 : index
    %get3A_36 = arith.constant 0 : index
    %get3A_37 = vector.load %arg5[%get3A_35, %get3A_36] : memref<448x64xf32, #tpu.memory_space<vmem>>, vector<448x64xf32>
    %dot_general3A_38 = arith.constant dense<0.000000e+00> : vector<2048x64xf32>
    %dot_general3A_39 = tpu.matmul %mul3A_34, %get3A_37, %dot_general3A_38 {dimension_numbers = #tpu.dot_dimension_numbers<[1], [0], [0], [1], [0, 0, 1, 1], [], []>, transpose_lhs_hint = false} : vector<2048x448xf32>, vector<448x64xf32>, vector<2048x64xf32> -> vector<2048x64xf32>
    %concatenate3A = tpu.concatenate %dot_general3A_18, %dot_general3A_39 in 1 : vector<2048x64xf32>, vector<2048x64xf32> -> vector<2048x128xf32>
    %swap3A = arith.constant 0 : index
    %swap3A_40 = arith.constant 0 : index
    %swap3A_41 = vector.load %arg6[%swap3A, %swap3A_40] : memref<2048x128xf32, #tpu.memory_space<vmem>>, vector<2048x128xf32>
    tpu.vector_store %arg6[%swap3A, %swap3A_40], %concatenate3A {strides = array<i32>} : memref<2048x128xf32, #tpu.memory_space<vmem>>, vector<2048x128xf32>,
    return
  }
  func.func @transform_0(%arg0: i32) -> (i32, i32) {
    %c0_i32 = arith.constant 0 : i32
    %c0_i32_0 = arith.constant 0 : i32
    return %c0_i32, %arg0 : i32, i32
  }
  func.func @transform_1(%arg0: i32) -> (i32, i32) {
    %c0_i32 = arith.constant 0 : i32
    %c0_i32_0 = arith.constant 0 : i32
    return %arg0, %c0_i32 : i32, i32
  }
  func.func @transform_2(%arg0: i32) -> (i32, i32) {
    %c0_i32 = arith.constant 0 : i32
    %c0_i32_0 = arith.constant 0 : i32
    %c0_i32_1 = arith.constant 0 : i32
    return %c0_i32, %c0_i32_0 : i32, i32
  }
  func.func @transform_3(%arg0: i32) -> (i32, i32) {
    %c0_i32 = arith.constant 0 : i32
    %c0_i32_0 = arith.constant 0 : i32
    %c0_i32_1 = arith.constant 0 : i32
    return %c0_i32, %c0_i32_0 : i32, i32
  }
  func.func @transform_4(%arg0: i32) -> (i32, i32) {
    %c0_i32 = arith.constant 0 : i32
    %c0_i32_0 = arith.constant 0 : i32
    %c0_i32_1 = arith.constant 0 : i32
    return %c0_i32, %c0_i32_0 : i32, i32
  }
  func.func @transform_5(%arg0: i32) -> (i32, i32) {
    %c0_i32 = arith.constant 0 : i32
    %c0_i32_0 = arith.constant 0 : i32
    return %arg0, %c0_i32 : i32, i32
  }
}

module attributes {stable_mosaic.version = 14 : i64} {
  func.func @_pool_body(%arg0: i32, %arg1: memref<2x1024x128xf32, #tpu.memory_space<vmem>>, %arg2: memref<1024x128xf32, #tpu.memory_space<vmem>>, %arg3: memref<64x32xf32, #tpu.memory_space<vmem>>, %arg4: memref<1x32xf32, #tpu.memory_space<vmem>>, %arg5: memref<64x32xf32, #tpu.memory_space<vmem>>, %arg6: memref<1x32xf32, #tpu.memory_space<vmem>>, %arg7: memref<32x1xf32, #tpu.memory_space<vmem>>, %arg8: memref<1x1xf32, #tpu.memory_space<vmem>>, %arg9: memref<1x1024xi32, #tpu.memory_space<vmem>>, %arg10: memref<1x1024xi32, #tpu.memory_space<vmem>>, %arg11: memref<256x1xf32, #tpu.memory_space<vmem>>, %arg12: memref<256x32xf32, #tpu.memory_space<vmem>>) attributes {dimension_semantics = [#tpu.dimension_semantics<arbitrary>], iteration_bounds = array<i64: 4>, scalar_prefetch = 0 : i64, scratch_operands = 1 : i64, tpu.core_type = #tpu.core_type<tc>, window_params = [{transform_indices = @transform_0, window_bounds = array<i64: 2, 1024, 128>}, {transform_indices = @transform_1, window_bounds = array<i64: 1024, 128>}, {pipeline_mode = #tpu.pipeline_mode<synchronous>, transform_indices = @transform_2, window_bounds = array<i64: 64, 32>}, {pipeline_mode = #tpu.pipeline_mode<synchronous>, transform_indices = @transform_3, window_bounds = array<i64: 1, 32>}, {pipeline_mode = #tpu.pipeline_mode<synchronous>, transform_indices = @transform_4, window_bounds = array<i64: 64, 32>}, {pipeline_mode = #tpu.pipeline_mode<synchronous>, transform_indices = @transform_5, window_bounds = array<i64: 1, 32>}, {pipeline_mode = #tpu.pipeline_mode<synchronous>, transform_indices = @transform_6, window_bounds = array<i64: 32, 1>}, {pipeline_mode = #tpu.pipeline_mode<synchronous>, transform_indices = @transform_7, window_bounds = array<i64: 1, 1>}, {transform_indices = @transform_8, window_bounds = array<i64: 1, 1024>}, {transform_indices = @transform_9, window_bounds = array<i64: 1, 1024>}, {pipeline_mode = #tpu.pipeline_mode<synchronous>, transform_indices = @transform_10, window_bounds = array<i64: 256, 1>}]} {
    %get3A = arith.constant 0 : index
    %get3A_0 = arith.constant 0 : index
    %get3A_1 = arith.constant 0 : index
    %get3A_2 = vector.load %arg1[%get3A, %get3A_0, %get3A_1] : memref<2x1024x128xf32, #tpu.memory_space<vmem>>, vector<1x1024x128xf32>
    %get3A_3 = vector.shape_cast %get3A_2 : vector<1x1024x128xf32> to vector<1024x128xf32>
    %slice3A = vector.extract_strided_slice %get3A_3 {offsets = [0, 0], sizes = [1024, 64], strides = [1, 1]} : vector<1024x128xf32> to vector<1024x64xf32>
    %get3A_4 = arith.constant 1 : index
    %get3A_5 = arith.constant 0 : index
    %get3A_6 = arith.constant 0 : index
    %get3A_7 = vector.load %arg1[%get3A_4, %get3A_5, %get3A_6] : memref<2x1024x128xf32, #tpu.memory_space<vmem>>, vector<1x1024x128xf32>
    %get3A_8 = vector.shape_cast %get3A_7 : vector<1x1024x128xf32> to vector<1024x128xf32>
    %slice3A_9 = vector.extract_strided_slice %get3A_8 {offsets = [0, 0], sizes = [1024, 64], strides = [1, 1]} : vector<1024x128xf32> to vector<1024x64xf32>
    %add3A = arith.addf %slice3A, %slice3A_9 : vector<1024x64xf32>
    %get3A_10 = arith.constant 0 : index
    %get3A_11 = arith.constant 0 : index
    %get3A_12 = vector.load %arg2[%get3A_10, %get3A_11] : memref<1024x128xf32, #tpu.memory_space<vmem>>, vector<1024x64xf32>
    %add3A_13 = arith.addf %add3A, %get3A_12 : vector<1024x64xf32>
    %max3A = arith.constant 0.000000e+00 : f32
    %max3A_14 = vector.broadcast %max3A : f32 to vector<1024x64xf32>
    %max3A_15 = arith.maximumf %add3A_13, %max3A_14 : vector<1024x64xf32>
    %get3A_16 = arith.constant 0 : index
    %get3A_17 = arith.constant 0 : index
    %get3A_18 = vector.load %arg3[%get3A_16, %get3A_17] : memref<64x32xf32, #tpu.memory_space<vmem>>, vector<64x32xf32>
    %dot_general3A = arith.constant dense<0.000000e+00> : vector<1024x32xf32>
    %dot_general3A_19 = tpu.matmul %max3A_15, %get3A_18, %dot_general3A {dimension_numbers = #tpu.dot_dimension_numbers<[1], [0], [0], [1], [0, 0, 1, 1], [], []>, transpose_lhs_hint = false} : vector<1024x64xf32>, vector<64x32xf32>, vector<1024x32xf32> -> vector<1024x32xf32>
    %get3A_20 = arith.constant 0 : index
    %get3A_21 = arith.constant 0 : index
    %get3A_22 = vector.load %arg4[%get3A_20, %get3A_21] : memref<1x32xf32, #tpu.memory_space<vmem>>, vector<1x32xf32>
    %add3A_23 = vector.broadcast %get3A_22 : vector<1x32xf32> to vector<1024x32xf32>
    %add3A_24 = arith.addf %dot_general3A_19, %add3A_23 : vector<1024x32xf32>
    %get3A_25 = arith.constant 0 : index
    %get3A_26 = arith.constant 0 : index
    %get3A_27 = vector.load %arg5[%get3A_25, %get3A_26] : memref<64x32xf32, #tpu.memory_space<vmem>>, vector<64x32xf32>
    %dot_general3A_28 = arith.constant dense<0.000000e+00> : vector<1024x32xf32>
    %dot_general3A_29 = tpu.matmul %max3A_15, %get3A_27, %dot_general3A_28 {dimension_numbers = #tpu.dot_dimension_numbers<[1], [0], [0], [1], [0, 0, 1, 1], [], []>, transpose_lhs_hint = false} : vector<1024x64xf32>, vector<64x32xf32>, vector<1024x32xf32> -> vector<1024x32xf32>
    %get3A_30 = arith.constant 0 : index
    %get3A_31 = arith.constant 0 : index
    %get3A_32 = vector.load %arg6[%get3A_30, %get3A_31] : memref<1x32xf32, #tpu.memory_space<vmem>>, vector<1x32xf32>
    %add3A_33 = vector.broadcast %get3A_32 : vector<1x32xf32> to vector<1024x32xf32>
    %add3A_34 = arith.addf %dot_general3A_29, %add3A_33 : vector<1024x32xf32>
    %logistic3A = arith.negf %add3A_34 : vector<1024x32xf32>
    %logistic3A_35 = math.exp %logistic3A : vector<1024x32xf32>
    %logistic3A_36 = arith.constant 1.000000e+00 : f32
    %logistic3A_37 = vector.broadcast %logistic3A_36 : f32 to vector<1024x32xf32>
    %logistic3A_38 = arith.addf %logistic3A_37, %logistic3A_35 : vector<1024x32xf32>
    %logistic3A_39 = arith.divf %logistic3A_37, %logistic3A_38 : vector<1024x32xf32>
    %mul3A = arith.mulf %add3A_24, %logistic3A_39 : vector<1024x32xf32>
    %get3A_40 = arith.constant 0 : index
    %get3A_41 = arith.constant 0 : index
    %get3A_42 = vector.load %arg9[%get3A_40, %get3A_41] : memref<1x1024xi32, #tpu.memory_space<vmem>>, vector<1x1024xi32>
    %iota3A = tpu.iota {dimensions = array<i32: 0>} : vector<256x1024xi32>
    %eq3A = vector.broadcast %get3A_42 : vector<1x1024xi32> to vector<256x1024xi32>
    %eq3A_43 = arith.cmpi eq, %eq3A, %iota3A : vector<256x1024xi32>
    %convert_element_type3A = arith.extui %eq3A_43 : vector<256x1024xi1> to vector<256x1024xi32>
    %convert_element_type3A_44 = arith.sitofp %convert_element_type3A : vector<256x1024xi32> to vector<256x1024xf32>
    %dot_general3A_45 = arith.constant dense<0.000000e+00> : vector<256x32xf32>
    %dot_general3A_46 = tpu.matmul %convert_element_type3A_44, %mul3A, %dot_general3A_45 {dimension_numbers = #tpu.dot_dimension_numbers<[1], [0], [0], [1], [0, 0, 1, 1], [], []>, transpose_lhs_hint = false} : vector<256x1024xf32>, vector<1024x32xf32>, vector<256x32xf32> -> vector<256x32xf32>
    %get3A_47 = arith.constant 0 : index
    %get3A_48 = arith.constant 0 : index
    %get3A_49 = arith.constant 0 : index
    %get3A_50 = vector.load %arg1[%get3A_47, %get3A_48, %get3A_49] : memref<2x1024x128xf32, #tpu.memory_space<vmem>>, vector<1x1024x128xf32>
    %get3A_51 = vector.shape_cast %get3A_50 : vector<1x1024x128xf32> to vector<1024x128xf32>
    %slice3A_52 = vector.extract_strided_slice %get3A_51 {offsets = [0, 64], sizes = [1024, 64], strides = [1, 1]} : vector<1024x128xf32> to vector<1024x64xf32>
    %get3A_53 = arith.constant 1 : index
    %get3A_54 = arith.constant 0 : index
    %get3A_55 = arith.constant 0 : index
    %get3A_56 = vector.load %arg1[%get3A_53, %get3A_54, %get3A_55] : memref<2x1024x128xf32, #tpu.memory_space<vmem>>, vector<1x1024x128xf32>
    %get3A_57 = vector.shape_cast %get3A_56 : vector<1x1024x128xf32> to vector<1024x128xf32>
    %slice3A_58 = vector.extract_strided_slice %get3A_57 {offsets = [0, 64], sizes = [1024, 64], strides = [1, 1]} : vector<1024x128xf32> to vector<1024x64xf32>
    %add3A_59 = arith.addf %slice3A_52, %slice3A_58 : vector<1024x64xf32>
    %get3A_60 = arith.constant 0 : index
    %get3A_61 = arith.constant 64 : index
    %get3A_62 = vector.load %arg2[%get3A_60, %get3A_61] : memref<1024x128xf32, #tpu.memory_space<vmem>>, vector<1024x64xf32>
    %add3A_63 = arith.addf %add3A_59, %get3A_62 : vector<1024x64xf32>
    %max3A_64 = arith.constant 0.000000e+00 : f32
    %max3A_65 = vector.broadcast %max3A_64 : f32 to vector<1024x64xf32>
    %max3A_66 = arith.maximumf %add3A_63, %max3A_65 : vector<1024x64xf32>
    %get3A_67 = arith.constant 0 : index
    %get3A_68 = arith.constant 0 : index
    %get3A_69 = vector.load %arg3[%get3A_67, %get3A_68] : memref<64x32xf32, #tpu.memory_space<vmem>>, vector<64x32xf32>
    %dot_general3A_70 = arith.constant dense<0.000000e+00> : vector<1024x32xf32>
    %dot_general3A_71 = tpu.matmul %max3A_66, %get3A_69, %dot_general3A_70 {dimension_numbers = #tpu.dot_dimension_numbers<[1], [0], [0], [1], [0, 0, 1, 1], [], []>, transpose_lhs_hint = false} : vector<1024x64xf32>, vector<64x32xf32>, vector<1024x32xf32> -> vector<1024x32xf32>
    %get3A_72 = arith.constant 0 : index
    %get3A_73 = arith.constant 0 : index
    %get3A_74 = vector.load %arg4[%get3A_72, %get3A_73] : memref<1x32xf32, #tpu.memory_space<vmem>>, vector<1x32xf32>
    %add3A_75 = vector.broadcast %get3A_74 : vector<1x32xf32> to vector<1024x32xf32>
    %add3A_76 = arith.addf %dot_general3A_71, %add3A_75 : vector<1024x32xf32>
    %get3A_77 = arith.constant 0 : index
    %get3A_78 = arith.constant 0 : index
    %get3A_79 = vector.load %arg5[%get3A_77, %get3A_78] : memref<64x32xf32, #tpu.memory_space<vmem>>, vector<64x32xf32>
    %dot_general3A_80 = arith.constant dense<0.000000e+00> : vector<1024x32xf32>
    %dot_general3A_81 = tpu.matmul %max3A_66, %get3A_79, %dot_general3A_80 {dimension_numbers = #tpu.dot_dimension_numbers<[1], [0], [0], [1], [0, 0, 1, 1], [], []>, transpose_lhs_hint = false} : vector<1024x64xf32>, vector<64x32xf32>, vector<1024x32xf32> -> vector<1024x32xf32>
    %get3A_82 = arith.constant 0 : index
    %get3A_83 = arith.constant 0 : index
    %get3A_84 = vector.load %arg6[%get3A_82, %get3A_83] : memref<1x32xf32, #tpu.memory_space<vmem>>, vector<1x32xf32>
    %add3A_85 = vector.broadcast %get3A_84 : vector<1x32xf32> to vector<1024x32xf32>
    %add3A_86 = arith.addf %dot_general3A_81, %add3A_85 : vector<1024x32xf32>
    %logistic3A_87 = arith.negf %add3A_86 : vector<1024x32xf32>
    %logistic3A_88 = math.exp %logistic3A_87 : vector<1024x32xf32>
    %logistic3A_89 = arith.constant 1.000000e+00 : f32
    %logistic3A_90 = vector.broadcast %logistic3A_89 : f32 to vector<1024x32xf32>
    %logistic3A_91 = arith.addf %logistic3A_90, %logistic3A_88 : vector<1024x32xf32>
    %logistic3A_92 = arith.divf %logistic3A_90, %logistic3A_91 : vector<1024x32xf32>
    %mul3A_93 = arith.mulf %add3A_76, %logistic3A_92 : vector<1024x32xf32>
    %get3A_94 = arith.constant 0 : index
    %get3A_95 = arith.constant 0 : index
    %get3A_96 = vector.load %arg10[%get3A_94, %get3A_95] : memref<1x1024xi32, #tpu.memory_space<vmem>>, vector<1x1024xi32>
    %iota3A_97 = tpu.iota {dimensions = array<i32: 0>} : vector<256x1024xi32>
    %eq3A_98 = vector.broadcast %get3A_96 : vector<1x1024xi32> to vector<256x1024xi32>
    %eq3A_99 = arith.cmpi eq, %eq3A_98, %iota3A_97 : vector<256x1024xi32>
    %convert_element_type3A_100 = arith.extui %eq3A_99 : vector<256x1024xi1> to vector<256x1024xi32>
    %convert_element_type3A_101 = arith.sitofp %convert_element_type3A_100 : vector<256x1024xi32> to vector<256x1024xf32>
    %dot_general3A_102 = arith.constant dense<0.000000e+00> : vector<256x32xf32>
    %dot_general3A_103 = tpu.matmul %convert_element_type3A_101, %mul3A_93, %dot_general3A_102 {dimension_numbers = #tpu.dot_dimension_numbers<[1], [0], [0], [1], [0, 0, 1, 1], [], []>, transpose_lhs_hint = false} : vector<256x1024xf32>, vector<1024x32xf32>, vector<256x32xf32> -> vector<256x32xf32>
    %add3A_104 = arith.addf %dot_general3A_46, %dot_general3A_103 : vector<256x32xf32>
    %eq3A_105 = arith.constant 0 : i32
    %eq3A_106 = arith.cmpi eq, %arg0, %eq3A_105 : i32
    %convert_element_type3A_107 = arith.extui %eq3A_106 : i1 to i32
    %cond3A = arith.constant 0 : i32
    %cond3A_108 = arith.cmpi ne, %convert_element_type3A_107, %cond3A : i32
    scf.if %cond3A_108 {
      %swap3A = arith.constant 0 : index
      %swap3A_118 = arith.constant 0 : index
      %swap3A_119 = vector.load %arg12[%swap3A, %swap3A_118] : memref<256x32xf32, #tpu.memory_space<vmem>>, vector<256x32xf32>
      tpu.vector_store %arg12[%swap3A, %swap3A_118], %add3A_104 {strides = array<i32>} : memref<256x32xf32, #tpu.memory_space<vmem>>, vector<256x32xf32>,
    } else {
    }
    %gt3A = arith.constant 0 : i32
    %gt3A_109 = arith.cmpi sgt, %arg0, %gt3A : i32
    %convert_element_type3A_110 = arith.extui %gt3A_109 : i1 to i32
    %cond3A_111 = arith.constant 0 : i32
    %cond3A_112 = arith.cmpi ne, %convert_element_type3A_110, %cond3A_111 : i32
    scf.if %cond3A_112 {
      %get3A_118 = arith.constant 0 : index
      %get3A_119 = arith.constant 0 : index
      %get3A_120 = vector.load %arg12[%get3A_118, %get3A_119] : memref<256x32xf32, #tpu.memory_space<vmem>>, vector<256x32xf32>
      %add3A_121 = arith.addf %get3A_120, %add3A_104 : vector<256x32xf32>
      %swap3A = arith.constant 0 : index
      %swap3A_122 = arith.constant 0 : index
      %swap3A_123 = vector.load %arg12[%swap3A, %swap3A_122] : memref<256x32xf32, #tpu.memory_space<vmem>>, vector<256x32xf32>
      tpu.vector_store %arg12[%swap3A, %swap3A_122], %add3A_121 {strides = array<i32>} : memref<256x32xf32, #tpu.memory_space<vmem>>, vector<256x32xf32>,
    } else {
    }
    %eq3A_113 = arith.constant 3 : i32
    %eq3A_114 = arith.cmpi eq, %arg0, %eq3A_113 : i32
    %convert_element_type3A_115 = arith.extui %eq3A_114 : i1 to i32
    %cond3A_116 = arith.constant 0 : i32
    %cond3A_117 = arith.cmpi ne, %convert_element_type3A_115, %cond3A_116 : i32
    scf.if %cond3A_117 {
      %get3A_118 = arith.constant 0 : index
      %get3A_119 = arith.constant 0 : index
      %get3A_120 = vector.load %arg12[%get3A_118, %get3A_119] : memref<256x32xf32, #tpu.memory_space<vmem>>, vector<256x32xf32>
      %get3A_121 = arith.constant 0 : index
      %get3A_122 = arith.constant 0 : index
      %get3A_123 = vector.load %arg7[%get3A_121, %get3A_122] : memref<32x1xf32, #tpu.memory_space<vmem>>, vector<32x1xf32>
      %dot_general3A_124 = arith.constant dense<0.000000e+00> : vector<256x1xf32>
      %dot_general3A_125 = tpu.matmul %get3A_120, %get3A_123, %dot_general3A_124 {dimension_numbers = #tpu.dot_dimension_numbers<[1], [0], [0], [1], [0, 0, 1, 1], [], []>, transpose_lhs_hint = false} : vector<256x32xf32>, vector<32x1xf32>, vector<256x1xf32> -> vector<256x1xf32>
      %get3A_126 = arith.constant 0 : index
      %get3A_127 = arith.constant 0 : index
      %get3A_128 = vector.load %arg8[%get3A_126, %get3A_127] : memref<1x1xf32, #tpu.memory_space<vmem>>, vector<1x1xf32>
      %add3A_129 = vector.broadcast %get3A_128 : vector<1x1xf32> to vector<256x1xf32>
      %add3A_130 = arith.addf %dot_general3A_125, %add3A_129 : vector<256x1xf32>
      %swap3A = arith.constant 0 : index
      %swap3A_131 = arith.constant 0 : index
      %swap3A_132 = vector.load %arg11[%swap3A, %swap3A_131] : memref<256x1xf32, #tpu.memory_space<vmem>>, vector<256x1xf32>
      tpu.vector_store %arg11[%swap3A, %swap3A_131], %add3A_130 {strides = array<i32>} : memref<256x1xf32, #tpu.memory_space<vmem>>, vector<256x1xf32>,
    } else {
    }
    return
  }
  func.func @transform_0(%arg0: i32) -> (i32, i32, i32) {
    %c0_i32 = arith.constant 0 : i32
    %c0_i32_0 = arith.constant 0 : i32
    %c0_i32_1 = arith.constant 0 : i32
    return %c0_i32, %arg0, %c0_i32_0 : i32, i32, i32
  }
  func.func @transform_1(%arg0: i32) -> (i32, i32) {
    %c0_i32 = arith.constant 0 : i32
    %c0_i32_0 = arith.constant 0 : i32
    return %arg0, %c0_i32 : i32, i32
  }
  func.func @transform_2(%arg0: i32) -> (i32, i32) {
    %c0_i32 = arith.constant 0 : i32
    %c0_i32_0 = arith.constant 0 : i32
    %c0_i32_1 = arith.constant 0 : i32
    return %c0_i32, %c0_i32_0 : i32, i32
  }
  func.func @transform_3(%arg0: i32) -> (i32, i32) {
    %c0_i32 = arith.constant 0 : i32
    %c0_i32_0 = arith.constant 0 : i32
    %c0_i32_1 = arith.constant 0 : i32
    return %c0_i32, %c0_i32_0 : i32, i32
  }
  func.func @transform_4(%arg0: i32) -> (i32, i32) {
    %c0_i32 = arith.constant 0 : i32
    %c0_i32_0 = arith.constant 0 : i32
    %c0_i32_1 = arith.constant 0 : i32
    return %c0_i32, %c0_i32_0 : i32, i32
  }
  func.func @transform_5(%arg0: i32) -> (i32, i32) {
    %c0_i32 = arith.constant 0 : i32
    %c0_i32_0 = arith.constant 0 : i32
    %c0_i32_1 = arith.constant 0 : i32
    return %c0_i32, %c0_i32_0 : i32, i32
  }
  func.func @transform_6(%arg0: i32) -> (i32, i32) {
    %c0_i32 = arith.constant 0 : i32
    %c0_i32_0 = arith.constant 0 : i32
    %c0_i32_1 = arith.constant 0 : i32
    return %c0_i32, %c0_i32_0 : i32, i32
  }
  func.func @transform_7(%arg0: i32) -> (i32, i32) {
    %c0_i32 = arith.constant 0 : i32
    %c0_i32_0 = arith.constant 0 : i32
    %c0_i32_1 = arith.constant 0 : i32
    return %c0_i32, %c0_i32_0 : i32, i32
  }
  func.func @transform_8(%arg0: i32) -> (i32, i32) {
    %c0_i32 = arith.constant 0 : i32
    %c0_i32_0 = arith.constant 0 : i32
    return %c0_i32, %arg0 : i32, i32
  }
  func.func @transform_9(%arg0: i32) -> (i32, i32) {
    %c0_i32 = arith.constant 0 : i32
    %c0_i32_0 = arith.constant 0 : i32
    return %c0_i32, %arg0 : i32, i32
  }
  func.func @transform_10(%arg0: i32) -> (i32, i32) {
    %c0_i32 = arith.constant 0 : i32
    %c0_i32_0 = arith.constant 0 : i32
    %c0_i32_1 = arith.constant 0 : i32
    return %c0_i32, %c0_i32_0 : i32, i32
  }
}

</mosaic_0001>

<sc_bundles>
// kernel: kernel.11.cloned.1.call-start
scs
__scs_entry_jumppad:
0x0: {  	(pc) =	sbr.rel $0x88, $3  }
0x1: {  	(tag) =	ssettag $0x0;
	lr =	simm.s32 $0x1  }
0x2: {  	[smem:$0x3F8D] =	sst lr;
	_ =	strace $0xD0000000  }
0x3: {  	_ = 	snop  }
0x4: {  	_ = 	snop  }
0x5: {  	_ = 	snop  }
0x6: {  	_ = 	snop  }
0x7: {  	_ = 	snop  }
__scs_overlays_trampoline_lowered:
0x8: {  	[smem:$0x3F9C] =	sst s0  }
0x9: {  	[smem:$0x3F9D] =	sst s1  }
0xa: {  	[smem:$0x3F9E] =	sst s2  }
0xb: {  	[smem:$0x3F9F] =	sst s3  }
0xc: {  	[smem:$0x3FA0] =	sst s4  }
0xd: {  	[smem:$0x3FA1] =	sst s5  }
0xe: {  	[smem:$0x3FA2] =	sst s6  }
0xf: {  	[smem:$0x3FA3] =	sst s7  }
0x10: {  	[smem:$0x3FA4] =	sst s8  }
0x11: {  	[smem:$0x3FA5] =	sst s9;
	s0 =	simm.s32 @!p0 $0x0  }
0x12: {  	s1 =	sld [smem:$0x3F8B];
	s0 =	simm.s32 @p0 $0x1  }
0x13: {  	[smem:$0x3FA6] =	sst s0;
	s0 =	simm.s32 @!p1 $0x0  }
0x14: {  	s2 =	sld [smem:$0x3F8A];
	s0 =	simm.s32 @p1 $0x1  }
0x15: {  	[smem:$0x3FA7] =	sst s0;
	s0 =	simm.s32 @!p2 $0x0  }
0x16: {  	s3 =	sld [smem:$0x3FDB];
	s0 =	simm.s32 @p2 $0x1  }
0x17: {  	s4 =	simm.s32 $0x1BF5;
	[smem:$0x3FA9] =	sst s0  }
0x18: {  	s0 =	sld [smem:$0x3F8C];
	_ =	swait.ge [sflag:s4], $0x0  }
0x19: {  	s7 =	sld [smem:$0x3F8D]  }
0x1a: {  	s8 =	sadd.s32 $0xFFFFE003, lr  }
0x1b: {  	s9 =	sadd.s32 $0xFFFFFEF7, lr;
	s5 =	simm.s32 $0xFFFFFFFF;
	p2 =	slt.u32 s8, $0xFFFFF086  }
0x1c: {  	p1 =	slt.u32 s9, $0xF7A;
	s5 =	simm.s32 @!p2 $0x0  }
0x1d: {  	s5 =	simm.s32 @p1 $0x1;
	p0 =	seq.s32 s7, s2  }
0x1e: {  	s7 =	smul.u32 @!p0 $0xF7A, s2;
	p2 =	seq.s32 @!p0 s5, $0x0  }
0x1f: {  	s9 =	smul.u32 $0xF7A, s1;
	s8 =	simm.s32 @!p0 $0x1BF5;
	p2 =	por !p2, p0  }
0x20: {  	[sflag:s8] =	ssyncset.s32 @!p0 $0xFFFFF086;
	s6 =	sadd.s32 @!p0 s3, s7;
	s7 =	simm.s32 @!p0 $0x108  }
0x21: {  	s3 =	sadd.s32 s3, s9;
	s6 =	sadd.s32 @!p0 $0x88, s6;
	s7 =	simm.s32 @p2 $0x1082  }
0x22: {  	[simem:s7], [sflag:s8] =	dma.local @!p0 [hbm:s6], $0xF7A  }
0x23: {  	s9 =	sor.u32 $0xD0000000, s2;
	s6 =	simm.s32 $0x108;
	_ =	swait.ge @!p0 [sflag:s8], $0x0  }
0x24: {  	s3 =	sadd.s32 $0x88, s3;
	s6 =	simm.s32 @!p1 $0x1082;
	[sflag:s4] =	ssyncset.s32 $0xFFFFF086  }
0x25: {  	[simem:s6], [sflag:s4] =	dma.local [hbm:s3], $0xF7A  }
0x26: {  	[smem:$0x3F8D] =	sst s1;
	(tag) =	ssettag s2;
	_ =	strace s9  }
0x27: {  	s1 =	sld [smem:$0x3F9D]  }
0x28: {  	s2 =	sld [smem:$0x3F9E]  }
0x29: {  	s4 =	sld [smem:$0x3FA0]  }
0x2a: {  	p0 =	seq.s32 s5, $0x0;
	s5 =	sld [smem:$0x3FA1]  }
0x2b: {  	s6 =	sld [smem:$0x3FA2]  }
0x2c: {  	s7 =	sld [smem:$0x3FA3]  }
0x2d: {  	s3 =	simm.s32 $0x108;
	s8 =	sld [smem:$0x3FA4]  }
0x2e: {  	s3 =	simm.s32 @!p0 $0x1082;
	s9 =	sld [smem:$0x3FA5]  }
0x2f: {  	lr =	sadd.s32 s0, s3;
	s0 =	sld [smem:$0x3F9C]  }
0x30: {  	s3 =	sld [smem:$0x3F9F]  }
0x31: {  	[smem:$0x3FA8] =	sst s10  }
0x32: {  	s10 =	sld [smem:$0x3FA6];
	_ =	sdelay $0x3  }
0x33: {  	p0 =	seq.s32 s10, $0x1;
	s10 =	sld [smem:$0x3FA8];
	_ =	sdelay $0x3  }
0x34: {  	[smem:$0x3FA8] =	sst s10  }
0x35: {  	s10 =	sld [smem:$0x3FA7];
	_ =	sdelay $0x3  }
0x36: {  	p1 =	seq.s32 s10, $0x1;
	s10 =	sld [smem:$0x3FA8];
	_ =	sdelay $0x3  }
0x37: {  	[smem:$0x3FA8] =	sst s10  }
0x38: {  	s10 =	sld [smem:$0x3FA9]  }
0x39: {  	_ = 	snop;
	(pc) =	sbr.ind lr, $3  }
0x3a: {  	_ = 	snop  }
0x3b: {  	_ = 	snop  }
0x3c: {  	p2 =	seq.s32 s10, $0x1;
	s10 =	sld [smem:$0x3FA8]  }
0x3d: {  	_ =	shalt  }
0x3e: {  	_ =	shalt  }
0x3f: {  	_ =	shalt  }
0x40: {  	_ =	shalt  }
0x41: {  	_ =	shalt  }
0x42: {  	_ =	shalt  }
0x43: {  	_ =	shalt  }
0x44: {  	_ =	shalt  }
0x45: {  	_ =	shalt  }
0x46: {  	_ =	shalt  }
0x47: {  	_ =	shalt  }
0x48: {  	_ =	shalt  }
0x49: {  	_ =	shalt  }
0x4a: {  	_ =	shalt  }
0x4b: {  	_ =	shalt  }
0x4c: {  	_ =	shalt  }
0x4d: {  	_ =	shalt  }
0x4e: {  	_ =	shalt  }
0x4f: {  	_ =	shalt  }
0x50: {  	_ =	shalt  }
0x51: {  	_ =	shalt  }
0x52: {  	_ =	shalt  }
0x53: {  	_ =	shalt  }
0x54: {  	_ =	shalt  }
0x55: {  	_ =	shalt  }
0x56: {  	_ =	shalt  }
0x57: {  	_ =	shalt  }
0x58: {  	_ =	shalt  }
0x59: {  	_ =	shalt  }
0x5a: {  	_ =	shalt  }
0x5b: {  	_ =	shalt  }
0x5c: {  	_ =	shalt  }
0x5d: {  	_ =	shalt  }
0x5e: {  	_ =	shalt  }
0x5f: {  	_ =	shalt  }
0x60: {  	_ =	shalt  }
0x61: {  	_ =	shalt  }
0x62: {  	_ =	shalt  }
0x63: {  	_ =	shalt  }
0x64: {  	_ =	shalt  }
0x65: {  	_ =	shalt  }
0x66: {  	_ =	shalt  }
0x67: {  	_ =	shalt  }
0x68: {  	_ =	shalt  }
0x69: {  	_ =	shalt  }
0x6a: {  	_ =	shalt  }
0x6b: {  	_ =	shalt  }
0x6c: {  	_ =	shalt  }
0x6d: {  	_ =	shalt  }
0x6e: {  	_ =	shalt  }
0x6f: {  	_ =	shalt  }
0x70: {  	_ =	shalt  }
0x71: {  	_ =	shalt  }
0x72: {  	_ =	shalt  }
0x73: {  	_ =	shalt  }
0x74: {  	_ =	shalt  }
0x75: {  	_ =	shalt  }
0x76: {  	_ =	shalt  }
0x77: {  	_ =	shalt  }
0x78: {  	_ =	shalt  }
0x79: {  	_ =	shalt  }
0x7a: {  	_ =	shalt  }
0x7b: {  	_ =	shalt  }
0x7c: {  	_ =	shalt  }
0x7d: {  	_ =	shalt  }
0x7e: {  	_ =	shalt  }
0x7f: {  	_ =	shalt  }
0x80: {  	_ =	shalt  }
0x81: {  	_ =	shalt  }
0x82: {  	_ =	shalt  }
0x83: {  	_ =	shalt  }
0x84: {  	_ =	shalt  }
0x85: {  	_ =	shalt  }
0x86: {  	_ =	shalt  }
0x87: {  	_ =	shalt  }
.Lfunc_end0:
.L_simem_size_0:
called_computation_lowered:
.L_overlay_start_0:
0x88: {  	s2 =	sld [smem:$0x3FD9]  }
0x89: {  	s3 =	sld [smem:$0x3FFE];
	_ =	sdelay $0x1  }
0x8a: {  	s1 =	srdreg.scid  }
0x8b: {  	s0 =	sand.u32 $0x1, s1  }
0x8c: {  	s16 =	sshll.u32 s0, $0xA;
	s2 =	sadd.s32 s3, s2  }
0x8d: {  	s2 =	sadd.s32 s2, s16  }
0x8e: {  	[smem:$0x3FB4] =	sst s2  }
0x8f: {  	_ = 	snop  }
0x90: {  	(tm) =	ssettm $0x1  }
0x91: {  	s17 =	sld [smem:$0x3FFB];
	_ =	sdelay $0x3  }
0x92: {  	_ =	strace s17  }
0x93: {  	s2 =	sld [smem:$0x3FFC];
	_ =	sdelay $0x3  }
0x94: {  	_ =	strace s2  }
0x95: {  	s2 =	sld [smem:$0x3FFD];
	_ =	sdelay $0x3  }
0x96: {  	_ =	strace s2  }
0x97: {  	_ =	strace $0x8FFFFFFF  }
0x98: {  	s18 =	sld [smem:$0x3FDB];
	_ =	sdelay $0x1  }
0x99: {  	s19 =	simm.s32 $_scs_section_size  }
0x9a: {  	s4 =	simm.s32 $_size__tile_overlayer_lowered;
	s5 =	simm.s32 $_tile_overlayer_lowered  }
0x9b: {  	s22 =	simm.s32 $0x1BFF;
	s21 =	sshll.u32 s5, $0x1;
	s2 =	sadd.s32 s19, s18  }
0x9c: {  	s6 =	simm.s32 $0x0;
	s20 =	sshll.u32 s4, $0x1;
	s4 =	sadd.s32 s21, s2  }
0x9d: {  	[timem:s6], [sflag:s22] =	dma.local [hbm:s4], s20  }
0x9e: {  	_ =	swait.ge [sflag:s22], s20  }
0x9f: {  	s3 =	ssub.s32 $0x0, s20;
	[sflag:s22] =	ssyncset.done $0x0  }
0xa0: {  	[sflag:s22] =	ssyncadd.s32 s3;
	_ =	sdelay $0x1  }
0xa1: {  	s23 =	simm.s32 $0x1B8B  }
0xa2: {  	_ =	swait.ge [sflag:s23], $0x1  }
0xa3: {  	[sflag:s23] =	ssyncset.done $0x0  }
0xa4: {  	s25 =	simm.s32 $0x1B8E;
	s24 =	sld [smem:$0x3FFE];
	[sflag:s23] =	ssyncadd.s32 $0xFFFFFFFF  }
0xa5: {  	s26 =	simm.s32 $execute0_lowered;
	[smem:$0x3FD2] =	sst s25  }
0xa6: {  	s4 =	sshll.u32 s26, $0x1;
	_ =	strace $0x80000046;
	[dreg:$0x1] =	wrdreg $0xFFFFFFFF  }
0xa7: {  	s28 =	simm.s32 $_size_execute0_lowered;
	s2 =	sadd.s32 s2, s4;
	[dreg:$0x0] =	wrdreg $0x0  }
0xa8: {  	s4 =	sshll.u32 s28, $0x1;
	[dreg:$0x2] =	wrdreg s2  }
0xa9: {  	[dreg:$0x3] =	wrdreg s4  }
0xaa: {  	[dreg:$0x4] =	wrdreg $0xC0  }
0xab: {  	_ =	task [dreg:s6], $0x5FFFF  }
0xac: {  	[dreg:$0x1] =	wrdreg $0xFFFFFFFF  }
0xad: {  	[dreg:$0x0] =	wrdreg $0x60  }
0xae: {  	[dreg:$0x2] =	wrdreg s24  }
0xaf: {  	[dreg:$0x3] =	wrdreg $0x9  }
0xb0: {  	_ =	task.clear_ibuf [dreg:s6], $0x4FFFF;
	_ =	strace $0x90000046  }
0xb1: {  	s29 =	simm.s32 $0x9;
	_ =	strace $0x80000048  }
0xb2: {  	_ =	swait.ge [sflag:s29], $0x1  }
0xb3: {  	[sflag:s29] =	ssyncadd.s32 $0xFFFFFFFF  }
0xb4: {  	_ =	strace $0x90000048  }
0xb5: {  	_ =	sfence  }
0xb6: {  	s30 =	sld [smem:$0x0];
	_ =	sdelay $0x2  }
0xb7: {  	s31 =	sshll.u32 s1, $0xD;
	s1 =	sshrl.u32 s1, $0x2  }
0xb8: {  	s3 =	sand.u32 $0x4000, s31;
	s1 =	sadd.s32 s1, s30  }
0xb9: {  	s0 =	sor.u32 s3, s0;
	s1 =	sshll.u32 s1, $0x11  }
0xba: {  	s0 =	sor.u32 s1, s0  }
0xbb: {  	s0 =	sadd.s32 $0x8F2B, s0  }
0xbc: {  	[sflag:s0] =	ssyncadd.remote.s32 $0x1  }
0xbd: {  	_ =	sfence.sel $0xFFFF  }
0xbe: {  	[dreg:$0x0] =	wrdreg $0xFFFFFFFF;
	(pc) =	sbr.abs _section_cstart, $3  }
0xbf: {  	[dreg:$0x1] =	wrdreg $0xFFFFFFFF  }
0xc0: {  	_ =	task.clear_ibuf [dreg:s6], $0x2FFFF;
	_ =	strace $0x9FFFFFFF  }
0xc1: {  	(tm) =	ssettm $0x7FFFFFFF  }
tec
execute0_lowered:
.L_overlay_start_1:
0x0: {  	(tag) =	ssettag $0x1  }
0x1: {  	s1 =	srdreg.scid;
	s0 =	stileid.u32  }
0x2: {  	s24 =	sand.u32 $0x1, s1;
	s30 =	sshll.u32 s0, $0x1  }
0x3: {  	s11 =	sor.u32 s24, s30  }
0x4: {  	s10 =	rddreg [dreg:$0x0];
	s2 =	simm.s32 $0x0;
	s3 =	sshll.u32 s11, $0x7  }
0x5: {  	s4 =	simm.s32 $0x5;
	[smem:$0x7FF] =	sst s2;
	s3 =	sadd.s32 s3, s10  }
0x6: {  	s1 =	rddreg [dreg:$0x1];
	_ =	strace $0x80000047;
	s3 =	sadd.s32 $0x4800, s3  }
0x7: {  	[tilespmem:s2], [sflag:$0x5] =	stream.linear.gather [hbm4b:s3+s2], $0x400, $0x38;
	[tilespmem:$0x4400] =	vst v63  }
0x8: {  	_ =	swait.ge [sflag:s4], $0x400  }
0x9: {  	s6 =	simm.s32 $0x80;
	[sflag:s4] =	ssyncset.done $0x0  }
0xa: {  	s7 =	simm.s32 $0x400;
	s5 =	sadd.s32 $0x6800, s10;
	[sflag:s4] =	ssyncadd.s32 $0xFFFFFC00  }
0xb: {  	[tilespmem:s7], [sflag:$0x1] =	stream.indirect.gather [hbm4b:s5+s6], $0x20, s2, s6, $0xb8;
	[tilespmem:$0x4400] =	vst v63  }
0xc: {  	s8 =	simm.s32 $0x1400;
	s9 =	simm.s32 $0x1  }
0xd: {  	[tilespmem:s8], [sflag:$0x1] =	stream.indirect.gather [hbm4b:s5+s6], $0x20, s6, s6, $0xb8;
	[tilespmem:$0x4400] =	vst v63  }
0xe: {  	_ =	swait.ge [sflag:s9], $0x1000  }
0xf: {  	[sflag:s9] =	ssyncset.done $0x0  }
0x10: {  	[sflag:s9] =	ssyncadd.s32 $0xFFFFF000  }
0x11: {  	s11 =	sshll.u32 s11, $0xC;
	_ =	swait.ge [sflag:s9], $0x1000  }
0x12: {  	s25 =	sadd.s32 s11, s10;
	[sflag:s9] =	ssyncset.done $0x0  }
0x13: {  	s10 =	sadd.s32 $0xE800, s25;
	[sflag:s9] =	ssyncadd.s32 $0xFFFFF000  }
0x14: {  	[hbm4b:s10+s2] =	stream.linear.scatter [tilespmem:s7], [sflag:$0x3], $0x2000, $0x38;
	[tilespmem:$0x4400] =	vst v63  }
0x15: {  	s12 =	simm.s32 $0x2400;
	s11 =	simm.s32 $0x100  }
0x16: {  	[tilespmem:s12], [sflag:$0x2] =	stream.indirect.gather [hbm4b:s5+s6], $0x20, s11, s6, $0xb8;
	[tilespmem:$0x4400] =	vst v63  }
0x17: {  	s13 =	simm.s32 $0x180;
	s14 =	simm.s32 $0x3400;
	s15 =	simm.s32 $0x2  }
0x18: {  	[tilespmem:s14], [sflag:$0x2] =	stream.indirect.gather [hbm4b:s5+s6], $0x20, s13, s6, $0xb8;
	[tilespmem:$0x4400] =	vst v63  }
0x19: {  	_ =	swait.ge [sflag:s15], $0x1000  }
0x1a: {  	[sflag:s15] =	ssyncset.done $0x0  }
0x1b: {  	[sflag:s15] =	ssyncadd.s32 $0xFFFFF000  }
0x1c: {  	_ =	swait.ge [sflag:s15], $0x1000  }
0x1d: {  	[sflag:s15] =	ssyncset.done $0x0  }
0x1e: {  	s17 =	simm.s32 $0x3;
	s16 =	sadd.s32 $0xEC00, s25;
	[sflag:s15] =	ssyncadd.s32 $0xFFFFF000  }
0x1f: {  	[hbm4b:s16+s2] =	stream.linear.scatter [tilespmem:s12], [sflag:$0x4], $0x2000, $0x38;
	[tilespmem:$0x4400] =	vst v63  }
0x20: {  	_ =	swait.ge [sflag:s17], $0x2000  }
0x21: {  	[sflag:s17] =	ssyncset.done $0x0  }
0x22: {  	s18 =	simm.s32 $0x200;
	[sflag:s17] =	ssyncadd.s32 $0xFFFFE000  }
0x23: {  	[tilespmem:s7], [sflag:$0x1] =	stream.indirect.gather [hbm4b:s5+s6], $0x20, s18, s6, $0xb8;
	[tilespmem:$0x4400] =	vst v63  }
0x24: {  	s19 =	simm.s32 $0x280  }
0x25: {  	[tilespmem:s8], [sflag:$0x1] =	stream.indirect.gather [hbm4b:s5+s6], $0x20, s19, s6, $0xb8;
	[tilespmem:$0x4400] =	vst v63  }
0x26: {  	_ =	swait.ge [sflag:s9], $0x1000  }
0x27: {  	[sflag:s9] =	ssyncset.done $0x0  }
0x28: {  	[sflag:s9] =	ssyncadd.s32 $0xFFFFF000  }
0x29: {  	_ =	swait.ge [sflag:s9], $0x1000  }
0x2a: {  	[sflag:s9] =	ssyncset.done $0x0  }
0x2b: {  	s20 =	simm.s32 $0x4;
	s21 =	sadd.s32 $0xF000, s25;
	[sflag:s9] =	ssyncadd.s32 $0xFFFFF000  }
0x2c: {  	[hbm4b:s21+s2] =	stream.linear.scatter [tilespmem:s7], [sflag:$0x3], $0x2000, $0x38;
	[tilespmem:$0x4400] =	vst v63  }
0x2d: {  	_ =	swait.ge [sflag:s20], $0x2000  }
0x2e: {  	[sflag:s20] =	ssyncset.done $0x0  }
0x2f: {  	s22 =	simm.s32 $0x300;
	[sflag:s20] =	ssyncadd.s32 $0xFFFFE000  }
0x30: {  	[tilespmem:s12], [sflag:$0x2] =	stream.indirect.gather [hbm4b:s5+s6], $0x20, s22, s6, $0xb8;
	[tilespmem:$0x4400] =	vst v63  }
0x31: {  	s23 =	simm.s32 $0x380  }
0x32: {  	[tilespmem:s14], [sflag:$0x2] =	stream.indirect.gather [hbm4b:s5+s6], $0x20, s23, s6, $0xb8;
	[tilespmem:$0x4400] =	vst v63  }
0x33: {  	_ =	swait.ge [sflag:s15], $0x1000  }
0x34: {  	s26 =	ssub.s32 $0x2, s24;
	[sflag:s15] =	ssyncset.done $0x0  }
0x35: {  	s31 =	sshrl.u32 s26, $0x1;
	[sflag:s15] =	ssyncadd.s32 $0xFFFFF000  }
0x36: {  	s24 =	sadd.s32 $0xF400, s25;
	s25 =	ssub.s32 s26, s31;
	_ =	swait.ge [sflag:s15], $0x1000  }
0x37: {  	s25 =	smax.u32 s25, $0x1;
	[sflag:s15] =	ssyncset.done $0x0  }
0x38: {  	p0 =	sne.s32 s25, $0x1;
	[sflag:s15] =	ssyncadd.s32 $0xFFFFF000  }
0x39: {  	[hbm4b:s24+s2] =	stream.linear.scatter [tilespmem:s12], [sflag:$0x4], $0x2000, $0x38;
	[tilespmem:$0x4400] =	vst v63  }
.Ltmp0:
0x3a: {  	_ =	swait.ge [sflag:s17], $0x2000;
	(pc) =	sbr.rel @!p0 .LBB2_2-.Ltmp0, $4  }
0x3b: {  	[sflag:s17] =	ssyncset.done $0x0  }
0x3c: {  	[sflag:s17] =	ssyncadd.s32 $0xFFFFE000  }
0x3d: {  	_ =	swait.ge [sflag:s20], $0x2000  }
0x3e: {  	s25 =	sadd.s32 $0xFFFFFFFF, s25;
	[sflag:s20] =	ssyncset.done $0x0  }
.LBB2_1:
0x3f: {  	p0 =	sne.s32 s25, $0x1;
	s25 =	sadd.s32 $0xFFFFFFFF, s25;
	[sflag:s20] =	ssyncadd.s32 $0xFFFFE000  }
0x40: {  	[tilespmem:s2], [sflag:$0x5] =	stream.linear.gather [hbm4b:s3+s2], $0x400, $0x38;
	[tilespmem:$0x4400] =	vst v63  }
0x41: {  	_ =	swait.ge [sflag:s4], $0x400  }
0x42: {  	[sflag:s4] =	ssyncset.done $0x0  }
0x43: {  	[sflag:s4] =	ssyncadd.s32 $0xFFFFFC00  }
0x44: {  	[tilespmem:s7], [sflag:$0x1] =	stream.indirect.gather [hbm4b:s5+s6], $0x20, s2, s6, $0xb8;
	[tilespmem:$0x4400] =	vst v63  }
0x45: {  	_ = 	snop  }
0x46: {  	[tilespmem:s8], [sflag:$0x1] =	stream.indirect.gather [hbm4b:s5+s6], $0x20, s6, s6, $0xb8;
	[tilespmem:$0x4400] =	vst v63  }
0x47: {  	_ =	swait.ge [sflag:s9], $0x1000  }
0x48: {  	[sflag:s9] =	ssyncset.done $0x0  }
0x49: {  	[sflag:s9] =	ssyncadd.s32 $0xFFFFF000  }
0x4a: {  	_ =	swait.ge [sflag:s9], $0x1000  }
0x4b: {  	[sflag:s9] =	ssyncset.done $0x0  }
0x4c: {  	[sflag:s9] =	ssyncadd.s32 $0xFFFFF000  }
0x4d: {  	[hbm4b:s10+s2] =	stream.linear.scatter [tilespmem:s7], [sflag:$0x3], $0x2000, $0x38;
	[tilespmem:$0x4400] =	vst v63  }
0x4e: {  	_ = 	snop  }
0x4f: {  	[tilespmem:s12], [sflag:$0x2] =	stream.indirect.gather [hbm4b:s5+s6], $0x20, s11, s6, $0xb8;
	[tilespmem:$0x4400] =	vst v63  }
0x50: {  	_ = 	snop  }
0x51: {  	[tilespmem:s14], [sflag:$0x2] =	stream.indirect.gather [hbm4b:s5+s6], $0x20, s13, s6, $0xb8;
	[tilespmem:$0x4400] =	vst v63  }
0x52: {  	_ =	swait.ge [sflag:s15], $0x1000  }
0x53: {  	[sflag:s15] =	ssyncset.done $0x0  }
0x54: {  	[sflag:s15] =	ssyncadd.s32 $0xFFFFF000  }
0x55: {  	_ =	swait.ge [sflag:s15], $0x1000  }
0x56: {  	[sflag:s15] =	ssyncset.done $0x0  }
0x57: {  	[sflag:s15] =	ssyncadd.s32 $0xFFFFF000  }
0x58: {  	[hbm4b:s16+s2] =	stream.linear.scatter [tilespmem:s12], [sflag:$0x4], $0x2000, $0x38;
	[tilespmem:$0x4400] =	vst v63  }
0x59: {  	_ =	swait.ge [sflag:s17], $0x2000  }
0x5a: {  	[sflag:s17] =	ssyncset.done $0x0  }
0x5b: {  	[sflag:s17] =	ssyncadd.s32 $0xFFFFE000  }
0x5c: {  	[tilespmem:s7], [sflag:$0x1] =	stream.indirect.gather [hbm4b:s5+s6], $0x20, s18, s6, $0xb8;
	[tilespmem:$0x4400] =	vst v63  }
0x5d: {  	_ = 	snop  }
0x5e: {  	[tilespmem:s8], [sflag:$0x1] =	stream.indirect.gather [hbm4b:s5+s6], $0x20, s19, s6, $0xb8;
	[tilespmem:$0x4400] =	vst v63  }
0x5f: {  	_ =	swait.ge [sflag:s9], $0x1000  }
0x60: {  	[sflag:s9] =	ssyncset.done $0x0  }
0x61: {  	[sflag:s9] =	ssyncadd.s32 $0xFFFFF000  }
0x62: {  	_ =	swait.ge [sflag:s9], $0x1000  }
0x63: {  	[sflag:s9] =	ssyncset.done $0x0  }
0x64: {  	[sflag:s9] =	ssyncadd.s32 $0xFFFFF000  }
0x65: {  	[hbm4b:s21+s2] =	stream.linear.scatter [tilespmem:s7], [sflag:$0x3], $0x2000, $0x38;
	[tilespmem:$0x4400] =	vst v63  }
0x66: {  	_ =	swait.ge [sflag:s20], $0x2000  }
0x67: {  	[sflag:s20] =	ssyncset.done $0x0  }
0x68: {  	[sflag:s20] =	ssyncadd.s32 $0xFFFFE000  }
0x69: {  	[tilespmem:s12], [sflag:$0x2] =	stream.indirect.gather [hbm4b:s5+s6], $0x20, s22, s6, $0xb8;
	[tilespmem:$0x4400] =	vst v63  }
0x6a: {  	_ = 	snop  }
0x6b: {  	[tilespmem:s14], [sflag:$0x2] =	stream.indirect.gather [hbm4b:s5+s6], $0x20, s23, s6, $0xb8;
	[tilespmem:$0x4400] =	vst v63  }
0x6c: {  	_ =	swait.ge [sflag:s15], $0x1000  }
0x6d: {  	[sflag:s15] =	ssyncset.done $0x0  }
0x6e: {  	[sflag:s15] =	ssyncadd.s32 $0xFFFFF000  }
0x6f: {  	_ =	swait.ge [sflag:s15], $0x1000  }
0x70: {  	[sflag:s15] =	ssyncset.done $0x0  }
0x71: {  	[sflag:s15] =	ssyncadd.s32 $0xFFFFF000  }
0x72: {  	[hbm4b:s24+s2] =	stream.linear.scatter [tilespmem:s12], [sflag:$0x4], $0x2000, $0x38;
	[tilespmem:$0x4400] =	vst v63  }
.Ltmp1:
0x73: {  	_ =	swait.ge [sflag:s17], $0x2000;
	(pc) =	sbr.rel @p0 .LBB2_1-.Ltmp1, $4  }
0x74: {  	[sflag:s17] =	ssyncset.done $0x0  }
0x75: {  	[sflag:s17] =	ssyncadd.s32 $0xFFFFE000  }
0x76: {  	_ =	swait.ge [sflag:s20], $0x2000  }
0x77: {  	[sflag:s20] =	ssyncset.done $0x0  }
.LBB2_2:
0x78: {  	[sflag:s20] =	ssyncadd.s32 $0xFFFFE000  }
0x79: {  	_ =	sfence.sel $0x180000  }
0x7a: {  	[bflag:$0x0] =	sbarrier.arrive $0xFFFF  }
0x7b: {  	p0 =	sne.s32 s0, $0x0;
	_ =	strace $0x90000047  }
0x7c: {  	s0 =	sadd.s32 @!p0 $0x100000, s1;
	[bflag:$0x2] =	sbarrier.arrive $0xFFFF  }
0x7d: {  	[sflag:s0] =	ssyncadd.tile.s32 @!p0 $0x1;
	_ =	shalt  }
.Lfunc_end2:
_tile_overlayer_lowered:
.L_overlay_start_2:
0x7e: {  	(tag) =	ssettag $0x2  }
0x7f: {  	s0 =	rddreg [dreg:$0x0];
	s2 =	stileid.u32  }
0x80: {  	s1 =	rddreg [dreg:$0x1];
	p0 =	sne.s32 s2, $0x0  }
0x81: {  	s3 =	rddreg [dreg:$0x2];
	[bflag:$0x3] =	sbarrier.arrive $0xFFFF;
	s2 =	simm.s32 @!p0 $0x1C05  }
0x82: {  	[timem:s3], [sflag:s2] =	dma.local @!p0 [hbm:s0], s1  }
0x83: {  	s0 =	simm.s32 @!p0 $0x5  }
0x84: {  	_ =	swait.ge @!p0 [sflag:s0], s1  }
0x85: {  	s1 =	ssub.s32 @!p0 $0x0, s1;
	[sflag:s0] =	ssyncset.done @!p0 $0x0  }
0x86: {  	[sflag:s0] =	ssyncadd.s32 @!p0 s1  }
0x87: {  	[bflag:$0x3] =	sbarrier.arrive $0xFFFF  }
0x88: {  	_ =	shalt  }

// kernel: kernel.14.cloned.1.call-start
scs
__scs_entry_jumppad:
0x0: {  	(pc) =	sbr.rel $0x88, $3  }
0x1: {  	(tag) =	ssettag $0x0;
	lr =	simm.s32 $0x1  }
0x2: {  	[smem:$0x3F8D] =	sst lr;
	_ =	strace $0xD0000000  }
0x3: {  	_ = 	snop  }
0x4: {  	_ = 	snop  }
0x5: {  	_ = 	snop  }
0x6: {  	_ = 	snop  }
0x7: {  	_ = 	snop  }
__scs_overlays_trampoline_lowered:
0x8: {  	[smem:$0x3F9C] =	sst s0  }
0x9: {  	[smem:$0x3F9D] =	sst s1  }
0xa: {  	[smem:$0x3F9E] =	sst s2  }
0xb: {  	[smem:$0x3F9F] =	sst s3  }
0xc: {  	[smem:$0x3FA0] =	sst s4  }
0xd: {  	[smem:$0x3FA1] =	sst s5  }
0xe: {  	[smem:$0x3FA2] =	sst s6  }
0xf: {  	[smem:$0x3FA3] =	sst s7  }
0x10: {  	[smem:$0x3FA4] =	sst s8  }
0x11: {  	[smem:$0x3FA5] =	sst s9;
	s0 =	simm.s32 @!p0 $0x0  }
0x12: {  	s1 =	sld [smem:$0x3F8B];
	s0 =	simm.s32 @p0 $0x1  }
0x13: {  	[smem:$0x3FA6] =	sst s0;
	s0 =	simm.s32 @!p1 $0x0  }
0x14: {  	s2 =	sld [smem:$0x3F8A];
	s0 =	simm.s32 @p1 $0x1  }
0x15: {  	[smem:$0x3FA7] =	sst s0;
	s0 =	simm.s32 @!p2 $0x0  }
0x16: {  	s3 =	sld [smem:$0x3FDB];
	s0 =	simm.s32 @p2 $0x1  }
0x17: {  	s4 =	simm.s32 $0x1BF5;
	[smem:$0x3FA9] =	sst s0  }
0x18: {  	s0 =	sld [smem:$0x3F8C];
	_ =	swait.ge [sflag:s4], $0x0  }
0x19: {  	s7 =	sld [smem:$0x3F8D]  }
0x1a: {  	s8 =	sadd.s32 $0xFFFFE003, lr  }
0x1b: {  	s9 =	sadd.s32 $0xFFFFFEF7, lr;
	s5 =	simm.s32 $0xFFFFFFFF;
	p2 =	slt.u32 s8, $0xFFFFF086  }
0x1c: {  	p1 =	slt.u32 s9, $0xF7A;
	s5 =	simm.s32 @!p2 $0x0  }
0x1d: {  	s5 =	simm.s32 @p1 $0x1;
	p0 =	seq.s32 s7, s2  }
0x1e: {  	s7 =	smul.u32 @!p0 $0xF7A, s2;
	p2 =	seq.s32 @!p0 s5, $0x0  }
0x1f: {  	s9 =	smul.u32 $0xF7A, s1;
	s8 =	simm.s32 @!p0 $0x1BF5;
	p2 =	por !p2, p0  }
0x20: {  	[sflag:s8] =	ssyncset.s32 @!p0 $0xFFFFF086;
	s6 =	sadd.s32 @!p0 s3, s7;
	s7 =	simm.s32 @!p0 $0x108  }
0x21: {  	s3 =	sadd.s32 s3, s9;
	s6 =	sadd.s32 @!p0 $0x88, s6;
	s7 =	simm.s32 @p2 $0x1082  }
0x22: {  	[simem:s7], [sflag:s8] =	dma.local @!p0 [hbm:s6], $0xF7A  }
0x23: {  	s9 =	sor.u32 $0xD0000000, s2;
	s6 =	simm.s32 $0x108;
	_ =	swait.ge @!p0 [sflag:s8], $0x0  }
0x24: {  	s3 =	sadd.s32 $0x88, s3;
	s6 =	simm.s32 @!p1 $0x1082;
	[sflag:s4] =	ssyncset.s32 $0xFFFFF086  }
0x25: {  	[simem:s6], [sflag:s4] =	dma.local [hbm:s3], $0xF7A  }
0x26: {  	[smem:$0x3F8D] =	sst s1;
	(tag) =	ssettag s2;
	_ =	strace s9  }
0x27: {  	s1 =	sld [smem:$0x3F9D]  }
0x28: {  	s2 =	sld [smem:$0x3F9E]  }
0x29: {  	s4 =	sld [smem:$0x3FA0]  }
0x2a: {  	p0 =	seq.s32 s5, $0x0;
	s5 =	sld [smem:$0x3FA1]  }
0x2b: {  	s6 =	sld [smem:$0x3FA2]  }
0x2c: {  	s7 =	sld [smem:$0x3FA3]  }
0x2d: {  	s3 =	simm.s32 $0x108;
	s8 =	sld [smem:$0x3FA4]  }
0x2e: {  	s3 =	simm.s32 @!p0 $0x1082;
	s9 =	sld [smem:$0x3FA5]  }
0x2f: {  	lr =	sadd.s32 s0, s3;
	s0 =	sld [smem:$0x3F9C]  }
0x30: {  	s3 =	sld [smem:$0x3F9F]  }
0x31: {  	[smem:$0x3FA8] =	sst s10  }
0x32: {  	s10 =	sld [smem:$0x3FA6];
	_ =	sdelay $0x3  }
0x33: {  	p0 =	seq.s32 s10, $0x1;
	s10 =	sld [smem:$0x3FA8];
	_ =	sdelay $0x3  }
0x34: {  	[smem:$0x3FA8] =	sst s10  }
0x35: {  	s10 =	sld [smem:$0x3FA7];
	_ =	sdelay $0x3  }
0x36: {  	p1 =	seq.s32 s10, $0x1;
	s10 =	sld [smem:$0x3FA8];
	_ =	sdelay $0x3  }
0x37: {  	[smem:$0x3FA8] =	sst s10  }
0x38: {  	s10 =	sld [smem:$0x3FA9]  }
0x39: {  	_ = 	snop;
	(pc) =	sbr.ind lr, $3  }
0x3a: {  	_ = 	snop  }
0x3b: {  	_ = 	snop  }
0x3c: {  	p2 =	seq.s32 s10, $0x1;
	s10 =	sld [smem:$0x3FA8]  }
0x3d: {  	_ =	shalt  }
0x3e: {  	_ =	shalt  }
0x3f: {  	_ =	shalt  }
0x40: {  	_ =	shalt  }
0x41: {  	_ =	shalt  }
0x42: {  	_ =	shalt  }
0x43: {  	_ =	shalt  }
0x44: {  	_ =	shalt  }
0x45: {  	_ =	shalt  }
0x46: {  	_ =	shalt  }
0x47: {  	_ =	shalt  }
0x48: {  	_ =	shalt  }
0x49: {  	_ =	shalt  }
0x4a: {  	_ =	shalt  }
0x4b: {  	_ =	shalt  }
0x4c: {  	_ =	shalt  }
0x4d: {  	_ =	shalt  }
0x4e: {  	_ =	shalt  }
0x4f: {  	_ =	shalt  }
0x50: {  	_ =	shalt  }
0x51: {  	_ =	shalt  }
0x52: {  	_ =	shalt  }
0x53: {  	_ =	shalt  }
0x54: {  	_ =	shalt  }
0x55: {  	_ =	shalt  }
0x56: {  	_ =	shalt  }
0x57: {  	_ =	shalt  }
0x58: {  	_ =	shalt  }
0x59: {  	_ =	shalt  }
0x5a: {  	_ =	shalt  }
0x5b: {  	_ =	shalt  }
0x5c: {  	_ =	shalt  }
0x5d: {  	_ =	shalt  }
0x5e: {  	_ =	shalt  }
0x5f: {  	_ =	shalt  }
0x60: {  	_ =	shalt  }
0x61: {  	_ =	shalt  }
0x62: {  	_ =	shalt  }
0x63: {  	_ =	shalt  }
0x64: {  	_ =	shalt  }
0x65: {  	_ =	shalt  }
0x66: {  	_ =	shalt  }
0x67: {  	_ =	shalt  }
0x68: {  	_ =	shalt  }
0x69: {  	_ =	shalt  }
0x6a: {  	_ =	shalt  }
0x6b: {  	_ =	shalt  }
0x6c: {  	_ =	shalt  }
0x6d: {  	_ =	shalt  }
0x6e: {  	_ =	shalt  }
0x6f: {  	_ =	shalt  }
0x70: {  	_ =	shalt  }
0x71: {  	_ =	shalt  }
0x72: {  	_ =	shalt  }
0x73: {  	_ =	shalt  }
0x74: {  	_ =	shalt  }
0x75: {  	_ =	shalt  }
0x76: {  	_ =	shalt  }
0x77: {  	_ =	shalt  }
0x78: {  	_ =	shalt  }
0x79: {  	_ =	shalt  }
0x7a: {  	_ =	shalt  }
0x7b: {  	_ =	shalt  }
0x7c: {  	_ =	shalt  }
0x7d: {  	_ =	shalt  }
0x7e: {  	_ =	shalt  }
0x7f: {  	_ =	shalt  }
0x80: {  	_ =	shalt  }
0x81: {  	_ =	shalt  }
0x82: {  	_ =	shalt  }
0x83: {  	_ =	shalt  }
0x84: {  	_ =	shalt  }
0x85: {  	_ =	shalt  }
0x86: {  	_ =	shalt  }
0x87: {  	_ =	shalt  }
.Lfunc_end0:
.L_simem_size_0:
called_computation.1_lowered:
.L_overlay_start_0:
0x88: {  	s2 =	sld [smem:$0x3FD9]  }
0x89: {  	s3 =	sld [smem:$0x3FFE];
	_ =	sdelay $0x1  }
0x8a: {  	s1 =	srdreg.scid  }
0x8b: {  	s0 =	sand.u32 $0x1, s1  }
0x8c: {  	s16 =	sshll.u32 s0, $0xA;
	s2 =	sadd.s32 s3, s2  }
0x8d: {  	s2 =	sadd.s32 s2, s16  }
0x8e: {  	[smem:$0x3FB4] =	sst s2  }
0x8f: {  	_ = 	snop  }
0x90: {  	(tm) =	ssettm $0x1  }
0x91: {  	s17 =	sld [smem:$0x3FFB];
	_ =	sdelay $0x3  }
0x92: {  	_ =	strace s17  }
0x93: {  	s2 =	sld [smem:$0x3FFC];
	_ =	sdelay $0x3  }
0x94: {  	_ =	strace s2  }
0x95: {  	s2 =	sld [smem:$0x3FFD];
	_ =	sdelay $0x3  }
0x96: {  	_ =	strace s2  }
0x97: {  	_ =	strace $0x8FFFFFFF  }
0x98: {  	s18 =	sld [smem:$0x3FDB];
	_ =	sdelay $0x1  }
0x99: {  	s19 =	simm.s32 $_scs_section_size  }
0x9a: {  	s4 =	simm.s32 $_size__tile_overlayer_lowered;
	s5 =	simm.s32 $_tile_overlayer_lowered  }
0x9b: {  	s22 =	simm.s32 $0x1BFF;
	s21 =	sshll.u32 s5, $0x1;
	s2 =	sadd.s32 s19, s18  }
0x9c: {  	s6 =	simm.s32 $0x0;
	s20 =	sshll.u32 s4, $0x1;
	s4 =	sadd.s32 s21, s2  }
0x9d: {  	[timem:s6], [sflag:s22] =	dma.local [hbm:s4], s20  }
0x9e: {  	_ =	swait.ge [sflag:s22], s20  }
0x9f: {  	s3 =	ssub.s32 $0x0, s20;
	[sflag:s22] =	ssyncset.done $0x0  }
0xa0: {  	[sflag:s22] =	ssyncadd.s32 s3;
	_ =	sdelay $0x1  }
0xa1: {  	s23 =	simm.s32 $0x1B8B  }
0xa2: {  	_ =	swait.ge [sflag:s23], $0x1  }
0xa3: {  	[sflag:s23] =	ssyncset.done $0x0  }
0xa4: {  	s25 =	simm.s32 $0x1B8E;
	s24 =	sld [smem:$0x3FFE];
	[sflag:s23] =	ssyncadd.s32 $0xFFFFFFFF  }
0xa5: {  	s26 =	simm.s32 $execute0_lowered;
	[smem:$0x3FD2] =	sst s25  }
0xa6: {  	s4 =	sshll.u32 s26, $0x1;
	_ =	strace $0x80000049;
	[dreg:$0x1] =	wrdreg $0xFFFFFFFF  }
0xa7: {  	s28 =	simm.s32 $_size_execute0_lowered;
	s2 =	sadd.s32 s2, s4;
	[dreg:$0x0] =	wrdreg $0x0  }
0xa8: {  	s4 =	sshll.u32 s28, $0x1;
	[dreg:$0x2] =	wrdreg s2  }
0xa9: {  	[dreg:$0x3] =	wrdreg s4  }
0xaa: {  	[dreg:$0x4] =	wrdreg $0xC0  }
0xab: {  	_ =	task [dreg:s6], $0x5FFFF  }
0xac: {  	[dreg:$0x1] =	wrdreg $0xFFFFFFFF  }
0xad: {  	[dreg:$0x0] =	wrdreg $0x60  }
0xae: {  	[dreg:$0x2] =	wrdreg s24  }
0xaf: {  	[dreg:$0x3] =	wrdreg $0x68000  }
0xb0: {  	[dreg:$0x4] =	wrdreg $0x9  }
0xb1: {  	_ =	task.clear_ibuf [dreg:s6], $0x5FFFF;
	_ =	strace $0x90000049  }
0xb2: {  	s29 =	simm.s32 $0x9;
	_ =	strace $0x8000004B  }
0xb3: {  	_ =	swait.ge [sflag:s29], $0x1  }
0xb4: {  	[sflag:s29] =	ssyncadd.s32 $0xFFFFFFFF  }
0xb5: {  	_ =	strace $0x9000004B  }
0xb6: {  	_ =	sfence  }
0xb7: {  	s30 =	sld [smem:$0x0];
	_ =	sdelay $0x2  }
0xb8: {  	s31 =	sshll.u32 s1, $0xD;
	s1 =	sshrl.u32 s1, $0x2  }
0xb9: {  	s3 =	sand.u32 $0x4000, s31;
	s1 =	sadd.s32 s1, s30  }
0xba: {  	s0 =	sor.u32 s3, s0;
	s1 =	sshll.u32 s1, $0x11  }
0xbb: {  	s0 =	sor.u32 s1, s0  }
0xbc: {  	s0 =	sadd.s32 $0x8F2B, s0  }
0xbd: {  	[sflag:s0] =	ssyncadd.remote.s32 $0x1  }
0xbe: {  	_ =	sfence.sel $0xFFFF  }
0xbf: {  	[dreg:$0x0] =	wrdreg $0xFFFFFFFF;
	(pc) =	sbr.abs _section_cstart, $3  }
0xc0: {  	[dreg:$0x1] =	wrdreg $0xFFFFFFFF  }
0xc1: {  	_ =	task.clear_ibuf [dreg:s6], $0x2FFFF;
	_ =	strace $0x9FFFFFFF  }
0xc2: {  	(tm) =	ssettm $0x7FFFFFFF  }
0xc3: {  	_ =	shalt  }
tec
execute0_lowered:
.L_overlay_start_1:
0x0: {  	(tag) =	ssettag $0x1  }
0x1: {  	s6 =	stileid.u32  }
0x2: {  	s2 =	rddreg [dreg:$0x1];
	s4 =	sshll.u32 s6, $0x1;
	s6 =	sshll.u32 s6, $0xF  }
0x3: {  	s0 =	rddreg [dreg:$0x0];
	s3 =	simm.s32 $0x0;
	s8 =	sadd.s32 s6, s2  }
0x4: {  	s1 =	srdreg.scid;
	[smem:$0x7FF] =	sst s3;
	s21 =	sadd.s32 $0x400, s8  }
0x5: {  	_ =	strace $0x8000004A;
	s22 =	sadd.s32 $0x800, s8;
	[dreg:$0x7] =	wrdreg s21  }
0x6: {  	s28 =	simm.s32 $0x2;
	s23 =	sadd.s32 $0xC00, s8;
	[dreg:$0x8] =	wrdreg s22  }
0x7: {  	s1 =	sand.u32 $0x1, s1;
	s24 =	sadd.s32 $0x1000, s8;
	[dreg:$0x9] =	wrdreg s23  }
0x8: {  	s4 =	sor.u32 s1, s4;
	s25 =	sadd.s32 $0x1400, s8;
	[dreg:$0xa] =	wrdreg s24  }
0x9: {  	s7 =	sshll.u32 s1, $0x13;
	s26 =	sadd.s32 $0x1800, s8;
	[dreg:$0xb] =	wrdreg s25  }
0xa: {  	s7 =	sor.u32 s6, s7;
	s6 =	sadd.s32 $0x1C00, s8;
	[dreg:$0xc] =	wrdreg s26  }
0xb: {  	s1 =	ssub.s32 $0x2, s1;
	s9 =	sadd.s32 $0x2400, s8;
	[dreg:$0xd] =	wrdreg s6  }
0xc: {  	s17 =	sshrl.u32 s1, $0x1;
	s10 =	sadd.s32 $0x2800, s8;
	[dreg:$0xf] =	wrdreg s9  }
0xd: {  	s1 =	ssub.s32 s1, s17;
	[dreg:$0x10] =	wrdreg s10;
	s17 =	sadd.s32 $0x2C00, s8  }
0xe: {  	s29 =	simm.s32 $0x5;
	s21 =	sadd.s32 $0x3C00, s8;
	[dreg:$0x18] =	wrdreg s17  }
0xf: {  	s30 =	simm.s32 $0x3;
	s22 =	sadd.s32 $0x4000, s8;
	[dreg:$0x1c] =	wrdreg s21  }
0x10: {  	s31 =	simm.s32 $0x6;
	s23 =	sadd.s32 $0x4400, s8;
	[dreg:$0x1d] =	wrdreg s22  }
0x11: {  	s5 =	sshll.u32 s4, $0xD;
	s24 =	sadd.s32 $0x4800, s8;
	[dreg:$0x1e] =	wrdreg s23  }
0x12: {  	s4 =	sshll.u32 s4, $0x7;
	s25 =	sadd.s32 $0x4C00, s8;
	[dreg:$0x1f] =	wrdreg s24  }
0x13: {  	s4 =	sadd.s32 s4, s0;
	s26 =	sadd.s32 $0x5000, s8;
	[smem:$0x7FC] =	sst s25  }
0x14: {  	s5 =	sadd.s32 s5, s0;
	s4 =	sadd.s32 $0x5800, s4;
	[smem:$0x7FD] =	sst s26  }
0x15: {  	s7 =	sshrl.u32 s7, $0x3;
	s18 =	sadd.s32 $0x6800, s5;
	[dreg:$0x3] =	wrdreg s4  }
0x16: {  	s9 =	sadd.s32 $0x5800, s8;
	s19 =	sadd.s32 $0x6C00, s5;
	[dreg:$0x4] =	wrdreg s18  }
0x17: {  	s10 =	sadd.s32 $0x5C00, s8;
	s20 =	sadd.s32 $0x7000, s5;
	[dreg:$0x5] =	wrdreg s19  }
0x18: {  	s0 =	sadd.s32 s7, s0;
	s7 =	sadd.s32 $0x2000, s8;
	[dreg:$0x6] =	wrdreg s20  }
0x19: {  	s11 =	sadd.s32 $0x7400, s5;
	s12 =	sadd.s32 $0x7800, s5;
	[dreg:$0xe] =	wrdreg s7  }
0x1a: {  	s13 =	sadd.s32 $0x7C00, s5;
	s14 =	sadd.s32 $0x8000, s5;
	[dreg:$0x11] =	wrdreg s11  }
0x1b: {  	s15 =	sadd.s32 $0x8400, s5;
	s16 =	smax.u32 s1, $0x1;
	[dreg:$0x12] =	wrdreg s12  }
0x1c: {  	s17 =	sadd.s32 $0x7800, s8;
	s21 =	simm.s32 $0x2400;
	[dreg:$0x13] =	wrdreg s13  }
0x1d: {  	s22 =	simm.s32 $0x4400;
	s23 =	simm.s32 $0x6400;
	[dreg:$0x14] =	wrdreg s14  }
0x1e: {  	s24 =	simm.s32 $0x1;
	s25 =	simm.s32 $0x80;
	[dreg:$0x15] =	wrdreg s15  }
0x1f: {  	s26 =	simm.s32 $0x4;
	s0 =	sadd.s32 $0x46800, s0;
	[dreg:$0x17] =	wrdreg s16  }
0x20: {  	s18 =	sadd.s32 $0x3000, s8;
	s19 =	sadd.s32 $0x3400, s8;
	s20 =	sadd.s32 $0x3800, s8  }
0x21: {  	s7 =	sadd.s32 $0x5400, s8;
	s11 =	sadd.s32 $0x6000, s8;
	[dreg:$0x16] =	wrdreg s0  }
0x22: {  	s12 =	sadd.s32 $0x6400, s8;
	s13 =	sadd.s32 $0x6800, s8;
	[dreg:$0x19] =	wrdreg s18  }
0x23: {  	s14 =	sadd.s32 $0x6C00, s8;
	s15 =	sadd.s32 $0x7000, s8;
	[dreg:$0x1a] =	wrdreg s19  }
0x24: {  	s16 =	sadd.s32 $0x7400, s8;
	[dreg:$0x1b] =	wrdreg s20;
	s18 =	sadd.s32 $0x7C00, s8  }
0x25: {  	v0 =	vimm.f32 $0.0e+00;
	s19 =	simm.s32 $0x7;
	s20 =	simm.s32 $0x400;
	s0 =	simm.s32 $0x0  }
.LBB2_1:
0x26: {  	s1 =	rddreg [dreg:$0x3]  }
0x27: {  	[tilespmem:s3], [sflag:$0x7] =	stream.linear.gather [hbm4b:s1+s3], $0x400, $0x38;
	[tilespmem:$0xE800] =	vst v63  }
0x28: {  	_ =	swait.ge [sflag:s19], $0x400  }
0x29: {  	[sflag:s19] =	ssyncset.done $0x0  }
0x2a: {  	s6 =	rddreg [dreg:$0x4];
	[sflag:s19] =	ssyncadd.s32 $0xFFFFFC00  }
0x2b: {  	[tilespmem:s20], [sflag:$0x1] =	stream.linear.gather [hbm4b:s6+s3], $0x2000, $0x38;
	[tilespmem:$0xE800] =	vst v63  }
0x2c: {  	s4 =	rddreg [dreg:$0x5]  }
0x2d: {  	[tilespmem:s21], [sflag:$0x2] =	stream.linear.gather [hbm4b:s4+s3], $0x2000, $0x38;
	[tilespmem:$0xE800] =	vst v63  }
0x2e: {  	s5 =	rddreg [dreg:$0x6];
	s6 =	sand.u32 $0xF00, s3  }
0x2f: {  	[tilespmem:s22], [sflag:$0x3] =	stream.linear.gather [hbm4b:s5+s3], $0x2000, $0x38;
	[tilespmem:$0xE800] =	vst v63  }
0x30: {  	s4 =	sand.u32 $0x30, s3;
	s5 =	sshrl.u32 s6, $0x2  }
0x31: {  	s1 =	simm.s32 $0x40;
	s5 =	sor.u32 s4, s5;
	s4 =	simm.s32 $0x0  }
.LBB2_2:
0x32: {  	p0 =	sne.s32 s1, $0xFC0  }
0x33: {  	[tilespmem:s5+$0x6400] =	vst v0;
	s4 =	sadd.s32 $0x10, s4;
	s5 =	smov.u32 s1;
	s1 =	sadd.s32 $0x40, s1  }
.Ltmp0:
0x34: {  	(pc) =	sbr.rel @p0 .LBB2_2-.Ltmp0, $4  }
0x35: {  	_ = 	snop  }
0x36: {  	s5 =	sand.u32 $0xF00, s5  }
0x37: {  	s6 =	sand.u32 $0x30, s4;
	s5 =	sshrl.u32 s5, $0x2  }
0x38: {  	s5 =	sor.u32 s6, s5  }
0x39: {  	[tilespmem:s5+$0x6400] =	vst v0  }
0x3a: {  	[spmem:s8] =	stream.linear.scatter [tilespmem:s23], [sflag:$0x7], $0x400, $0x38;
	[tilespmem:$0xE800] =	vst v63  }
0x3b: {  	_ =	swait.ge [sflag:s19], $0x400  }
0x3c: {  	[sflag:s19] =	ssyncset.done $0x0  }
0x3d: {  	s1 =	rddreg [dreg:$0x7];
	[sflag:s19] =	ssyncadd.s32 $0xFFFFFC00  }
0x3e: {  	[spmem:s1] =	stream.linear.scatter [tilespmem:s23], [sflag:$0x7], $0x400, $0x38;
	[tilespmem:$0xE800] =	vst v63  }
0x3f: {  	_ =	swait.ge [sflag:s19], $0x400  }
0x40: {  	[sflag:s19] =	ssyncset.done $0x0  }
0x41: {  	s5 =	rddreg [dreg:$0x8];
	[sflag:s19] =	ssyncadd.s32 $0xFFFFFC00  }
0x42: {  	[spmem:s5] =	stream.linear.scatter [tilespmem:s23], [sflag:$0x7], $0x400, $0x38;
	[tilespmem:$0xE800] =	vst v63  }
0x43: {  	_ =	swait.ge [sflag:s19], $0x400  }
0x44: {  	[sflag:s19] =	ssyncset.done $0x0  }
0x45: {  	s6 =	rddreg [dreg:$0x9];
	[sflag:s19] =	ssyncadd.s32 $0xFFFFFC00  }
0x46: {  	[spmem:s6] =	stream.linear.scatter [tilespmem:s23], [sflag:$0x7], $0x400, $0x38;
	[tilespmem:$0xE800] =	vst v63  }
0x47: {  	_ =	swait.ge [sflag:s19], $0x400  }
0x48: {  	[sflag:s19] =	ssyncset.done $0x0  }
0x49: {  	s4 =	rddreg [dreg:$0xa];
	[sflag:s19] =	ssyncadd.s32 $0xFFFFFC00  }
0x4a: {  	[spmem:s4] =	stream.linear.scatter [tilespmem:s23], [sflag:$0x7], $0x400, $0x38;
	[tilespmem:$0xE800] =	vst v63  }
0x4b: {  	_ =	swait.ge [sflag:s19], $0x400  }
0x4c: {  	[sflag:s19] =	ssyncset.done $0x0  }
0x4d: {  	s5 =	rddreg [dreg:$0xb];
	[sflag:s19] =	ssyncadd.s32 $0xFFFFFC00  }
0x4e: {  	[spmem:s5] =	stream.linear.scatter [tilespmem:s23], [sflag:$0x7], $0x400, $0x38;
	[tilespmem:$0xE800] =	vst v63  }
0x4f: {  	_ =	swait.ge [sflag:s19], $0x400  }
0x50: {  	[sflag:s19] =	ssyncset.done $0x0  }
0x51: {  	s6 =	rddreg [dreg:$0xc];
	[sflag:s19] =	ssyncadd.s32 $0xFFFFFC00  }
0x52: {  	[spmem:s6] =	stream.linear.scatter [tilespmem:s23], [sflag:$0x7], $0x400, $0x38;
	[tilespmem:$0xE800] =	vst v63  }
0x53: {  	_ =	swait.ge [sflag:s19], $0x400  }
0x54: {  	[sflag:s19] =	ssyncset.done $0x0  }
0x55: {  	s4 =	rddreg [dreg:$0xd];
	[sflag:s19] =	ssyncadd.s32 $0xFFFFFC00  }
0x56: {  	[spmem:s4] =	stream.linear.scatter [tilespmem:s23], [sflag:$0x7], $0x400, $0x38;
	[tilespmem:$0xE800] =	vst v63  }
0x57: {  	_ =	swait.ge [sflag:s19], $0x400  }
0x58: {  	[sflag:s19] =	ssyncset.done $0x0  }
0x59: {  	s5 =	rddreg [dreg:$0xe];
	[sflag:s19] =	ssyncadd.s32 $0xFFFFFC00  }
0x5a: {  	[spmem:s5] =	stream.linear.scatter [tilespmem:s23], [sflag:$0x7], $0x400, $0x38;
	[tilespmem:$0xE800] =	vst v63  }
0x5b: {  	_ =	swait.ge [sflag:s19], $0x400  }
0x5c: {  	[sflag:s19] =	ssyncset.done $0x0  }
0x5d: {  	s6 =	rddreg [dreg:$0xf];
	[sflag:s19] =	ssyncadd.s32 $0xFFFFFC00  }
0x5e: {  	[spmem:s6] =	stream.linear.scatter [tilespmem:s23], [sflag:$0x7], $0x400, $0x38;
	[tilespmem:$0xE800] =	vst v63  }
0x5f: {  	_ =	swait.ge [sflag:s19], $0x400  }
0x60: {  	[sflag:s19] =	ssyncset.done $0x0  }
0x61: {  	s4 =	rddreg [dreg:$0x10];
	[sflag:s19] =	ssyncadd.s32 $0xFFFFFC00  }
0x62: {  	[spmem:s4] =	stream.linear.scatter [tilespmem:s23], [sflag:$0x7], $0x400, $0x38;
	[tilespmem:$0xE800] =	vst v63  }
0x63: {  	_ =	swait.ge [sflag:s19], $0x400  }
0x64: {  	[sflag:s19] =	ssyncset.done $0x0  }
0x65: {  	s5 =	rddreg [dreg:$0x18];
	[sflag:s19] =	ssyncadd.s32 $0xFFFFFC00  }
0x66: {  	[spmem:s5] =	stream.linear.scatter [tilespmem:s23], [sflag:$0x7], $0x400, $0x38;
	[tilespmem:$0xE800] =	vst v63  }
0x67: {  	_ =	swait.ge [sflag:s19], $0x400  }
0x68: {  	[sflag:s19] =	ssyncset.done $0x0  }
0x69: {  	s6 =	rddreg [dreg:$0x19];
	[sflag:s19] =	ssyncadd.s32 $0xFFFFFC00  }
0x6a: {  	[spmem:s6] =	stream.linear.scatter [tilespmem:s23], [sflag:$0x7], $0x400, $0x38;
	[tilespmem:$0xE800] =	vst v63  }
0x6b: {  	_ =	swait.ge [sflag:s19], $0x400  }
0x6c: {  	[sflag:s19] =	ssyncset.done $0x0  }
0x6d: {  	s4 =	rddreg [dreg:$0x1a];
	[sflag:s19] =	ssyncadd.s32 $0xFFFFFC00  }
0x6e: {  	[spmem:s4] =	stream.linear.scatter [tilespmem:s23], [sflag:$0x7], $0x400, $0x38;
	[tilespmem:$0xE800] =	vst v63  }
0x6f: {  	_ =	swait.ge [sflag:s19], $0x400  }
0x70: {  	[sflag:s19] =	ssyncset.done $0x0  }
0x71: {  	s5 =	rddreg [dreg:$0x1b];
	[sflag:s19] =	ssyncadd.s32 $0xFFFFFC00  }
0x72: {  	[spmem:s5] =	stream.linear.scatter [tilespmem:s23], [sflag:$0x7], $0x400, $0x38;
	[tilespmem:$0xE800] =	vst v63  }
0x73: {  	_ =	swait.ge [sflag:s19], $0x400  }
0x74: {  	[sflag:s19] =	ssyncset.done $0x0  }
0x75: {  	s6 =	rddreg [dreg:$0x1c];
	[sflag:s19] =	ssyncadd.s32 $0xFFFFFC00  }
0x76: {  	[spmem:s6] =	stream.linear.scatter [tilespmem:s23], [sflag:$0x7], $0x400, $0x38;
	[tilespmem:$0xE800] =	vst v63  }
0x77: {  	_ =	swait.ge [sflag:s19], $0x400  }
0x78: {  	[sflag:s19] =	ssyncset.done $0x0  }
0x79: {  	s4 =	rddreg [dreg:$0x1d];
	[sflag:s19] =	ssyncadd.s32 $0xFFFFFC00  }
0x7a: {  	[spmem:s4] =	stream.linear.scatter [tilespmem:s23], [sflag:$0x7], $0x400, $0x38;
	[tilespmem:$0xE800] =	vst v63  }
0x7b: {  	_ =	swait.ge [sflag:s19], $0x400  }
0x7c: {  	[sflag:s19] =	ssyncset.done $0x0  }
0x7d: {  	s5 =	rddreg [dreg:$0x1e];
	[sflag:s19] =	ssyncadd.s32 $0xFFFFFC00  }
0x7e: {  	[spmem:s5] =	stream.linear.scatter [tilespmem:s23], [sflag:$0x7], $0x400, $0x38;
	[tilespmem:$0xE800] =	vst v63  }
0x7f: {  	_ =	swait.ge [sflag:s19], $0x400  }
0x80: {  	[sflag:s19] =	ssyncset.done $0x0  }
0x81: {  	s6 =	rddreg [dreg:$0x1f];
	[sflag:s19] =	ssyncadd.s32 $0xFFFFFC00  }
0x82: {  	[spmem:s6] =	stream.linear.scatter [tilespmem:s23], [sflag:$0x7], $0x400, $0x38;
	[tilespmem:$0xE800] =	vst v63  }
0x83: {  	_ =	swait.ge [sflag:s19], $0x400  }
0x84: {  	s4 =	sld [smem:$0x7FC]  }
0x85: {  	[sflag:s19] =	ssyncset.done $0x0  }
0x86: {  	[sflag:s19] =	ssyncadd.s32 $0xFFFFFC00  }
0x87: {  	[spmem:s4] =	stream.linear.scatter [tilespmem:s23], [sflag:$0x7], $0x400, $0x38;
	[tilespmem:$0xE800] =	vst v63  }
0x88: {  	_ =	swait.ge [sflag:s19], $0x400  }
0x89: {  	s5 =	sld [smem:$0x7FD]  }
0x8a: {  	[sflag:s19] =	ssyncset.done $0x0  }
0x8b: {  	[sflag:s19] =	ssyncadd.s32 $0xFFFFFC00  }
0x8c: {  	[spmem:s5] =	stream.linear.scatter [tilespmem:s23], [sflag:$0x7], $0x400, $0x38;
	[tilespmem:$0xE800] =	vst v63  }
0x8d: {  	_ =	swait.ge [sflag:s19], $0x400  }
0x8e: {  	[sflag:s19] =	ssyncset.done $0x0  }
0x8f: {  	[sflag:s19] =	ssyncadd.s32 $0xFFFFFC00  }
0x90: {  	[spmem:s7] =	stream.linear.scatter [tilespmem:s23], [sflag:$0x7], $0x400, $0x38;
	[tilespmem:$0xE800] =	vst v63  }
0x91: {  	_ =	swait.ge [sflag:s19], $0x400  }
0x92: {  	[sflag:s19] =	ssyncset.done $0x0  }
0x93: {  	[sflag:s19] =	ssyncadd.s32 $0xFFFFFC00  }
0x94: {  	[spmem:s9] =	stream.linear.scatter [tilespmem:s23], [sflag:$0x7], $0x400, $0x38;
	[tilespmem:$0xE800] =	vst v63  }
0x95: {  	_ =	swait.ge [sflag:s19], $0x400  }
0x96: {  	[sflag:s19] =	ssyncset.done $0x0  }
0x97: {  	[sflag:s19] =	ssyncadd.s32 $0xFFFFFC00  }
0x98: {  	[spmem:s10] =	stream.linear.scatter [tilespmem:s23], [sflag:$0x7], $0x400, $0x38;
	[tilespmem:$0xE800] =	vst v63  }
0x99: {  	_ =	swait.ge [sflag:s19], $0x400  }
0x9a: {  	[sflag:s19] =	ssyncset.done $0x0  }
0x9b: {  	[sflag:s19] =	ssyncadd.s32 $0xFFFFFC00  }
0x9c: {  	[spmem:s11] =	stream.linear.scatter [tilespmem:s23], [sflag:$0x7], $0x400, $0x38;
	[tilespmem:$0xE800] =	vst v63  }
0x9d: {  	_ =	swait.ge [sflag:s19], $0x400  }
0x9e: {  	[sflag:s19] =	ssyncset.done $0x0  }
0x9f: {  	[sflag:s19] =	ssyncadd.s32 $0xFFFFFC00  }
0xa0: {  	[spmem:s12] =	stream.linear.scatter [tilespmem:s23], [sflag:$0x7], $0x400, $0x38;
	[tilespmem:$0xE800] =	vst v63  }
0xa1: {  	_ =	swait.ge [sflag:s19], $0x400  }
0xa2: {  	[sflag:s19] =	ssyncset.done $0x0  }
0xa3: {  	[sflag:s19] =	ssyncadd.s32 $0xFFFFFC00  }
0xa4: {  	[spmem:s13] =	stream.linear.scatter [tilespmem:s23], [sflag:$0x7], $0x400, $0x38;
	[tilespmem:$0xE800] =	vst v63  }
0xa5: {  	_ =	swait.ge [sflag:s19], $0x400  }
0xa6: {  	[sflag:s19] =	ssyncset.done $0x0  }
0xa7: {  	[sflag:s19] =	ssyncadd.s32 $0xFFFFFC00  }
0xa8: {  	[spmem:s14] =	stream.linear.scatter [tilespmem:s23], [sflag:$0x7], $0x400, $0x38;
	[tilespmem:$0xE800] =	vst v63  }
0xa9: {  	_ =	swait.ge [sflag:s19], $0x400  }
0xaa: {  	[sflag:s19] =	ssyncset.done $0x0  }
0xab: {  	[sflag:s19] =	ssyncadd.s32 $0xFFFFFC00  }
0xac: {  	[spmem:s15] =	stream.linear.scatter [tilespmem:s23], [sflag:$0x7], $0x400, $0x38;
	[tilespmem:$0xE800] =	vst v63  }
0xad: {  	_ =	swait.ge [sflag:s19], $0x400  }
0xae: {  	[sflag:s19] =	ssyncset.done $0x0  }
0xaf: {  	[sflag:s19] =	ssyncadd.s32 $0xFFFFFC00  }
0xb0: {  	[spmem:s16] =	stream.linear.scatter [tilespmem:s23], [sflag:$0x7], $0x400, $0x38;
	[tilespmem:$0xE800] =	vst v63  }
0xb1: {  	_ =	swait.ge [sflag:s19], $0x400  }
0xb2: {  	[sflag:s19] =	ssyncset.done $0x0  }
0xb3: {  	[sflag:s19] =	ssyncadd.s32 $0xFFFFFC00  }
0xb4: {  	[spmem:s17] =	stream.linear.scatter [tilespmem:s23], [sflag:$0x7], $0x400, $0x38;
	[tilespmem:$0xE800] =	vst v63  }
0xb5: {  	_ =	swait.ge [sflag:s19], $0x400  }
0xb6: {  	[sflag:s19] =	ssyncset.done $0x0  }
0xb7: {  	[sflag:s19] =	ssyncadd.s32 $0xFFFFFC00  }
0xb8: {  	[spmem:s18] =	stream.linear.scatter [tilespmem:s23], [sflag:$0x7], $0x400, $0x38;
	[tilespmem:$0xE800] =	vst v63  }
0xb9: {  	_ =	swait.ge [sflag:s19], $0x400  }
0xba: {  	[sflag:s19] =	ssyncset.done $0x0  }
0xbb: {  	[sflag:s19] =	ssyncadd.s32 $0xFFFFFC00  }
0xbc: {  	[bflag:$0x0] =	sbarrier.arrive $0xFFFF  }
0xbd: {  	_ =	swait.ge [sflag:s24], $0x2000  }
0xbe: {  	[sflag:s24] =	ssyncset.done $0x0  }
0xbf: {  	[sflag:s24] =	ssyncadd.s32 $0xFFFFE000  }
0xc0: {  	[spmem:s2] =	stream.indirect.scatter.add.f32 [tilespmem:s20], [sflag:$0x4], $0x40, s3, s25, $0xb8;
	[tilespmem:$0xE800] =	vst v63  }
0xc1: {  	_ =	swait.ge [sflag:s26], $0x2000  }
0xc2: {  	[sflag:s26] =	ssyncset.done $0x0  }
0xc3: {  	s6 =	rddreg [dreg:$0x11];
	[sflag:s26] =	ssyncadd.s32 $0xFFFFE000  }
0xc4: {  	[tilespmem:s20], [sflag:$0x1] =	stream.linear.gather [hbm4b:s6+s3], $0x2000, $0x38;
	[tilespmem:$0xE800] =	vst v63  }
0xc5: {  	_ =	swait.ge [sflag:s28], $0x2000  }
0xc6: {  	[sflag:s28] =	ssyncset.done $0x0  }
0xc7: {  	[sflag:s28] =	ssyncadd.s32 $0xFFFFE000  }
0xc8: {  	[spmem:s2] =	stream.indirect.scatter.add.f32 [tilespmem:s21], [sflag:$0x5], $0x40, s25, s25, $0xb8;
	[tilespmem:$0xE800] =	vst v63  }
0xc9: {  	_ =	swait.ge [sflag:s29], $0x2000  }
0xca: {  	[sflag:s29] =	ssyncset.done $0x0  }
0xcb: {  	s4 =	rddreg [dreg:$0x12];
	[sflag:s29] =	ssyncadd.s32 $0xFFFFE000  }
0xcc: {  	[tilespmem:s21], [sflag:$0x2] =	stream.linear.gather [hbm4b:s4+s3], $0x2000, $0x38;
	[tilespmem:$0xE800] =	vst v63  }
0xcd: {  	_ =	swait.ge [sflag:s30], $0x2000  }
0xce: {  	[sflag:s30] =	ssyncset.done $0x0  }
0xcf: {  	s5 =	simm.s32 $0x100;
	[sflag:s30] =	ssyncadd.s32 $0xFFFFE000  }
0xd0: {  	[spmem:s2] =	stream.indirect.scatter.add.f32 [tilespmem:s22], [sflag:$0x6], $0x40, s5, s25, $0xb8;
	[tilespmem:$0xE800] =	vst v63  }
0xd1: {  	_ =	swait.ge [sflag:s31], $0x2000  }
0xd2: {  	[sflag:s31] =	ssyncset.done $0x0  }
0xd3: {  	s6 =	rddreg [dreg:$0x13];
	[sflag:s31] =	ssyncadd.s32 $0xFFFFE000  }
0xd4: {  	[tilespmem:s22], [sflag:$0x3] =	stream.linear.gather [hbm4b:s6+s3], $0x2000, $0x38;
	[tilespmem:$0xE800] =	vst v63  }
0xd5: {  	_ =	swait.ge [sflag:s24], $0x2000  }
0xd6: {  	[sflag:s24] =	ssyncset.done $0x0  }
0xd7: {  	s4 =	simm.s32 $0x180;
	[sflag:s24] =	ssyncadd.s32 $0xFFFFE000  }
0xd8: {  	[spmem:s2] =	stream.indirect.scatter.add.f32 [tilespmem:s20], [sflag:$0x4], $0x40, s4, s25, $0xb8;
	[tilespmem:$0xE800] =	vst v63  }
0xd9: {  	_ =	swait.ge [sflag:s26], $0x2000  }
0xda: {  	[sflag:s26] =	ssyncset.done $0x0  }
0xdb: {  	s5 =	rddreg [dreg:$0x14];
	[sflag:s26] =	ssyncadd.s32 $0xFFFFE000  }
0xdc: {  	[tilespmem:s20], [sflag:$0x1] =	stream.linear.gather [hbm4b:s5+s3], $0x2000, $0x38;
	[tilespmem:$0xE800] =	vst v63  }
0xdd: {  	_ =	swait.ge [sflag:s28], $0x2000  }
0xde: {  	[sflag:s28] =	ssyncset.done $0x0  }
0xdf: {  	s6 =	simm.s32 $0x200;
	[sflag:s28] =	ssyncadd.s32 $0xFFFFE000  }
0xe0: {  	[spmem:s2] =	stream.indirect.scatter.add.f32 [tilespmem:s21], [sflag:$0x5], $0x40, s6, s25, $0xb8;
	[tilespmem:$0xE800] =	vst v63  }
0xe1: {  	_ =	swait.ge [sflag:s29], $0x2000  }
0xe2: {  	[sflag:s29] =	ssyncset.done $0x0  }
0xe3: {  	s4 =	rddreg [dreg:$0x15];
	[sflag:s29] =	ssyncadd.s32 $0xFFFFE000  }
0xe4: {  	[tilespmem:s21], [sflag:$0x2] =	stream.linear.gather [hbm4b:s4+s3], $0x2000, $0x38;
	[tilespmem:$0xE800] =	vst v63  }
0xe5: {  	_ =	swait.ge [sflag:s30], $0x2000  }
0xe6: {  	[sflag:s30] =	ssyncset.done $0x0  }
0xe7: {  	s5 =	simm.s32 $0x280;
	[sflag:s30] =	ssyncadd.s32 $0xFFFFE000  }
0xe8: {  	[spmem:s2] =	stream.indirect.scatter.add.f32 [tilespmem:s22], [sflag:$0x6], $0x40, s5, s25, $0xb8;
	[tilespmem:$0xE800] =	vst v63  }
0xe9: {  	_ =	swait.ge [sflag:s24], $0x2000  }
0xea: {  	[sflag:s24] =	ssyncset.done $0x0  }
0xeb: {  	s6 =	simm.s32 $0x300;
	[sflag:s24] =	ssyncadd.s32 $0xFFFFE000  }
0xec: {  	[spmem:s2] =	stream.indirect.scatter.add.f32 [tilespmem:s20], [sflag:$0x4], $0x40, s6, s25, $0xb8;
	[tilespmem:$0xE800] =	vst v63  }
0xed: {  	_ =	swait.ge [sflag:s28], $0x2000  }
0xee: {  	[sflag:s28] =	ssyncset.done $0x0  }
0xef: {  	s4 =	simm.s32 $0x380;
	[sflag:s28] =	ssyncadd.s32 $0xFFFFE000  }
0xf0: {  	[spmem:s2] =	stream.indirect.scatter.add.f32 [tilespmem:s21], [sflag:$0x5], $0x40, s4, s25, $0xb8;
	[tilespmem:$0xE800] =	vst v63  }
0xf1: {  	_ =	swait.ge [sflag:s31], $0x2000  }
0xf2: {  	[sflag:s31] =	ssyncset.done $0x0  }
0xf3: {  	[sflag:s31] =	ssyncadd.s32 $0xFFFFE000  }
0xf4: {  	_ =	swait.ge [sflag:s26], $0x2000  }
0xf5: {  	[sflag:s26] =	ssyncset.done $0x0  }
0xf6: {  	[sflag:s26] =	ssyncadd.s32 $0xFFFFE000  }
0xf7: {  	_ =	swait.ge [sflag:s29], $0x2000  }
0xf8: {  	[sflag:s29] =	ssyncset.done $0x0  }
0xf9: {  	s5 =	stileid.u32;
	[sflag:s29] =	ssyncadd.s32 $0xFFFFE000  }
0xfa: {  	s1 =	sshll.u32 s5, $0x6;
	[bflag:$0x0] =	sbarrier.arrive $0xFFFF  }
0xfb: {  	s1 =	sor.u32 $0x1C07, s1;
	s4 =	sshrl.u32 s8, $0x3;
	s6 =	rddreg [dreg:$0x16]  }
0xfc: {  	[hbm:s6], [sflag:s1] =	dma.local [spmem:s4], $0x1000  }
0xfd: {  	_ =	swait.ge [sflag:s19], $0x1000  }
0xfe: {  	s0 =	sadd.s32 $0x1, s0;
	s6 =	rddreg [dreg:$0x17]  }
0xff: {  	p0 =	sne.s32 s0, s6  }
.Ltmp1:
0x100: {  	_ = 	snop;
	(pc) =	sbr.rel @p0 .LBB2_1-.Ltmp1, $3  }
0x101: {  	_ =	sdelay $0x1  }
0x102: {  	[sflag:s19] =	ssyncset.done $0x0  }
0x103: {  	[sflag:s19] =	ssyncadd.s32 $0xFFFFF000  }
0x104: {  	_ =	sfence.sel $0x180000  }
0x105: {  	[bflag:$0x0] =	sbarrier.arrive $0xFFFF  }
0x106: {  	_ =	strace $0x9000004A  }
0x107: {  	s0 =	stileid.u32;
	[bflag:$0x2] =	sbarrier.arrive $0xFFFF  }
0x108: {  	p0 =	sne.s32 s0, $0x0;
	s0 =	rddreg [dreg:$0x2]  }
0x109: {  	s0 =	sadd.s32 @!p0 $0x100000, s0  }
0x10a: {  	[sflag:s0] =	ssyncadd.tile.s32 @!p0 $0x1;
	_ =	shalt  }
.Lfunc_end2:
_tile_overlayer_lowered:
.L_overlay_start_2:
0x10b: {  	(tag) =	ssettag $0x2  }
0x10c: {  	s0 =	rddreg [dreg:$0x0];
	s2 =	stileid.u32  }
0x10d: {  	s1 =	rddreg [dreg:$0x1];
	p0 =	sne.s32 s2, $0x0  }
0x10e: {  	s3 =	rddreg [dreg:$0x2];
	[bflag:$0x3] =	sbarrier.arrive $0xFFFF;
	s2 =	simm.s32 @!p0 $0x1C07  }
0x10f: {  	[timem:s3], [sflag:s2] =	dma.local @!p0 [hbm:s0], s1  }
0x110: {  	s0 =	simm.s32 @!p0 $0x7  }
0x111: {  	_ =	swait.ge @!p0 [sflag:s0], s1  }
0x112: {  	s1 =	ssub.s32 @!p0 $0x0, s1;
	[sflag:s0] =	ssyncset.done @!p0 $0x0  }
0x113: {  	[sflag:s0] =	ssyncadd.s32 @!p0 s1  }
0x114: {  	[bflag:$0x3] =	sbarrier.arrive $0xFFFF  }
0x115: {  	_ =	shalt  }

// kernel: kernel.17.cloned.1.call-start
scs
__scs_entry_jumppad:
0x0: {  	(pc) =	sbr.rel $0x88, $3  }
0x1: {  	(tag) =	ssettag $0x0;
	lr =	simm.s32 $0x1  }
0x2: {  	[smem:$0x3F8D] =	sst lr;
	_ =	strace $0xD0000000  }
0x3: {  	_ = 	snop  }
0x4: {  	_ = 	snop  }
0x5: {  	_ = 	snop  }
0x6: {  	_ = 	snop  }
0x7: {  	_ = 	snop  }
__scs_overlays_trampoline_lowered:
0x8: {  	[smem:$0x3F9C] =	sst s0  }
0x9: {  	[smem:$0x3F9D] =	sst s1  }
0xa: {  	[smem:$0x3F9E] =	sst s2  }
0xb: {  	[smem:$0x3F9F] =	sst s3  }
0xc: {  	[smem:$0x3FA0] =	sst s4  }
0xd: {  	[smem:$0x3FA1] =	sst s5  }
0xe: {  	[smem:$0x3FA2] =	sst s6  }
0xf: {  	[smem:$0x3FA3] =	sst s7  }
0x10: {  	[smem:$0x3FA4] =	sst s8  }
0x11: {  	[smem:$0x3FA5] =	sst s9;
	s0 =	simm.s32 @!p0 $0x0  }
0x12: {  	s1 =	sld [smem:$0x3F8B];
	s0 =	simm.s32 @p0 $0x1  }
0x13: {  	[smem:$0x3FA6] =	sst s0;
	s0 =	simm.s32 @!p1 $0x0  }
0x14: {  	s2 =	sld [smem:$0x3F8A];
	s0 =	simm.s32 @p1 $0x1  }
0x15: {  	[smem:$0x3FA7] =	sst s0;
	s0 =	simm.s32 @!p2 $0x0  }
0x16: {  	s3 =	sld [smem:$0x3FDB];
	s0 =	simm.s32 @p2 $0x1  }
0x17: {  	s4 =	simm.s32 $0x1BF5;
	[smem:$0x3FA9] =	sst s0  }
0x18: {  	s0 =	sld [smem:$0x3F8C];
	_ =	swait.ge [sflag:s4], $0x0  }
0x19: {  	s7 =	sld [smem:$0x3F8D]  }
0x1a: {  	s8 =	sadd.s32 $0xFFFFE003, lr  }
0x1b: {  	s9 =	sadd.s32 $0xFFFFFEF7, lr;
	s5 =	simm.s32 $0xFFFFFFFF;
	p2 =	slt.u32 s8, $0xFFFFF086  }
0x1c: {  	p1 =	slt.u32 s9, $0xF7A;
	s5 =	simm.s32 @!p2 $0x0  }
0x1d: {  	s5 =	simm.s32 @p1 $0x1;
	p0 =	seq.s32 s7, s2  }
0x1e: {  	s7 =	smul.u32 @!p0 $0xF7A, s2;
	p2 =	seq.s32 @!p0 s5, $0x0  }
0x1f: {  	s9 =	smul.u32 $0xF7A, s1;
	s8 =	simm.s32 @!p0 $0x1BF5;
	p2 =	por !p2, p0  }
0x20: {  	[sflag:s8] =	ssyncset.s32 @!p0 $0xFFFFF086;
	s6 =	sadd.s32 @!p0 s3, s7;
	s7 =	simm.s32 @!p0 $0x108  }
0x21: {  	s3 =	sadd.s32 s3, s9;
	s6 =	sadd.s32 @!p0 $0x88, s6;
	s7 =	simm.s32 @p2 $0x1082  }
0x22: {  	[simem:s7], [sflag:s8] =	dma.local @!p0 [hbm:s6], $0xF7A  }
0x23: {  	s9 =	sor.u32 $0xD0000000, s2;
	s6 =	simm.s32 $0x108;
	_ =	swait.ge @!p0 [sflag:s8], $0x0  }
0x24: {  	s3 =	sadd.s32 $0x88, s3;
	s6 =	simm.s32 @!p1 $0x1082;
	[sflag:s4] =	ssyncset.s32 $0xFFFFF086  }
0x25: {  	[simem:s6], [sflag:s4] =	dma.local [hbm:s3], $0xF7A  }
0x26: {  	[smem:$0x3F8D] =	sst s1;
	(tag) =	ssettag s2;
	_ =	strace s9  }
0x27: {  	s1 =	sld [smem:$0x3F9D]  }
0x28: {  	s2 =	sld [smem:$0x3F9E]  }
0x29: {  	s4 =	sld [smem:$0x3FA0]  }
0x2a: {  	p0 =	seq.s32 s5, $0x0;
	s5 =	sld [smem:$0x3FA1]  }
0x2b: {  	s6 =	sld [smem:$0x3FA2]  }
0x2c: {  	s7 =	sld [smem:$0x3FA3]  }
0x2d: {  	s3 =	simm.s32 $0x108;
	s8 =	sld [smem:$0x3FA4]  }
0x2e: {  	s3 =	simm.s32 @!p0 $0x1082;
	s9 =	sld [smem:$0x3FA5]  }
0x2f: {  	lr =	sadd.s32 s0, s3;
	s0 =	sld [smem:$0x3F9C]  }
0x30: {  	s3 =	sld [smem:$0x3F9F]  }
0x31: {  	[smem:$0x3FA8] =	sst s10  }
0x32: {  	s10 =	sld [smem:$0x3FA6];
	_ =	sdelay $0x3  }
0x33: {  	p0 =	seq.s32 s10, $0x1;
	s10 =	sld [smem:$0x3FA8];
	_ =	sdelay $0x3  }
0x34: {  	[smem:$0x3FA8] =	sst s10  }
0x35: {  	s10 =	sld [smem:$0x3FA7];
	_ =	sdelay $0x3  }
0x36: {  	p1 =	seq.s32 s10, $0x1;
	s10 =	sld [smem:$0x3FA8];
	_ =	sdelay $0x3  }
0x37: {  	[smem:$0x3FA8] =	sst s10  }
0x38: {  	s10 =	sld [smem:$0x3FA9]  }
0x39: {  	_ = 	snop;
	(pc) =	sbr.ind lr, $3  }
0x3a: {  	_ = 	snop  }
0x3b: {  	_ = 	snop  }
0x3c: {  	p2 =	seq.s32 s10, $0x1;
	s10 =	sld [smem:$0x3FA8]  }
0x3d: {  	_ =	shalt  }
0x3e: {  	_ =	shalt  }
0x3f: {  	_ =	shalt  }
0x40: {  	_ =	shalt  }
0x41: {  	_ =	shalt  }
0x42: {  	_ =	shalt  }
0x43: {  	_ =	shalt  }
0x44: {  	_ =	shalt  }
0x45: {  	_ =	shalt  }
0x46: {  	_ =	shalt  }
0x47: {  	_ =	shalt  }
0x48: {  	_ =	shalt  }
0x49: {  	_ =	shalt  }
0x4a: {  	_ =	shalt  }
0x4b: {  	_ =	shalt  }
0x4c: {  	_ =	shalt  }
0x4d: {  	_ =	shalt  }
0x4e: {  	_ =	shalt  }
0x4f: {  	_ =	shalt  }
0x50: {  	_ =	shalt  }
0x51: {  	_ =	shalt  }
0x52: {  	_ =	shalt  }
0x53: {  	_ =	shalt  }
0x54: {  	_ =	shalt  }
0x55: {  	_ =	shalt  }
0x56: {  	_ =	shalt  }
0x57: {  	_ =	shalt  }
0x58: {  	_ =	shalt  }
0x59: {  	_ =	shalt  }
0x5a: {  	_ =	shalt  }
0x5b: {  	_ =	shalt  }
0x5c: {  	_ =	shalt  }
0x5d: {  	_ =	shalt  }
0x5e: {  	_ =	shalt  }
0x5f: {  	_ =	shalt  }
0x60: {  	_ =	shalt  }
0x61: {  	_ =	shalt  }
0x62: {  	_ =	shalt  }
0x63: {  	_ =	shalt  }
0x64: {  	_ =	shalt  }
0x65: {  	_ =	shalt  }
0x66: {  	_ =	shalt  }
0x67: {  	_ =	shalt  }
0x68: {  	_ =	shalt  }
0x69: {  	_ =	shalt  }
0x6a: {  	_ =	shalt  }
0x6b: {  	_ =	shalt  }
0x6c: {  	_ =	shalt  }
0x6d: {  	_ =	shalt  }
0x6e: {  	_ =	shalt  }
0x6f: {  	_ =	shalt  }
0x70: {  	_ =	shalt  }
0x71: {  	_ =	shalt  }
0x72: {  	_ =	shalt  }
0x73: {  	_ =	shalt  }
0x74: {  	_ =	shalt  }
0x75: {  	_ =	shalt  }
0x76: {  	_ =	shalt  }
0x77: {  	_ =	shalt  }
0x78: {  	_ =	shalt  }
0x79: {  	_ =	shalt  }
0x7a: {  	_ =	shalt  }
0x7b: {  	_ =	shalt  }
0x7c: {  	_ =	shalt  }
0x7d: {  	_ =	shalt  }
0x7e: {  	_ =	shalt  }
0x7f: {  	_ =	shalt  }
0x80: {  	_ =	shalt  }
0x81: {  	_ =	shalt  }
0x82: {  	_ =	shalt  }
0x83: {  	_ =	shalt  }
0x84: {  	_ =	shalt  }
0x85: {  	_ =	shalt  }
0x86: {  	_ =	shalt  }
0x87: {  	_ =	shalt  }
.Lfunc_end0:
.L_simem_size_0:
called_computation.2_lowered:
.L_overlay_start_0:
0x88: {  	s2 =	sld [smem:$0x3FD9]  }
0x89: {  	s3 =	sld [smem:$0x3FFE];
	_ =	sdelay $0x1  }
0x8a: {  	s1 =	srdreg.scid  }
0x8b: {  	s0 =	sand.u32 $0x1, s1  }
0x8c: {  	s16 =	sshll.u32 s0, $0xA;
	s2 =	sadd.s32 s3, s2  }
0x8d: {  	s2 =	sadd.s32 s2, s16  }
0x8e: {  	[smem:$0x3FB4] =	sst s2  }
0x8f: {  	_ = 	snop  }
0x90: {  	(tm) =	ssettm $0x1  }
0x91: {  	s17 =	sld [smem:$0x3FFB];
	_ =	sdelay $0x3  }
0x92: {  	_ =	strace s17  }
0x93: {  	s2 =	sld [smem:$0x3FFC];
	_ =	sdelay $0x3  }
0x94: {  	_ =	strace s2  }
0x95: {  	s2 =	sld [smem:$0x3FFD];
	_ =	sdelay $0x3  }
0x96: {  	_ =	strace s2  }
0x97: {  	_ =	strace $0x8FFFFFFF  }
0x98: {  	s18 =	sld [smem:$0x3FDB];
	_ =	sdelay $0x1  }
0x99: {  	s19 =	simm.s32 $_scs_section_size  }
0x9a: {  	s4 =	simm.s32 $_size__tile_overlayer_lowered;
	s5 =	simm.s32 $_tile_overlayer_lowered  }
0x9b: {  	s22 =	simm.s32 $0x1BFF;
	s21 =	sshll.u32 s5, $0x1;
	s2 =	sadd.s32 s19, s18  }
0x9c: {  	s6 =	simm.s32 $0x0;
	s20 =	sshll.u32 s4, $0x1;
	s4 =	sadd.s32 s21, s2  }
0x9d: {  	[timem:s6], [sflag:s22] =	dma.local [hbm:s4], s20  }
0x9e: {  	_ =	swait.ge [sflag:s22], s20  }
0x9f: {  	s3 =	ssub.s32 $0x0, s20;
	[sflag:s22] =	ssyncset.done $0x0  }
0xa0: {  	[sflag:s22] =	ssyncadd.s32 s3;
	_ =	sdelay $0x1  }
0xa1: {  	s23 =	simm.s32 $0x1B8B  }
0xa2: {  	_ =	swait.ge [sflag:s23], $0x1  }
0xa3: {  	[sflag:s23] =	ssyncset.done $0x0  }
0xa4: {  	s25 =	simm.s32 $0x1B8E;
	s24 =	sld [smem:$0x3FFE];
	[sflag:s23] =	ssyncadd.s32 $0xFFFFFFFF  }
0xa5: {  	s26 =	simm.s32 $execute0_lowered;
	[smem:$0x3FD2] =	sst s25  }
0xa6: {  	s4 =	sshll.u32 s26, $0x1;
	_ =	strace $0x8000004C;
	[dreg:$0x1] =	wrdreg $0xFFFFFFFF  }
0xa7: {  	s28 =	simm.s32 $_size_execute0_lowered;
	s2 =	sadd.s32 s2, s4;
	[dreg:$0x0] =	wrdreg $0x0  }
0xa8: {  	s4 =	sshll.u32 s28, $0x1;
	[dreg:$0x2] =	wrdreg s2  }
0xa9: {  	[dreg:$0x3] =	wrdreg s4  }
0xaa: {  	[dreg:$0x4] =	wrdreg $0xC0  }
0xab: {  	_ =	task [dreg:s6], $0x5FFFF  }
0xac: {  	[dreg:$0x1] =	wrdreg $0xFFFFFFFF  }
0xad: {  	[dreg:$0x0] =	wrdreg $0x60  }
0xae: {  	[dreg:$0x2] =	wrdreg s24  }
0xaf: {  	[dreg:$0x3] =	wrdreg $0x9  }
0xb0: {  	_ =	task.clear_ibuf [dreg:s6], $0x4FFFF;
	_ =	strace $0x9000004C  }
0xb1: {  	s29 =	simm.s32 $0x9;
	_ =	strace $0x8000004E  }
0xb2: {  	_ =	swait.ge [sflag:s29], $0x1  }
0xb3: {  	[sflag:s29] =	ssyncadd.s32 $0xFFFFFFFF  }
0xb4: {  	_ =	strace $0x9000004E  }
0xb5: {  	_ =	sfence  }
0xb6: {  	s30 =	sld [smem:$0x0];
	_ =	sdelay $0x2  }
0xb7: {  	s31 =	sshll.u32 s1, $0xD;
	s1 =	sshrl.u32 s1, $0x2  }
0xb8: {  	s3 =	sand.u32 $0x4000, s31;
	s1 =	sadd.s32 s1, s30  }
0xb9: {  	s0 =	sor.u32 s3, s0;
	s1 =	sshll.u32 s1, $0x11  }
0xba: {  	s0 =	sor.u32 s1, s0  }
0xbb: {  	s0 =	sadd.s32 $0x8F2B, s0  }
0xbc: {  	[sflag:s0] =	ssyncadd.remote.s32 $0x1  }
0xbd: {  	_ =	sfence.sel $0xFFFF  }
0xbe: {  	[dreg:$0x0] =	wrdreg $0xFFFFFFFF;
	(pc) =	sbr.abs _section_cstart, $3  }
0xbf: {  	[dreg:$0x1] =	wrdreg $0xFFFFFFFF  }
0xc0: {  	_ =	task.clear_ibuf [dreg:s6], $0x2FFFF;
	_ =	strace $0x9FFFFFFF  }
0xc1: {  	(tm) =	ssettm $0x7FFFFFFF  }
tec
execute0_lowered:
.L_overlay_start_1:
0x0: {  	(tag) =	ssettag $0x1  }
0x1: {  	s1 =	srdreg.scid;
	s0 =	stileid.u32  }
0x2: {  	s24 =	sand.u32 $0x1, s1;
	s30 =	sshll.u32 s0, $0x1  }
0x3: {  	s11 =	sor.u32 s24, s30  }
0x4: {  	s10 =	rddreg [dreg:$0x0];
	s2 =	simm.s32 $0x0;
	s3 =	sshll.u32 s11, $0x7  }
0x5: {  	s4 =	simm.s32 $0x5;
	[smem:$0x7FF] =	sst s2;
	s3 =	sadd.s32 s3, s10  }
0x6: {  	s1 =	rddreg [dreg:$0x1];
	_ =	strace $0x8000004D;
	s3 =	sadd.s32 $0x4800, s3  }
0x7: {  	[tilespmem:s2], [sflag:$0x5] =	stream.linear.gather [hbm4b:s3+s2], $0x400, $0x38;
	[tilespmem:$0x8400] =	vst v63  }
0x8: {  	_ =	swait.ge [sflag:s4], $0x400  }
0x9: {  	s6 =	simm.s32 $0x80;
	[sflag:s4] =	ssyncset.done $0x0  }
0xa: {  	s7 =	simm.s32 $0x400;
	s5 =	sadd.s32 $0x6800, s10;
	[sflag:s4] =	ssyncadd.s32 $0xFFFFFC00  }
0xb: {  	[tilespmem:s7], [sflag:$0x1] =	stream.indirect.gather [hbm4b:s5+s6], $0x40, s2, s6, $0xb8;
	[tilespmem:$0x8400] =	vst v63  }
0xc: {  	s8 =	simm.s32 $0x2400;
	s9 =	simm.s32 $0x1  }
0xd: {  	[tilespmem:s8], [sflag:$0x1] =	stream.indirect.gather [hbm4b:s5+s6], $0x40, s6, s6, $0xb8;
	[tilespmem:$0x8400] =	vst v63  }
0xe: {  	_ =	swait.ge [sflag:s9], $0x2000  }
0xf: {  	[sflag:s9] =	ssyncset.done $0x0  }
0x10: {  	[sflag:s9] =	ssyncadd.s32 $0xFFFFE000  }
0x11: {  	s11 =	sshll.u32 s11, $0xD;
	_ =	swait.ge [sflag:s9], $0x2000  }
0x12: {  	s25 =	sadd.s32 s11, s10;
	[sflag:s9] =	ssyncset.done $0x0  }
0x13: {  	s10 =	sadd.s32 $0x16800, s25;
	[sflag:s9] =	ssyncadd.s32 $0xFFFFE000  }
0x14: {  	[hbm4b:s10+s2] =	stream.linear.scatter [tilespmem:s7], [sflag:$0x3], $0x4000, $0x38;
	[tilespmem:$0x8400] =	vst v63  }
0x15: {  	s12 =	simm.s32 $0x4400;
	s11 =	simm.s32 $0x100  }
0x16: {  	[tilespmem:s12], [sflag:$0x2] =	stream.indirect.gather [hbm4b:s5+s6], $0x40, s11, s6, $0xb8;
	[tilespmem:$0x8400] =	vst v63  }
0x17: {  	s13 =	simm.s32 $0x180;
	s14 =	simm.s32 $0x6400;
	s15 =	simm.s32 $0x2  }
0x18: {  	[tilespmem:s14], [sflag:$0x2] =	stream.indirect.gather [hbm4b:s5+s6], $0x40, s13, s6, $0xb8;
	[tilespmem:$0x8400] =	vst v63  }
0x19: {  	_ =	swait.ge [sflag:s15], $0x2000  }
0x1a: {  	[sflag:s15] =	ssyncset.done $0x0  }
0x1b: {  	[sflag:s15] =	ssyncadd.s32 $0xFFFFE000  }
0x1c: {  	_ =	swait.ge [sflag:s15], $0x2000  }
0x1d: {  	[sflag:s15] =	ssyncset.done $0x0  }
0x1e: {  	s17 =	simm.s32 $0x3;
	s16 =	sadd.s32 $0x17000, s25;
	[sflag:s15] =	ssyncadd.s32 $0xFFFFE000  }
0x1f: {  	[hbm4b:s16+s2] =	stream.linear.scatter [tilespmem:s12], [sflag:$0x4], $0x4000, $0x38;
	[tilespmem:$0x8400] =	vst v63  }
0x20: {  	_ =	swait.ge [sflag:s17], $0x4000  }
0x21: {  	[sflag:s17] =	ssyncset.done $0x0  }
0x22: {  	s18 =	simm.s32 $0x200;
	[sflag:s17] =	ssyncadd.s32 $0xFFFFC000  }
0x23: {  	[tilespmem:s7], [sflag:$0x1] =	stream.indirect.gather [hbm4b:s5+s6], $0x40, s18, s6, $0xb8;
	[tilespmem:$0x8400] =	vst v63  }
0x24: {  	s19 =	simm.s32 $0x280  }
0x25: {  	[tilespmem:s8], [sflag:$0x1] =	stream.indirect.gather [hbm4b:s5+s6], $0x40, s19, s6, $0xb8;
	[tilespmem:$0x8400] =	vst v63  }
0x26: {  	_ =	swait.ge [sflag:s9], $0x2000  }
0x27: {  	[sflag:s9] =	ssyncset.done $0x0  }
0x28: {  	[sflag:s9] =	ssyncadd.s32 $0xFFFFE000  }
0x29: {  	_ =	swait.ge [sflag:s9], $0x2000  }
0x2a: {  	[sflag:s9] =	ssyncset.done $0x0  }
0x2b: {  	s20 =	simm.s32 $0x4;
	s21 =	sadd.s32 $0x17800, s25;
	[sflag:s9] =	ssyncadd.s32 $0xFFFFE000  }
0x2c: {  	[hbm4b:s21+s2] =	stream.linear.scatter [tilespmem:s7], [sflag:$0x3], $0x4000, $0x38;
	[tilespmem:$0x8400] =	vst v63  }
0x2d: {  	_ =	swait.ge [sflag:s20], $0x4000  }
0x2e: {  	[sflag:s20] =	ssyncset.done $0x0  }
0x2f: {  	s22 =	simm.s32 $0x300;
	[sflag:s20] =	ssyncadd.s32 $0xFFFFC000  }
0x30: {  	[tilespmem:s12], [sflag:$0x2] =	stream.indirect.gather [hbm4b:s5+s6], $0x40, s22, s6, $0xb8;
	[tilespmem:$0x8400] =	vst v63  }
0x31: {  	s23 =	simm.s32 $0x380  }
0x32: {  	[tilespmem:s14], [sflag:$0x2] =	stream.indirect.gather [hbm4b:s5+s6], $0x40, s23, s6, $0xb8;
	[tilespmem:$0x8400] =	vst v63  }
0x33: {  	_ =	swait.ge [sflag:s15], $0x2000  }
0x34: {  	s26 =	ssub.s32 $0x2, s24;
	[sflag:s15] =	ssyncset.done $0x0  }
0x35: {  	s31 =	sshrl.u32 s26, $0x1;
	[sflag:s15] =	ssyncadd.s32 $0xFFFFE000  }
0x36: {  	s24 =	sadd.s32 $0x18000, s25;
	s25 =	ssub.s32 s26, s31;
	_ =	swait.ge [sflag:s15], $0x2000  }
0x37: {  	s25 =	smax.u32 s25, $0x1;
	[sflag:s15] =	ssyncset.done $0x0  }
0x38: {  	p0 =	sne.s32 s25, $0x1;
	[sflag:s15] =	ssyncadd.s32 $0xFFFFE000  }
0x39: {  	[hbm4b:s24+s2] =	stream.linear.scatter [tilespmem:s12], [sflag:$0x4], $0x4000, $0x38;
	[tilespmem:$0x8400] =	vst v63  }
.Ltmp0:
0x3a: {  	_ =	swait.ge [sflag:s17], $0x4000;
	(pc) =	sbr.rel @!p0 .LBB2_2-.Ltmp0, $4  }
0x3b: {  	[sflag:s17] =	ssyncset.done $0x0  }
0x3c: {  	[sflag:s17] =	ssyncadd.s32 $0xFFFFC000  }
0x3d: {  	_ =	swait.ge [sflag:s20], $0x4000  }
0x3e: {  	s25 =	sadd.s32 $0xFFFFFFFF, s25;
	[sflag:s20] =	ssyncset.done $0x0  }
.LBB2_1:
0x3f: {  	p0 =	sne.s32 s25, $0x1;
	s25 =	sadd.s32 $0xFFFFFFFF, s25;
	[sflag:s20] =	ssyncadd.s32 $0xFFFFC000  }
0x40: {  	[tilespmem:s2], [sflag:$0x5] =	stream.linear.gather [hbm4b:s3+s2], $0x400, $0x38;
	[tilespmem:$0x8400] =	vst v63  }
0x41: {  	_ =	swait.ge [sflag:s4], $0x400  }
0x42: {  	[sflag:s4] =	ssyncset.done $0x0  }
0x43: {  	[sflag:s4] =	ssyncadd.s32 $0xFFFFFC00  }
0x44: {  	[tilespmem:s7], [sflag:$0x1] =	stream.indirect.gather [hbm4b:s5+s6], $0x40, s2, s6, $0xb8;
	[tilespmem:$0x8400] =	vst v63  }
0x45: {  	_ = 	snop  }
0x46: {  	[tilespmem:s8], [sflag:$0x1] =	stream.indirect.gather [hbm4b:s5+s6], $0x40, s6, s6, $0xb8;
	[tilespmem:$0x8400] =	vst v63  }
0x47: {  	_ =	swait.ge [sflag:s9], $0x2000  }
0x48: {  	[sflag:s9] =	ssyncset.done $0x0  }
0x49: {  	[sflag:s9] =	ssyncadd.s32 $0xFFFFE000  }
0x4a: {  	_ =	swait.ge [sflag:s9], $0x2000  }
0x4b: {  	[sflag:s9] =	ssyncset.done $0x0  }
0x4c: {  	[sflag:s9] =	ssyncadd.s32 $0xFFFFE000  }
0x4d: {  	[hbm4b:s10+s2] =	stream.linear.scatter [tilespmem:s7], [sflag:$0x3], $0x4000, $0x38;
	[tilespmem:$0x8400] =	vst v63  }
0x4e: {  	_ = 	snop  }
0x4f: {  	[tilespmem:s12], [sflag:$0x2] =	stream.indirect.gather [hbm4b:s5+s6], $0x40, s11, s6, $0xb8;
	[tilespmem:$0x8400] =	vst v63  }
0x50: {  	_ = 	snop  }
0x51: {  	[tilespmem:s14], [sflag:$0x2] =	stream.indirect.gather [hbm4b:s5+s6], $0x40, s13, s6, $0xb8;
	[tilespmem:$0x8400] =	vst v63  }
0x52: {  	_ =	swait.ge [sflag:s15], $0x2000  }
0x53: {  	[sflag:s15] =	ssyncset.done $0x0  }
0x54: {  	[sflag:s15] =	ssyncadd.s32 $0xFFFFE000  }
0x55: {  	_ =	swait.ge [sflag:s15], $0x2000  }
0x56: {  	[sflag:s15] =	ssyncset.done $0x0  }
0x57: {  	[sflag:s15] =	ssyncadd.s32 $0xFFFFE000  }
0x58: {  	[hbm4b:s16+s2] =	stream.linear.scatter [tilespmem:s12], [sflag:$0x4], $0x4000, $0x38;
	[tilespmem:$0x8400] =	vst v63  }
0x59: {  	_ =	swait.ge [sflag:s17], $0x4000  }
0x5a: {  	[sflag:s17] =	ssyncset.done $0x0  }
0x5b: {  	[sflag:s17] =	ssyncadd.s32 $0xFFFFC000  }
0x5c: {  	[tilespmem:s7], [sflag:$0x1] =	stream.indirect.gather [hbm4b:s5+s6], $0x40, s18, s6, $0xb8;
	[tilespmem:$0x8400] =	vst v63  }
0x5d: {  	_ = 	snop  }
0x5e: {  	[tilespmem:s8], [sflag:$0x1] =	stream.indirect.gather [hbm4b:s5+s6], $0x40, s19, s6, $0xb8;
	[tilespmem:$0x8400] =	vst v63  }
0x5f: {  	_ =	swait.ge [sflag:s9], $0x2000  }
0x60: {  	[sflag:s9] =	ssyncset.done $0x0  }
0x61: {  	[sflag:s9] =	ssyncadd.s32 $0xFFFFE000  }
0x62: {  	_ =	swait.ge [sflag:s9], $0x2000  }
0x63: {  	[sflag:s9] =	ssyncset.done $0x0  }
0x64: {  	[sflag:s9] =	ssyncadd.s32 $0xFFFFE000  }
0x65: {  	[hbm4b:s21+s2] =	stream.linear.scatter [tilespmem:s7], [sflag:$0x3], $0x4000, $0x38;
	[tilespmem:$0x8400] =	vst v63  }
0x66: {  	_ =	swait.ge [sflag:s20], $0x4000  }
0x67: {  	[sflag:s20] =	ssyncset.done $0x0  }
0x68: {  	[sflag:s20] =	ssyncadd.s32 $0xFFFFC000  }
0x69: {  	[tilespmem:s12], [sflag:$0x2] =	stream.indirect.gather [hbm4b:s5+s6], $0x40, s22, s6, $0xb8;
	[tilespmem:$0x8400] =	vst v63  }
0x6a: {  	_ = 	snop  }
0x6b: {  	[tilespmem:s14], [sflag:$0x2] =	stream.indirect.gather [hbm4b:s5+s6], $0x40, s23, s6, $0xb8;
	[tilespmem:$0x8400] =	vst v63  }
0x6c: {  	_ =	swait.ge [sflag:s15], $0x2000  }
0x6d: {  	[sflag:s15] =	ssyncset.done $0x0  }
0x6e: {  	[sflag:s15] =	ssyncadd.s32 $0xFFFFE000  }
0x6f: {  	_ =	swait.ge [sflag:s15], $0x2000  }
0x70: {  	[sflag:s15] =	ssyncset.done $0x0  }
0x71: {  	[sflag:s15] =	ssyncadd.s32 $0xFFFFE000  }
0x72: {  	[hbm4b:s24+s2] =	stream.linear.scatter [tilespmem:s12], [sflag:$0x4], $0x4000, $0x38;
	[tilespmem:$0x8400] =	vst v63  }
.Ltmp1:
0x73: {  	_ =	swait.ge [sflag:s17], $0x4000;
	(pc) =	sbr.rel @p0 .LBB2_1-.Ltmp1, $4  }
0x74: {  	[sflag:s17] =	ssyncset.done $0x0  }
0x75: {  	[sflag:s17] =	ssyncadd.s32 $0xFFFFC000  }
0x76: {  	_ =	swait.ge [sflag:s20], $0x4000  }
0x77: {  	[sflag:s20] =	ssyncset.done $0x0  }
.LBB2_2:
0x78: {  	[sflag:s20] =	ssyncadd.s32 $0xFFFFC000  }
0x79: {  	_ =	sfence.sel $0x180000  }
0x7a: {  	[bflag:$0x0] =	sbarrier.arrive $0xFFFF  }
0x7b: {  	p0 =	sne.s32 s0, $0x0;
	_ =	strace $0x9000004D  }
0x7c: {  	s0 =	sadd.s32 @!p0 $0x100000, s1;
	[bflag:$0x2] =	sbarrier.arrive $0xFFFF  }
0x7d: {  	[sflag:s0] =	ssyncadd.tile.s32 @!p0 $0x1;
	_ =	shalt  }
.Lfunc_end2:
_tile_overlayer_lowered:
.L_overlay_start_2:
0x7e: {  	(tag) =	ssettag $0x2  }
0x7f: {  	s0 =	rddreg [dreg:$0x0];
	s2 =	stileid.u32  }
0x80: {  	s1 =	rddreg [dreg:$0x1];
	p0 =	sne.s32 s2, $0x0  }
0x81: {  	s3 =	rddreg [dreg:$0x2];
	[bflag:$0x3] =	sbarrier.arrive $0xFFFF;
	s2 =	simm.s32 @!p0 $0x1C05  }
0x82: {  	[timem:s3], [sflag:s2] =	dma.local @!p0 [hbm:s0], s1  }
0x83: {  	s0 =	simm.s32 @!p0 $0x5  }
0x84: {  	_ =	swait.ge @!p0 [sflag:s0], s1  }
0x85: {  	s1 =	ssub.s32 @!p0 $0x0, s1;
	[sflag:s0] =	ssyncset.done @!p0 $0x0  }
0x86: {  	[sflag:s0] =	ssyncadd.s32 @!p0 s1  }
0x87: {  	[bflag:$0x3] =	sbarrier.arrive $0xFFFF  }
0x88: {  	_ =	shalt  }

// kernel: kernel.20.cloned.1.call-start
scs
__scs_entry_jumppad:
0x0: {  	(pc) =	sbr.rel $0x88, $3  }
0x1: {  	(tag) =	ssettag $0x0;
	lr =	simm.s32 $0x1  }
0x2: {  	[smem:$0x3F8D] =	sst lr;
	_ =	strace $0xD0000000  }
0x3: {  	_ = 	snop  }
0x4: {  	_ = 	snop  }
0x5: {  	_ = 	snop  }
0x6: {  	_ = 	snop  }
0x7: {  	_ = 	snop  }
__scs_overlays_trampoline_lowered:
0x8: {  	[smem:$0x3F9C] =	sst s0  }
0x9: {  	[smem:$0x3F9D] =	sst s1  }
0xa: {  	[smem:$0x3F9E] =	sst s2  }
0xb: {  	[smem:$0x3F9F] =	sst s3  }
0xc: {  	[smem:$0x3FA0] =	sst s4  }
0xd: {  	[smem:$0x3FA1] =	sst s5  }
0xe: {  	[smem:$0x3FA2] =	sst s6  }
0xf: {  	[smem:$0x3FA3] =	sst s7  }
0x10: {  	[smem:$0x3FA4] =	sst s8  }
0x11: {  	[smem:$0x3FA5] =	sst s9;
	s0 =	simm.s32 @!p0 $0x0  }
0x12: {  	s1 =	sld [smem:$0x3F8B];
	s0 =	simm.s32 @p0 $0x1  }
0x13: {  	[smem:$0x3FA6] =	sst s0;
	s0 =	simm.s32 @!p1 $0x0  }
0x14: {  	s2 =	sld [smem:$0x3F8A];
	s0 =	simm.s32 @p1 $0x1  }
0x15: {  	[smem:$0x3FA7] =	sst s0;
	s0 =	simm.s32 @!p2 $0x0  }
0x16: {  	s3 =	sld [smem:$0x3FDB];
	s0 =	simm.s32 @p2 $0x1  }
0x17: {  	s4 =	simm.s32 $0x1BF5;
	[smem:$0x3FA9] =	sst s0  }
0x18: {  	s0 =	sld [smem:$0x3F8C];
	_ =	swait.ge [sflag:s4], $0x0  }
0x19: {  	s7 =	sld [smem:$0x3F8D]  }
0x1a: {  	s8 =	sadd.s32 $0xFFFFE003, lr  }
0x1b: {  	s9 =	sadd.s32 $0xFFFFFEF7, lr;
	s5 =	simm.s32 $0xFFFFFFFF;
	p2 =	slt.u32 s8, $0xFFFFF086  }
0x1c: {  	p1 =	slt.u32 s9, $0xF7A;
	s5 =	simm.s32 @!p2 $0x0  }
0x1d: {  	s5 =	simm.s32 @p1 $0x1;
	p0 =	seq.s32 s7, s2  }
0x1e: {  	s7 =	smul.u32 @!p0 $0xF7A, s2;
	p2 =	seq.s32 @!p0 s5, $0x0  }
0x1f: {  	s9 =	smul.u32 $0xF7A, s1;
	s8 =	simm.s32 @!p0 $0x1BF5;
	p2 =	por !p2, p0  }
0x20: {  	[sflag:s8] =	ssyncset.s32 @!p0 $0xFFFFF086;
	s6 =	sadd.s32 @!p0 s3, s7;
	s7 =	simm.s32 @!p0 $0x108  }
0x21: {  	s3 =	sadd.s32 s3, s9;
	s6 =	sadd.s32 @!p0 $0x88, s6;
	s7 =	simm.s32 @p2 $0x1082  }
0x22: {  	[simem:s7], [sflag:s8] =	dma.local @!p0 [hbm:s6], $0xF7A  }
0x23: {  	s9 =	sor.u32 $0xD0000000, s2;
	s6 =	simm.s32 $0x108;
	_ =	swait.ge @!p0 [sflag:s8], $0x0  }
0x24: {  	s3 =	sadd.s32 $0x88, s3;
	s6 =	simm.s32 @!p1 $0x1082;
	[sflag:s4] =	ssyncset.s32 $0xFFFFF086  }
0x25: {  	[simem:s6], [sflag:s4] =	dma.local [hbm:s3], $0xF7A  }
0x26: {  	[smem:$0x3F8D] =	sst s1;
	(tag) =	ssettag s2;
	_ =	strace s9  }
0x27: {  	s1 =	sld [smem:$0x3F9D]  }
0x28: {  	s2 =	sld [smem:$0x3F9E]  }
0x29: {  	s4 =	sld [smem:$0x3FA0]  }
0x2a: {  	p0 =	seq.s32 s5, $0x0;
	s5 =	sld [smem:$0x3FA1]  }
0x2b: {  	s6 =	sld [smem:$0x3FA2]  }
0x2c: {  	s7 =	sld [smem:$0x3FA3]  }
0x2d: {  	s3 =	simm.s32 $0x108;
	s8 =	sld [smem:$0x3FA4]  }
0x2e: {  	s3 =	simm.s32 @!p0 $0x1082;
	s9 =	sld [smem:$0x3FA5]  }
0x2f: {  	lr =	sadd.s32 s0, s3;
	s0 =	sld [smem:$0x3F9C]  }
0x30: {  	s3 =	sld [smem:$0x3F9F]  }
0x31: {  	[smem:$0x3FA8] =	sst s10  }
0x32: {  	s10 =	sld [smem:$0x3FA6];
	_ =	sdelay $0x3  }
0x33: {  	p0 =	seq.s32 s10, $0x1;
	s10 =	sld [smem:$0x3FA8];
	_ =	sdelay $0x3  }
0x34: {  	[smem:$0x3FA8] =	sst s10  }
0x35: {  	s10 =	sld [smem:$0x3FA7];
	_ =	sdelay $0x3  }
0x36: {  	p1 =	seq.s32 s10, $0x1;
	s10 =	sld [smem:$0x3FA8];
	_ =	sdelay $0x3  }
0x37: {  	[smem:$0x3FA8] =	sst s10  }
0x38: {  	s10 =	sld [smem:$0x3FA9]  }
0x39: {  	_ = 	snop;
	(pc) =	sbr.ind lr, $3  }
0x3a: {  	_ = 	snop  }
0x3b: {  	_ = 	snop  }
0x3c: {  	p2 =	seq.s32 s10, $0x1;
	s10 =	sld [smem:$0x3FA8]  }
0x3d: {  	_ =	shalt  }
0x3e: {  	_ =	shalt  }
0x3f: {  	_ =	shalt  }
0x40: {  	_ =	shalt  }
0x41: {  	_ =	shalt  }
0x42: {  	_ =	shalt  }
0x43: {  	_ =	shalt  }
0x44: {  	_ =	shalt  }
0x45: {  	_ =	shalt  }
0x46: {  	_ =	shalt  }
0x47: {  	_ =	shalt  }
0x48: {  	_ =	shalt  }
0x49: {  	_ =	shalt  }
0x4a: {  	_ =	shalt  }
0x4b: {  	_ =	shalt  }
0x4c: {  	_ =	shalt  }
0x4d: {  	_ =	shalt  }
0x4e: {  	_ =	shalt  }
0x4f: {  	_ =	shalt  }
0x50: {  	_ =	shalt  }
0x51: {  	_ =	shalt  }
0x52: {  	_ =	shalt  }
0x53: {  	_ =	shalt  }
0x54: {  	_ =	shalt  }
0x55: {  	_ =	shalt  }
0x56: {  	_ =	shalt  }
0x57: {  	_ =	shalt  }
0x58: {  	_ =	shalt  }
0x59: {  	_ =	shalt  }
0x5a: {  	_ =	shalt  }
0x5b: {  	_ =	shalt  }
0x5c: {  	_ =	shalt  }
0x5d: {  	_ =	shalt  }
0x5e: {  	_ =	shalt  }
0x5f: {  	_ =	shalt  }
0x60: {  	_ =	shalt  }
0x61: {  	_ =	shalt  }
0x62: {  	_ =	shalt  }
0x63: {  	_ =	shalt  }
0x64: {  	_ =	shalt  }
0x65: {  	_ =	shalt  }
0x66: {  	_ =	shalt  }
0x67: {  	_ =	shalt  }
0x68: {  	_ =	shalt  }
0x69: {  	_ =	shalt  }
0x6a: {  	_ =	shalt  }
0x6b: {  	_ =	shalt  }
0x6c: {  	_ =	shalt  }
0x6d: {  	_ =	shalt  }
0x6e: {  	_ =	shalt  }
0x6f: {  	_ =	shalt  }
0x70: {  	_ =	shalt  }
0x71: {  	_ =	shalt  }
0x72: {  	_ =	shalt  }
0x73: {  	_ =	shalt  }
0x74: {  	_ =	shalt  }
0x75: {  	_ =	shalt  }
0x76: {  	_ =	shalt  }
0x77: {  	_ =	shalt  }
0x78: {  	_ =	shalt  }
0x79: {  	_ =	shalt  }
0x7a: {  	_ =	shalt  }
0x7b: {  	_ =	shalt  }
0x7c: {  	_ =	shalt  }
0x7d: {  	_ =	shalt  }
0x7e: {  	_ =	shalt  }
0x7f: {  	_ =	shalt  }
0x80: {  	_ =	shalt  }
0x81: {  	_ =	shalt  }
0x82: {  	_ =	shalt  }
0x83: {  	_ =	shalt  }
0x84: {  	_ =	shalt  }
0x85: {  	_ =	shalt  }
0x86: {  	_ =	shalt  }
0x87: {  	_ =	shalt  }
.Lfunc_end0:
.L_simem_size_0:
called_computation.3_lowered:
.L_overlay_start_0:
0x88: {  	s2 =	sld [smem:$0x3FD9]  }
0x89: {  	s3 =	sld [smem:$0x3FFE];
	_ =	sdelay $0x1  }
0x8a: {  	s1 =	srdreg.scid  }
0x8b: {  	s0 =	sand.u32 $0x1, s1  }
0x8c: {  	s16 =	sshll.u32 s0, $0xA;
	s2 =	sadd.s32 s3, s2  }
0x8d: {  	s2 =	sadd.s32 s2, s16  }
0x8e: {  	[smem:$0x3FB4] =	sst s2  }
0x8f: {  	_ = 	snop  }
0x90: {  	(tm) =	ssettm $0x1  }
0x91: {  	s17 =	sld [smem:$0x3FFB];
	_ =	sdelay $0x3  }
0x92: {  	_ =	strace s17  }
0x93: {  	s2 =	sld [smem:$0x3FFC];
	_ =	sdelay $0x3  }
0x94: {  	_ =	strace s2  }
0x95: {  	s2 =	sld [smem:$0x3FFD];
	_ =	sdelay $0x3  }
0x96: {  	_ =	strace s2  }
0x97: {  	_ =	strace $0x8FFFFFFF  }
0x98: {  	s18 =	sld [smem:$0x3FDB];
	_ =	sdelay $0x1  }
0x99: {  	s19 =	simm.s32 $_scs_section_size  }
0x9a: {  	s4 =	simm.s32 $_size__tile_overlayer_lowered;
	s5 =	simm.s32 $_tile_overlayer_lowered  }
0x9b: {  	s22 =	simm.s32 $0x1BFF;
	s21 =	sshll.u32 s5, $0x1;
	s2 =	sadd.s32 s19, s18  }
0x9c: {  	s6 =	simm.s32 $0x0;
	s20 =	sshll.u32 s4, $0x1;
	s4 =	sadd.s32 s21, s2  }
0x9d: {  	[timem:s6], [sflag:s22] =	dma.local [hbm:s4], s20  }
0x9e: {  	_ =	swait.ge [sflag:s22], s20  }
0x9f: {  	s3 =	ssub.s32 $0x0, s20;
	[sflag:s22] =	ssyncset.done $0x0  }
0xa0: {  	[sflag:s22] =	ssyncadd.s32 s3;
	_ =	sdelay $0x1  }
0xa1: {  	s23 =	simm.s32 $0x1B8B  }
0xa2: {  	_ =	swait.ge [sflag:s23], $0x1  }
0xa3: {  	[sflag:s23] =	ssyncset.done $0x0  }
0xa4: {  	s25 =	simm.s32 $0x1B8E;
	s24 =	sld [smem:$0x3FFE];
	[sflag:s23] =	ssyncadd.s32 $0xFFFFFFFF  }
0xa5: {  	s26 =	simm.s32 $execute0_lowered;
	[smem:$0x3FD2] =	sst s25  }
0xa6: {  	s4 =	sshll.u32 s26, $0x1;
	_ =	strace $0x8000004F;
	[dreg:$0x1] =	wrdreg $0xFFFFFFFF  }
0xa7: {  	s28 =	simm.s32 $_size_execute0_lowered;
	s2 =	sadd.s32 s2, s4;
	[dreg:$0x0] =	wrdreg $0x0  }
0xa8: {  	s4 =	sshll.u32 s28, $0x1;
	[dreg:$0x2] =	wrdreg s2  }
0xa9: {  	[dreg:$0x3] =	wrdreg s4  }
0xaa: {  	[dreg:$0x4] =	wrdreg $0xC0  }
0xab: {  	_ =	task [dreg:s6], $0x5FFFF  }
0xac: {  	[dreg:$0x1] =	wrdreg $0xFFFFFFFF  }
0xad: {  	[dreg:$0x0] =	wrdreg $0x60  }
0xae: {  	[dreg:$0x2] =	wrdreg s24  }
0xaf: {  	[dreg:$0x3] =	wrdreg $0x68000  }
0xb0: {  	[dreg:$0x4] =	wrdreg $0x9  }
0xb1: {  	_ =	task.clear_ibuf [dreg:s6], $0x5FFFF;
	_ =	strace $0x9000004F  }
0xb2: {  	s29 =	simm.s32 $0x9;
	_ =	strace $0x80000051  }
0xb3: {  	_ =	swait.ge [sflag:s29], $0x1  }
0xb4: {  	[sflag:s29] =	ssyncadd.s32 $0xFFFFFFFF  }
0xb5: {  	_ =	strace $0x90000051  }
0xb6: {  	_ =	sfence  }
0xb7: {  	s30 =	sld [smem:$0x0];
	_ =	sdelay $0x2  }
0xb8: {  	s31 =	sshll.u32 s1, $0xD;
	s1 =	sshrl.u32 s1, $0x2  }
0xb9: {  	s3 =	sand.u32 $0x4000, s31;
	s1 =	sadd.s32 s1, s30  }
0xba: {  	s0 =	sor.u32 s3, s0;
	s1 =	sshll.u32 s1, $0x11  }
0xbb: {  	s0 =	sor.u32 s1, s0  }
0xbc: {  	s0 =	sadd.s32 $0x8F2B, s0  }
0xbd: {  	[sflag:s0] =	ssyncadd.remote.s32 $0x1  }
0xbe: {  	_ =	sfence.sel $0xFFFF  }
0xbf: {  	[dreg:$0x0] =	wrdreg $0xFFFFFFFF;
	(pc) =	sbr.abs _section_cstart, $3  }
0xc0: {  	[dreg:$0x1] =	wrdreg $0xFFFFFFFF  }
0xc1: {  	_ =	task.clear_ibuf [dreg:s6], $0x2FFFF;
	_ =	strace $0x9FFFFFFF  }
0xc2: {  	(tm) =	ssettm $0x7FFFFFFF  }
0xc3: {  	_ =	shalt  }
tec
execute0_lowered:
.L_overlay_start_1:
0x0: {  	(tag) =	ssettag $0x1  }
0x1: {  	s6 =	stileid.u32  }
0x2: {  	s2 =	rddreg [dreg:$0x1];
	s4 =	sshll.u32 s6, $0x1;
	s6 =	sshll.u32 s6, $0xF  }
0x3: {  	s0 =	rddreg [dreg:$0x0];
	s3 =	simm.s32 $0x0;
	s8 =	sadd.s32 s6, s2  }
0x4: {  	s1 =	srdreg.scid;
	[smem:$0x7FF] =	sst s3;
	s21 =	sadd.s32 $0x400, s8  }
0x5: {  	_ =	strace $0x80000050;
	s22 =	sadd.s32 $0x800, s8;
	[dreg:$0x7] =	wrdreg s21  }
0x6: {  	s28 =	simm.s32 $0x2;
	s23 =	sadd.s32 $0xC00, s8;
	[dreg:$0x8] =	wrdreg s22  }
0x7: {  	s1 =	sand.u32 $0x1, s1;
	s24 =	sadd.s32 $0x1000, s8;
	[dreg:$0x9] =	wrdreg s23  }
0x8: {  	s4 =	sor.u32 s1, s4;
	s25 =	sadd.s32 $0x1400, s8;
	[dreg:$0xa] =	wrdreg s24  }
0x9: {  	s7 =	sshll.u32 s1, $0x13;
	s26 =	sadd.s32 $0x1800, s8;
	[dreg:$0xb] =	wrdreg s25  }
0xa: {  	s7 =	sor.u32 s6, s7;
	s6 =	sadd.s32 $0x1C00, s8;
	[dreg:$0xc] =	wrdreg s26  }
0xb: {  	s1 =	ssub.s32 $0x2, s1;
	s9 =	sadd.s32 $0x2400, s8;
	[dreg:$0xd] =	wrdreg s6  }
0xc: {  	s17 =	sshrl.u32 s1, $0x1;
	s10 =	sadd.s32 $0x2800, s8;
	[dreg:$0xf] =	wrdreg s9  }
0xd: {  	s1 =	ssub.s32 s1, s17;
	[dreg:$0x10] =	wrdreg s10;
	s17 =	sadd.s32 $0x2C00, s8  }
0xe: {  	s29 =	simm.s32 $0x5;
	s21 =	sadd.s32 $0x3C00, s8;
	[dreg:$0x18] =	wrdreg s17  }
0xf: {  	s30 =	simm.s32 $0x3;
	s22 =	sadd.s32 $0x4000, s8;
	[dreg:$0x1c] =	wrdreg s21  }
0x10: {  	s31 =	simm.s32 $0x6;
	s23 =	sadd.s32 $0x4400, s8;
	[dreg:$0x1d] =	wrdreg s22  }
0x11: {  	s5 =	sshll.u32 s4, $0xD;
	s24 =	sadd.s32 $0x4800, s8;
	[dreg:$0x1e] =	wrdreg s23  }
0x12: {  	s4 =	sshll.u32 s4, $0x7;
	s25 =	sadd.s32 $0x4C00, s8;
	[dreg:$0x1f] =	wrdreg s24  }
0x13: {  	s4 =	sadd.s32 s4, s0;
	s26 =	sadd.s32 $0x5000, s8;
	[smem:$0x7FC] =	sst s25  }
0x14: {  	s5 =	sadd.s32 s5, s0;
	s4 =	sadd.s32 $0x5800, s4;
	[smem:$0x7FD] =	sst s26  }
0x15: {  	s7 =	sshrl.u32 s7, $0x3;
	s18 =	sadd.s32 $0x6800, s5;
	[dreg:$0x3] =	wrdreg s4  }
0x16: {  	s9 =	sadd.s32 $0x5800, s8;
	s19 =	sadd.s32 $0x6C00, s5;
	[dreg:$0x4] =	wrdreg s18  }
0x17: {  	s10 =	sadd.s32 $0x5C00, s8;
	s20 =	sadd.s32 $0x7000, s5;
	[dreg:$0x5] =	wrdreg s19  }
0x18: {  	s0 =	sadd.s32 s7, s0;
	s7 =	sadd.s32 $0x2000, s8;
	[dreg:$0x6] =	wrdreg s20  }
0x19: {  	s11 =	sadd.s32 $0x7400, s5;
	s12 =	sadd.s32 $0x7800, s5;
	[dreg:$0xe] =	wrdreg s7  }
0x1a: {  	s13 =	sadd.s32 $0x7C00, s5;
	s14 =	sadd.s32 $0x8000, s5;
	[dreg:$0x11] =	wrdreg s11  }
0x1b: {  	s15 =	sadd.s32 $0x8400, s5;
	s16 =	smax.u32 s1, $0x1;
	[dreg:$0x12] =	wrdreg s12  }
0x1c: {  	s17 =	sadd.s32 $0x7800, s8;
	s21 =	simm.s32 $0x2400;
	[dreg:$0x13] =	wrdreg s13  }
0x1d: {  	s22 =	simm.s32 $0x4400;
	s23 =	simm.s32 $0x6400;
	[dreg:$0x14] =	wrdreg s14  }
0x1e: {  	s24 =	simm.s32 $0x1;
	s25 =	simm.s32 $0x80;
	[dreg:$0x15] =	wrdreg s15  }
0x1f: {  	s26 =	simm.s32 $0x4;
	s0 =	sadd.s32 $0x46800, s0;
	[dreg:$0x17] =	wrdreg s16  }
0x20: {  	s18 =	sadd.s32 $0x3000, s8;
	s19 =	sadd.s32 $0x3400, s8;
	s20 =	sadd.s32 $0x3800, s8  }
0x21: {  	s7 =	sadd.s32 $0x5400, s8;
	s11 =	sadd.s32 $0x6000, s8;
	[dreg:$0x16] =	wrdreg s0  }
0x22: {  	s12 =	sadd.s32 $0x6400, s8;
	s13 =	sadd.s32 $0x6800, s8;
	[dreg:$0x19] =	wrdreg s18  }
0x23: {  	s14 =	sadd.s32 $0x6C00, s8;
	s15 =	sadd.s32 $0x7000, s8;
	[dreg:$0x1a] =	wrdreg s19  }
0x24: {  	s16 =	sadd.s32 $0x7400, s8;
	[dreg:$0x1b] =	wrdreg s20;
	s18 =	sadd.s32 $0x7C00, s8  }
0x25: {  	v0 =	vimm.f32 $0.0e+00;
	s19 =	simm.s32 $0x7;
	s20 =	simm.s32 $0x400;
	s0 =	simm.s32 $0x0  }
.LBB2_1:
0x26: {  	s1 =	rddreg [dreg:$0x3]  }
0x27: {  	[tilespmem:s3], [sflag:$0x7] =	stream.linear.gather [hbm4b:s1+s3], $0x400, $0x38;
	[tilespmem:$0xE800] =	vst v63  }
0x28: {  	_ =	swait.ge [sflag:s19], $0x400  }
0x29: {  	[sflag:s19] =	ssyncset.done $0x0  }
0x2a: {  	s6 =	rddreg [dreg:$0x4];
	[sflag:s19] =	ssyncadd.s32 $0xFFFFFC00  }
0x2b: {  	[tilespmem:s20], [sflag:$0x1] =	stream.linear.gather [hbm4b:s6+s3], $0x2000, $0x38;
	[tilespmem:$0xE800] =	vst v63  }
0x2c: {  	s4 =	rddreg [dreg:$0x5]  }
0x2d: {  	[tilespmem:s21], [sflag:$0x2] =	stream.linear.gather [hbm4b:s4+s3], $0x2000, $0x38;
	[tilespmem:$0xE800] =	vst v63  }
0x2e: {  	s5 =	rddreg [dreg:$0x6];
	s6 =	sand.u32 $0xF00, s3  }
0x2f: {  	[tilespmem:s22], [sflag:$0x3] =	stream.linear.gather [hbm4b:s5+s3], $0x2000, $0x38;
	[tilespmem:$0xE800] =	vst v63  }
0x30: {  	s4 =	sand.u32 $0x30, s3;
	s5 =	sshrl.u32 s6, $0x2  }
0x31: {  	s1 =	simm.s32 $0x40;
	s5 =	sor.u32 s4, s5;
	s4 =	simm.s32 $0x0  }
.LBB2_2:
0x32: {  	p0 =	sne.s32 s1, $0xFC0  }
0x33: {  	[tilespmem:s5+$0x6400] =	vst v0;
	s4 =	sadd.s32 $0x10, s4;
	s5 =	smov.u32 s1;
	s1 =	sadd.s32 $0x40, s1  }
.Ltmp0:
0x34: {  	(pc) =	sbr.rel @p0 .LBB2_2-.Ltmp0, $4  }
0x35: {  	_ = 	snop  }
0x36: {  	s5 =	sand.u32 $0xF00, s5  }
0x37: {  	s6 =	sand.u32 $0x30, s4;
	s5 =	sshrl.u32 s5, $0x2  }
0x38: {  	s5 =	sor.u32 s6, s5  }
0x39: {  	[tilespmem:s5+$0x6400] =	vst v0  }
0x3a: {  	[spmem:s8] =	stream.linear.scatter [tilespmem:s23], [sflag:$0x7], $0x400, $0x38;
	[tilespmem:$0xE800] =	vst v63  }
0x3b: {  	_ =	swait.ge [sflag:s19], $0x400  }
0x3c: {  	[sflag:s19] =	ssyncset.done $0x0  }
0x3d: {  	s1 =	rddreg [dreg:$0x7];
	[sflag:s19] =	ssyncadd.s32 $0xFFFFFC00  }
0x3e: {  	[spmem:s1] =	stream.linear.scatter [tilespmem:s23], [sflag:$0x7], $0x400, $0x38;
	[tilespmem:$0xE800] =	vst v63  }
0x3f: {  	_ =	swait.ge [sflag:s19], $0x400  }
0x40: {  	[sflag:s19] =	ssyncset.done $0x0  }
0x41: {  	s5 =	rddreg [dreg:$0x8];
	[sflag:s19] =	ssyncadd.s32 $0xFFFFFC00  }
0x42: {  	[spmem:s5] =	stream.linear.scatter [tilespmem:s23], [sflag:$0x7], $0x400, $0x38;
	[tilespmem:$0xE800] =	vst v63  }
0x43: {  	_ =	swait.ge [sflag:s19], $0x400  }
0x44: {  	[sflag:s19] =	ssyncset.done $0x0  }
0x45: {  	s6 =	rddreg [dreg:$0x9];
	[sflag:s19] =	ssyncadd.s32 $0xFFFFFC00  }
0x46: {  	[spmem:s6] =	stream.linear.scatter [tilespmem:s23], [sflag:$0x7], $0x400, $0x38;
	[tilespmem:$0xE800] =	vst v63  }
0x47: {  	_ =	swait.ge [sflag:s19], $0x400  }
0x48: {  	[sflag:s19] =	ssyncset.done $0x0  }
0x49: {  	s4 =	rddreg [dreg:$0xa];
	[sflag:s19] =	ssyncadd.s32 $0xFFFFFC00  }
0x4a: {  	[spmem:s4] =	stream.linear.scatter [tilespmem:s23], [sflag:$0x7], $0x400, $0x38;
	[tilespmem:$0xE800] =	vst v63  }
0x4b: {  	_ =	swait.ge [sflag:s19], $0x400  }
0x4c: {  	[sflag:s19] =	ssyncset.done $0x0  }
0x4d: {  	s5 =	rddreg [dreg:$0xb];
	[sflag:s19] =	ssyncadd.s32 $0xFFFFFC00  }
0x4e: {  	[spmem:s5] =	stream.linear.scatter [tilespmem:s23], [sflag:$0x7], $0x400, $0x38;
	[tilespmem:$0xE800] =	vst v63  }
0x4f: {  	_ =	swait.ge [sflag:s19], $0x400  }
0x50: {  	[sflag:s19] =	ssyncset.done $0x0  }
0x51: {  	s6 =	rddreg [dreg:$0xc];
	[sflag:s19] =	ssyncadd.s32 $0xFFFFFC00  }
0x52: {  	[spmem:s6] =	stream.linear.scatter [tilespmem:s23], [sflag:$0x7], $0x400, $0x38;
	[tilespmem:$0xE800] =	vst v63  }
0x53: {  	_ =	swait.ge [sflag:s19], $0x400  }
0x54: {  	[sflag:s19] =	ssyncset.done $0x0  }
0x55: {  	s4 =	rddreg [dreg:$0xd];
	[sflag:s19] =	ssyncadd.s32 $0xFFFFFC00  }
0x56: {  	[spmem:s4] =	stream.linear.scatter [tilespmem:s23], [sflag:$0x7], $0x400, $0x38;
	[tilespmem:$0xE800] =	vst v63  }
0x57: {  	_ =	swait.ge [sflag:s19], $0x400  }
0x58: {  	[sflag:s19] =	ssyncset.done $0x0  }
0x59: {  	s5 =	rddreg [dreg:$0xe];
	[sflag:s19] =	ssyncadd.s32 $0xFFFFFC00  }
0x5a: {  	[spmem:s5] =	stream.linear.scatter [tilespmem:s23], [sflag:$0x7], $0x400, $0x38;
	[tilespmem:$0xE800] =	vst v63  }
0x5b: {  	_ =	swait.ge [sflag:s19], $0x400  }
0x5c: {  	[sflag:s19] =	ssyncset.done $0x0  }
0x5d: {  	s6 =	rddreg [dreg:$0xf];
	[sflag:s19] =	ssyncadd.s32 $0xFFFFFC00  }
0x5e: {  	[spmem:s6] =	stream.linear.scatter [tilespmem:s23], [sflag:$0x7], $0x400, $0x38;
	[tilespmem:$0xE800] =	vst v63  }
0x5f: {  	_ =	swait.ge [sflag:s19], $0x400  }
0x60: {  	[sflag:s19] =	ssyncset.done $0x0  }
0x61: {  	s4 =	rddreg [dreg:$0x10];
	[sflag:s19] =	ssyncadd.s32 $0xFFFFFC00  }
0x62: {  	[spmem:s4] =	stream.linear.scatter [tilespmem:s23], [sflag:$0x7], $0x400, $0x38;
	[tilespmem:$0xE800] =	vst v63  }
0x63: {  	_ =	swait.ge [sflag:s19], $0x400  }
0x64: {  	[sflag:s19] =	ssyncset.done $0x0  }
0x65: {  	s5 =	rddreg [dreg:$0x18];
	[sflag:s19] =	ssyncadd.s32 $0xFFFFFC00  }
0x66: {  	[spmem:s5] =	stream.linear.scatter [tilespmem:s23], [sflag:$0x7], $0x400, $0x38;
	[tilespmem:$0xE800] =	vst v63  }
0x67: {  	_ =	swait.ge [sflag:s19], $0x400  }
0x68: {  	[sflag:s19] =	ssyncset.done $0x0  }
0x69: {  	s6 =	rddreg [dreg:$0x19];
	[sflag:s19] =	ssyncadd.s32 $0xFFFFFC00  }
0x6a: {  	[spmem:s6] =	stream.linear.scatter [tilespmem:s23], [sflag:$0x7], $0x400, $0x38;
	[tilespmem:$0xE800] =	vst v63  }
0x6b: {  	_ =	swait.ge [sflag:s19], $0x400  }
0x6c: {  	[sflag:s19] =	ssyncset.done $0x0  }
0x6d: {  	s4 =	rddreg [dreg:$0x1a];
	[sflag:s19] =	ssyncadd.s32 $0xFFFFFC00  }
0x6e: {  	[spmem:s4] =	stream.linear.scatter [tilespmem:s23], [sflag:$0x7], $0x400, $0x38;
	[tilespmem:$0xE800] =	vst v63  }
0x6f: {  	_ =	swait.ge [sflag:s19], $0x400  }
0x70: {  	[sflag:s19] =	ssyncset.done $0x0  }
0x71: {  	s5 =	rddreg [dreg:$0x1b];
	[sflag:s19] =	ssyncadd.s32 $0xFFFFFC00  }
0x72: {  	[spmem:s5] =	stream.linear.scatter [tilespmem:s23], [sflag:$0x7], $0x400, $0x38;
	[tilespmem:$0xE800] =	vst v63  }
0x73: {  	_ =	swait.ge [sflag:s19], $0x400  }
0x74: {  	[sflag:s19] =	ssyncset.done $0x0  }
0x75: {  	s6 =	rddreg [dreg:$0x1c];
	[sflag:s19] =	ssyncadd.s32 $0xFFFFFC00  }
0x76: {  	[spmem:s6] =	stream.linear.scatter [tilespmem:s23], [sflag:$0x7], $0x400, $0x38;
	[tilespmem:$0xE800] =	vst v63  }
0x77: {  	_ =	swait.ge [sflag:s19], $0x400  }
0x78: {  	[sflag:s19] =	ssyncset.done $0x0  }
0x79: {  	s4 =	rddreg [dreg:$0x1d];
	[sflag:s19] =	ssyncadd.s32 $0xFFFFFC00  }
0x7a: {  	[spmem:s4] =	stream.linear.scatter [tilespmem:s23], [sflag:$0x7], $0x400, $0x38;
	[tilespmem:$0xE800] =	vst v63  }
0x7b: {  	_ =	swait.ge [sflag:s19], $0x400  }
0x7c: {  	[sflag:s19] =	ssyncset.done $0x0  }
0x7d: {  	s5 =	rddreg [dreg:$0x1e];
	[sflag:s19] =	ssyncadd.s32 $0xFFFFFC00  }
0x7e: {  	[spmem:s5] =	stream.linear.scatter [tilespmem:s23], [sflag:$0x7], $0x400, $0x38;
	[tilespmem:$0xE800] =	vst v63  }
0x7f: {  	_ =	swait.ge [sflag:s19], $0x400  }
0x80: {  	[sflag:s19] =	ssyncset.done $0x0  }
0x81: {  	s6 =	rddreg [dreg:$0x1f];
	[sflag:s19] =	ssyncadd.s32 $0xFFFFFC00  }
0x82: {  	[spmem:s6] =	stream.linear.scatter [tilespmem:s23], [sflag:$0x7], $0x400, $0x38;
	[tilespmem:$0xE800] =	vst v63  }
0x83: {  	_ =	swait.ge [sflag:s19], $0x400  }
0x84: {  	s4 =	sld [smem:$0x7FC]  }
0x85: {  	[sflag:s19] =	ssyncset.done $0x0  }
0x86: {  	[sflag:s19] =	ssyncadd.s32 $0xFFFFFC00  }
0x87: {  	[spmem:s4] =	stream.linear.scatter [tilespmem:s23], [sflag:$0x7], $0x400, $0x38;
	[tilespmem:$0xE800] =	vst v63  }
0x88: {  	_ =	swait.ge [sflag:s19], $0x400  }
0x89: {  	s5 =	sld [smem:$0x7FD]  }
0x8a: {  	[sflag:s19] =	ssyncset.done $0x0  }
0x8b: {  	[sflag:s19] =	ssyncadd.s32 $0xFFFFFC00  }
0x8c: {  	[spmem:s5] =	stream.linear.scatter [tilespmem:s23], [sflag:$0x7], $0x400, $0x38;
	[tilespmem:$0xE800] =	vst v63  }
0x8d: {  	_ =	swait.ge [sflag:s19], $0x400  }
0x8e: {  	[sflag:s19] =	ssyncset.done $0x0  }
0x8f: {  	[sflag:s19] =	ssyncadd.s32 $0xFFFFFC00  }
0x90: {  	[spmem:s7] =	stream.linear.scatter [tilespmem:s23], [sflag:$0x7], $0x400, $0x38;
	[tilespmem:$0xE800] =	vst v63  }
0x91: {  	_ =	swait.ge [sflag:s19], $0x400  }
0x92: {  	[sflag:s19] =	ssyncset.done $0x0  }
0x93: {  	[sflag:s19] =	ssyncadd.s32 $0xFFFFFC00  }
0x94: {  	[spmem:s9] =	stream.linear.scatter [tilespmem:s23], [sflag:$0x7], $0x400, $0x38;
	[tilespmem:$0xE800] =	vst v63  }
0x95: {  	_ =	swait.ge [sflag:s19], $0x400  }
0x96: {  	[sflag:s19] =	ssyncset.done $0x0  }
0x97: {  	[sflag:s19] =	ssyncadd.s32 $0xFFFFFC00  }
0x98: {  	[spmem:s10] =	stream.linear.scatter [tilespmem:s23], [sflag:$0x7], $0x400, $0x38;
	[tilespmem:$0xE800] =	vst v63  }
0x99: {  	_ =	swait.ge [sflag:s19], $0x400  }
0x9a: {  	[sflag:s19] =	ssyncset.done $0x0  }
0x9b: {  	[sflag:s19] =	ssyncadd.s32 $0xFFFFFC00  }
0x9c: {  	[spmem:s11] =	stream.linear.scatter [tilespmem:s23], [sflag:$0x7], $0x400, $0x38;
	[tilespmem:$0xE800] =	vst v63  }
0x9d: {  	_ =	swait.ge [sflag:s19], $0x400  }
0x9e: {  	[sflag:s19] =	ssyncset.done $0x0  }
0x9f: {  	[sflag:s19] =	ssyncadd.s32 $0xFFFFFC00  }
0xa0: {  	[spmem:s12] =	stream.linear.scatter [tilespmem:s23], [sflag:$0x7], $0x400, $0x38;
	[tilespmem:$0xE800] =	vst v63  }
0xa1: {  	_ =	swait.ge [sflag:s19], $0x400  }
0xa2: {  	[sflag:s19] =	ssyncset.done $0x0  }
0xa3: {  	[sflag:s19] =	ssyncadd.s32 $0xFFFFFC00  }
0xa4: {  	[spmem:s13] =	stream.linear.scatter [tilespmem:s23], [sflag:$0x7], $0x400, $0x38;
	[tilespmem:$0xE800] =	vst v63  }
0xa5: {  	_ =	swait.ge [sflag:s19], $0x400  }
0xa6: {  	[sflag:s19] =	ssyncset.done $0x0  }
0xa7: {  	[sflag:s19] =	ssyncadd.s32 $0xFFFFFC00  }
0xa8: {  	[spmem:s14] =	stream.linear.scatter [tilespmem:s23], [sflag:$0x7], $0x400, $0x38;
	[tilespmem:$0xE800] =	vst v63  }
0xa9: {  	_ =	swait.ge [sflag:s19], $0x400  }
0xaa: {  	[sflag:s19] =	ssyncset.done $0x0  }
0xab: {  	[sflag:s19] =	ssyncadd.s32 $0xFFFFFC00  }
0xac: {  	[spmem:s15] =	stream.linear.scatter [tilespmem:s23], [sflag:$0x7], $0x400, $0x38;
	[tilespmem:$0xE800] =	vst v63  }
0xad: {  	_ =	swait.ge [sflag:s19], $0x400  }
0xae: {  	[sflag:s19] =	ssyncset.done $0x0  }
0xaf: {  	[sflag:s19] =	ssyncadd.s32 $0xFFFFFC00  }
0xb0: {  	[spmem:s16] =	stream.linear.scatter [tilespmem:s23], [sflag:$0x7], $0x400, $0x38;
	[tilespmem:$0xE800] =	vst v63  }
0xb1: {  	_ =	swait.ge [sflag:s19], $0x400  }
0xb2: {  	[sflag:s19] =	ssyncset.done $0x0  }
0xb3: {  	[sflag:s19] =	ssyncadd.s32 $0xFFFFFC00  }
0xb4: {  	[spmem:s17] =	stream.linear.scatter [tilespmem:s23], [sflag:$0x7], $0x400, $0x38;
	[tilespmem:$0xE800] =	vst v63  }
0xb5: {  	_ =	swait.ge [sflag:s19], $0x400  }
0xb6: {  	[sflag:s19] =	ssyncset.done $0x0  }
0xb7: {  	[sflag:s19] =	ssyncadd.s32 $0xFFFFFC00  }
0xb8: {  	[spmem:s18] =	stream.linear.scatter [tilespmem:s23], [sflag:$0x7], $0x400, $0x38;
	[tilespmem:$0xE800] =	vst v63  }
0xb9: {  	_ =	swait.ge [sflag:s19], $0x400  }
0xba: {  	[sflag:s19] =	ssyncset.done $0x0  }
0xbb: {  	[sflag:s19] =	ssyncadd.s32 $0xFFFFFC00  }
0xbc: {  	[bflag:$0x0] =	sbarrier.arrive $0xFFFF  }
0xbd: {  	_ =	swait.ge [sflag:s24], $0x2000  }
0xbe: {  	[sflag:s24] =	ssyncset.done $0x0  }
0xbf: {  	[sflag:s24] =	ssyncadd.s32 $0xFFFFE000  }
0xc0: {  	[spmem:s2] =	stream.indirect.scatter.add.f32 [tilespmem:s20], [sflag:$0x4], $0x40, s3, s25, $0xb8;
	[tilespmem:$0xE800] =	vst v63  }
0xc1: {  	_ =	swait.ge [sflag:s26], $0x2000  }
0xc2: {  	[sflag:s26] =	ssyncset.done $0x0  }
0xc3: {  	s6 =	rddreg [dreg:$0x11];
	[sflag:s26] =	ssyncadd.s32 $0xFFFFE000  }
0xc4: {  	[tilespmem:s20], [sflag:$0x1] =	stream.linear.gather [hbm4b:s6+s3], $0x2000, $0x38;
	[tilespmem:$0xE800] =	vst v63  }
0xc5: {  	_ =	swait.ge [sflag:s28], $0x2000  }
0xc6: {  	[sflag:s28] =	ssyncset.done $0x0  }
0xc7: {  	[sflag:s28] =	ssyncadd.s32 $0xFFFFE000  }
0xc8: {  	[spmem:s2] =	stream.indirect.scatter.add.f32 [tilespmem:s21], [sflag:$0x5], $0x40, s25, s25, $0xb8;
	[tilespmem:$0xE800] =	vst v63  }
0xc9: {  	_ =	swait.ge [sflag:s29], $0x2000  }
0xca: {  	[sflag:s29] =	ssyncset.done $0x0  }
0xcb: {  	s4 =	rddreg [dreg:$0x12];
	[sflag:s29] =	ssyncadd.s32 $0xFFFFE000  }
0xcc: {  	[tilespmem:s21], [sflag:$0x2] =	stream.linear.gather [hbm4b:s4+s3], $0x2000, $0x38;
	[tilespmem:$0xE800] =	vst v63  }
0xcd: {  	_ =	swait.ge [sflag:s30], $0x2000  }
0xce: {  	[sflag:s30] =	ssyncset.done $0x0  }
0xcf: {  	s5 =	simm.s32 $0x100;
	[sflag:s30] =	ssyncadd.s32 $0xFFFFE000  }
0xd0: {  	[spmem:s2] =	stream.indirect.scatter.add.f32 [tilespmem:s22], [sflag:$0x6], $0x40, s5, s25, $0xb8;
	[tilespmem:$0xE800] =	vst v63  }
0xd1: {  	_ =	swait.ge [sflag:s31], $0x2000  }
0xd2: {  	[sflag:s31] =	ssyncset.done $0x0  }
0xd3: {  	s6 =	rddreg [dreg:$0x13];
	[sflag:s31] =	ssyncadd.s32 $0xFFFFE000  }
0xd4: {  	[tilespmem:s22], [sflag:$0x3] =	stream.linear.gather [hbm4b:s6+s3], $0x2000, $0x38;
	[tilespmem:$0xE800] =	vst v63  }
0xd5: {  	_ =	swait.ge [sflag:s24], $0x2000  }
0xd6: {  	[sflag:s24] =	ssyncset.done $0x0  }
0xd7: {  	s4 =	simm.s32 $0x180;
	[sflag:s24] =	ssyncadd.s32 $0xFFFFE000  }
0xd8: {  	[spmem:s2] =	stream.indirect.scatter.add.f32 [tilespmem:s20], [sflag:$0x4], $0x40, s4, s25, $0xb8;
	[tilespmem:$0xE800] =	vst v63  }
0xd9: {  	_ =	swait.ge [sflag:s26], $0x2000  }
0xda: {  	[sflag:s26] =	ssyncset.done $0x0  }
0xdb: {  	s5 =	rddreg [dreg:$0x14];
	[sflag:s26] =	ssyncadd.s32 $0xFFFFE000  }
0xdc: {  	[tilespmem:s20], [sflag:$0x1] =	stream.linear.gather [hbm4b:s5+s3], $0x2000, $0x38;
	[tilespmem:$0xE800] =	vst v63  }
0xdd: {  	_ =	swait.ge [sflag:s28], $0x2000  }
0xde: {  	[sflag:s28] =	ssyncset.done $0x0  }
0xdf: {  	s6 =	simm.s32 $0x200;
	[sflag:s28] =	ssyncadd.s32 $0xFFFFE000  }
0xe0: {  	[spmem:s2] =	stream.indirect.scatter.add.f32 [tilespmem:s21], [sflag:$0x5], $0x40, s6, s25, $0xb8;
	[tilespmem:$0xE800] =	vst v63  }
0xe1: {  	_ =	swait.ge [sflag:s29], $0x2000  }
0xe2: {  	[sflag:s29] =	ssyncset.done $0x0  }
0xe3: {  	s4 =	rddreg [dreg:$0x15];
	[sflag:s29] =	ssyncadd.s32 $0xFFFFE000  }
0xe4: {  	[tilespmem:s21], [sflag:$0x2] =	stream.linear.gather [hbm4b:s4+s3], $0x2000, $0x38;
	[tilespmem:$0xE800] =	vst v63  }
0xe5: {  	_ =	swait.ge [sflag:s30], $0x2000  }
0xe6: {  	[sflag:s30] =	ssyncset.done $0x0  }
0xe7: {  	s5 =	simm.s32 $0x280;
	[sflag:s30] =	ssyncadd.s32 $0xFFFFE000  }
0xe8: {  	[spmem:s2] =	stream.indirect.scatter.add.f32 [tilespmem:s22], [sflag:$0x6], $0x40, s5, s25, $0xb8;
	[tilespmem:$0xE800] =	vst v63  }
0xe9: {  	_ =	swait.ge [sflag:s24], $0x2000  }
0xea: {  	[sflag:s24] =	ssyncset.done $0x0  }
0xeb: {  	s6 =	simm.s32 $0x300;
	[sflag:s24] =	ssyncadd.s32 $0xFFFFE000  }
0xec: {  	[spmem:s2] =	stream.indirect.scatter.add.f32 [tilespmem:s20], [sflag:$0x4], $0x40, s6, s25, $0xb8;
	[tilespmem:$0xE800] =	vst v63  }
0xed: {  	_ =	swait.ge [sflag:s28], $0x2000  }
0xee: {  	[sflag:s28] =	ssyncset.done $0x0  }
0xef: {  	s4 =	simm.s32 $0x380;
	[sflag:s28] =	ssyncadd.s32 $0xFFFFE000  }
0xf0: {  	[spmem:s2] =	stream.indirect.scatter.add.f32 [tilespmem:s21], [sflag:$0x5], $0x40, s4, s25, $0xb8;
	[tilespmem:$0xE800] =	vst v63  }
0xf1: {  	_ =	swait.ge [sflag:s31], $0x2000  }
0xf2: {  	[sflag:s31] =	ssyncset.done $0x0  }
0xf3: {  	[sflag:s31] =	ssyncadd.s32 $0xFFFFE000  }
0xf4: {  	_ =	swait.ge [sflag:s26], $0x2000  }
0xf5: {  	[sflag:s26] =	ssyncset.done $0x0  }
0xf6: {  	[sflag:s26] =	ssyncadd.s32 $0xFFFFE000  }
0xf7: {  	_ =	swait.ge [sflag:s29], $0x2000  }
0xf8: {  	[sflag:s29] =	ssyncset.done $0x0  }
0xf9: {  	s5 =	stileid.u32;
	[sflag:s29] =	ssyncadd.s32 $0xFFFFE000  }
0xfa: {  	s1 =	sshll.u32 s5, $0x6;
	[bflag:$0x0] =	sbarrier.arrive $0xFFFF  }
0xfb: {  	s1 =	sor.u32 $0x1C07, s1;
	s4 =	sshrl.u32 s8, $0x3;
	s6 =	rddreg [dreg:$0x16]  }
0xfc: {  	[hbm:s6], [sflag:s1] =	dma.local [spmem:s4], $0x1000  }
0xfd: {  	_ =	swait.ge [sflag:s19], $0x1000  }
0xfe: {  	s0 =	sadd.s32 $0x1, s0;
	s6 =	rddreg [dreg:$0x17]  }
0xff: {  	p0 =	sne.s32 s0, s6  }
.Ltmp1:
0x100: {  	_ = 	snop;
	(pc) =	sbr.rel @p0 .LBB2_1-.Ltmp1, $3  }
0x101: {  	_ =	sdelay $0x1  }
0x102: {  	[sflag:s19] =	ssyncset.done $0x0  }
0x103: {  	[sflag:s19] =	ssyncadd.s32 $0xFFFFF000  }
0x104: {  	_ =	sfence.sel $0x180000  }
0x105: {  	[bflag:$0x0] =	sbarrier.arrive $0xFFFF  }
0x106: {  	_ =	strace $0x90000050  }
0x107: {  	s0 =	stileid.u32;
	[bflag:$0x2] =	sbarrier.arrive $0xFFFF  }
0x108: {  	p0 =	sne.s32 s0, $0x0;
	s0 =	rddreg [dreg:$0x2]  }
0x109: {  	s0 =	sadd.s32 @!p0 $0x100000, s0  }
0x10a: {  	[sflag:s0] =	ssyncadd.tile.s32 @!p0 $0x1;
	_ =	shalt  }
.Lfunc_end2:
_tile_overlayer_lowered:
.L_overlay_start_2:
0x10b: {  	(tag) =	ssettag $0x2  }
0x10c: {  	s0 =	rddreg [dreg:$0x0];
	s2 =	stileid.u32  }
0x10d: {  	s1 =	rddreg [dreg:$0x1];
	p0 =	sne.s32 s2, $0x0  }
0x10e: {  	s3 =	rddreg [dreg:$0x2];
	[bflag:$0x3] =	sbarrier.arrive $0xFFFF;
	s2 =	simm.s32 @!p0 $0x1C07  }
0x10f: {  	[timem:s3], [sflag:s2] =	dma.local @!p0 [hbm:s0], s1  }
0x110: {  	s0 =	simm.s32 @!p0 $0x7  }
0x111: {  	_ =	swait.ge @!p0 [sflag:s0], s1  }
0x112: {  	s1 =	ssub.s32 @!p0 $0x0, s1;
	[sflag:s0] =	ssyncset.done @!p0 $0x0  }
0x113: {  	[sflag:s0] =	ssyncadd.s32 @!p0 s1  }
0x114: {  	[bflag:$0x3] =	sbarrier.arrive $0xFFFF  }
0x115: {  	_ =	shalt  }

</sc_bundles>
